<compile_context>
chip_gen: v7x
topology: tpu7x:2x2x1
jax: 0.10.2.dev20260603
libtpu: 0.0.44.dev20260713+nightly
codegen_flags: <defaults>
</compile_context>

<pallas_src>
import functools

import jax
import jax.numpy as jnp
from jax import lax
from jax.experimental import pallas as pl
from jax.experimental.pallas import tpu as pltpu
from jax.experimental.pallas import tpu_sc as plsc

NC = 2
NS = 16
L = 16
CH = 48
DEPTH = 4


def _proj_body(x_ref, w_ref, a_ref, feat_ref, eler_ref):
    feat = jnp.dot(x_ref[...], w_ref[...], preferred_element_type=jnp.float32)
    feat_ref[...] = feat
    eler_ref[0, :] = jnp.sum(feat * a_ref[0, :], axis=1)
    eler_ref[1, :] = jnp.sum(feat * a_ref[1, :], axis=1)


def _combine_body(num_ref, den_ref, x_ref, b_ref, o_ref):
    npts = x_ref.shape[0]
    n = num_ref[0, pl.ds(0, npts)] + num_ref[1, pl.ds(0, npts)]
    d = den_ref[0, pl.ds(0, npts)] + den_ref[1, pl.ds(0, npts)]
    dcol = d[:, None]
    o_ref[...] = jnp.where(dcol > 0.0, n / dcol, 0.0) + x_ref[...] + b_ref[...]


def _edge_body(n_chunks, feat_h, eler_h, src_h, dst_h, num_h, den_h,
               sidx, didx, el_v, er_v, w_v, rows_v, zden_v,
               num_s, den_s, gsem, scsem, isem, dsem):
    c = lax.axis_index("c")
    s = lax.axis_index("s")
    wid = c * NS + s
    rows_per = num_s.shape[0] // NS
    den_per = den_s.shape[0] // NS

    zf = jnp.zeros((L,), jnp.float32)

    @pl.loop(0, CH)
    def _zero_rows(i):
        for f in range(128 // L):
            rows_v[i, pl.ds(L * f, L)] = zf

    @pl.loop(0, den_per // L)
    def _zero_den(i):
        zden_v[pl.ds(L * i, L)] = zf

    n_full = rows_per // CH
    for q in range(n_full):
        pltpu.sync_copy(rows_v.at[pl.ds(0, CH)],
                        num_s.at[pl.ds(s * rows_per + q * CH, CH)])
    rem = rows_per - n_full * CH
    if rem:
        pltpu.sync_copy(rows_v.at[pl.ds(0, rem)],
                        num_s.at[pl.ds(s * rows_per + n_full * CH, rem)])
    pltpu.sync_copy(zden_v, den_s.at[pl.ds(s * den_per, den_per)])
    plsc.subcore_barrier()

    pltpu.sync_copy(eler_h.at[0], el_v)
    pltpu.sync_copy(eler_h.at[1], er_v)

    def rows_at(r):
        return rows_v.at[pl.ds(r * CH, CH)]

    def w_at(wr):
        return w_v.at[pl.ds(wr * CH, CH)]

    def gather_desc(r):
        return pltpu.make_async_copy(feat_h.at[sidx.at[r]], rows_at(r),
                                     gsem.at[r])

    def process(i, r, first2, pf):
        r2 = (r + 2) % DEPTH
        wr = r % 2
        if not first2:
            pltpu.make_async_copy(rows_at(r2), num_s.at[didx.at[r2]],
                                  scsem.at[r2]).wait()
            pltpu.make_async_copy(w_at(wr), den_s.at[didx.at[r2]],
                                  dsem.at[wr]).wait()
        if pf:
            pltpu.async_copy(src_h.at[wid, i + 2], sidx.at[r2], isem.at[r2])
            pltpu.async_copy(dst_h.at[wid, i + 2], didx.at[r2], isem.at[r2])
        gather_desc(r).wait()
        for k in range(CH // L):
            s16 = sidx[r, pl.ds(L * k, L)]
            d16 = didx[r, pl.ds(L * k, L)]
            t = plsc.load_gather(el_v, [s16]) + plsc.load_gather(er_v, [d16])
            e = jnp.where(t > 0.0, t, 0.2 * t)
            w_v[pl.ds(wr * CH + L * k, L)] = jnp.exp(e)
        pltpu.async_copy(w_at(wr), den_s.at[didx.at[r]], dsem.at[wr],
                         add=True)

        @pl.loop(0, CH)
        def _scale(j):
            wb = plsc.load_gather(
                w_v, [jnp.full((L,), wr * CH + j, jnp.int32)])
            row = r * CH + j
            for f in range(128 // L):
                rows_v[row, pl.ds(L * f, L)] = (
                    rows_v[row, pl.ds(L * f, L)] * wb)

        if pf:
            pltpu.make_async_copy(src_h.at[wid, i + 2], sidx.at[r2],
                                  isem.at[r2]).wait()
            pltpu.make_async_copy(dst_h.at[wid, i + 2], didx.at[r2],
                                  isem.at[r2]).wait()
            pltpu.async_copy(feat_h.at[sidx.at[r2]], rows_at(r2),
                             gsem.at[r2])
        pltpu.async_copy(rows_at(r), num_s.at[didx.at[r]], scsem.at[r],
                         add=True)

    for i0 in (0, 1):
        pltpu.sync_copy(src_h.at[wid, i0], sidx.at[i0])
        pltpu.sync_copy(dst_h.at[wid, i0], didx.at[i0])
        pltpu.async_copy(feat_h.at[sidx.at[i0]], rows_at(i0), gsem.at[i0])
    for i0 in (0, 1, 2, 3):
        process(i0, i0, i0 < 2, True)

    @pl.loop(1, (n_chunks - 2) // DEPTH)
    def _quad(h):
        for o in range(DEPTH):
            process(DEPTH * h + o, o, False, True)

    process(n_chunks - 2, 0, False, False)
    process(n_chunks - 1, 1, False, False)
    for r in (0, 1):
        pltpu.make_async_copy(rows_at(r), num_s.at[didx.at[r]],
                              scsem.at[r]).wait()
        pltpu.make_async_copy(w_at(r), den_s.at[didx.at[r]],
                              dsem.at[r]).wait()
    plsc.subcore_barrier()

    pltpu.sync_copy(num_s.at[pl.ds(s * rows_per, rows_per)],
                    num_h.at[c, pl.ds(s * rows_per, rows_per), :])
    pltpu.sync_copy(den_s.at[pl.ds(s * den_per, den_per)],
                    den_h.at[c, pl.ds(s * den_per, den_per)])


def kernel(x, edge_index, W, attn_l, attn_r, bias):
    n, d_model = x.shape
    e = edge_index.shape[1]
    nw = NC * NS
    n_chunks = ((e // nw) + CH - 1) // CH
    while (n_chunks - 2) % DEPTH:
        n_chunks += 1
    epw = n_chunks * CH
    e_pad = epw * nw
    npad = ((n + L * NS - 1) // (L * NS)) * (L * NS)
    assert (n_chunks - 2) % DEPTH == 0 and npad // NS % L == 0

    attn = jnp.stack([attn_l, attn_r], axis=0)
    src = jnp.concatenate(
        [edge_index[0], jnp.zeros((e_pad - e,), jnp.int32)])
    dst = jnp.concatenate(
        [edge_index[1], jnp.full((e_pad - e,), npad - 2, jnp.int32)])
    src = src.reshape(nw, n_chunks, CH)
    dst = dst.reshape(nw, n_chunks, CH)

    feat, eler = pl.pallas_call(
        _proj_body,
        out_shape=[
            jax.ShapeDtypeStruct((n, d_model), jnp.float32),
            jax.ShapeDtypeStruct((2, n), jnp.float32),
        ],
    )(x, W, attn)
    eler_p = jnp.pad(eler, ((0, 0), (0, npad - n)))

    mesh = plsc.VectorSubcoreMesh(
        core_axis_name="c", subcore_axis_name="s",
        num_cores=NC, num_subcores=NS)
    edge_kernel = pl.kernel(
        functools.partial(_edge_body, n_chunks),
        out_type=[
            jax.ShapeDtypeStruct((NC, npad, d_model), jnp.float32),
            jax.ShapeDtypeStruct((NC, npad), jnp.float32),
        ],
        mesh=mesh,
        compiler_params=pltpu.CompilerParams(needs_layout_passes=False),
        scratch_types=[
            pltpu.VMEM((DEPTH, CH), jnp.int32),
            pltpu.VMEM((DEPTH, CH), jnp.int32),
            pltpu.VMEM((npad,), jnp.float32),
            pltpu.VMEM((npad,), jnp.float32),
            pltpu.VMEM((2 * CH,), jnp.float32),
            pltpu.VMEM((DEPTH * CH, d_model), jnp.float32),
            pltpu.VMEM((npad // NS,), jnp.float32),
            pltpu.VMEM_SHARED((npad, d_model), jnp.float32),
            pltpu.VMEM_SHARED((npad,), jnp.float32),
            pltpu.SemaphoreType.DMA((DEPTH,)),
            pltpu.SemaphoreType.DMA((DEPTH,)),
            pltpu.SemaphoreType.DMA((DEPTH,)),
            pltpu.SemaphoreType.DMA((2,)),
        ],
    )
    num2, den2 = edge_kernel(feat, eler_p, src, dst)

    out = pl.pallas_call(
        _combine_body,
        out_shape=jax.ShapeDtypeStruct((n, d_model), jnp.float32),
    )(num2, den2, x, bias)
    return out.reshape(n, 1, d_model)

# --- scband reference (transcript-rebuilt; emitter-appended) ---
"""Pipeline reference for scband-unit-gat-12180527251864 (READ-ONLY COPY).

The authoritative reference and input builder live on the scoring server;
editing this copy changes nothing except your own understanding.
"""

import jax, jax.numpy as jnp
import numpy as np

N_NODES = 10000
N_EDGES = 320000
D = 128

def setup_inputs(seed: int = 0) -> dict:
    key = jax.random.key(seed)
    k1, k2, k3, k4, k5 = jax.random.split(key, 5)
    x = jax.random.normal(k1, (N_NODES, D), dtype=jnp.float32)
    edge_index = jax.random.randint(k2, (2, N_EDGES), 0, N_NODES, dtype=jnp.int32)
    W = jax.random.normal(k3, (D, D), dtype=jnp.float32) * (1.0 / np.sqrt(D))
    attn_l = jax.random.normal(k4, (D,), dtype=jnp.float32) * 0.1
    attn_r = jax.random.normal(k5, (D,), dtype=jnp.float32) * 0.1
    bias = jnp.zeros((D,), dtype=jnp.float32)
    return {"x": x, "edge_index": edge_index, "W": W, "attn_l": attn_l, "attn_r": attn_r, "bias": bias}

def reference(x, edge_index, W, attn_l, attn_r, bias):
    # DGL GATConv, num_heads=1, feat_drop=0, attn_drop=0, residual=True (identity since in==out), no activation
    N = x.shape[0]
    src = edge_index[0]
    dst = edge_index[1]
    feat = x @ W                                   # [N, D] fc projection
    el = jnp.sum(feat * attn_l, axis=-1)           # [N]
    er = jnp.sum(feat * attn_r, axis=-1)           # [N]
    e = jax.nn.leaky_relu(el[src] + er[dst], negative_slope=0.2)  # [E]
    # edge softmax over incoming edges of each dst node
    emax = jax.ops.segment_max(e, dst, num_segments=N)
    emax = jnp.where(jnp.isfinite(emax), emax, 0.0)
    ee = jnp.exp(e - emax[dst])
    denom = jax.ops.segment_sum(ee, dst, num_segments=N)
    alpha = ee / denom[dst]                        # [E]
    msg = feat[src] * alpha[:, None]               # gather + weight
    rst = jax.ops.segment_sum(msg, dst, num_segments=N)  # scatter-add aggregate
    rst = rst + x                                  # residual (identity, in==out*heads)
    rst = rst + bias
    return rst.reshape(N, 1, D)                    # (N, num_heads, out_feats)

if __name__ == "__main__":
    import jax
    _d = setup_inputs()
    print(jax.jit(kernel)(*tuple(_d.values())))

</pallas_src>

<mosaic_0001>
#map = affine_map<(d0, d1) -> (0, 0)>
#map1 = affine_map<(d0, d1) -> (0, 0, 0)>
module attributes {stable_mosaic.version = 14 : i64} {
  func.func @_edge_body(%arg0: i32, %arg1: i32, %arg2: memref<10000x128xf32, #tpu.memory_space<hbm>>, %arg3: memref<2x10240xf32, #tpu.memory_space<hbm>>, %arg4: memref<32x210x48xi32, #tpu.memory_space<hbm>>, %arg5: memref<32x210x48xi32, #tpu.memory_space<hbm>>, %arg6: memref<2x10240x128xf32, #tpu.memory_space<hbm>>, %arg7: memref<2x10240xf32, #tpu.memory_space<hbm>>, %arg8: memref<4x48xi32, #tpu.memory_space<vmem>>, %arg9: memref<4x48xi32, #tpu.memory_space<vmem>>, %arg10: memref<10240xf32, #tpu.memory_space<vmem>>, %arg11: memref<10240xf32, #tpu.memory_space<vmem>>, %arg12: memref<96xf32, #tpu.memory_space<vmem>>, %arg13: memref<192x128xf32, #tpu.memory_space<vmem>>, %arg14: memref<640xf32, #tpu.memory_space<vmem>>, %arg15: memref<10240x128xf32, #tpu.memory_space<vmem_shared>>, %arg16: memref<10240xf32, #tpu.memory_space<vmem_shared>>, %arg17: memref<4x!tpu.dma_semaphore, #tpu.memory_space<semaphore_mem>>, %arg18: memref<4x!tpu.dma_semaphore, #tpu.memory_space<semaphore_mem>>, %arg19: memref<4x!tpu.dma_semaphore, #tpu.memory_space<semaphore_mem>>, %arg20: memref<2x!tpu.dma_semaphore, #tpu.memory_space<semaphore_mem>>) attributes {dimension_semantics = [#tpu.dimension_semantics<core_parallel>, #tpu.dimension_semantics<subcore_parallel>], iteration_bounds = array<i64: 2, 16>, scalar_prefetch = 0 : i64, scratch_operands = 13 : i64, tpu.core_type = #tpu.core_type<sc_vector_subcore>, window_params = [{transform_indices = #map}, {transform_indices = #map}, {transform_indices = #map1}, {transform_indices = #map1}, {transform_indices = #map1}, {transform_indices = #map}]} {
    %mul3A = arith.constant 16 : i32
    %mul3A_0 = arith.muli %arg0, %mul3A : i32
    %add3A = arith.addi %mul3A_0, %arg1 : i32
    %broadcast_in_dim3A = arith.constant 0.000000e+00 : f32
    %broadcast_in_dim3A_1 = vector.broadcast %broadcast_in_dim3A : f32 to vector<16xf32>
    %scan3A = arith.constant 0 : i32
    %scan3A_2 = arith.constant 48 : i32
    %scan3A_3 = arith.addi %scan3A, %scan3A_2 : i32
    %scan3A_4 = arith.constant 1 : i32
    scf.for %scan3A_1208 = %scan3A to %scan3A_3 step %scan3A_4  : i32 {
      %mul3A_1209 = arith.constant 1 : i32
      %mul3A_1210 = arith.muli %scan3A_1208, %mul3A_1209 : i32
      %add3A_1211 = arith.constant 0 : i32
      %add3A_1212 = arith.addi %add3A_1211, %mul3A_1210 : i32
      %swap3A_1213 = arith.index_cast %add3A_1212 : i32 to index
      %swap3A_1214 = arith.constant 0 : index
      %swap3A_1215 = tpu.vector_load %arg13[%swap3A_1213, %swap3A_1214] {strides = array<i32>} : memref<192x128xf32, #tpu.memory_space<vmem>>, vector<16xf32>,
      tpu.vector_store %arg13[%swap3A_1213, %swap3A_1214], %broadcast_in_dim3A_1 {strides = array<i32>} : memref<192x128xf32, #tpu.memory_space<vmem>>, vector<16xf32>,
      %swap3A_1216 = arith.index_cast %add3A_1212 : i32 to index
      %swap3A_1217 = arith.constant 16 : index
      %swap3A_1218 = tpu.vector_load %arg13[%swap3A_1216, %swap3A_1217] {strides = array<i32>} : memref<192x128xf32, #tpu.memory_space<vmem>>, vector<16xf32>,
      tpu.vector_store %arg13[%swap3A_1216, %swap3A_1217], %broadcast_in_dim3A_1 {strides = array<i32>} : memref<192x128xf32, #tpu.memory_space<vmem>>, vector<16xf32>,
      %swap3A_1219 = arith.index_cast %add3A_1212 : i32 to index
      %swap3A_1220 = arith.constant 32 : index
      %swap3A_1221 = tpu.vector_load %arg13[%swap3A_1219, %swap3A_1220] {strides = array<i32>} : memref<192x128xf32, #tpu.memory_space<vmem>>, vector<16xf32>,
      tpu.vector_store %arg13[%swap3A_1219, %swap3A_1220], %broadcast_in_dim3A_1 {strides = array<i32>} : memref<192x128xf32, #tpu.memory_space<vmem>>, vector<16xf32>,
      %swap3A_1222 = arith.index_cast %add3A_1212 : i32 to index
      %swap3A_1223 = arith.constant 48 : index
      %swap3A_1224 = tpu.vector_load %arg13[%swap3A_1222, %swap3A_1223] {strides = array<i32>} : memref<192x128xf32, #tpu.memory_space<vmem>>, vector<16xf32>,
      tpu.vector_store %arg13[%swap3A_1222, %swap3A_1223], %broadcast_in_dim3A_1 {strides = array<i32>} : memref<192x128xf32, #tpu.memory_space<vmem>>, vector<16xf32>,
      %swap3A_1225 = arith.index_cast %add3A_1212 : i32 to index
      %swap3A_1226 = arith.constant 64 : index
      %swap3A_1227 = tpu.vector_load %arg13[%swap3A_1225, %swap3A_1226] {strides = array<i32>} : memref<192x128xf32, #tpu.memory_space<vmem>>, vector<16xf32>,
      tpu.vector_store %arg13[%swap3A_1225, %swap3A_1226], %broadcast_in_dim3A_1 {strides = array<i32>} : memref<192x128xf32, #tpu.memory_space<vmem>>, vector<16xf32>,
      %swap3A_1228 = arith.index_cast %add3A_1212 : i32 to index
      %swap3A_1229 = arith.constant 80 : index
      %swap3A_1230 = tpu.vector_load %arg13[%swap3A_1228, %swap3A_1229] {strides = array<i32>} : memref<192x128xf32, #tpu.memory_space<vmem>>, vector<16xf32>,
      tpu.vector_store %arg13[%swap3A_1228, %swap3A_1229], %broadcast_in_dim3A_1 {strides = array<i32>} : memref<192x128xf32, #tpu.memory_space<vmem>>, vector<16xf32>,
      %swap3A_1231 = arith.index_cast %add3A_1212 : i32 to index
      %swap3A_1232 = arith.constant 96 : index
      %swap3A_1233 = tpu.vector_load %arg13[%swap3A_1231, %swap3A_1232] {strides = array<i32>} : memref<192x128xf32, #tpu.memory_space<vmem>>, vector<16xf32>,
      tpu.vector_store %arg13[%swap3A_1231, %swap3A_1232], %broadcast_in_dim3A_1 {strides = array<i32>} : memref<192x128xf32, #tpu.memory_space<vmem>>, vector<16xf32>,
      %swap3A_1234 = arith.index_cast %add3A_1212 : i32 to index
      %swap3A_1235 = arith.constant 112 : index
      %swap3A_1236 = tpu.vector_load %arg13[%swap3A_1234, %swap3A_1235] {strides = array<i32>} : memref<192x128xf32, #tpu.memory_space<vmem>>, vector<16xf32>,
      tpu.vector_store %arg13[%swap3A_1234, %swap3A_1235], %broadcast_in_dim3A_1 {strides = array<i32>} : memref<192x128xf32, #tpu.memory_space<vmem>>, vector<16xf32>,
    }
    %scan3A_5 = arith.constant 48 : i32
    %scan3A_6 = arith.constant 0 : i32
    %scan3A_7 = arith.constant 40 : i32
    %scan3A_8 = arith.addi %scan3A_6, %scan3A_7 : i32
    %scan3A_9 = arith.constant 1 : i32
    scf.for %scan3A_1208 = %scan3A_6 to %scan3A_8 step %scan3A_9  : i32 {
      %mul3A_1209 = arith.constant 1 : i32
      %mul3A_1210 = arith.muli %scan3A_1208, %mul3A_1209 : i32
      %add3A_1211 = arith.constant 0 : i32
      %add3A_1212 = arith.addi %add3A_1211, %mul3A_1210 : i32
      %mul3A_1213 = arith.constant 16 : i32
      %mul3A_1214 = arith.muli %mul3A_1213, %add3A_1212 : i32
      %swap3A_1215 = arith.index_cast %mul3A_1214 : i32 to index
      %swap3A_1216 = tpu.vector_load %arg14[%swap3A_1215] {strides = array<i32>} : memref<640xf32, #tpu.memory_space<vmem>>, vector<16xf32>,
      tpu.vector_store %arg14[%swap3A_1215], %broadcast_in_dim3A_1 {strides = array<i32>} : memref<640xf32, #tpu.memory_space<vmem>>, vector<16xf32>,
    }
    %scan3A_10 = arith.constant 40 : i32
    %mul3A_11 = arith.constant 640 : i32
    %mul3A_12 = arith.muli %arg1, %mul3A_11 : i32
    %add3A_13 = arith.constant 0 : i32
    %add3A_14 = arith.addi %mul3A_12, %add3A_13 : i32
    "tpu.region"() ({
      %run_scoped3A_1208 = tpu.sem_alloc : memref<!tpu.dma_semaphore, #tpu.memory_space<semaphore_mem>>
      %dma_start3A_1209 = arith.constant 0 : i32
      %dma_start3A_1210 = arith.constant 0 : i32
      %dma_start3A_1211 = tpu.memref_slice %arg13[%dma_start3A_1209, %dma_start3A_1210] : memref<192x128xf32, #tpu.memory_space<vmem>> -> memref<48x128xf32, #tpu.memory_space<vmem>>
      %dma_start3A_1212 = arith.constant 0 : i32
      %dma_start3A_1213 = tpu.memref_slice %arg15[%add3A_14, %dma_start3A_1212] : memref<10240x128xf32, #tpu.memory_space<vmem_shared>> -> memref<48x128xf32, #tpu.memory_space<vmem_shared>>
      %dma_start3A_1214 = arith.constant 0 : i32
      %dma_start3A_1215 = tpu.memref_slice %arg15[%add3A_14, %dma_start3A_1214] : memref<10240x128xf32, #tpu.memory_space<vmem_shared>> -> memref<48x128xf32, #tpu.memory_space<vmem_shared>>
      %dma_start3A_1216 = arith.constant 0 : i32
      %dma_start3A_1217 = arith.constant 0 : i32
      %dma_start3A_1218 = tpu.memref_slice %arg13[%dma_start3A_1216, %dma_start3A_1217] : memref<192x128xf32, #tpu.memory_space<vmem>> -> memref<48x128xf32, #tpu.memory_space<vmem>>
      tpu.enqueue_dma source(%dma_start3A_1218 : memref<48x128xf32, #tpu.memory_space<vmem>>) target(%dma_start3A_1215 : memref<48x128xf32, #tpu.memory_space<vmem_shared>>) target_semaphore(%run_scoped3A_1208 : memref<!tpu.dma_semaphore, #tpu.memory_space<semaphore_mem>>)
      %dma_wait3A_1219 = arith.constant 0 : i32
      %dma_wait3A_1220 = arith.constant 0 : i32
      %dma_wait3A_1221 = tpu.memref_slice %arg13[%dma_wait3A_1219, %dma_wait3A_1220] : memref<192x128xf32, #tpu.memory_space<vmem>> -> memref<48x128xf32, #tpu.memory_space<vmem>>
      %dma_wait3A_1222 = arith.constant 0 : i32
      %dma_wait3A_1223 = tpu.memref_slice %arg15[%add3A_14, %dma_wait3A_1222] : memref<10240x128xf32, #tpu.memory_space<vmem_shared>> -> memref<48x128xf32, #tpu.memory_space<vmem_shared>>
      %dma_wait3A_1224 = arith.constant 0 : i32
      %dma_wait3A_1225 = tpu.memref_slice %arg15[%add3A_14, %dma_wait3A_1224] : memref<10240x128xf32, #tpu.memory_space<vmem_shared>> -> memref<48x128xf32, #tpu.memory_space<vmem_shared>>
      %dma_wait3A_1226 = arith.constant 0 : i32
      %dma_wait3A_1227 = arith.constant 0 : i32
      %dma_wait3A_1228 = tpu.memref_slice %arg13[%dma_wait3A_1226, %dma_wait3A_1227] : memref<192x128xf32, #tpu.memory_space<vmem>> -> memref<48x128xf32, #tpu.memory_space<vmem>>
      tpu.wait_dma2 semaphore(%run_scoped3A_1208 : memref<!tpu.dma_semaphore, #tpu.memory_space<semaphore_mem>>) src(%dma_wait3A_1228 : memref<48x128xf32, #tpu.memory_space<vmem>>) dst(%dma_wait3A_1225 : memref<48x128xf32, #tpu.memory_space<vmem_shared>>)
      tpu.yield
    }) : () -> ()
    %mul3A_15 = arith.constant 640 : i32
    %mul3A_16 = arith.muli %arg1, %mul3A_15 : i32
    %add3A_17 = arith.constant 48 : i32
    %add3A_18 = arith.addi %mul3A_16, %add3A_17 : i32
    "tpu.region"() ({
      %run_scoped3A_1208 = tpu.sem_alloc : memref<!tpu.dma_semaphore, #tpu.memory_space<semaphore_mem>>
      %dma_start3A_1209 = arith.constant 0 : i32
      %dma_start3A_1210 = arith.constant 0 : i32
      %dma_start3A_1211 = tpu.memref_slice %arg13[%dma_start3A_1209, %dma_start3A_1210] : memref<192x128xf32, #tpu.memory_space<vmem>> -> memref<48x128xf32, #tpu.memory_space<vmem>>
      %dma_start3A_1212 = arith.constant 0 : i32
      %dma_start3A_1213 = tpu.memref_slice %arg15[%add3A_18, %dma_start3A_1212] : memref<10240x128xf32, #tpu.memory_space<vmem_shared>> -> memref<48x128xf32, #tpu.memory_space<vmem_shared>>
      %dma_start3A_1214 = arith.constant 0 : i32
      %dma_start3A_1215 = tpu.memref_slice %arg15[%add3A_18, %dma_start3A_1214] : memref<10240x128xf32, #tpu.memory_space<vmem_shared>> -> memref<48x128xf32, #tpu.memory_space<vmem_shared>>
      %dma_start3A_1216 = arith.constant 0 : i32
      %dma_start3A_1217 = arith.constant 0 : i32
      %dma_start3A_1218 = tpu.memref_slice %arg13[%dma_start3A_1216, %dma_start3A_1217] : memref<192x128xf32, #tpu.memory_space<vmem>> -> memref<48x128xf32, #tpu.memory_space<vmem>>
      tpu.enqueue_dma source(%dma_start3A_1218 : memref<48x128xf32, #tpu.memory_space<vmem>>) target(%dma_start3A_1215 : memref<48x128xf32, #tpu.memory_space<vmem_shared>>) target_semaphore(%run_scoped3A_1208 : memref<!tpu.dma_semaphore, #tpu.memory_space<semaphore_mem>>)
      %dma_wait3A_1219 = arith.constant 0 : i32
      %dma_wait3A_1220 = arith.constant 0 : i32
      %dma_wait3A_1221 = tpu.memref_slice %arg13[%dma_wait3A_1219, %dma_wait3A_1220] : memref<192x128xf32, #tpu.memory_space<vmem>> -> memref<48x128xf32, #tpu.memory_space<vmem>>
      %dma_wait3A_1222 = arith.constant 0 : i32
      %dma_wait3A_1223 = tpu.memref_slice %arg15[%add3A_18, %dma_wait3A_1222] : memref<10240x128xf32, #tpu.memory_space<vmem_shared>> -> memref<48x128xf32, #tpu.memory_space<vmem_shared>>
      %dma_wait3A_1224 = arith.constant 0 : i32
      %dma_wait3A_1225 = tpu.memref_slice %arg15[%add3A_18, %dma_wait3A_1224] : memref<10240x128xf32, #tpu.memory_space<vmem_shared>> -> memref<48x128xf32, #tpu.memory_space<vmem_shared>>
      %dma_wait3A_1226 = arith.constant 0 : i32
      %dma_wait3A_1227 = arith.constant 0 : i32
      %dma_wait3A_1228 = tpu.memref_slice %arg13[%dma_wait3A_1226, %dma_wait3A_1227] : memref<192x128xf32, #tpu.memory_space<vmem>> -> memref<48x128xf32, #tpu.memory_space<vmem>>
      tpu.wait_dma2 semaphore(%run_scoped3A_1208 : memref<!tpu.dma_semaphore, #tpu.memory_space<semaphore_mem>>) src(%dma_wait3A_1228 : memref<48x128xf32, #tpu.memory_space<vmem>>) dst(%dma_wait3A_1225 : memref<48x128xf32, #tpu.memory_space<vmem_shared>>)
      tpu.yield
    }) : () -> ()
    %mul3A_19 = arith.constant 640 : i32
    %mul3A_20 = arith.muli %arg1, %mul3A_19 : i32
    %add3A_21 = arith.constant 96 : i32
    %add3A_22 = arith.addi %mul3A_20, %add3A_21 : i32
    "tpu.region"() ({
      %run_scoped3A_1208 = tpu.sem_alloc : memref<!tpu.dma_semaphore, #tpu.memory_space<semaphore_mem>>
      %dma_start3A_1209 = arith.constant 0 : i32
      %dma_start3A_1210 = arith.constant 0 : i32
      %dma_start3A_1211 = tpu.memref_slice %arg13[%dma_start3A_1209, %dma_start3A_1210] : memref<192x128xf32, #tpu.memory_space<vmem>> -> memref<48x128xf32, #tpu.memory_space<vmem>>
      %dma_start3A_1212 = arith.constant 0 : i32
      %dma_start3A_1213 = tpu.memref_slice %arg15[%add3A_22, %dma_start3A_1212] : memref<10240x128xf32, #tpu.memory_space<vmem_shared>> -> memref<48x128xf32, #tpu.memory_space<vmem_shared>>
      %dma_start3A_1214 = arith.constant 0 : i32
      %dma_start3A_1215 = tpu.memref_slice %arg15[%add3A_22, %dma_start3A_1214] : memref<10240x128xf32, #tpu.memory_space<vmem_shared>> -> memref<48x128xf32, #tpu.memory_space<vmem_shared>>
      %dma_start3A_1216 = arith.constant 0 : i32
      %dma_start3A_1217 = arith.constant 0 : i32
      %dma_start3A_1218 = tpu.memref_slice %arg13[%dma_start3A_1216, %dma_start3A_1217] : memref<192x128xf32, #tpu.memory_space<vmem>> -> memref<48x128xf32, #tpu.memory_space<vmem>>
      tpu.enqueue_dma source(%dma_start3A_1218 : memref<48x128xf32, #tpu.memory_space<vmem>>) target(%dma_start3A_1215 : memref<48x128xf32, #tpu.memory_space<vmem_shared>>) target_semaphore(%run_scoped3A_1208 : memref<!tpu.dma_semaphore, #tpu.memory_space<semaphore_mem>>)
      %dma_wait3A_1219 = arith.constant 0 : i32
      %dma_wait3A_1220 = arith.constant 0 : i32
      %dma_wait3A_1221 = tpu.memref_slice %arg13[%dma_wait3A_1219, %dma_wait3A_1220] : memref<192x128xf32, #tpu.memory_space<vmem>> -> memref<48x128xf32, #tpu.memory_space<vmem>>
      %dma_wait3A_1222 = arith.constant 0 : i32
      %dma_wait3A_1223 = tpu.memref_slice %arg15[%add3A_22, %dma_wait3A_1222] : memref<10240x128xf32, #tpu.memory_space<vmem_shared>> -> memref<48x128xf32, #tpu.memory_space<vmem_shared>>
      %dma_wait3A_1224 = arith.constant 0 : i32
      %dma_wait3A_1225 = tpu.memref_slice %arg15[%add3A_22, %dma_wait3A_1224] : memref<10240x128xf32, #tpu.memory_space<vmem_shared>> -> memref<48x128xf32, #tpu.memory_space<vmem_shared>>
      %dma_wait3A_1226 = arith.constant 0 : i32
      %dma_wait3A_1227 = arith.constant 0 : i32
      %dma_wait3A_1228 = tpu.memref_slice %arg13[%dma_wait3A_1226, %dma_wait3A_1227] : memref<192x128xf32, #tpu.memory_space<vmem>> -> memref<48x128xf32, #tpu.memory_space<vmem>>
      tpu.wait_dma2 semaphore(%run_scoped3A_1208 : memref<!tpu.dma_semaphore, #tpu.memory_space<semaphore_mem>>) src(%dma_wait3A_1228 : memref<48x128xf32, #tpu.memory_space<vmem>>) dst(%dma_wait3A_1225 : memref<48x128xf32, #tpu.memory_space<vmem_shared>>)
      tpu.yield
    }) : () -> ()
    %mul3A_23 = arith.constant 640 : i32
    %mul3A_24 = arith.muli %arg1, %mul3A_23 : i32
    %add3A_25 = arith.constant 144 : i32
    %add3A_26 = arith.addi %mul3A_24, %add3A_25 : i32
    "tpu.region"() ({
      %run_scoped3A_1208 = tpu.sem_alloc : memref<!tpu.dma_semaphore, #tpu.memory_space<semaphore_mem>>
      %dma_start3A_1209 = arith.constant 0 : i32
      %dma_start3A_1210 = arith.constant 0 : i32
      %dma_start3A_1211 = tpu.memref_slice %arg13[%dma_start3A_1209, %dma_start3A_1210] : memref<192x128xf32, #tpu.memory_space<vmem>> -> memref<48x128xf32, #tpu.memory_space<vmem>>
      %dma_start3A_1212 = arith.constant 0 : i32
      %dma_start3A_1213 = tpu.memref_slice %arg15[%add3A_26, %dma_start3A_1212] : memref<10240x128xf32, #tpu.memory_space<vmem_shared>> -> memref<48x128xf32, #tpu.memory_space<vmem_shared>>
      %dma_start3A_1214 = arith.constant 0 : i32
      %dma_start3A_1215 = tpu.memref_slice %arg15[%add3A_26, %dma_start3A_1214] : memref<10240x128xf32, #tpu.memory_space<vmem_shared>> -> memref<48x128xf32, #tpu.memory_space<vmem_shared>>
      %dma_start3A_1216 = arith.constant 0 : i32
      %dma_start3A_1217 = arith.constant 0 : i32
      %dma_start3A_1218 = tpu.memref_slice %arg13[%dma_start3A_1216, %dma_start3A_1217] : memref<192x128xf32, #tpu.memory_space<vmem>> -> memref<48x128xf32, #tpu.memory_space<vmem>>
      tpu.enqueue_dma source(%dma_start3A_1218 : memref<48x128xf32, #tpu.memory_space<vmem>>) target(%dma_start3A_1215 : memref<48x128xf32, #tpu.memory_space<vmem_shared>>) target_semaphore(%run_scoped3A_1208 : memref<!tpu.dma_semaphore, #tpu.memory_space<semaphore_mem>>)
      %dma_wait3A_1219 = arith.constant 0 : i32
      %dma_wait3A_1220 = arith.constant 0 : i32
      %dma_wait3A_1221 = tpu.memref_slice %arg13[%dma_wait3A_1219, %dma_wait3A_1220] : memref<192x128xf32, #tpu.memory_space<vmem>> -> memref<48x128xf32, #tpu.memory_space<vmem>>
      %dma_wait3A_1222 = arith.constant 0 : i32
      %dma_wait3A_1223 = tpu.memref_slice %arg15[%add3A_26, %dma_wait3A_1222] : memref<10240x128xf32, #tpu.memory_space<vmem_shared>> -> memref<48x128xf32, #tpu.memory_space<vmem_shared>>
      %dma_wait3A_1224 = arith.constant 0 : i32
      %dma_wait3A_1225 = tpu.memref_slice %arg15[%add3A_26, %dma_wait3A_1224] : memref<10240x128xf32, #tpu.memory_space<vmem_shared>> -> memref<48x128xf32, #tpu.memory_space<vmem_shared>>
      %dma_wait3A_1226 = arith.constant 0 : i32
      %dma_wait3A_1227 = arith.constant 0 : i32
      %dma_wait3A_1228 = tpu.memref_slice %arg13[%dma_wait3A_1226, %dma_wait3A_1227] : memref<192x128xf32, #tpu.memory_space<vmem>> -> memref<48x128xf32, #tpu.memory_space<vmem>>
      tpu.wait_dma2 semaphore(%run_scoped3A_1208 : memref<!tpu.dma_semaphore, #tpu.memory_space<semaphore_mem>>) src(%dma_wait3A_1228 : memref<48x128xf32, #tpu.memory_space<vmem>>) dst(%dma_wait3A_1225 : memref<48x128xf32, #tpu.memory_space<vmem_shared>>)
      tpu.yield
    }) : () -> ()
    %mul3A_27 = arith.constant 640 : i32
    %mul3A_28 = arith.muli %arg1, %mul3A_27 : i32
    %add3A_29 = arith.constant 192 : i32
    %add3A_30 = arith.addi %mul3A_28, %add3A_29 : i32
    "tpu.region"() ({
      %run_scoped3A_1208 = tpu.sem_alloc : memref<!tpu.dma_semaphore, #tpu.memory_space<semaphore_mem>>
      %dma_start3A_1209 = arith.constant 0 : i32
      %dma_start3A_1210 = arith.constant 0 : i32
      %dma_start3A_1211 = tpu.memref_slice %arg13[%dma_start3A_1209, %dma_start3A_1210] : memref<192x128xf32, #tpu.memory_space<vmem>> -> memref<48x128xf32, #tpu.memory_space<vmem>>
      %dma_start3A_1212 = arith.constant 0 : i32
      %dma_start3A_1213 = tpu.memref_slice %arg15[%add3A_30, %dma_start3A_1212] : memref<10240x128xf32, #tpu.memory_space<vmem_shared>> -> memref<48x128xf32, #tpu.memory_space<vmem_shared>>
      %dma_start3A_1214 = arith.constant 0 : i32
      %dma_start3A_1215 = tpu.memref_slice %arg15[%add3A_30, %dma_start3A_1214] : memref<10240x128xf32, #tpu.memory_space<vmem_shared>> -> memref<48x128xf32, #tpu.memory_space<vmem_shared>>
      %dma_start3A_1216 = arith.constant 0 : i32
      %dma_start3A_1217 = arith.constant 0 : i32
      %dma_start3A_1218 = tpu.memref_slice %arg13[%dma_start3A_1216, %dma_start3A_1217] : memref<192x128xf32, #tpu.memory_space<vmem>> -> memref<48x128xf32, #tpu.memory_space<vmem>>
      tpu.enqueue_dma source(%dma_start3A_1218 : memref<48x128xf32, #tpu.memory_space<vmem>>) target(%dma_start3A_1215 : memref<48x128xf32, #tpu.memory_space<vmem_shared>>) target_semaphore(%run_scoped3A_1208 : memref<!tpu.dma_semaphore, #tpu.memory_space<semaphore_mem>>)
      %dma_wait3A_1219 = arith.constant 0 : i32
      %dma_wait3A_1220 = arith.constant 0 : i32
      %dma_wait3A_1221 = tpu.memref_slice %arg13[%dma_wait3A_1219, %dma_wait3A_1220] : memref<192x128xf32, #tpu.memory_space<vmem>> -> memref<48x128xf32, #tpu.memory_space<vmem>>
      %dma_wait3A_1222 = arith.constant 0 : i32
      %dma_wait3A_1223 = tpu.memref_slice %arg15[%add3A_30, %dma_wait3A_1222] : memref<10240x128xf32, #tpu.memory_space<vmem_shared>> -> memref<48x128xf32, #tpu.memory_space<vmem_shared>>
      %dma_wait3A_1224 = arith.constant 0 : i32
      %dma_wait3A_1225 = tpu.memref_slice %arg15[%add3A_30, %dma_wait3A_1224] : memref<10240x128xf32, #tpu.memory_space<vmem_shared>> -> memref<48x128xf32, #tpu.memory_space<vmem_shared>>
      %dma_wait3A_1226 = arith.constant 0 : i32
      %dma_wait3A_1227 = arith.constant 0 : i32
      %dma_wait3A_1228 = tpu.memref_slice %arg13[%dma_wait3A_1226, %dma_wait3A_1227] : memref<192x128xf32, #tpu.memory_space<vmem>> -> memref<48x128xf32, #tpu.memory_space<vmem>>
      tpu.wait_dma2 semaphore(%run_scoped3A_1208 : memref<!tpu.dma_semaphore, #tpu.memory_space<semaphore_mem>>) src(%dma_wait3A_1228 : memref<48x128xf32, #tpu.memory_space<vmem>>) dst(%dma_wait3A_1225 : memref<48x128xf32, #tpu.memory_space<vmem_shared>>)
      tpu.yield
    }) : () -> ()
    %mul3A_31 = arith.constant 640 : i32
    %mul3A_32 = arith.muli %arg1, %mul3A_31 : i32
    %add3A_33 = arith.constant 240 : i32
    %add3A_34 = arith.addi %mul3A_32, %add3A_33 : i32
    "tpu.region"() ({
      %run_scoped3A_1208 = tpu.sem_alloc : memref<!tpu.dma_semaphore, #tpu.memory_space<semaphore_mem>>
      %dma_start3A_1209 = arith.constant 0 : i32
      %dma_start3A_1210 = arith.constant 0 : i32
      %dma_start3A_1211 = tpu.memref_slice %arg13[%dma_start3A_1209, %dma_start3A_1210] : memref<192x128xf32, #tpu.memory_space<vmem>> -> memref<48x128xf32, #tpu.memory_space<vmem>>
      %dma_start3A_1212 = arith.constant 0 : i32
      %dma_start3A_1213 = tpu.memref_slice %arg15[%add3A_34, %dma_start3A_1212] : memref<10240x128xf32, #tpu.memory_space<vmem_shared>> -> memref<48x128xf32, #tpu.memory_space<vmem_shared>>
      %dma_start3A_1214 = arith.constant 0 : i32
      %dma_start3A_1215 = tpu.memref_slice %arg15[%add3A_34, %dma_start3A_1214] : memref<10240x128xf32, #tpu.memory_space<vmem_shared>> -> memref<48x128xf32, #tpu.memory_space<vmem_shared>>
      %dma_start3A_1216 = arith.constant 0 : i32
      %dma_start3A_1217 = arith.constant 0 : i32
      %dma_start3A_1218 = tpu.memref_slice %arg13[%dma_start3A_1216, %dma_start3A_1217] : memref<192x128xf32, #tpu.memory_space<vmem>> -> memref<48x128xf32, #tpu.memory_space<vmem>>
      tpu.enqueue_dma source(%dma_start3A_1218 : memref<48x128xf32, #tpu.memory_space<vmem>>) target(%dma_start3A_1215 : memref<48x128xf32, #tpu.memory_space<vmem_shared>>) target_semaphore(%run_scoped3A_1208 : memref<!tpu.dma_semaphore, #tpu.memory_space<semaphore_mem>>)
      %dma_wait3A_1219 = arith.constant 0 : i32
      %dma_wait3A_1220 = arith.constant 0 : i32
      %dma_wait3A_1221 = tpu.memref_slice %arg13[%dma_wait3A_1219, %dma_wait3A_1220] : memref<192x128xf32, #tpu.memory_space<vmem>> -> memref<48x128xf32, #tpu.memory_space<vmem>>
      %dma_wait3A_1222 = arith.constant 0 : i32
      %dma_wait3A_1223 = tpu.memref_slice %arg15[%add3A_34, %dma_wait3A_1222] : memref<10240x128xf32, #tpu.memory_space<vmem_shared>> -> memref<48x128xf32, #tpu.memory_space<vmem_shared>>
      %dma_wait3A_1224 = arith.constant 0 : i32
      %dma_wait3A_1225 = tpu.memref_slice %arg15[%add3A_34, %dma_wait3A_1224] : memref<10240x128xf32, #tpu.memory_space<vmem_shared>> -> memref<48x128xf32, #tpu.memory_space<vmem_shared>>
      %dma_wait3A_1226 = arith.constant 0 : i32
      %dma_wait3A_1227 = arith.constant 0 : i32
      %dma_wait3A_1228 = tpu.memref_slice %arg13[%dma_wait3A_1226, %dma_wait3A_1227] : memref<192x128xf32, #tpu.memory_space<vmem>> -> memref<48x128xf32, #tpu.memory_space<vmem>>
      tpu.wait_dma2 semaphore(%run_scoped3A_1208 : memref<!tpu.dma_semaphore, #tpu.memory_space<semaphore_mem>>) src(%dma_wait3A_1228 : memref<48x128xf32, #tpu.memory_space<vmem>>) dst(%dma_wait3A_1225 : memref<48x128xf32, #tpu.memory_space<vmem_shared>>)
      tpu.yield
    }) : () -> ()
    %mul3A_35 = arith.constant 640 : i32
    %mul3A_36 = arith.muli %arg1, %mul3A_35 : i32
    %add3A_37 = arith.constant 288 : i32
    %add3A_38 = arith.addi %mul3A_36, %add3A_37 : i32
    "tpu.region"() ({
      %run_scoped3A_1208 = tpu.sem_alloc : memref<!tpu.dma_semaphore, #tpu.memory_space<semaphore_mem>>
      %dma_start3A_1209 = arith.constant 0 : i32
      %dma_start3A_1210 = arith.constant 0 : i32
      %dma_start3A_1211 = tpu.memref_slice %arg13[%dma_start3A_1209, %dma_start3A_1210] : memref<192x128xf32, #tpu.memory_space<vmem>> -> memref<48x128xf32, #tpu.memory_space<vmem>>
      %dma_start3A_1212 = arith.constant 0 : i32
      %dma_start3A_1213 = tpu.memref_slice %arg15[%add3A_38, %dma_start3A_1212] : memref<10240x128xf32, #tpu.memory_space<vmem_shared>> -> memref<48x128xf32, #tpu.memory_space<vmem_shared>>
      %dma_start3A_1214 = arith.constant 0 : i32
      %dma_start3A_1215 = tpu.memref_slice %arg15[%add3A_38, %dma_start3A_1214] : memref<10240x128xf32, #tpu.memory_space<vmem_shared>> -> memref<48x128xf32, #tpu.memory_space<vmem_shared>>
      %dma_start3A_1216 = arith.constant 0 : i32
      %dma_start3A_1217 = arith.constant 0 : i32
      %dma_start3A_1218 = tpu.memref_slice %arg13[%dma_start3A_1216, %dma_start3A_1217] : memref<192x128xf32, #tpu.memory_space<vmem>> -> memref<48x128xf32, #tpu.memory_space<vmem>>
      tpu.enqueue_dma source(%dma_start3A_1218 : memref<48x128xf32, #tpu.memory_space<vmem>>) target(%dma_start3A_1215 : memref<48x128xf32, #tpu.memory_space<vmem_shared>>) target_semaphore(%run_scoped3A_1208 : memref<!tpu.dma_semaphore, #tpu.memory_space<semaphore_mem>>)
      %dma_wait3A_1219 = arith.constant 0 : i32
      %dma_wait3A_1220 = arith.constant 0 : i32
      %dma_wait3A_1221 = tpu.memref_slice %arg13[%dma_wait3A_1219, %dma_wait3A_1220] : memref<192x128xf32, #tpu.memory_space<vmem>> -> memref<48x128xf32, #tpu.memory_space<vmem>>
      %dma_wait3A_1222 = arith.constant 0 : i32
      %dma_wait3A_1223 = tpu.memref_slice %arg15[%add3A_38, %dma_wait3A_1222] : memref<10240x128xf32, #tpu.memory_space<vmem_shared>> -> memref<48x128xf32, #tpu.memory_space<vmem_shared>>
      %dma_wait3A_1224 = arith.constant 0 : i32
      %dma_wait3A_1225 = tpu.memref_slice %arg15[%add3A_38, %dma_wait3A_1224] : memref<10240x128xf32, #tpu.memory_space<vmem_shared>> -> memref<48x128xf32, #tpu.memory_space<vmem_shared>>
      %dma_wait3A_1226 = arith.constant 0 : i32
      %dma_wait3A_1227 = arith.constant 0 : i32
      %dma_wait3A_1228 = tpu.memref_slice %arg13[%dma_wait3A_1226, %dma_wait3A_1227] : memref<192x128xf32, #tpu.memory_space<vmem>> -> memref<48x128xf32, #tpu.memory_space<vmem>>
      tpu.wait_dma2 semaphore(%run_scoped3A_1208 : memref<!tpu.dma_semaphore, #tpu.memory_space<semaphore_mem>>) src(%dma_wait3A_1228 : memref<48x128xf32, #tpu.memory_space<vmem>>) dst(%dma_wait3A_1225 : memref<48x128xf32, #tpu.memory_space<vmem_shared>>)
      tpu.yield
    }) : () -> ()
    %mul3A_39 = arith.constant 640 : i32
    %mul3A_40 = arith.muli %arg1, %mul3A_39 : i32
    %add3A_41 = arith.constant 336 : i32
    %add3A_42 = arith.addi %mul3A_40, %add3A_41 : i32
    "tpu.region"() ({
      %run_scoped3A_1208 = tpu.sem_alloc : memref<!tpu.dma_semaphore, #tpu.memory_space<semaphore_mem>>
      %dma_start3A_1209 = arith.constant 0 : i32
      %dma_start3A_1210 = arith.constant 0 : i32
      %dma_start3A_1211 = tpu.memref_slice %arg13[%dma_start3A_1209, %dma_start3A_1210] : memref<192x128xf32, #tpu.memory_space<vmem>> -> memref<48x128xf32, #tpu.memory_space<vmem>>
      %dma_start3A_1212 = arith.constant 0 : i32
      %dma_start3A_1213 = tpu.memref_slice %arg15[%add3A_42, %dma_start3A_1212] : memref<10240x128xf32, #tpu.memory_space<vmem_shared>> -> memref<48x128xf32, #tpu.memory_space<vmem_shared>>
      %dma_start3A_1214 = arith.constant 0 : i32
      %dma_start3A_1215 = tpu.memref_slice %arg15[%add3A_42, %dma_start3A_1214] : memref<10240x128xf32, #tpu.memory_space<vmem_shared>> -> memref<48x128xf32, #tpu.memory_space<vmem_shared>>
      %dma_start3A_1216 = arith.constant 0 : i32
      %dma_start3A_1217 = arith.constant 0 : i32
      %dma_start3A_1218 = tpu.memref_slice %arg13[%dma_start3A_1216, %dma_start3A_1217] : memref<192x128xf32, #tpu.memory_space<vmem>> -> memref<48x128xf32, #tpu.memory_space<vmem>>
      tpu.enqueue_dma source(%dma_start3A_1218 : memref<48x128xf32, #tpu.memory_space<vmem>>) target(%dma_start3A_1215 : memref<48x128xf32, #tpu.memory_space<vmem_shared>>) target_semaphore(%run_scoped3A_1208 : memref<!tpu.dma_semaphore, #tpu.memory_space<semaphore_mem>>)
      %dma_wait3A_1219 = arith.constant 0 : i32
      %dma_wait3A_1220 = arith.constant 0 : i32
      %dma_wait3A_1221 = tpu.memref_slice %arg13[%dma_wait3A_1219, %dma_wait3A_1220] : memref<192x128xf32, #tpu.memory_space<vmem>> -> memref<48x128xf32, #tpu.memory_space<vmem>>
      %dma_wait3A_1222 = arith.constant 0 : i32
      %dma_wait3A_1223 = tpu.memref_slice %arg15[%add3A_42, %dma_wait3A_1222] : memref<10240x128xf32, #tpu.memory_space<vmem_shared>> -> memref<48x128xf32, #tpu.memory_space<vmem_shared>>
      %dma_wait3A_1224 = arith.constant 0 : i32
      %dma_wait3A_1225 = tpu.memref_slice %arg15[%add3A_42, %dma_wait3A_1224] : memref<10240x128xf32, #tpu.memory_space<vmem_shared>> -> memref<48x128xf32, #tpu.memory_space<vmem_shared>>
      %dma_wait3A_1226 = arith.constant 0 : i32
      %dma_wait3A_1227 = arith.constant 0 : i32
      %dma_wait3A_1228 = tpu.memref_slice %arg13[%dma_wait3A_1226, %dma_wait3A_1227] : memref<192x128xf32, #tpu.memory_space<vmem>> -> memref<48x128xf32, #tpu.memory_space<vmem>>
      tpu.wait_dma2 semaphore(%run_scoped3A_1208 : memref<!tpu.dma_semaphore, #tpu.memory_space<semaphore_mem>>) src(%dma_wait3A_1228 : memref<48x128xf32, #tpu.memory_space<vmem>>) dst(%dma_wait3A_1225 : memref<48x128xf32, #tpu.memory_space<vmem_shared>>)
      tpu.yield
    }) : () -> ()
    %mul3A_43 = arith.constant 640 : i32
    %mul3A_44 = arith.muli %arg1, %mul3A_43 : i32
    %add3A_45 = arith.constant 384 : i32
    %add3A_46 = arith.addi %mul3A_44, %add3A_45 : i32
    "tpu.region"() ({
      %run_scoped3A_1208 = tpu.sem_alloc : memref<!tpu.dma_semaphore, #tpu.memory_space<semaphore_mem>>
      %dma_start3A_1209 = arith.constant 0 : i32
      %dma_start3A_1210 = arith.constant 0 : i32
      %dma_start3A_1211 = tpu.memref_slice %arg13[%dma_start3A_1209, %dma_start3A_1210] : memref<192x128xf32, #tpu.memory_space<vmem>> -> memref<48x128xf32, #tpu.memory_space<vmem>>
      %dma_start3A_1212 = arith.constant 0 : i32
      %dma_start3A_1213 = tpu.memref_slice %arg15[%add3A_46, %dma_start3A_1212] : memref<10240x128xf32, #tpu.memory_space<vmem_shared>> -> memref<48x128xf32, #tpu.memory_space<vmem_shared>>
      %dma_start3A_1214 = arith.constant 0 : i32
      %dma_start3A_1215 = tpu.memref_slice %arg15[%add3A_46, %dma_start3A_1214] : memref<10240x128xf32, #tpu.memory_space<vmem_shared>> -> memref<48x128xf32, #tpu.memory_space<vmem_shared>>
      %dma_start3A_1216 = arith.constant 0 : i32
      %dma_start3A_1217 = arith.constant 0 : i32
      %dma_start3A_1218 = tpu.memref_slice %arg13[%dma_start3A_1216, %dma_start3A_1217] : memref<192x128xf32, #tpu.memory_space<vmem>> -> memref<48x128xf32, #tpu.memory_space<vmem>>
      tpu.enqueue_dma source(%dma_start3A_1218 : memref<48x128xf32, #tpu.memory_space<vmem>>) target(%dma_start3A_1215 : memref<48x128xf32, #tpu.memory_space<vmem_shared>>) target_semaphore(%run_scoped3A_1208 : memref<!tpu.dma_semaphore, #tpu.memory_space<semaphore_mem>>)
      %dma_wait3A_1219 = arith.constant 0 : i32
      %dma_wait3A_1220 = arith.constant 0 : i32
      %dma_wait3A_1221 = tpu.memref_slice %arg13[%dma_wait3A_1219, %dma_wait3A_1220] : memref<192x128xf32, #tpu.memory_space<vmem>> -> memref<48x128xf32, #tpu.memory_space<vmem>>
      %dma_wait3A_1222 = arith.constant 0 : i32
      %dma_wait3A_1223 = tpu.memref_slice %arg15[%add3A_46, %dma_wait3A_1222] : memref<10240x128xf32, #tpu.memory_space<vmem_shared>> -> memref<48x128xf32, #tpu.memory_space<vmem_shared>>
      %dma_wait3A_1224 = arith.constant 0 : i32
      %dma_wait3A_1225 = tpu.memref_slice %arg15[%add3A_46, %dma_wait3A_1224] : memref<10240x128xf32, #tpu.memory_space<vmem_shared>> -> memref<48x128xf32, #tpu.memory_space<vmem_shared>>
      %dma_wait3A_1226 = arith.constant 0 : i32
      %dma_wait3A_1227 = arith.constant 0 : i32
      %dma_wait3A_1228 = tpu.memref_slice %arg13[%dma_wait3A_1226, %dma_wait3A_1227] : memref<192x128xf32, #tpu.memory_space<vmem>> -> memref<48x128xf32, #tpu.memory_space<vmem>>
      tpu.wait_dma2 semaphore(%run_scoped3A_1208 : memref<!tpu.dma_semaphore, #tpu.memory_space<semaphore_mem>>) src(%dma_wait3A_1228 : memref<48x128xf32, #tpu.memory_space<vmem>>) dst(%dma_wait3A_1225 : memref<48x128xf32, #tpu.memory_space<vmem_shared>>)
      tpu.yield
    }) : () -> ()
    %mul3A_47 = arith.constant 640 : i32
    %mul3A_48 = arith.muli %arg1, %mul3A_47 : i32
    %add3A_49 = arith.constant 432 : i32
    %add3A_50 = arith.addi %mul3A_48, %add3A_49 : i32
    "tpu.region"() ({
      %run_scoped3A_1208 = tpu.sem_alloc : memref<!tpu.dma_semaphore, #tpu.memory_space<semaphore_mem>>
      %dma_start3A_1209 = arith.constant 0 : i32
      %dma_start3A_1210 = arith.constant 0 : i32
      %dma_start3A_1211 = tpu.memref_slice %arg13[%dma_start3A_1209, %dma_start3A_1210] : memref<192x128xf32, #tpu.memory_space<vmem>> -> memref<48x128xf32, #tpu.memory_space<vmem>>
      %dma_start3A_1212 = arith.constant 0 : i32
      %dma_start3A_1213 = tpu.memref_slice %arg15[%add3A_50, %dma_start3A_1212] : memref<10240x128xf32, #tpu.memory_space<vmem_shared>> -> memref<48x128xf32, #tpu.memory_space<vmem_shared>>
      %dma_start3A_1214 = arith.constant 0 : i32
      %dma_start3A_1215 = tpu.memref_slice %arg15[%add3A_50, %dma_start3A_1214] : memref<10240x128xf32, #tpu.memory_space<vmem_shared>> -> memref<48x128xf32, #tpu.memory_space<vmem_shared>>
      %dma_start3A_1216 = arith.constant 0 : i32
      %dma_start3A_1217 = arith.constant 0 : i32
      %dma_start3A_1218 = tpu.memref_slice %arg13[%dma_start3A_1216, %dma_start3A_1217] : memref<192x128xf32, #tpu.memory_space<vmem>> -> memref<48x128xf32, #tpu.memory_space<vmem>>
      tpu.enqueue_dma source(%dma_start3A_1218 : memref<48x128xf32, #tpu.memory_space<vmem>>) target(%dma_start3A_1215 : memref<48x128xf32, #tpu.memory_space<vmem_shared>>) target_semaphore(%run_scoped3A_1208 : memref<!tpu.dma_semaphore, #tpu.memory_space<semaphore_mem>>)
      %dma_wait3A_1219 = arith.constant 0 : i32
      %dma_wait3A_1220 = arith.constant 0 : i32
      %dma_wait3A_1221 = tpu.memref_slice %arg13[%dma_wait3A_1219, %dma_wait3A_1220] : memref<192x128xf32, #tpu.memory_space<vmem>> -> memref<48x128xf32, #tpu.memory_space<vmem>>
      %dma_wait3A_1222 = arith.constant 0 : i32
      %dma_wait3A_1223 = tpu.memref_slice %arg15[%add3A_50, %dma_wait3A_1222] : memref<10240x128xf32, #tpu.memory_space<vmem_shared>> -> memref<48x128xf32, #tpu.memory_space<vmem_shared>>
      %dma_wait3A_1224 = arith.constant 0 : i32
      %dma_wait3A_1225 = tpu.memref_slice %arg15[%add3A_50, %dma_wait3A_1224] : memref<10240x128xf32, #tpu.memory_space<vmem_shared>> -> memref<48x128xf32, #tpu.memory_space<vmem_shared>>
      %dma_wait3A_1226 = arith.constant 0 : i32
      %dma_wait3A_1227 = arith.constant 0 : i32
      %dma_wait3A_1228 = tpu.memref_slice %arg13[%dma_wait3A_1226, %dma_wait3A_1227] : memref<192x128xf32, #tpu.memory_space<vmem>> -> memref<48x128xf32, #tpu.memory_space<vmem>>
      tpu.wait_dma2 semaphore(%run_scoped3A_1208 : memref<!tpu.dma_semaphore, #tpu.memory_space<semaphore_mem>>) src(%dma_wait3A_1228 : memref<48x128xf32, #tpu.memory_space<vmem>>) dst(%dma_wait3A_1225 : memref<48x128xf32, #tpu.memory_space<vmem_shared>>)
      tpu.yield
    }) : () -> ()
    %mul3A_51 = arith.constant 640 : i32
    %mul3A_52 = arith.muli %arg1, %mul3A_51 : i32
    %add3A_53 = arith.constant 480 : i32
    %add3A_54 = arith.addi %mul3A_52, %add3A_53 : i32
    "tpu.region"() ({
      %run_scoped3A_1208 = tpu.sem_alloc : memref<!tpu.dma_semaphore, #tpu.memory_space<semaphore_mem>>
      %dma_start3A_1209 = arith.constant 0 : i32
      %dma_start3A_1210 = arith.constant 0 : i32
      %dma_start3A_1211 = tpu.memref_slice %arg13[%dma_start3A_1209, %dma_start3A_1210] : memref<192x128xf32, #tpu.memory_space<vmem>> -> memref<48x128xf32, #tpu.memory_space<vmem>>
      %dma_start3A_1212 = arith.constant 0 : i32
      %dma_start3A_1213 = tpu.memref_slice %arg15[%add3A_54, %dma_start3A_1212] : memref<10240x128xf32, #tpu.memory_space<vmem_shared>> -> memref<48x128xf32, #tpu.memory_space<vmem_shared>>
      %dma_start3A_1214 = arith.constant 0 : i32
      %dma_start3A_1215 = tpu.memref_slice %arg15[%add3A_54, %dma_start3A_1214] : memref<10240x128xf32, #tpu.memory_space<vmem_shared>> -> memref<48x128xf32, #tpu.memory_space<vmem_shared>>
      %dma_start3A_1216 = arith.constant 0 : i32
      %dma_start3A_1217 = arith.constant 0 : i32
      %dma_start3A_1218 = tpu.memref_slice %arg13[%dma_start3A_1216, %dma_start3A_1217] : memref<192x128xf32, #tpu.memory_space<vmem>> -> memref<48x128xf32, #tpu.memory_space<vmem>>
      tpu.enqueue_dma source(%dma_start3A_1218 : memref<48x128xf32, #tpu.memory_space<vmem>>) target(%dma_start3A_1215 : memref<48x128xf32, #tpu.memory_space<vmem_shared>>) target_semaphore(%run_scoped3A_1208 : memref<!tpu.dma_semaphore, #tpu.memory_space<semaphore_mem>>)
      %dma_wait3A_1219 = arith.constant 0 : i32
      %dma_wait3A_1220 = arith.constant 0 : i32
      %dma_wait3A_1221 = tpu.memref_slice %arg13[%dma_wait3A_1219, %dma_wait3A_1220] : memref<192x128xf32, #tpu.memory_space<vmem>> -> memref<48x128xf32, #tpu.memory_space<vmem>>
      %dma_wait3A_1222 = arith.constant 0 : i32
      %dma_wait3A_1223 = tpu.memref_slice %arg15[%add3A_54, %dma_wait3A_1222] : memref<10240x128xf32, #tpu.memory_space<vmem_shared>> -> memref<48x128xf32, #tpu.memory_space<vmem_shared>>
      %dma_wait3A_1224 = arith.constant 0 : i32
      %dma_wait3A_1225 = tpu.memref_slice %arg15[%add3A_54, %dma_wait3A_1224] : memref<10240x128xf32, #tpu.memory_space<vmem_shared>> -> memref<48x128xf32, #tpu.memory_space<vmem_shared>>
      %dma_wait3A_1226 = arith.constant 0 : i32
      %dma_wait3A_1227 = arith.constant 0 : i32
      %dma_wait3A_1228 = tpu.memref_slice %arg13[%dma_wait3A_1226, %dma_wait3A_1227] : memref<192x128xf32, #tpu.memory_space<vmem>> -> memref<48x128xf32, #tpu.memory_space<vmem>>
      tpu.wait_dma2 semaphore(%run_scoped3A_1208 : memref<!tpu.dma_semaphore, #tpu.memory_space<semaphore_mem>>) src(%dma_wait3A_1228 : memref<48x128xf32, #tpu.memory_space<vmem>>) dst(%dma_wait3A_1225 : memref<48x128xf32, #tpu.memory_space<vmem_shared>>)
      tpu.yield
    }) : () -> ()
    %mul3A_55 = arith.constant 640 : i32
    %mul3A_56 = arith.muli %arg1, %mul3A_55 : i32
    %add3A_57 = arith.constant 528 : i32
    %add3A_58 = arith.addi %mul3A_56, %add3A_57 : i32
    "tpu.region"() ({
      %run_scoped3A_1208 = tpu.sem_alloc : memref<!tpu.dma_semaphore, #tpu.memory_space<semaphore_mem>>
      %dma_start3A_1209 = arith.constant 0 : i32
      %dma_start3A_1210 = arith.constant 0 : i32
      %dma_start3A_1211 = tpu.memref_slice %arg13[%dma_start3A_1209, %dma_start3A_1210] : memref<192x128xf32, #tpu.memory_space<vmem>> -> memref<48x128xf32, #tpu.memory_space<vmem>>
      %dma_start3A_1212 = arith.constant 0 : i32
      %dma_start3A_1213 = tpu.memref_slice %arg15[%add3A_58, %dma_start3A_1212] : memref<10240x128xf32, #tpu.memory_space<vmem_shared>> -> memref<48x128xf32, #tpu.memory_space<vmem_shared>>
      %dma_start3A_1214 = arith.constant 0 : i32
      %dma_start3A_1215 = tpu.memref_slice %arg15[%add3A_58, %dma_start3A_1214] : memref<10240x128xf32, #tpu.memory_space<vmem_shared>> -> memref<48x128xf32, #tpu.memory_space<vmem_shared>>
      %dma_start3A_1216 = arith.constant 0 : i32
      %dma_start3A_1217 = arith.constant 0 : i32
      %dma_start3A_1218 = tpu.memref_slice %arg13[%dma_start3A_1216, %dma_start3A_1217] : memref<192x128xf32, #tpu.memory_space<vmem>> -> memref<48x128xf32, #tpu.memory_space<vmem>>
      tpu.enqueue_dma source(%dma_start3A_1218 : memref<48x128xf32, #tpu.memory_space<vmem>>) target(%dma_start3A_1215 : memref<48x128xf32, #tpu.memory_space<vmem_shared>>) target_semaphore(%run_scoped3A_1208 : memref<!tpu.dma_semaphore, #tpu.memory_space<semaphore_mem>>)
      %dma_wait3A_1219 = arith.constant 0 : i32
      %dma_wait3A_1220 = arith.constant 0 : i32
      %dma_wait3A_1221 = tpu.memref_slice %arg13[%dma_wait3A_1219, %dma_wait3A_1220] : memref<192x128xf32, #tpu.memory_space<vmem>> -> memref<48x128xf32, #tpu.memory_space<vmem>>
      %dma_wait3A_1222 = arith.constant 0 : i32
      %dma_wait3A_1223 = tpu.memref_slice %arg15[%add3A_58, %dma_wait3A_1222] : memref<10240x128xf32, #tpu.memory_space<vmem_shared>> -> memref<48x128xf32, #tpu.memory_space<vmem_shared>>
      %dma_wait3A_1224 = arith.constant 0 : i32
      %dma_wait3A_1225 = tpu.memref_slice %arg15[%add3A_58, %dma_wait3A_1224] : memref<10240x128xf32, #tpu.memory_space<vmem_shared>> -> memref<48x128xf32, #tpu.memory_space<vmem_shared>>
      %dma_wait3A_1226 = arith.constant 0 : i32
      %dma_wait3A_1227 = arith.constant 0 : i32
      %dma_wait3A_1228 = tpu.memref_slice %arg13[%dma_wait3A_1226, %dma_wait3A_1227] : memref<192x128xf32, #tpu.memory_space<vmem>> -> memref<48x128xf32, #tpu.memory_space<vmem>>
      tpu.wait_dma2 semaphore(%run_scoped3A_1208 : memref<!tpu.dma_semaphore, #tpu.memory_space<semaphore_mem>>) src(%dma_wait3A_1228 : memref<48x128xf32, #tpu.memory_space<vmem>>) dst(%dma_wait3A_1225 : memref<48x128xf32, #tpu.memory_space<vmem_shared>>)
      tpu.yield
    }) : () -> ()
    %mul3A_59 = arith.constant 640 : i32
    %mul3A_60 = arith.muli %arg1, %mul3A_59 : i32
    %add3A_61 = arith.constant 576 : i32
    %add3A_62 = arith.addi %mul3A_60, %add3A_61 : i32
    "tpu.region"() ({
      %run_scoped3A_1208 = tpu.sem_alloc : memref<!tpu.dma_semaphore, #tpu.memory_space<semaphore_mem>>
      %dma_start3A_1209 = arith.constant 0 : i32
      %dma_start3A_1210 = arith.constant 0 : i32
      %dma_start3A_1211 = tpu.memref_slice %arg13[%dma_start3A_1209, %dma_start3A_1210] : memref<192x128xf32, #tpu.memory_space<vmem>> -> memref<48x128xf32, #tpu.memory_space<vmem>>
      %dma_start3A_1212 = arith.constant 0 : i32
      %dma_start3A_1213 = tpu.memref_slice %arg15[%add3A_62, %dma_start3A_1212] : memref<10240x128xf32, #tpu.memory_space<vmem_shared>> -> memref<48x128xf32, #tpu.memory_space<vmem_shared>>
      %dma_start3A_1214 = arith.constant 0 : i32
      %dma_start3A_1215 = tpu.memref_slice %arg15[%add3A_62, %dma_start3A_1214] : memref<10240x128xf32, #tpu.memory_space<vmem_shared>> -> memref<48x128xf32, #tpu.memory_space<vmem_shared>>
      %dma_start3A_1216 = arith.constant 0 : i32
      %dma_start3A_1217 = arith.constant 0 : i32
      %dma_start3A_1218 = tpu.memref_slice %arg13[%dma_start3A_1216, %dma_start3A_1217] : memref<192x128xf32, #tpu.memory_space<vmem>> -> memref<48x128xf32, #tpu.memory_space<vmem>>
      tpu.enqueue_dma source(%dma_start3A_1218 : memref<48x128xf32, #tpu.memory_space<vmem>>) target(%dma_start3A_1215 : memref<48x128xf32, #tpu.memory_space<vmem_shared>>) target_semaphore(%run_scoped3A_1208 : memref<!tpu.dma_semaphore, #tpu.memory_space<semaphore_mem>>)
      %dma_wait3A_1219 = arith.constant 0 : i32
      %dma_wait3A_1220 = arith.constant 0 : i32
      %dma_wait3A_1221 = tpu.memref_slice %arg13[%dma_wait3A_1219, %dma_wait3A_1220] : memref<192x128xf32, #tpu.memory_space<vmem>> -> memref<48x128xf32, #tpu.memory_space<vmem>>
      %dma_wait3A_1222 = arith.constant 0 : i32
      %dma_wait3A_1223 = tpu.memref_slice %arg15[%add3A_62, %dma_wait3A_1222] : memref<10240x128xf32, #tpu.memory_space<vmem_shared>> -> memref<48x128xf32, #tpu.memory_space<vmem_shared>>
      %dma_wait3A_1224 = arith.constant 0 : i32
      %dma_wait3A_1225 = tpu.memref_slice %arg15[%add3A_62, %dma_wait3A_1224] : memref<10240x128xf32, #tpu.memory_space<vmem_shared>> -> memref<48x128xf32, #tpu.memory_space<vmem_shared>>
      %dma_wait3A_1226 = arith.constant 0 : i32
      %dma_wait3A_1227 = arith.constant 0 : i32
      %dma_wait3A_1228 = tpu.memref_slice %arg13[%dma_wait3A_1226, %dma_wait3A_1227] : memref<192x128xf32, #tpu.memory_space<vmem>> -> memref<48x128xf32, #tpu.memory_space<vmem>>
      tpu.wait_dma2 semaphore(%run_scoped3A_1208 : memref<!tpu.dma_semaphore, #tpu.memory_space<semaphore_mem>>) src(%dma_wait3A_1228 : memref<48x128xf32, #tpu.memory_space<vmem>>) dst(%dma_wait3A_1225 : memref<48x128xf32, #tpu.memory_space<vmem_shared>>)
      tpu.yield
    }) : () -> ()
    %mul3A_63 = arith.constant 640 : i32
    %mul3A_64 = arith.muli %arg1, %mul3A_63 : i32
    %add3A_65 = arith.constant 624 : i32
    %add3A_66 = arith.addi %mul3A_64, %add3A_65 : i32
    "tpu.region"() ({
      %run_scoped3A_1208 = tpu.sem_alloc : memref<!tpu.dma_semaphore, #tpu.memory_space<semaphore_mem>>
      %dma_start3A_1209 = arith.constant 0 : i32
      %dma_start3A_1210 = arith.constant 0 : i32
      %dma_start3A_1211 = tpu.memref_slice %arg13[%dma_start3A_1209, %dma_start3A_1210] : memref<192x128xf32, #tpu.memory_space<vmem>> -> memref<16x128xf32, #tpu.memory_space<vmem>>
      %dma_start3A_1212 = arith.constant 0 : i32
      %dma_start3A_1213 = tpu.memref_slice %arg15[%add3A_66, %dma_start3A_1212] : memref<10240x128xf32, #tpu.memory_space<vmem_shared>> -> memref<16x128xf32, #tpu.memory_space<vmem_shared>>
      %dma_start3A_1214 = arith.constant 0 : i32
      %dma_start3A_1215 = tpu.memref_slice %arg15[%add3A_66, %dma_start3A_1214] : memref<10240x128xf32, #tpu.memory_space<vmem_shared>> -> memref<16x128xf32, #tpu.memory_space<vmem_shared>>
      %dma_start3A_1216 = arith.constant 0 : i32
      %dma_start3A_1217 = arith.constant 0 : i32
      %dma_start3A_1218 = tpu.memref_slice %arg13[%dma_start3A_1216, %dma_start3A_1217] : memref<192x128xf32, #tpu.memory_space<vmem>> -> memref<16x128xf32, #tpu.memory_space<vmem>>
      tpu.enqueue_dma source(%dma_start3A_1218 : memref<16x128xf32, #tpu.memory_space<vmem>>) target(%dma_start3A_1215 : memref<16x128xf32, #tpu.memory_space<vmem_shared>>) target_semaphore(%run_scoped3A_1208 : memref<!tpu.dma_semaphore, #tpu.memory_space<semaphore_mem>>)
      %dma_wait3A_1219 = arith.constant 0 : i32
      %dma_wait3A_1220 = arith.constant 0 : i32
      %dma_wait3A_1221 = tpu.memref_slice %arg13[%dma_wait3A_1219, %dma_wait3A_1220] : memref<192x128xf32, #tpu.memory_space<vmem>> -> memref<16x128xf32, #tpu.memory_space<vmem>>
      %dma_wait3A_1222 = arith.constant 0 : i32
      %dma_wait3A_1223 = tpu.memref_slice %arg15[%add3A_66, %dma_wait3A_1222] : memref<10240x128xf32, #tpu.memory_space<vmem_shared>> -> memref<16x128xf32, #tpu.memory_space<vmem_shared>>
      %dma_wait3A_1224 = arith.constant 0 : i32
      %dma_wait3A_1225 = tpu.memref_slice %arg15[%add3A_66, %dma_wait3A_1224] : memref<10240x128xf32, #tpu.memory_space<vmem_shared>> -> memref<16x128xf32, #tpu.memory_space<vmem_shared>>
      %dma_wait3A_1226 = arith.constant 0 : i32
      %dma_wait3A_1227 = arith.constant 0 : i32
      %dma_wait3A_1228 = tpu.memref_slice %arg13[%dma_wait3A_1226, %dma_wait3A_1227] : memref<192x128xf32, #tpu.memory_space<vmem>> -> memref<16x128xf32, #tpu.memory_space<vmem>>
      tpu.wait_dma2 semaphore(%run_scoped3A_1208 : memref<!tpu.dma_semaphore, #tpu.memory_space<semaphore_mem>>) src(%dma_wait3A_1228 : memref<16x128xf32, #tpu.memory_space<vmem>>) dst(%dma_wait3A_1225 : memref<16x128xf32, #tpu.memory_space<vmem_shared>>)
      tpu.yield
    }) : () -> ()
    %mul3A_67 = arith.constant 640 : i32
    %mul3A_68 = arith.muli %arg1, %mul3A_67 : i32
    "tpu.region"() ({
      %run_scoped3A_1208 = tpu.sem_alloc : memref<!tpu.dma_semaphore, #tpu.memory_space<semaphore_mem>>
      %dma_start3A_1209 = tpu.memref_slice %arg16[%mul3A_68] : memref<10240xf32, #tpu.memory_space<vmem_shared>> -> memref<640xf32, #tpu.memory_space<vmem_shared>>
      %dma_start3A_1210 = tpu.memref_slice %arg16[%mul3A_68] : memref<10240xf32, #tpu.memory_space<vmem_shared>> -> memref<640xf32, #tpu.memory_space<vmem_shared>>
      tpu.enqueue_dma source(%arg14 : memref<640xf32, #tpu.memory_space<vmem>>) target(%dma_start3A_1210 : memref<640xf32, #tpu.memory_space<vmem_shared>>) target_semaphore(%run_scoped3A_1208 : memref<!tpu.dma_semaphore, #tpu.memory_space<semaphore_mem>>)
      %dma_wait3A_1211 = tpu.memref_slice %arg16[%mul3A_68] : memref<10240xf32, #tpu.memory_space<vmem_shared>> -> memref<640xf32, #tpu.memory_space<vmem_shared>>
      %dma_wait3A_1212 = tpu.memref_slice %arg16[%mul3A_68] : memref<10240xf32, #tpu.memory_space<vmem_shared>> -> memref<640xf32, #tpu.memory_space<vmem_shared>>
      tpu.wait_dma2 semaphore(%run_scoped3A_1208 : memref<!tpu.dma_semaphore, #tpu.memory_space<semaphore_mem>>) src(%arg14 : memref<640xf32, #tpu.memory_space<vmem>>) dst(%dma_wait3A_1212 : memref<640xf32, #tpu.memory_space<vmem_shared>>)
      tpu.yield
    }) : () -> ()
    %barrier3A = arith.constant 0 : index
    tpu.barrier barrier_id(%barrier3A)
    %run_scoped3A = arith.constant 0 : i32
    "tpu.region"() ({
      %run_scoped3A_1208 = tpu.sem_alloc : memref<!tpu.dma_semaphore, #tpu.memory_space<semaphore_mem>>
      %dma_start3A_1209 = arith.constant 0 : i32
      %dma_start3A_1210 = tpu.memref_slice %arg3[%run_scoped3A, %dma_start3A_1209] : memref<2x10240xf32, #tpu.memory_space<hbm>> -> memref<1x10240xf32, #tpu.memory_space<hbm>>
      %dma_start3A_1211 = tpu.memref_squeeze %dma_start3A_1210 : memref<1x10240xf32, #tpu.memory_space<hbm>> -> memref<10240xf32, #tpu.memory_space<hbm>>
      %dma_start3A_1212 = arith.constant 0 : i32
      %dma_start3A_1213 = tpu.memref_slice %arg3[%run_scoped3A, %dma_start3A_1212] : memref<2x10240xf32, #tpu.memory_space<hbm>> -> memref<1x10240xf32, #tpu.memory_space<hbm>>
      %dma_start3A_1214 = tpu.memref_squeeze %dma_start3A_1213 : memref<1x10240xf32, #tpu.memory_space<hbm>> -> memref<10240xf32, #tpu.memory_space<hbm>>
      tpu.enqueue_dma source(%dma_start3A_1214 : memref<10240xf32, #tpu.memory_space<hbm>>) target(%arg10 : memref<10240xf32, #tpu.memory_space<vmem>>) target_semaphore(%run_scoped3A_1208 : memref<!tpu.dma_semaphore, #tpu.memory_space<semaphore_mem>>)
      %dma_wait3A_1215 = arith.constant 0 : i32
      %dma_wait3A_1216 = tpu.memref_slice %arg3[%run_scoped3A, %dma_wait3A_1215] : memref<2x10240xf32, #tpu.memory_space<hbm>> -> memref<1x10240xf32, #tpu.memory_space<hbm>>
      %dma_wait3A_1217 = tpu.memref_squeeze %dma_wait3A_1216 : memref<1x10240xf32, #tpu.memory_space<hbm>> -> memref<10240xf32, #tpu.memory_space<hbm>>
      %dma_wait3A_1218 = arith.constant 0 : i32
      %dma_wait3A_1219 = tpu.memref_slice %arg3[%run_scoped3A, %dma_wait3A_1218] : memref<2x10240xf32, #tpu.memory_space<hbm>> -> memref<1x10240xf32, #tpu.memory_space<hbm>>
      %dma_wait3A_1220 = tpu.memref_squeeze %dma_wait3A_1219 : memref<1x10240xf32, #tpu.memory_space<hbm>> -> memref<10240xf32, #tpu.memory_space<hbm>>
      tpu.wait_dma2 semaphore(%run_scoped3A_1208 : memref<!tpu.dma_semaphore, #tpu.memory_space<semaphore_mem>>) src(%dma_wait3A_1220 : memref<10240xf32, #tpu.memory_space<hbm>>) dst(%arg10 : memref<10240xf32, #tpu.memory_space<vmem>>)
      tpu.yield
    }) : () -> ()
    %run_scoped3A_69 = arith.constant 1 : i32
    "tpu.region"() ({
      %run_scoped3A_1208 = tpu.sem_alloc : memref<!tpu.dma_semaphore, #tpu.memory_space<semaphore_mem>>
      %dma_start3A_1209 = arith.constant 0 : i32
      %dma_start3A_1210 = tpu.memref_slice %arg3[%run_scoped3A_69, %dma_start3A_1209] : memref<2x10240xf32, #tpu.memory_space<hbm>> -> memref<1x10240xf32, #tpu.memory_space<hbm>>
      %dma_start3A_1211 = tpu.memref_squeeze %dma_start3A_1210 : memref<1x10240xf32, #tpu.memory_space<hbm>> -> memref<10240xf32, #tpu.memory_space<hbm>>
      %dma_start3A_1212 = arith.constant 0 : i32
      %dma_start3A_1213 = tpu.memref_slice %arg3[%run_scoped3A_69, %dma_start3A_1212] : memref<2x10240xf32, #tpu.memory_space<hbm>> -> memref<1x10240xf32, #tpu.memory_space<hbm>>
      %dma_start3A_1214 = tpu.memref_squeeze %dma_start3A_1213 : memref<1x10240xf32, #tpu.memory_space<hbm>> -> memref<10240xf32, #tpu.memory_space<hbm>>
      tpu.enqueue_dma source(%dma_start3A_1214 : memref<10240xf32, #tpu.memory_space<hbm>>) target(%arg11 : memref<10240xf32, #tpu.memory_space<vmem>>) target_semaphore(%run_scoped3A_1208 : memref<!tpu.dma_semaphore, #tpu.memory_space<semaphore_mem>>)
      %dma_wait3A_1215 = arith.constant 0 : i32
      %dma_wait3A_1216 = tpu.memref_slice %arg3[%run_scoped3A_69, %dma_wait3A_1215] : memref<2x10240xf32, #tpu.memory_space<hbm>> -> memref<1x10240xf32, #tpu.memory_space<hbm>>
      %dma_wait3A_1217 = tpu.memref_squeeze %dma_wait3A_1216 : memref<1x10240xf32, #tpu.memory_space<hbm>> -> memref<10240xf32, #tpu.memory_space<hbm>>
      %dma_wait3A_1218 = arith.constant 0 : i32
      %dma_wait3A_1219 = tpu.memref_slice %arg3[%run_scoped3A_69, %dma_wait3A_1218] : memref<2x10240xf32, #tpu.memory_space<hbm>> -> memref<1x10240xf32, #tpu.memory_space<hbm>>
      %dma_wait3A_1220 = tpu.memref_squeeze %dma_wait3A_1219 : memref<1x10240xf32, #tpu.memory_space<hbm>> -> memref<10240xf32, #tpu.memory_space<hbm>>
      tpu.wait_dma2 semaphore(%run_scoped3A_1208 : memref<!tpu.dma_semaphore, #tpu.memory_space<semaphore_mem>>) src(%dma_wait3A_1220 : memref<10240xf32, #tpu.memory_space<hbm>>) dst(%arg11 : memref<10240xf32, #tpu.memory_space<vmem>>)
      tpu.yield
    }) : () -> ()
    %run_scoped3A_70 = arith.constant 0 : i32
    %run_scoped3A_71 = arith.constant 0 : i32
    "tpu.region"() ({
      %run_scoped3A_1208 = tpu.sem_alloc : memref<!tpu.dma_semaphore, #tpu.memory_space<semaphore_mem>>
      %dma_start3A_1209 = arith.constant 0 : i32
      %dma_start3A_1210 = tpu.memref_slice %arg8[%run_scoped3A_71, %dma_start3A_1209] : memref<4x48xi32, #tpu.memory_space<vmem>> -> memref<1x48xi32, #tpu.memory_space<vmem>>
      %dma_start3A_1211 = tpu.memref_squeeze %dma_start3A_1210 : memref<1x48xi32, #tpu.memory_space<vmem>> -> memref<48xi32, #tpu.memory_space<vmem>>
      %dma_start3A_1212 = arith.constant 0 : i32
      %dma_start3A_1213 = tpu.memref_slice %arg4[%add3A, %run_scoped3A_70, %dma_start3A_1212] : memref<32x210x48xi32, #tpu.memory_space<hbm>> -> memref<1x1x48xi32, #tpu.memory_space<hbm>>
      %dma_start3A_1214 = tpu.memref_squeeze %dma_start3A_1213 : memref<1x1x48xi32, #tpu.memory_space<hbm>> -> memref<48xi32, #tpu.memory_space<hbm>>
      %dma_start3A_1215 = arith.constant 0 : i32
      %dma_start3A_1216 = tpu.memref_slice %arg8[%run_scoped3A_71, %dma_start3A_1215] : memref<4x48xi32, #tpu.memory_space<vmem>> -> memref<1x48xi32, #tpu.memory_space<vmem>>
      %dma_start3A_1217 = tpu.memref_squeeze %dma_start3A_1216 : memref<1x48xi32, #tpu.memory_space<vmem>> -> memref<48xi32, #tpu.memory_space<vmem>>
      %dma_start3A_1218 = arith.constant 0 : i32
      %dma_start3A_1219 = tpu.memref_slice %arg4[%add3A, %run_scoped3A_70, %dma_start3A_1218] : memref<32x210x48xi32, #tpu.memory_space<hbm>> -> memref<1x1x48xi32, #tpu.memory_space<hbm>>
      %dma_start3A_1220 = tpu.memref_squeeze %dma_start3A_1219 : memref<1x1x48xi32, #tpu.memory_space<hbm>> -> memref<48xi32, #tpu.memory_space<hbm>>
      tpu.enqueue_dma source(%dma_start3A_1220 : memref<48xi32, #tpu.memory_space<hbm>>) target(%dma_start3A_1217 : memref<48xi32, #tpu.memory_space<vmem>>) target_semaphore(%run_scoped3A_1208 : memref<!tpu.dma_semaphore, #tpu.memory_space<semaphore_mem>>)
      %dma_wait3A_1221 = arith.constant 0 : i32
      %dma_wait3A_1222 = tpu.memref_slice %arg8[%run_scoped3A_71, %dma_wait3A_1221] : memref<4x48xi32, #tpu.memory_space<vmem>> -> memref<1x48xi32, #tpu.memory_space<vmem>>
      %dma_wait3A_1223 = tpu.memref_squeeze %dma_wait3A_1222 : memref<1x48xi32, #tpu.memory_space<vmem>> -> memref<48xi32, #tpu.memory_space<vmem>>
      %dma_wait3A_1224 = arith.constant 0 : i32
      %dma_wait3A_1225 = tpu.memref_slice %arg4[%add3A, %run_scoped3A_70, %dma_wait3A_1224] : memref<32x210x48xi32, #tpu.memory_space<hbm>> -> memref<1x1x48xi32, #tpu.memory_space<hbm>>
      %dma_wait3A_1226 = tpu.memref_squeeze %dma_wait3A_1225 : memref<1x1x48xi32, #tpu.memory_space<hbm>> -> memref<48xi32, #tpu.memory_space<hbm>>
      %dma_wait3A_1227 = arith.constant 0 : i32
      %dma_wait3A_1228 = tpu.memref_slice %arg8[%run_scoped3A_71, %dma_wait3A_1227] : memref<4x48xi32, #tpu.memory_space<vmem>> -> memref<1x48xi32, #tpu.memory_space<vmem>>
      %dma_wait3A_1229 = tpu.memref_squeeze %dma_wait3A_1228 : memref<1x48xi32, #tpu.memory_space<vmem>> -> memref<48xi32, #tpu.memory_space<vmem>>
      %dma_wait3A_1230 = arith.constant 0 : i32
      %dma_wait3A_1231 = tpu.memref_slice %arg4[%add3A, %run_scoped3A_70, %dma_wait3A_1230] : memref<32x210x48xi32, #tpu.memory_space<hbm>> -> memref<1x1x48xi32, #tpu.memory_space<hbm>>
      %dma_wait3A_1232 = tpu.memref_squeeze %dma_wait3A_1231 : memref<1x1x48xi32, #tpu.memory_space<hbm>> -> memref<48xi32, #tpu.memory_space<hbm>>
      tpu.wait_dma2 semaphore(%run_scoped3A_1208 : memref<!tpu.dma_semaphore, #tpu.memory_space<semaphore_mem>>) src(%dma_wait3A_1232 : memref<48xi32, #tpu.memory_space<hbm>>) dst(%dma_wait3A_1229 : memref<48xi32, #tpu.memory_space<vmem>>)
      tpu.yield
    }) : () -> ()
    %run_scoped3A_72 = arith.constant 0 : i32
    %run_scoped3A_73 = arith.constant 0 : i32
    "tpu.region"() ({
      %run_scoped3A_1208 = tpu.sem_alloc : memref<!tpu.dma_semaphore, #tpu.memory_space<semaphore_mem>>
      %dma_start3A_1209 = arith.constant 0 : i32
      %dma_start3A_1210 = tpu.memref_slice %arg9[%run_scoped3A_73, %dma_start3A_1209] : memref<4x48xi32, #tpu.memory_space<vmem>> -> memref<1x48xi32, #tpu.memory_space<vmem>>
      %dma_start3A_1211 = tpu.memref_squeeze %dma_start3A_1210 : memref<1x48xi32, #tpu.memory_space<vmem>> -> memref<48xi32, #tpu.memory_space<vmem>>
      %dma_start3A_1212 = arith.constant 0 : i32
      %dma_start3A_1213 = tpu.memref_slice %arg5[%add3A, %run_scoped3A_72, %dma_start3A_1212] : memref<32x210x48xi32, #tpu.memory_space<hbm>> -> memref<1x1x48xi32, #tpu.memory_space<hbm>>
      %dma_start3A_1214 = tpu.memref_squeeze %dma_start3A_1213 : memref<1x1x48xi32, #tpu.memory_space<hbm>> -> memref<48xi32, #tpu.memory_space<hbm>>
      %dma_start3A_1215 = arith.constant 0 : i32
      %dma_start3A_1216 = tpu.memref_slice %arg9[%run_scoped3A_73, %dma_start3A_1215] : memref<4x48xi32, #tpu.memory_space<vmem>> -> memref<1x48xi32, #tpu.memory_space<vmem>>
      %dma_start3A_1217 = tpu.memref_squeeze %dma_start3A_1216 : memref<1x48xi32, #tpu.memory_space<vmem>> -> memref<48xi32, #tpu.memory_space<vmem>>
      %dma_start3A_1218 = arith.constant 0 : i32
      %dma_start3A_1219 = tpu.memref_slice %arg5[%add3A, %run_scoped3A_72, %dma_start3A_1218] : memref<32x210x48xi32, #tpu.memory_space<hbm>> -> memref<1x1x48xi32, #tpu.memory_space<hbm>>
      %dma_start3A_1220 = tpu.memref_squeeze %dma_start3A_1219 : memref<1x1x48xi32, #tpu.memory_space<hbm>> -> memref<48xi32, #tpu.memory_space<hbm>>
      tpu.enqueue_dma source(%dma_start3A_1220 : memref<48xi32, #tpu.memory_space<hbm>>) target(%dma_start3A_1217 : memref<48xi32, #tpu.memory_space<vmem>>) target_semaphore(%run_scoped3A_1208 : memref<!tpu.dma_semaphore, #tpu.memory_space<semaphore_mem>>)
      %dma_wait3A_1221 = arith.constant 0 : i32
      %dma_wait3A_1222 = tpu.memref_slice %arg9[%run_scoped3A_73, %dma_wait3A_1221] : memref<4x48xi32, #tpu.memory_space<vmem>> -> memref<1x48xi32, #tpu.memory_space<vmem>>
      %dma_wait3A_1223 = tpu.memref_squeeze %dma_wait3A_1222 : memref<1x48xi32, #tpu.memory_space<vmem>> -> memref<48xi32, #tpu.memory_space<vmem>>
      %dma_wait3A_1224 = arith.constant 0 : i32
      %dma_wait3A_1225 = tpu.memref_slice %arg5[%add3A, %run_scoped3A_72, %dma_wait3A_1224] : memref<32x210x48xi32, #tpu.memory_space<hbm>> -> memref<1x1x48xi32, #tpu.memory_space<hbm>>
      %dma_wait3A_1226 = tpu.memref_squeeze %dma_wait3A_1225 : memref<1x1x48xi32, #tpu.memory_space<hbm>> -> memref<48xi32, #tpu.memory_space<hbm>>
      %dma_wait3A_1227 = arith.constant 0 : i32
      %dma_wait3A_1228 = tpu.memref_slice %arg9[%run_scoped3A_73, %dma_wait3A_1227] : memref<4x48xi32, #tpu.memory_space<vmem>> -> memref<1x48xi32, #tpu.memory_space<vmem>>
      %dma_wait3A_1229 = tpu.memref_squeeze %dma_wait3A_1228 : memref<1x48xi32, #tpu.memory_space<vmem>> -> memref<48xi32, #tpu.memory_space<vmem>>
      %dma_wait3A_1230 = arith.constant 0 : i32
      %dma_wait3A_1231 = tpu.memref_slice %arg5[%add3A, %run_scoped3A_72, %dma_wait3A_1230] : memref<32x210x48xi32, #tpu.memory_space<hbm>> -> memref<1x1x48xi32, #tpu.memory_space<hbm>>
      %dma_wait3A_1232 = tpu.memref_squeeze %dma_wait3A_1231 : memref<1x1x48xi32, #tpu.memory_space<hbm>> -> memref<48xi32, #tpu.memory_space<hbm>>
      tpu.wait_dma2 semaphore(%run_scoped3A_1208 : memref<!tpu.dma_semaphore, #tpu.memory_space<semaphore_mem>>) src(%dma_wait3A_1232 : memref<48xi32, #tpu.memory_space<hbm>>) dst(%dma_wait3A_1229 : memref<48xi32, #tpu.memory_space<vmem>>)
      tpu.yield
    }) : () -> ()
    %dma_start3A = arith.constant 0 : i32
    %dma_start3A_74 = arith.constant 0 : i32
    %dma_start3A_75 = arith.constant 0 : i32
    %dma_start3A_76 = arith.constant 0 : i32
    %dma_start3A_77 = tpu.memref_slice %arg13[%dma_start3A_75, %dma_start3A_76] : memref<192x128xf32, #tpu.memory_space<vmem>> -> memref<48x128xf32, #tpu.memory_space<vmem>>
    %dma_start3A_78 = arith.constant 0 : i32
    %dma_start3A_79 = tpu.memref_slice %arg8[%dma_start3A, %dma_start3A_78] : memref<4x48xi32, #tpu.memory_space<vmem>> -> memref<1x48xi32, #tpu.memory_space<vmem>>
    %dma_start3A_80 = tpu.memref_squeeze %dma_start3A_79 : memref<1x48xi32, #tpu.memory_space<vmem>> -> memref<48xi32, #tpu.memory_space<vmem>>
    %dma_start3A_81 = arith.constant 0 : i32
    %dma_start3A_82 = arith.constant 0 : i32
    %dma_start3A_83 = tpu.memref_slice %arg2[%dma_start3A_81, %dma_start3A_82] : memref<10000x128xf32, #tpu.memory_space<hbm>> -> memref<10000x128xf32, #tpu.memory_space<hbm>>
    %dma_start3A_84 = tpu.memref_slice %arg17[%dma_start3A_74] : memref<4x!tpu.dma_semaphore, #tpu.memory_space<semaphore_mem>> -> memref<1x!tpu.dma_semaphore, #tpu.memory_space<semaphore_mem>>
    %dma_start3A_85 = tpu.memref_squeeze %dma_start3A_84 : memref<1x!tpu.dma_semaphore, #tpu.memory_space<semaphore_mem>> -> memref<!tpu.dma_semaphore, #tpu.memory_space<semaphore_mem>>
    tpu.enqueue_indirect_dma source(%dma_start3A_83 : memref<10000x128xf32, #tpu.memory_space<hbm>>) target(%dma_start3A_77 : memref<48x128xf32, #tpu.memory_space<vmem>>) offsets(%dma_start3A_80 : memref<48xi32, #tpu.memory_space<vmem>>) semaphore(%dma_start3A_85 : memref<!tpu.dma_semaphore, #tpu.memory_space<semaphore_mem>>)
    %run_scoped3A_86 = arith.constant 1 : i32
    %run_scoped3A_87 = arith.constant 1 : i32
    "tpu.region"() ({
      %run_scoped3A_1208 = tpu.sem_alloc : memref<!tpu.dma_semaphore, #tpu.memory_space<semaphore_mem>>
      %dma_start3A_1209 = arith.constant 0 : i32
      %dma_start3A_1210 = tpu.memref_slice %arg8[%run_scoped3A_87, %dma_start3A_1209] : memref<4x48xi32, #tpu.memory_space<vmem>> -> memref<1x48xi32, #tpu.memory_space<vmem>>
      %dma_start3A_1211 = tpu.memref_squeeze %dma_start3A_1210 : memref<1x48xi32, #tpu.memory_space<vmem>> -> memref<48xi32, #tpu.memory_space<vmem>>
      %dma_start3A_1212 = arith.constant 0 : i32
      %dma_start3A_1213 = tpu.memref_slice %arg4[%add3A, %run_scoped3A_86, %dma_start3A_1212] : memref<32x210x48xi32, #tpu.memory_space<hbm>> -> memref<1x1x48xi32, #tpu.memory_space<hbm>>
      %dma_start3A_1214 = tpu.memref_squeeze %dma_start3A_1213 : memref<1x1x48xi32, #tpu.memory_space<hbm>> -> memref<48xi32, #tpu.memory_space<hbm>>
      %dma_start3A_1215 = arith.constant 0 : i32
      %dma_start3A_1216 = tpu.memref_slice %arg8[%run_scoped3A_87, %dma_start3A_1215] : memref<4x48xi32, #tpu.memory_space<vmem>> -> memref<1x48xi32, #tpu.memory_space<vmem>>
      %dma_start3A_1217 = tpu.memref_squeeze %dma_start3A_1216 : memref<1x48xi32, #tpu.memory_space<vmem>> -> memref<48xi32, #tpu.memory_space<vmem>>
      %dma_start3A_1218 = arith.constant 0 : i32
      %dma_start3A_1219 = tpu.memref_slice %arg4[%add3A, %run_scoped3A_86, %dma_start3A_1218] : memref<32x210x48xi32, #tpu.memory_space<hbm>> -> memref<1x1x48xi32, #tpu.memory_space<hbm>>
      %dma_start3A_1220 = tpu.memref_squeeze %dma_start3A_1219 : memref<1x1x48xi32, #tpu.memory_space<hbm>> -> memref<48xi32, #tpu.memory_space<hbm>>
      tpu.enqueue_dma source(%dma_start3A_1220 : memref<48xi32, #tpu.memory_space<hbm>>) target(%dma_start3A_1217 : memref<48xi32, #tpu.memory_space<vmem>>) target_semaphore(%run_scoped3A_1208 : memref<!tpu.dma_semaphore, #tpu.memory_space<semaphore_mem>>)
      %dma_wait3A_1221 = arith.constant 0 : i32
      %dma_wait3A_1222 = tpu.memref_slice %arg8[%run_scoped3A_87, %dma_wait3A_1221] : memref<4x48xi32, #tpu.memory_space<vmem>> -> memref<1x48xi32, #tpu.memory_space<vmem>>
      %dma_wait3A_1223 = tpu.memref_squeeze %dma_wait3A_1222 : memref<1x48xi32, #tpu.memory_space<vmem>> -> memref<48xi32, #tpu.memory_space<vmem>>
      %dma_wait3A_1224 = arith.constant 0 : i32
      %dma_wait3A_1225 = tpu.memref_slice %arg4[%add3A, %run_scoped3A_86, %dma_wait3A_1224] : memref<32x210x48xi32, #tpu.memory_space<hbm>> -> memref<1x1x48xi32, #tpu.memory_space<hbm>>
      %dma_wait3A_1226 = tpu.memref_squeeze %dma_wait3A_1225 : memref<1x1x48xi32, #tpu.memory_space<hbm>> -> memref<48xi32, #tpu.memory_space<hbm>>
      %dma_wait3A_1227 = arith.constant 0 : i32
      %dma_wait3A_1228 = tpu.memref_slice %arg8[%run_scoped3A_87, %dma_wait3A_1227] : memref<4x48xi32, #tpu.memory_space<vmem>> -> memref<1x48xi32, #tpu.memory_space<vmem>>
      %dma_wait3A_1229 = tpu.memref_squeeze %dma_wait3A_1228 : memref<1x48xi32, #tpu.memory_space<vmem>> -> memref<48xi32, #tpu.memory_space<vmem>>
      %dma_wait3A_1230 = arith.constant 0 : i32
      %dma_wait3A_1231 = tpu.memref_slice %arg4[%add3A, %run_scoped3A_86, %dma_wait3A_1230] : memref<32x210x48xi32, #tpu.memory_space<hbm>> -> memref<1x1x48xi32, #tpu.memory_space<hbm>>
      %dma_wait3A_1232 = tpu.memref_squeeze %dma_wait3A_1231 : memref<1x1x48xi32, #tpu.memory_space<hbm>> -> memref<48xi32, #tpu.memory_space<hbm>>
      tpu.wait_dma2 semaphore(%run_scoped3A_1208 : memref<!tpu.dma_semaphore, #tpu.memory_space<semaphore_mem>>) src(%dma_wait3A_1232 : memref<48xi32, #tpu.memory_space<hbm>>) dst(%dma_wait3A_1229 : memref<48xi32, #tpu.memory_space<vmem>>)
      tpu.yield
    }) : () -> ()
    %run_scoped3A_88 = arith.constant 1 : i32
    %run_scoped3A_89 = arith.constant 1 : i32
    "tpu.region"() ({
      %run_scoped3A_1208 = tpu.sem_alloc : memref<!tpu.dma_semaphore, #tpu.memory_space<semaphore_mem>>
      %dma_start3A_1209 = arith.constant 0 : i32
      %dma_start3A_1210 = tpu.memref_slice %arg9[%run_scoped3A_89, %dma_start3A_1209] : memref<4x48xi32, #tpu.memory_space<vmem>> -> memref<1x48xi32, #tpu.memory_space<vmem>>
      %dma_start3A_1211 = tpu.memref_squeeze %dma_start3A_1210 : memref<1x48xi32, #tpu.memory_space<vmem>> -> memref<48xi32, #tpu.memory_space<vmem>>
      %dma_start3A_1212 = arith.constant 0 : i32
      %dma_start3A_1213 = tpu.memref_slice %arg5[%add3A, %run_scoped3A_88, %dma_start3A_1212] : memref<32x210x48xi32, #tpu.memory_space<hbm>> -> memref<1x1x48xi32, #tpu.memory_space<hbm>>
      %dma_start3A_1214 = tpu.memref_squeeze %dma_start3A_1213 : memref<1x1x48xi32, #tpu.memory_space<hbm>> -> memref<48xi32, #tpu.memory_space<hbm>>
      %dma_start3A_1215 = arith.constant 0 : i32
      %dma_start3A_1216 = tpu.memref_slice %arg9[%run_scoped3A_89, %dma_start3A_1215] : memref<4x48xi32, #tpu.memory_space<vmem>> -> memref<1x48xi32, #tpu.memory_space<vmem>>
      %dma_start3A_1217 = tpu.memref_squeeze %dma_start3A_1216 : memref<1x48xi32, #tpu.memory_space<vmem>> -> memref<48xi32, #tpu.memory_space<vmem>>
      %dma_start3A_1218 = arith.constant 0 : i32
      %dma_start3A_1219 = tpu.memref_slice %arg5[%add3A, %run_scoped3A_88, %dma_start3A_1218] : memref<32x210x48xi32, #tpu.memory_space<hbm>> -> memref<1x1x48xi32, #tpu.memory_space<hbm>>
      %dma_start3A_1220 = tpu.memref_squeeze %dma_start3A_1219 : memref<1x1x48xi32, #tpu.memory_space<hbm>> -> memref<48xi32, #tpu.memory_space<hbm>>
      tpu.enqueue_dma source(%dma_start3A_1220 : memref<48xi32, #tpu.memory_space<hbm>>) target(%dma_start3A_1217 : memref<48xi32, #tpu.memory_space<vmem>>) target_semaphore(%run_scoped3A_1208 : memref<!tpu.dma_semaphore, #tpu.memory_space<semaphore_mem>>)
      %dma_wait3A_1221 = arith.constant 0 : i32
      %dma_wait3A_1222 = tpu.memref_slice %arg9[%run_scoped3A_89, %dma_wait3A_1221] : memref<4x48xi32, #tpu.memory_space<vmem>> -> memref<1x48xi32, #tpu.memory_space<vmem>>
      %dma_wait3A_1223 = tpu.memref_squeeze %dma_wait3A_1222 : memref<1x48xi32, #tpu.memory_space<vmem>> -> memref<48xi32, #tpu.memory_space<vmem>>
      %dma_wait3A_1224 = arith.constant 0 : i32
      %dma_wait3A_1225 = tpu.memref_slice %arg5[%add3A, %run_scoped3A_88, %dma_wait3A_1224] : memref<32x210x48xi32, #tpu.memory_space<hbm>> -> memref<1x1x48xi32, #tpu.memory_space<hbm>>
      %dma_wait3A_1226 = tpu.memref_squeeze %dma_wait3A_1225 : memref<1x1x48xi32, #tpu.memory_space<hbm>> -> memref<48xi32, #tpu.memory_space<hbm>>
      %dma_wait3A_1227 = arith.constant 0 : i32
      %dma_wait3A_1228 = tpu.memref_slice %arg9[%run_scoped3A_89, %dma_wait3A_1227] : memref<4x48xi32, #tpu.memory_space<vmem>> -> memref<1x48xi32, #tpu.memory_space<vmem>>
      %dma_wait3A_1229 = tpu.memref_squeeze %dma_wait3A_1228 : memref<1x48xi32, #tpu.memory_space<vmem>> -> memref<48xi32, #tpu.memory_space<vmem>>
      %dma_wait3A_1230 = arith.constant 0 : i32
      %dma_wait3A_1231 = tpu.memref_slice %arg5[%add3A, %run_scoped3A_88, %dma_wait3A_1230] : memref<32x210x48xi32, #tpu.memory_space<hbm>> -> memref<1x1x48xi32, #tpu.memory_space<hbm>>
      %dma_wait3A_1232 = tpu.memref_squeeze %dma_wait3A_1231 : memref<1x1x48xi32, #tpu.memory_space<hbm>> -> memref<48xi32, #tpu.memory_space<hbm>>
      tpu.wait_dma2 semaphore(%run_scoped3A_1208 : memref<!tpu.dma_semaphore, #tpu.memory_space<semaphore_mem>>) src(%dma_wait3A_1232 : memref<48xi32, #tpu.memory_space<hbm>>) dst(%dma_wait3A_1229 : memref<48xi32, #tpu.memory_space<vmem>>)
      tpu.yield
    }) : () -> ()
    %dma_start3A_90 = arith.constant 1 : i32
    %dma_start3A_91 = arith.constant 1 : i32
    %dma_start3A_92 = arith.constant 48 : i32
    %dma_start3A_93 = arith.constant 0 : i32
    %dma_start3A_94 = tpu.memref_slice %arg13[%dma_start3A_92, %dma_start3A_93] : memref<192x128xf32, #tpu.memory_space<vmem>> -> memref<48x128xf32, #tpu.memory_space<vmem>>
    %dma_start3A_95 = arith.constant 0 : i32
    %dma_start3A_96 = tpu.memref_slice %arg8[%dma_start3A_90, %dma_start3A_95] : memref<4x48xi32, #tpu.memory_space<vmem>> -> memref<1x48xi32, #tpu.memory_space<vmem>>
    %dma_start3A_97 = tpu.memref_squeeze %dma_start3A_96 : memref<1x48xi32, #tpu.memory_space<vmem>> -> memref<48xi32, #tpu.memory_space<vmem>>
    %dma_start3A_98 = arith.constant 0 : i32
    %dma_start3A_99 = arith.constant 0 : i32
    %dma_start3A_100 = tpu.memref_slice %arg2[%dma_start3A_98, %dma_start3A_99] : memref<10000x128xf32, #tpu.memory_space<hbm>> -> memref<10000x128xf32, #tpu.memory_space<hbm>>
    %dma_start3A_101 = tpu.memref_slice %arg17[%dma_start3A_91] : memref<4x!tpu.dma_semaphore, #tpu.memory_space<semaphore_mem>> -> memref<1x!tpu.dma_semaphore, #tpu.memory_space<semaphore_mem>>
    %dma_start3A_102 = tpu.memref_squeeze %dma_start3A_101 : memref<1x!tpu.dma_semaphore, #tpu.memory_space<semaphore_mem>> -> memref<!tpu.dma_semaphore, #tpu.memory_space<semaphore_mem>>
    tpu.enqueue_indirect_dma source(%dma_start3A_100 : memref<10000x128xf32, #tpu.memory_space<hbm>>) target(%dma_start3A_94 : memref<48x128xf32, #tpu.memory_space<vmem>>) offsets(%dma_start3A_97 : memref<48xi32, #tpu.memory_space<vmem>>) semaphore(%dma_start3A_102 : memref<!tpu.dma_semaphore, #tpu.memory_space<semaphore_mem>>)
    %dma_start3A_103 = arith.constant 2 : i32
    %dma_start3A_104 = arith.constant 2 : i32
    %dma_start3A_105 = arith.constant 2 : i32
    %dma_start3A_106 = arith.constant 0 : i32
    %dma_start3A_107 = tpu.memref_slice %arg8[%dma_start3A_104, %dma_start3A_106] : memref<4x48xi32, #tpu.memory_space<vmem>> -> memref<1x48xi32, #tpu.memory_space<vmem>>
    %dma_start3A_108 = tpu.memref_squeeze %dma_start3A_107 : memref<1x48xi32, #tpu.memory_space<vmem>> -> memref<48xi32, #tpu.memory_space<vmem>>
    %dma_start3A_109 = arith.constant 0 : i32
    %dma_start3A_110 = tpu.memref_slice %arg4[%add3A, %dma_start3A_103, %dma_start3A_109] : memref<32x210x48xi32, #tpu.memory_space<hbm>> -> memref<1x1x48xi32, #tpu.memory_space<hbm>>
    %dma_start3A_111 = tpu.memref_squeeze %dma_start3A_110 : memref<1x1x48xi32, #tpu.memory_space<hbm>> -> memref<48xi32, #tpu.memory_space<hbm>>
    %dma_start3A_112 = tpu.memref_slice %arg19[%dma_start3A_105] : memref<4x!tpu.dma_semaphore, #tpu.memory_space<semaphore_mem>> -> memref<1x!tpu.dma_semaphore, #tpu.memory_space<semaphore_mem>>
    %dma_start3A_113 = tpu.memref_squeeze %dma_start3A_112 : memref<1x!tpu.dma_semaphore, #tpu.memory_space<semaphore_mem>> -> memref<!tpu.dma_semaphore, #tpu.memory_space<semaphore_mem>>
    %dma_start3A_114 = arith.constant 0 : i32
    %dma_start3A_115 = tpu.memref_slice %arg8[%dma_start3A_104, %dma_start3A_114] : memref<4x48xi32, #tpu.memory_space<vmem>> -> memref<1x48xi32, #tpu.memory_space<vmem>>
    %dma_start3A_116 = tpu.memref_squeeze %dma_start3A_115 : memref<1x48xi32, #tpu.memory_space<vmem>> -> memref<48xi32, #tpu.memory_space<vmem>>
    %dma_start3A_117 = arith.constant 0 : i32
    %dma_start3A_118 = tpu.memref_slice %arg4[%add3A, %dma_start3A_103, %dma_start3A_117] : memref<32x210x48xi32, #tpu.memory_space<hbm>> -> memref<1x1x48xi32, #tpu.memory_space<hbm>>
    %dma_start3A_119 = tpu.memref_squeeze %dma_start3A_118 : memref<1x1x48xi32, #tpu.memory_space<hbm>> -> memref<48xi32, #tpu.memory_space<hbm>>
    tpu.enqueue_dma source(%dma_start3A_119 : memref<48xi32, #tpu.memory_space<hbm>>) target(%dma_start3A_116 : memref<48xi32, #tpu.memory_space<vmem>>) target_semaphore(%dma_start3A_113 : memref<!tpu.dma_semaphore, #tpu.memory_space<semaphore_mem>>)
    %dma_start3A_120 = arith.constant 2 : i32
    %dma_start3A_121 = arith.constant 2 : i32
    %dma_start3A_122 = arith.constant 2 : i32
    %dma_start3A_123 = arith.constant 0 : i32
    %dma_start3A_124 = tpu.memref_slice %arg9[%dma_start3A_121, %dma_start3A_123] : memref<4x48xi32, #tpu.memory_space<vmem>> -> memref<1x48xi32, #tpu.memory_space<vmem>>
    %dma_start3A_125 = tpu.memref_squeeze %dma_start3A_124 : memref<1x48xi32, #tpu.memory_space<vmem>> -> memref<48xi32, #tpu.memory_space<vmem>>
    %dma_start3A_126 = arith.constant 0 : i32
    %dma_start3A_127 = tpu.memref_slice %arg5[%add3A, %dma_start3A_120, %dma_start3A_126] : memref<32x210x48xi32, #tpu.memory_space<hbm>> -> memref<1x1x48xi32, #tpu.memory_space<hbm>>
    %dma_start3A_128 = tpu.memref_squeeze %dma_start3A_127 : memref<1x1x48xi32, #tpu.memory_space<hbm>> -> memref<48xi32, #tpu.memory_space<hbm>>
    %dma_start3A_129 = tpu.memref_slice %arg19[%dma_start3A_122] : memref<4x!tpu.dma_semaphore, #tpu.memory_space<semaphore_mem>> -> memref<1x!tpu.dma_semaphore, #tpu.memory_space<semaphore_mem>>
    %dma_start3A_130 = tpu.memref_squeeze %dma_start3A_129 : memref<1x!tpu.dma_semaphore, #tpu.memory_space<semaphore_mem>> -> memref<!tpu.dma_semaphore, #tpu.memory_space<semaphore_mem>>
    %dma_start3A_131 = arith.constant 0 : i32
    %dma_start3A_132 = tpu.memref_slice %arg9[%dma_start3A_121, %dma_start3A_131] : memref<4x48xi32, #tpu.memory_space<vmem>> -> memref<1x48xi32, #tpu.memory_space<vmem>>
    %dma_start3A_133 = tpu.memref_squeeze %dma_start3A_132 : memref<1x48xi32, #tpu.memory_space<vmem>> -> memref<48xi32, #tpu.memory_space<vmem>>
    %dma_start3A_134 = arith.constant 0 : i32
    %dma_start3A_135 = tpu.memref_slice %arg5[%add3A, %dma_start3A_120, %dma_start3A_134] : memref<32x210x48xi32, #tpu.memory_space<hbm>> -> memref<1x1x48xi32, #tpu.memory_space<hbm>>
    %dma_start3A_136 = tpu.memref_squeeze %dma_start3A_135 : memref<1x1x48xi32, #tpu.memory_space<hbm>> -> memref<48xi32, #tpu.memory_space<hbm>>
    tpu.enqueue_dma source(%dma_start3A_136 : memref<48xi32, #tpu.memory_space<hbm>>) target(%dma_start3A_133 : memref<48xi32, #tpu.memory_space<vmem>>) target_semaphore(%dma_start3A_130 : memref<!tpu.dma_semaphore, #tpu.memory_space<semaphore_mem>>)
    %dma_wait3A = arith.constant 0 : i32
    %dma_wait3A_137 = arith.constant 0 : i32
    %dma_wait3A_138 = arith.constant 0 : i32
    %dma_wait3A_139 = arith.constant 0 : i32
    %dma_wait3A_140 = tpu.memref_slice %arg13[%dma_wait3A_138, %dma_wait3A_139] : memref<192x128xf32, #tpu.memory_space<vmem>> -> memref<48x128xf32, #tpu.memory_space<vmem>>
    %dma_wait3A_141 = arith.constant 0 : i32
    %dma_wait3A_142 = tpu.memref_slice %arg8[%dma_wait3A, %dma_wait3A_141] : memref<4x48xi32, #tpu.memory_space<vmem>> -> memref<1x48xi32, #tpu.memory_space<vmem>>
    %dma_wait3A_143 = tpu.memref_squeeze %dma_wait3A_142 : memref<1x48xi32, #tpu.memory_space<vmem>> -> memref<48xi32, #tpu.memory_space<vmem>>
    %dma_wait3A_144 = arith.constant 0 : i32
    %dma_wait3A_145 = arith.constant 0 : i32
    %dma_wait3A_146 = tpu.memref_slice %arg2[%dma_wait3A_144, %dma_wait3A_145] : memref<10000x128xf32, #tpu.memory_space<hbm>> -> memref<10000x128xf32, #tpu.memory_space<hbm>>
    %dma_wait3A_147 = tpu.memref_slice %arg17[%dma_wait3A_137] : memref<4x!tpu.dma_semaphore, #tpu.memory_space<semaphore_mem>> -> memref<1x!tpu.dma_semaphore, #tpu.memory_space<semaphore_mem>>
    %dma_wait3A_148 = tpu.memref_squeeze %dma_wait3A_147 : memref<1x!tpu.dma_semaphore, #tpu.memory_space<semaphore_mem>> -> memref<!tpu.dma_semaphore, #tpu.memory_space<semaphore_mem>>
    tpu.wait_indirect_dma semaphore(%dma_wait3A_148 : memref<!tpu.dma_semaphore, #tpu.memory_space<semaphore_mem>>) src(%dma_wait3A_146 : memref<10000x128xf32, #tpu.memory_space<hbm>>) dst(%dma_wait3A_140 : memref<48x128xf32, #tpu.memory_space<vmem>>)
    %get3A = arith.constant 0 : i32
    %get3A_149 = arith.index_cast %get3A : i32 to index
    %get3A_150 = arith.constant 0 : index
    %get3A_151 = tpu.vector_load %arg8[%get3A_149, %get3A_150] {strides = array<i32>} : memref<4x48xi32, #tpu.memory_space<vmem>>, vector<16xi32>,
    %get3A_152 = arith.constant 0 : i32
    %get3A_153 = arith.index_cast %get3A_152 : i32 to index
    %get3A_154 = arith.constant 0 : index
    %get3A_155 = tpu.vector_load %arg9[%get3A_153, %get3A_154] {strides = array<i32>} : memref<4x48xi32, #tpu.memory_space<vmem>>, vector<16xi32>,
    %gather3A = tpu.vector_load_idx %arg10[%get3A_151] : memref<10240xf32, #tpu.memory_space<vmem>>[vector<16xi32>], vector<16xf32>,
    %gather3A_156 = tpu.vector_load_idx %arg11[%get3A_155] : memref<10240xf32, #tpu.memory_space<vmem>>[vector<16xi32>], vector<16xf32>,
    %add3A_157 = arith.addf %gather3A, %gather3A_156 : vector<16xf32>
    %gt3A = arith.constant 0.000000e+00 : f32
    %gt3A_158 = vector.broadcast %gt3A : f32 to vector<16xf32>
    %gt3A_159 = arith.cmpf ogt, %add3A_157, %gt3A_158 : vector<16xf32>
    %mul3A_160 = arith.constant 2.000000e-01 : f32
    %mul3A_161 = vector.broadcast %mul3A_160 : f32 to vector<16xf32>
    %mul3A_162 = arith.mulf %mul3A_161, %add3A_157 : vector<16xf32>
    %select_n3A = arith.select %gt3A_159, %add3A_157, %mul3A_162 : vector<16xi1>, vector<16xf32>
    %exp3A = math.exp %select_n3A : vector<16xf32>
    %swap3A = arith.constant 0 : index
    %swap3A_163 = tpu.vector_load %arg12[%swap3A] {strides = array<i32>} : memref<96xf32, #tpu.memory_space<vmem>>, vector<16xf32>,
    tpu.vector_store %arg12[%swap3A], %exp3A {strides = array<i32>} : memref<96xf32, #tpu.memory_space<vmem>>, vector<16xf32>,
    %get3A_164 = arith.constant 0 : i32
    %get3A_165 = arith.index_cast %get3A_164 : i32 to index
    %get3A_166 = arith.constant 16 : index
    %get3A_167 = tpu.vector_load %arg8[%get3A_165, %get3A_166] {strides = array<i32>} : memref<4x48xi32, #tpu.memory_space<vmem>>, vector<16xi32>,
    %get3A_168 = arith.constant 0 : i32
    %get3A_169 = arith.index_cast %get3A_168 : i32 to index
    %get3A_170 = arith.constant 16 : index
    %get3A_171 = tpu.vector_load %arg9[%get3A_169, %get3A_170] {strides = array<i32>} : memref<4x48xi32, #tpu.memory_space<vmem>>, vector<16xi32>,
    %gather3A_172 = tpu.vector_load_idx %arg10[%get3A_167] : memref<10240xf32, #tpu.memory_space<vmem>>[vector<16xi32>], vector<16xf32>,
    %gather3A_173 = tpu.vector_load_idx %arg11[%get3A_171] : memref<10240xf32, #tpu.memory_space<vmem>>[vector<16xi32>], vector<16xf32>,
    %add3A_174 = arith.addf %gather3A_172, %gather3A_173 : vector<16xf32>
    %gt3A_175 = arith.constant 0.000000e+00 : f32
    %gt3A_176 = vector.broadcast %gt3A_175 : f32 to vector<16xf32>
    %gt3A_177 = arith.cmpf ogt, %add3A_174, %gt3A_176 : vector<16xf32>
    %mul3A_178 = arith.constant 2.000000e-01 : f32
    %mul3A_179 = vector.broadcast %mul3A_178 : f32 to vector<16xf32>
    %mul3A_180 = arith.mulf %mul3A_179, %add3A_174 : vector<16xf32>
    %select_n3A_181 = arith.select %gt3A_177, %add3A_174, %mul3A_180 : vector<16xi1>, vector<16xf32>
    %exp3A_182 = math.exp %select_n3A_181 : vector<16xf32>
    %swap3A_183 = arith.constant 16 : index
    %swap3A_184 = tpu.vector_load %arg12[%swap3A_183] {strides = array<i32>} : memref<96xf32, #tpu.memory_space<vmem>>, vector<16xf32>,
    tpu.vector_store %arg12[%swap3A_183], %exp3A_182 {strides = array<i32>} : memref<96xf32, #tpu.memory_space<vmem>>, vector<16xf32>,
    %get3A_185 = arith.constant 0 : i32
    %get3A_186 = arith.index_cast %get3A_185 : i32 to index
    %get3A_187 = arith.constant 32 : index
    %get3A_188 = tpu.vector_load %arg8[%get3A_186, %get3A_187] {strides = array<i32>} : memref<4x48xi32, #tpu.memory_space<vmem>>, vector<16xi32>,
    %get3A_189 = arith.constant 0 : i32
    %get3A_190 = arith.index_cast %get3A_189 : i32 to index
    %get3A_191 = arith.constant 32 : index
    %get3A_192 = tpu.vector_load %arg9[%get3A_190, %get3A_191] {strides = array<i32>} : memref<4x48xi32, #tpu.memory_space<vmem>>, vector<16xi32>,
    %gather3A_193 = tpu.vector_load_idx %arg10[%get3A_188] : memref<10240xf32, #tpu.memory_space<vmem>>[vector<16xi32>], vector<16xf32>,
    %gather3A_194 = tpu.vector_load_idx %arg11[%get3A_192] : memref<10240xf32, #tpu.memory_space<vmem>>[vector<16xi32>], vector<16xf32>,
    %add3A_195 = arith.addf %gather3A_193, %gather3A_194 : vector<16xf32>
    %gt3A_196 = arith.constant 0.000000e+00 : f32
    %gt3A_197 = vector.broadcast %gt3A_196 : f32 to vector<16xf32>
    %gt3A_198 = arith.cmpf ogt, %add3A_195, %gt3A_197 : vector<16xf32>
    %mul3A_199 = arith.constant 2.000000e-01 : f32
    %mul3A_200 = vector.broadcast %mul3A_199 : f32 to vector<16xf32>
    %mul3A_201 = arith.mulf %mul3A_200, %add3A_195 : vector<16xf32>
    %select_n3A_202 = arith.select %gt3A_198, %add3A_195, %mul3A_201 : vector<16xi1>, vector<16xf32>
    %exp3A_203 = math.exp %select_n3A_202 : vector<16xf32>
    %swap3A_204 = arith.constant 32 : index
    %swap3A_205 = tpu.vector_load %arg12[%swap3A_204] {strides = array<i32>} : memref<96xf32, #tpu.memory_space<vmem>>, vector<16xf32>,
    tpu.vector_store %arg12[%swap3A_204], %exp3A_203 {strides = array<i32>} : memref<96xf32, #tpu.memory_space<vmem>>, vector<16xf32>,
    %dma_start3A_206 = arith.constant 0 : i32
    %dma_start3A_207 = arith.constant 0 : i32
    %dma_start3A_208 = arith.constant 0 : i32
    %dma_start3A_209 = tpu.memref_slice %arg12[%dma_start3A_208] : memref<96xf32, #tpu.memory_space<vmem>> -> memref<48xf32, #tpu.memory_space<vmem>>
    %dma_start3A_210 = arith.constant 0 : i32
    %dma_start3A_211 = tpu.memref_slice %arg9[%dma_start3A_206, %dma_start3A_210] : memref<4x48xi32, #tpu.memory_space<vmem>> -> memref<1x48xi32, #tpu.memory_space<vmem>>
    %dma_start3A_212 = tpu.memref_squeeze %dma_start3A_211 : memref<1x48xi32, #tpu.memory_space<vmem>> -> memref<48xi32, #tpu.memory_space<vmem>>
    %dma_start3A_213 = arith.constant 0 : i32
    %dma_start3A_214 = tpu.memref_slice %arg16[%dma_start3A_213] : memref<10240xf32, #tpu.memory_space<vmem_shared>> -> memref<10240xf32, #tpu.memory_space<vmem_shared>>
    %dma_start3A_215 = tpu.memref_slice %arg20[%dma_start3A_207] : memref<2x!tpu.dma_semaphore, #tpu.memory_space<semaphore_mem>> -> memref<1x!tpu.dma_semaphore, #tpu.memory_space<semaphore_mem>>
    %dma_start3A_216 = tpu.memref_squeeze %dma_start3A_215 : memref<1x!tpu.dma_semaphore, #tpu.memory_space<semaphore_mem>> -> memref<!tpu.dma_semaphore, #tpu.memory_space<semaphore_mem>>
    tpu.enqueue_indirect_dma source(%dma_start3A_209 : memref<48xf32, #tpu.memory_space<vmem>>) target(%dma_start3A_214 : memref<10240xf32, #tpu.memory_space<vmem_shared>>) offsets(%dma_start3A_212 : memref<48xi32, #tpu.memory_space<vmem>>) semaphore(%dma_start3A_216 : memref<!tpu.dma_semaphore, #tpu.memory_space<semaphore_mem>>) {add = true}
    %scan3A_217 = arith.constant 0 : i32
    %scan3A_218 = arith.constant 48 : i32
    %scan3A_219 = arith.addi %scan3A_217, %scan3A_218 : i32
    %scan3A_220 = arith.constant 1 : i32
    scf.for %scan3A_1208 = %scan3A_217 to %scan3A_219 step %scan3A_220  : i32 {
      %mul3A_1209 = arith.constant 1 : i32
      %mul3A_1210 = arith.muli %scan3A_1208, %mul3A_1209 : i32
      %add3A_1211 = arith.constant 0 : i32
      %add3A_1212 = arith.addi %add3A_1211, %mul3A_1210 : i32
      %add3A_1213 = arith.constant 0 : i32
      %add3A_1214 = arith.addi %add3A_1213, %add3A_1212 : i32
      %broadcast_in_dim3A_1215 = vector.broadcast %add3A_1214 : i32 to vector<16xi32>
      %gather3A_1216 = tpu.vector_load_idx %arg12[%broadcast_in_dim3A_1215] : memref<96xf32, #tpu.memory_space<vmem>>[vector<16xi32>], vector<16xf32>,
      %add3A_1217 = arith.constant 0 : i32
      %add3A_1218 = arith.addi %add3A_1217, %add3A_1212 : i32
      %get3A_1219 = arith.index_cast %add3A_1218 : i32 to index
      %get3A_1220 = arith.constant 0 : index
      %get3A_1221 = tpu.vector_load %arg13[%get3A_1219, %get3A_1220] {strides = array<i32>} : memref<192x128xf32, #tpu.memory_space<vmem>>, vector<16xf32>,
      %mul3A_1222 = arith.mulf %get3A_1221, %gather3A_1216 : vector<16xf32>
      %swap3A_1223 = arith.index_cast %add3A_1218 : i32 to index
      %swap3A_1224 = arith.constant 0 : index
      %swap3A_1225 = tpu.vector_load %arg13[%swap3A_1223, %swap3A_1224] {strides = array<i32>} : memref<192x128xf32, #tpu.memory_space<vmem>>, vector<16xf32>,
      tpu.vector_store %arg13[%swap3A_1223, %swap3A_1224], %mul3A_1222 {strides = array<i32>} : memref<192x128xf32, #tpu.memory_space<vmem>>, vector<16xf32>,
      %get3A_1226 = arith.index_cast %add3A_1218 : i32 to index
      %get3A_1227 = arith.constant 16 : index
      %get3A_1228 = tpu.vector_load %arg13[%get3A_1226, %get3A_1227] {strides = array<i32>} : memref<192x128xf32, #tpu.memory_space<vmem>>, vector<16xf32>,
      %mul3A_1229 = arith.mulf %get3A_1228, %gather3A_1216 : vector<16xf32>
      %swap3A_1230 = arith.index_cast %add3A_1218 : i32 to index
      %swap3A_1231 = arith.constant 16 : index
      %swap3A_1232 = tpu.vector_load %arg13[%swap3A_1230, %swap3A_1231] {strides = array<i32>} : memref<192x128xf32, #tpu.memory_space<vmem>>, vector<16xf32>,
      tpu.vector_store %arg13[%swap3A_1230, %swap3A_1231], %mul3A_1229 {strides = array<i32>} : memref<192x128xf32, #tpu.memory_space<vmem>>, vector<16xf32>,
      %get3A_1233 = arith.index_cast %add3A_1218 : i32 to index
      %get3A_1234 = arith.constant 32 : index
      %get3A_1235 = tpu.vector_load %arg13[%get3A_1233, %get3A_1234] {strides = array<i32>} : memref<192x128xf32, #tpu.memory_space<vmem>>, vector<16xf32>,
      %mul3A_1236 = arith.mulf %get3A_1235, %gather3A_1216 : vector<16xf32>
      %swap3A_1237 = arith.index_cast %add3A_1218 : i32 to index
      %swap3A_1238 = arith.constant 32 : index
      %swap3A_1239 = tpu.vector_load %arg13[%swap3A_1237, %swap3A_1238] {strides = array<i32>} : memref<192x128xf32, #tpu.memory_space<vmem>>, vector<16xf32>,
      tpu.vector_store %arg13[%swap3A_1237, %swap3A_1238], %mul3A_1236 {strides = array<i32>} : memref<192x128xf32, #tpu.memory_space<vmem>>, vector<16xf32>,
      %get3A_1240 = arith.index_cast %add3A_1218 : i32 to index
      %get3A_1241 = arith.constant 48 : index
      %get3A_1242 = tpu.vector_load %arg13[%get3A_1240, %get3A_1241] {strides = array<i32>} : memref<192x128xf32, #tpu.memory_space<vmem>>, vector<16xf32>,
      %mul3A_1243 = arith.mulf %get3A_1242, %gather3A_1216 : vector<16xf32>
      %swap3A_1244 = arith.index_cast %add3A_1218 : i32 to index
      %swap3A_1245 = arith.constant 48 : index
      %swap3A_1246 = tpu.vector_load %arg13[%swap3A_1244, %swap3A_1245] {strides = array<i32>} : memref<192x128xf32, #tpu.memory_space<vmem>>, vector<16xf32>,
      tpu.vector_store %arg13[%swap3A_1244, %swap3A_1245], %mul3A_1243 {strides = array<i32>} : memref<192x128xf32, #tpu.memory_space<vmem>>, vector<16xf32>,
      %get3A_1247 = arith.index_cast %add3A_1218 : i32 to index
      %get3A_1248 = arith.constant 64 : index
      %get3A_1249 = tpu.vector_load %arg13[%get3A_1247, %get3A_1248] {strides = array<i32>} : memref<192x128xf32, #tpu.memory_space<vmem>>, vector<16xf32>,
      %mul3A_1250 = arith.mulf %get3A_1249, %gather3A_1216 : vector<16xf32>
      %swap3A_1251 = arith.index_cast %add3A_1218 : i32 to index
      %swap3A_1252 = arith.constant 64 : index
      %swap3A_1253 = tpu.vector_load %arg13[%swap3A_1251, %swap3A_1252] {strides = array<i32>} : memref<192x128xf32, #tpu.memory_space<vmem>>, vector<16xf32>,
      tpu.vector_store %arg13[%swap3A_1251, %swap3A_1252], %mul3A_1250 {strides = array<i32>} : memref<192x128xf32, #tpu.memory_space<vmem>>, vector<16xf32>,
      %get3A_1254 = arith.index_cast %add3A_1218 : i32 to index
      %get3A_1255 = arith.constant 80 : index
      %get3A_1256 = tpu.vector_load %arg13[%get3A_1254, %get3A_1255] {strides = array<i32>} : memref<192x128xf32, #tpu.memory_space<vmem>>, vector<16xf32>,
      %mul3A_1257 = arith.mulf %get3A_1256, %gather3A_1216 : vector<16xf32>
      %swap3A_1258 = arith.index_cast %add3A_1218 : i32 to index
      %swap3A_1259 = arith.constant 80 : index
      %swap3A_1260 = tpu.vector_load %arg13[%swap3A_1258, %swap3A_1259] {strides = array<i32>} : memref<192x128xf32, #tpu.memory_space<vmem>>, vector<16xf32>,
      tpu.vector_store %arg13[%swap3A_1258, %swap3A_1259], %mul3A_1257 {strides = array<i32>} : memref<192x128xf32, #tpu.memory_space<vmem>>, vector<16xf32>,
      %get3A_1261 = arith.index_cast %add3A_1218 : i32 to index
      %get3A_1262 = arith.constant 96 : index
      %get3A_1263 = tpu.vector_load %arg13[%get3A_1261, %get3A_1262] {strides = array<i32>} : memref<192x128xf32, #tpu.memory_space<vmem>>, vector<16xf32>,
      %mul3A_1264 = arith.mulf %get3A_1263, %gather3A_1216 : vector<16xf32>
      %swap3A_1265 = arith.index_cast %add3A_1218 : i32 to index
      %swap3A_1266 = arith.constant 96 : index
      %swap3A_1267 = tpu.vector_load %arg13[%swap3A_1265, %swap3A_1266] {strides = array<i32>} : memref<192x128xf32, #tpu.memory_space<vmem>>, vector<16xf32>,
      tpu.vector_store %arg13[%swap3A_1265, %swap3A_1266], %mul3A_1264 {strides = array<i32>} : memref<192x128xf32, #tpu.memory_space<vmem>>, vector<16xf32>,
      %get3A_1268 = arith.index_cast %add3A_1218 : i32 to index
      %get3A_1269 = arith.constant 112 : index
      %get3A_1270 = tpu.vector_load %arg13[%get3A_1268, %get3A_1269] {strides = array<i32>} : memref<192x128xf32, #tpu.memory_space<vmem>>, vector<16xf32>,
      %mul3A_1271 = arith.mulf %get3A_1270, %gather3A_1216 : vector<16xf32>
      %swap3A_1272 = arith.index_cast %add3A_1218 : i32 to index
      %swap3A_1273 = arith.constant 112 : index
      %swap3A_1274 = tpu.vector_load %arg13[%swap3A_1272, %swap3A_1273] {strides = array<i32>} : memref<192x128xf32, #tpu.memory_space<vmem>>, vector<16xf32>,
      tpu.vector_store %arg13[%swap3A_1272, %swap3A_1273], %mul3A_1271 {strides = array<i32>} : memref<192x128xf32, #tpu.memory_space<vmem>>, vector<16xf32>,
    }
    %scan3A_221 = arith.constant 48 : i32
    %dma_wait3A_222 = arith.constant 2 : i32
    %dma_wait3A_223 = arith.constant 2 : i32
    %dma_wait3A_224 = arith.constant 2 : i32
    %dma_wait3A_225 = arith.constant 0 : i32
    %dma_wait3A_226 = tpu.memref_slice %arg8[%dma_wait3A_223, %dma_wait3A_225] : memref<4x48xi32, #tpu.memory_space<vmem>> -> memref<1x48xi32, #tpu.memory_space<vmem>>
    %dma_wait3A_227 = tpu.memref_squeeze %dma_wait3A_226 : memref<1x48xi32, #tpu.memory_space<vmem>> -> memref<48xi32, #tpu.memory_space<vmem>>
    %dma_wait3A_228 = arith.constant 0 : i32
    %dma_wait3A_229 = tpu.memref_slice %arg4[%add3A, %dma_wait3A_222, %dma_wait3A_228] : memref<32x210x48xi32, #tpu.memory_space<hbm>> -> memref<1x1x48xi32, #tpu.memory_space<hbm>>
    %dma_wait3A_230 = tpu.memref_squeeze %dma_wait3A_229 : memref<1x1x48xi32, #tpu.memory_space<hbm>> -> memref<48xi32, #tpu.memory_space<hbm>>
    %dma_wait3A_231 = tpu.memref_slice %arg19[%dma_wait3A_224] : memref<4x!tpu.dma_semaphore, #tpu.memory_space<semaphore_mem>> -> memref<1x!tpu.dma_semaphore, #tpu.memory_space<semaphore_mem>>
    %dma_wait3A_232 = tpu.memref_squeeze %dma_wait3A_231 : memref<1x!tpu.dma_semaphore, #tpu.memory_space<semaphore_mem>> -> memref<!tpu.dma_semaphore, #tpu.memory_space<semaphore_mem>>
    %dma_wait3A_233 = arith.constant 0 : i32
    %dma_wait3A_234 = tpu.memref_slice %arg8[%dma_wait3A_223, %dma_wait3A_233] : memref<4x48xi32, #tpu.memory_space<vmem>> -> memref<1x48xi32, #tpu.memory_space<vmem>>
    %dma_wait3A_235 = tpu.memref_squeeze %dma_wait3A_234 : memref<1x48xi32, #tpu.memory_space<vmem>> -> memref<48xi32, #tpu.memory_space<vmem>>
    %dma_wait3A_236 = arith.constant 0 : i32
    %dma_wait3A_237 = tpu.memref_slice %arg4[%add3A, %dma_wait3A_222, %dma_wait3A_236] : memref<32x210x48xi32, #tpu.memory_space<hbm>> -> memref<1x1x48xi32, #tpu.memory_space<hbm>>
    %dma_wait3A_238 = tpu.memref_squeeze %dma_wait3A_237 : memref<1x1x48xi32, #tpu.memory_space<hbm>> -> memref<48xi32, #tpu.memory_space<hbm>>
    tpu.wait_dma2 semaphore(%dma_wait3A_232 : memref<!tpu.dma_semaphore, #tpu.memory_space<semaphore_mem>>) src(%dma_wait3A_238 : memref<48xi32, #tpu.memory_space<hbm>>) dst(%dma_wait3A_235 : memref<48xi32, #tpu.memory_space<vmem>>)
    %dma_wait3A_239 = arith.constant 2 : i32
    %dma_wait3A_240 = arith.constant 2 : i32
    %dma_wait3A_241 = arith.constant 2 : i32
    %dma_wait3A_242 = arith.constant 0 : i32
    %dma_wait3A_243 = tpu.memref_slice %arg9[%dma_wait3A_240, %dma_wait3A_242] : memref<4x48xi32, #tpu.memory_space<vmem>> -> memref<1x48xi32, #tpu.memory_space<vmem>>
    %dma_wait3A_244 = tpu.memref_squeeze %dma_wait3A_243 : memref<1x48xi32, #tpu.memory_space<vmem>> -> memref<48xi32, #tpu.memory_space<vmem>>
    %dma_wait3A_245 = arith.constant 0 : i32
    %dma_wait3A_246 = tpu.memref_slice %arg5[%add3A, %dma_wait3A_239, %dma_wait3A_245] : memref<32x210x48xi32, #tpu.memory_space<hbm>> -> memref<1x1x48xi32, #tpu.memory_space<hbm>>
    %dma_wait3A_247 = tpu.memref_squeeze %dma_wait3A_246 : memref<1x1x48xi32, #tpu.memory_space<hbm>> -> memref<48xi32, #tpu.memory_space<hbm>>
    %dma_wait3A_248 = tpu.memref_slice %arg19[%dma_wait3A_241] : memref<4x!tpu.dma_semaphore, #tpu.memory_space<semaphore_mem>> -> memref<1x!tpu.dma_semaphore, #tpu.memory_space<semaphore_mem>>
    %dma_wait3A_249 = tpu.memref_squeeze %dma_wait3A_248 : memref<1x!tpu.dma_semaphore, #tpu.memory_space<semaphore_mem>> -> memref<!tpu.dma_semaphore, #tpu.memory_space<semaphore_mem>>
    %dma_wait3A_250 = arith.constant 0 : i32
    %dma_wait3A_251 = tpu.memref_slice %arg9[%dma_wait3A_240, %dma_wait3A_250] : memref<4x48xi32, #tpu.memory_space<vmem>> -> memref<1x48xi32, #tpu.memory_space<vmem>>
    %dma_wait3A_252 = tpu.memref_squeeze %dma_wait3A_251 : memref<1x48xi32, #tpu.memory_space<vmem>> -> memref<48xi32, #tpu.memory_space<vmem>>
    %dma_wait3A_253 = arith.constant 0 : i32
    %dma_wait3A_254 = tpu.memref_slice %arg5[%add3A, %dma_wait3A_239, %dma_wait3A_253] : memref<32x210x48xi32, #tpu.memory_space<hbm>> -> memref<1x1x48xi32, #tpu.memory_space<hbm>>
    %dma_wait3A_255 = tpu.memref_squeeze %dma_wait3A_254 : memref<1x1x48xi32, #tpu.memory_space<hbm>> -> memref<48xi32, #tpu.memory_space<hbm>>
    tpu.wait_dma2 semaphore(%dma_wait3A_249 : memref<!tpu.dma_semaphore, #tpu.memory_space<semaphore_mem>>) src(%dma_wait3A_255 : memref<48xi32, #tpu.memory_space<hbm>>) dst(%dma_wait3A_252 : memref<48xi32, #tpu.memory_space<vmem>>)
    %dma_start3A_256 = arith.constant 2 : i32
    %dma_start3A_257 = arith.constant 2 : i32
    %dma_start3A_258 = arith.constant 96 : i32
    %dma_start3A_259 = arith.constant 0 : i32
    %dma_start3A_260 = tpu.memref_slice %arg13[%dma_start3A_258, %dma_start3A_259] : memref<192x128xf32, #tpu.memory_space<vmem>> -> memref<48x128xf32, #tpu.memory_space<vmem>>
    %dma_start3A_261 = arith.constant 0 : i32
    %dma_start3A_262 = tpu.memref_slice %arg8[%dma_start3A_256, %dma_start3A_261] : memref<4x48xi32, #tpu.memory_space<vmem>> -> memref<1x48xi32, #tpu.memory_space<vmem>>
    %dma_start3A_263 = tpu.memref_squeeze %dma_start3A_262 : memref<1x48xi32, #tpu.memory_space<vmem>> -> memref<48xi32, #tpu.memory_space<vmem>>
    %dma_start3A_264 = arith.constant 0 : i32
    %dma_start3A_265 = arith.constant 0 : i32
    %dma_start3A_266 = tpu.memref_slice %arg2[%dma_start3A_264, %dma_start3A_265] : memref<10000x128xf32, #tpu.memory_space<hbm>> -> memref<10000x128xf32, #tpu.memory_space<hbm>>
    %dma_start3A_267 = tpu.memref_slice %arg17[%dma_start3A_257] : memref<4x!tpu.dma_semaphore, #tpu.memory_space<semaphore_mem>> -> memref<1x!tpu.dma_semaphore, #tpu.memory_space<semaphore_mem>>
    %dma_start3A_268 = tpu.memref_squeeze %dma_start3A_267 : memref<1x!tpu.dma_semaphore, #tpu.memory_space<semaphore_mem>> -> memref<!tpu.dma_semaphore, #tpu.memory_space<semaphore_mem>>
    tpu.enqueue_indirect_dma source(%dma_start3A_266 : memref<10000x128xf32, #tpu.memory_space<hbm>>) target(%dma_start3A_260 : memref<48x128xf32, #tpu.memory_space<vmem>>) offsets(%dma_start3A_263 : memref<48xi32, #tpu.memory_space<vmem>>) semaphore(%dma_start3A_268 : memref<!tpu.dma_semaphore, #tpu.memory_space<semaphore_mem>>)
    %dma_start3A_269 = arith.constant 0 : i32
    %dma_start3A_270 = arith.constant 0 : i32
    %dma_start3A_271 = arith.constant 0 : i32
    %dma_start3A_272 = arith.constant 0 : i32
    %dma_start3A_273 = tpu.memref_slice %arg13[%dma_start3A_271, %dma_start3A_272] : memref<192x128xf32, #tpu.memory_space<vmem>> -> memref<48x128xf32, #tpu.memory_space<vmem>>
    %dma_start3A_274 = arith.constant 0 : i32
    %dma_start3A_275 = tpu.memref_slice %arg9[%dma_start3A_269, %dma_start3A_274] : memref<4x48xi32, #tpu.memory_space<vmem>> -> memref<1x48xi32, #tpu.memory_space<vmem>>
    %dma_start3A_276 = tpu.memref_squeeze %dma_start3A_275 : memref<1x48xi32, #tpu.memory_space<vmem>> -> memref<48xi32, #tpu.memory_space<vmem>>
    %dma_start3A_277 = arith.constant 0 : i32
    %dma_start3A_278 = arith.constant 0 : i32
    %dma_start3A_279 = tpu.memref_slice %arg15[%dma_start3A_277, %dma_start3A_278] : memref<10240x128xf32, #tpu.memory_space<vmem_shared>> -> memref<10240x128xf32, #tpu.memory_space<vmem_shared>>
    %dma_start3A_280 = tpu.memref_slice %arg18[%dma_start3A_270] : memref<4x!tpu.dma_semaphore, #tpu.memory_space<semaphore_mem>> -> memref<1x!tpu.dma_semaphore, #tpu.memory_space<semaphore_mem>>
    %dma_start3A_281 = tpu.memref_squeeze %dma_start3A_280 : memref<1x!tpu.dma_semaphore, #tpu.memory_space<semaphore_mem>> -> memref<!tpu.dma_semaphore, #tpu.memory_space<semaphore_mem>>
    tpu.enqueue_indirect_dma source(%dma_start3A_273 : memref<48x128xf32, #tpu.memory_space<vmem>>) target(%dma_start3A_279 : memref<10240x128xf32, #tpu.memory_space<vmem_shared>>) offsets(%dma_start3A_276 : memref<48xi32, #tpu.memory_space<vmem>>) semaphore(%dma_start3A_281 : memref<!tpu.dma_semaphore, #tpu.memory_space<semaphore_mem>>) {add = true}
    %dma_start3A_282 = arith.constant 3 : i32
    %dma_start3A_283 = arith.constant 3 : i32
    %dma_start3A_284 = arith.constant 3 : i32
    %dma_start3A_285 = arith.constant 0 : i32
    %dma_start3A_286 = tpu.memref_slice %arg8[%dma_start3A_283, %dma_start3A_285] : memref<4x48xi32, #tpu.memory_space<vmem>> -> memref<1x48xi32, #tpu.memory_space<vmem>>
    %dma_start3A_287 = tpu.memref_squeeze %dma_start3A_286 : memref<1x48xi32, #tpu.memory_space<vmem>> -> memref<48xi32, #tpu.memory_space<vmem>>
    %dma_start3A_288 = arith.constant 0 : i32
    %dma_start3A_289 = tpu.memref_slice %arg4[%add3A, %dma_start3A_282, %dma_start3A_288] : memref<32x210x48xi32, #tpu.memory_space<hbm>> -> memref<1x1x48xi32, #tpu.memory_space<hbm>>
    %dma_start3A_290 = tpu.memref_squeeze %dma_start3A_289 : memref<1x1x48xi32, #tpu.memory_space<hbm>> -> memref<48xi32, #tpu.memory_space<hbm>>
    %dma_start3A_291 = tpu.memref_slice %arg19[%dma_start3A_284] : memref<4x!tpu.dma_semaphore, #tpu.memory_space<semaphore_mem>> -> memref<1x!tpu.dma_semaphore, #tpu.memory_space<semaphore_mem>>
    %dma_start3A_292 = tpu.memref_squeeze %dma_start3A_291 : memref<1x!tpu.dma_semaphore, #tpu.memory_space<semaphore_mem>> -> memref<!tpu.dma_semaphore, #tpu.memory_space<semaphore_mem>>
    %dma_start3A_293 = arith.constant 0 : i32
    %dma_start3A_294 = tpu.memref_slice %arg8[%dma_start3A_283, %dma_start3A_293] : memref<4x48xi32, #tpu.memory_space<vmem>> -> memref<1x48xi32, #tpu.memory_space<vmem>>
    %dma_start3A_295 = tpu.memref_squeeze %dma_start3A_294 : memref<1x48xi32, #tpu.memory_space<vmem>> -> memref<48xi32, #tpu.memory_space<vmem>>
    %dma_start3A_296 = arith.constant 0 : i32
    %dma_start3A_297 = tpu.memref_slice %arg4[%add3A, %dma_start3A_282, %dma_start3A_296] : memref<32x210x48xi32, #tpu.memory_space<hbm>> -> memref<1x1x48xi32, #tpu.memory_space<hbm>>
    %dma_start3A_298 = tpu.memref_squeeze %dma_start3A_297 : memref<1x1x48xi32, #tpu.memory_space<hbm>> -> memref<48xi32, #tpu.memory_space<hbm>>
    tpu.enqueue_dma source(%dma_start3A_298 : memref<48xi32, #tpu.memory_space<hbm>>) target(%dma_start3A_295 : memref<48xi32, #tpu.memory_space<vmem>>) target_semaphore(%dma_start3A_292 : memref<!tpu.dma_semaphore, #tpu.memory_space<semaphore_mem>>)
    %dma_start3A_299 = arith.constant 3 : i32
    %dma_start3A_300 = arith.constant 3 : i32
    %dma_start3A_301 = arith.constant 3 : i32
    %dma_start3A_302 = arith.constant 0 : i32
    %dma_start3A_303 = tpu.memref_slice %arg9[%dma_start3A_300, %dma_start3A_302] : memref<4x48xi32, #tpu.memory_space<vmem>> -> memref<1x48xi32, #tpu.memory_space<vmem>>
    %dma_start3A_304 = tpu.memref_squeeze %dma_start3A_303 : memref<1x48xi32, #tpu.memory_space<vmem>> -> memref<48xi32, #tpu.memory_space<vmem>>
    %dma_start3A_305 = arith.constant 0 : i32
    %dma_start3A_306 = tpu.memref_slice %arg5[%add3A, %dma_start3A_299, %dma_start3A_305] : memref<32x210x48xi32, #tpu.memory_space<hbm>> -> memref<1x1x48xi32, #tpu.memory_space<hbm>>
    %dma_start3A_307 = tpu.memref_squeeze %dma_start3A_306 : memref<1x1x48xi32, #tpu.memory_space<hbm>> -> memref<48xi32, #tpu.memory_space<hbm>>
    %dma_start3A_308 = tpu.memref_slice %arg19[%dma_start3A_301] : memref<4x!tpu.dma_semaphore, #tpu.memory_space<semaphore_mem>> -> memref<1x!tpu.dma_semaphore, #tpu.memory_space<semaphore_mem>>
    %dma_start3A_309 = tpu.memref_squeeze %dma_start3A_308 : memref<1x!tpu.dma_semaphore, #tpu.memory_space<semaphore_mem>> -> memref<!tpu.dma_semaphore, #tpu.memory_space<semaphore_mem>>
    %dma_start3A_310 = arith.constant 0 : i32
    %dma_start3A_311 = tpu.memref_slice %arg9[%dma_start3A_300, %dma_start3A_310] : memref<4x48xi32, #tpu.memory_space<vmem>> -> memref<1x48xi32, #tpu.memory_space<vmem>>
    %dma_start3A_312 = tpu.memref_squeeze %dma_start3A_311 : memref<1x48xi32, #tpu.memory_space<vmem>> -> memref<48xi32, #tpu.memory_space<vmem>>
    %dma_start3A_313 = arith.constant 0 : i32
    %dma_start3A_314 = tpu.memref_slice %arg5[%add3A, %dma_start3A_299, %dma_start3A_313] : memref<32x210x48xi32, #tpu.memory_space<hbm>> -> memref<1x1x48xi32, #tpu.memory_space<hbm>>
    %dma_start3A_315 = tpu.memref_squeeze %dma_start3A_314 : memref<1x1x48xi32, #tpu.memory_space<hbm>> -> memref<48xi32, #tpu.memory_space<hbm>>
    tpu.enqueue_dma source(%dma_start3A_315 : memref<48xi32, #tpu.memory_space<hbm>>) target(%dma_start3A_312 : memref<48xi32, #tpu.memory_space<vmem>>) target_semaphore(%dma_start3A_309 : memref<!tpu.dma_semaphore, #tpu.memory_space<semaphore_mem>>)
    %dma_wait3A_316 = arith.constant 1 : i32
    %dma_wait3A_317 = arith.constant 1 : i32
    %dma_wait3A_318 = arith.constant 48 : i32
    %dma_wait3A_319 = arith.constant 0 : i32
    %dma_wait3A_320 = tpu.memref_slice %arg13[%dma_wait3A_318, %dma_wait3A_319] : memref<192x128xf32, #tpu.memory_space<vmem>> -> memref<48x128xf32, #tpu.memory_space<vmem>>
    %dma_wait3A_321 = arith.constant 0 : i32
    %dma_wait3A_322 = tpu.memref_slice %arg8[%dma_wait3A_316, %dma_wait3A_321] : memref<4x48xi32, #tpu.memory_space<vmem>> -> memref<1x48xi32, #tpu.memory_space<vmem>>
    %dma_wait3A_323 = tpu.memref_squeeze %dma_wait3A_322 : memref<1x48xi32, #tpu.memory_space<vmem>> -> memref<48xi32, #tpu.memory_space<vmem>>
    %dma_wait3A_324 = arith.constant 0 : i32
    %dma_wait3A_325 = arith.constant 0 : i32
    %dma_wait3A_326 = tpu.memref_slice %arg2[%dma_wait3A_324, %dma_wait3A_325] : memref<10000x128xf32, #tpu.memory_space<hbm>> -> memref<10000x128xf32, #tpu.memory_space<hbm>>
    %dma_wait3A_327 = tpu.memref_slice %arg17[%dma_wait3A_317] : memref<4x!tpu.dma_semaphore, #tpu.memory_space<semaphore_mem>> -> memref<1x!tpu.dma_semaphore, #tpu.memory_space<semaphore_mem>>
    %dma_wait3A_328 = tpu.memref_squeeze %dma_wait3A_327 : memref<1x!tpu.dma_semaphore, #tpu.memory_space<semaphore_mem>> -> memref<!tpu.dma_semaphore, #tpu.memory_space<semaphore_mem>>
    tpu.wait_indirect_dma semaphore(%dma_wait3A_328 : memref<!tpu.dma_semaphore, #tpu.memory_space<semaphore_mem>>) src(%dma_wait3A_326 : memref<10000x128xf32, #tpu.memory_space<hbm>>) dst(%dma_wait3A_320 : memref<48x128xf32, #tpu.memory_space<vmem>>)
    %get3A_329 = arith.constant 1 : i32
    %get3A_330 = arith.index_cast %get3A_329 : i32 to index
    %get3A_331 = arith.constant 0 : index
    %get3A_332 = tpu.vector_load %arg8[%get3A_330, %get3A_331] {strides = array<i32>} : memref<4x48xi32, #tpu.memory_space<vmem>>, vector<16xi32>,
    %get3A_333 = arith.constant 1 : i32
    %get3A_334 = arith.index_cast %get3A_333 : i32 to index
    %get3A_335 = arith.constant 0 : index
    %get3A_336 = tpu.vector_load %arg9[%get3A_334, %get3A_335] {strides = array<i32>} : memref<4x48xi32, #tpu.memory_space<vmem>>, vector<16xi32>,
    %gather3A_337 = tpu.vector_load_idx %arg10[%get3A_332] : memref<10240xf32, #tpu.memory_space<vmem>>[vector<16xi32>], vector<16xf32>,
    %gather3A_338 = tpu.vector_load_idx %arg11[%get3A_336] : memref<10240xf32, #tpu.memory_space<vmem>>[vector<16xi32>], vector<16xf32>,
    %add3A_339 = arith.addf %gather3A_337, %gather3A_338 : vector<16xf32>
    %gt3A_340 = arith.constant 0.000000e+00 : f32
    %gt3A_341 = vector.broadcast %gt3A_340 : f32 to vector<16xf32>
    %gt3A_342 = arith.cmpf ogt, %add3A_339, %gt3A_341 : vector<16xf32>
    %mul3A_343 = arith.constant 2.000000e-01 : f32
    %mul3A_344 = vector.broadcast %mul3A_343 : f32 to vector<16xf32>
    %mul3A_345 = arith.mulf %mul3A_344, %add3A_339 : vector<16xf32>
    %select_n3A_346 = arith.select %gt3A_342, %add3A_339, %mul3A_345 : vector<16xi1>, vector<16xf32>
    %exp3A_347 = math.exp %select_n3A_346 : vector<16xf32>
    %swap3A_348 = arith.constant 48 : index
    %swap3A_349 = tpu.vector_load %arg12[%swap3A_348] {strides = array<i32>} : memref<96xf32, #tpu.memory_space<vmem>>, vector<16xf32>,
    tpu.vector_store %arg12[%swap3A_348], %exp3A_347 {strides = array<i32>} : memref<96xf32, #tpu.memory_space<vmem>>, vector<16xf32>,
    %get3A_350 = arith.constant 1 : i32
    %get3A_351 = arith.index_cast %get3A_350 : i32 to index
    %get3A_352 = arith.constant 16 : index
    %get3A_353 = tpu.vector_load %arg8[%get3A_351, %get3A_352] {strides = array<i32>} : memref<4x48xi32, #tpu.memory_space<vmem>>, vector<16xi32>,
    %get3A_354 = arith.constant 1 : i32
    %get3A_355 = arith.index_cast %get3A_354 : i32 to index
    %get3A_356 = arith.constant 16 : index
    %get3A_357 = tpu.vector_load %arg9[%get3A_355, %get3A_356] {strides = array<i32>} : memref<4x48xi32, #tpu.memory_space<vmem>>, vector<16xi32>,
    %gather3A_358 = tpu.vector_load_idx %arg10[%get3A_353] : memref<10240xf32, #tpu.memory_space<vmem>>[vector<16xi32>], vector<16xf32>,
    %gather3A_359 = tpu.vector_load_idx %arg11[%get3A_357] : memref<10240xf32, #tpu.memory_space<vmem>>[vector<16xi32>], vector<16xf32>,
    %add3A_360 = arith.addf %gather3A_358, %gather3A_359 : vector<16xf32>
    %gt3A_361 = arith.constant 0.000000e+00 : f32
    %gt3A_362 = vector.broadcast %gt3A_361 : f32 to vector<16xf32>
    %gt3A_363 = arith.cmpf ogt, %add3A_360, %gt3A_362 : vector<16xf32>
    %mul3A_364 = arith.constant 2.000000e-01 : f32
    %mul3A_365 = vector.broadcast %mul3A_364 : f32 to vector<16xf32>
    %mul3A_366 = arith.mulf %mul3A_365, %add3A_360 : vector<16xf32>
    %select_n3A_367 = arith.select %gt3A_363, %add3A_360, %mul3A_366 : vector<16xi1>, vector<16xf32>
    %exp3A_368 = math.exp %select_n3A_367 : vector<16xf32>
    %swap3A_369 = arith.constant 64 : index
    %swap3A_370 = tpu.vector_load %arg12[%swap3A_369] {strides = array<i32>} : memref<96xf32, #tpu.memory_space<vmem>>, vector<16xf32>,
    tpu.vector_store %arg12[%swap3A_369], %exp3A_368 {strides = array<i32>} : memref<96xf32, #tpu.memory_space<vmem>>, vector<16xf32>,
    %get3A_371 = arith.constant 1 : i32
    %get3A_372 = arith.index_cast %get3A_371 : i32 to index
    %get3A_373 = arith.constant 32 : index
    %get3A_374 = tpu.vector_load %arg8[%get3A_372, %get3A_373] {strides = array<i32>} : memref<4x48xi32, #tpu.memory_space<vmem>>, vector<16xi32>,
    %get3A_375 = arith.constant 1 : i32
    %get3A_376 = arith.index_cast %get3A_375 : i32 to index
    %get3A_377 = arith.constant 32 : index
    %get3A_378 = tpu.vector_load %arg9[%get3A_376, %get3A_377] {strides = array<i32>} : memref<4x48xi32, #tpu.memory_space<vmem>>, vector<16xi32>,
    %gather3A_379 = tpu.vector_load_idx %arg10[%get3A_374] : memref<10240xf32, #tpu.memory_space<vmem>>[vector<16xi32>], vector<16xf32>,
    %gather3A_380 = tpu.vector_load_idx %arg11[%get3A_378] : memref<10240xf32, #tpu.memory_space<vmem>>[vector<16xi32>], vector<16xf32>,
    %add3A_381 = arith.addf %gather3A_379, %gather3A_380 : vector<16xf32>
    %gt3A_382 = arith.constant 0.000000e+00 : f32
    %gt3A_383 = vector.broadcast %gt3A_382 : f32 to vector<16xf32>
    %gt3A_384 = arith.cmpf ogt, %add3A_381, %gt3A_383 : vector<16xf32>
    %mul3A_385 = arith.constant 2.000000e-01 : f32
    %mul3A_386 = vector.broadcast %mul3A_385 : f32 to vector<16xf32>
    %mul3A_387 = arith.mulf %mul3A_386, %add3A_381 : vector<16xf32>
    %select_n3A_388 = arith.select %gt3A_384, %add3A_381, %mul3A_387 : vector<16xi1>, vector<16xf32>
    %exp3A_389 = math.exp %select_n3A_388 : vector<16xf32>
    %swap3A_390 = arith.constant 80 : index
    %swap3A_391 = tpu.vector_load %arg12[%swap3A_390] {strides = array<i32>} : memref<96xf32, #tpu.memory_space<vmem>>, vector<16xf32>,
    tpu.vector_store %arg12[%swap3A_390], %exp3A_389 {strides = array<i32>} : memref<96xf32, #tpu.memory_space<vmem>>, vector<16xf32>,
    %dma_start3A_392 = arith.constant 1 : i32
    %dma_start3A_393 = arith.constant 1 : i32
    %dma_start3A_394 = arith.constant 48 : i32
    %dma_start3A_395 = tpu.memref_slice %arg12[%dma_start3A_394] : memref<96xf32, #tpu.memory_space<vmem>> -> memref<48xf32, #tpu.memory_space<vmem>>
    %dma_start3A_396 = arith.constant 0 : i32
    %dma_start3A_397 = tpu.memref_slice %arg9[%dma_start3A_392, %dma_start3A_396] : memref<4x48xi32, #tpu.memory_space<vmem>> -> memref<1x48xi32, #tpu.memory_space<vmem>>
    %dma_start3A_398 = tpu.memref_squeeze %dma_start3A_397 : memref<1x48xi32, #tpu.memory_space<vmem>> -> memref<48xi32, #tpu.memory_space<vmem>>
    %dma_start3A_399 = arith.constant 0 : i32
    %dma_start3A_400 = tpu.memref_slice %arg16[%dma_start3A_399] : memref<10240xf32, #tpu.memory_space<vmem_shared>> -> memref<10240xf32, #tpu.memory_space<vmem_shared>>
    %dma_start3A_401 = tpu.memref_slice %arg20[%dma_start3A_393] : memref<2x!tpu.dma_semaphore, #tpu.memory_space<semaphore_mem>> -> memref<1x!tpu.dma_semaphore, #tpu.memory_space<semaphore_mem>>
    %dma_start3A_402 = tpu.memref_squeeze %dma_start3A_401 : memref<1x!tpu.dma_semaphore, #tpu.memory_space<semaphore_mem>> -> memref<!tpu.dma_semaphore, #tpu.memory_space<semaphore_mem>>
    tpu.enqueue_indirect_dma source(%dma_start3A_395 : memref<48xf32, #tpu.memory_space<vmem>>) target(%dma_start3A_400 : memref<10240xf32, #tpu.memory_space<vmem_shared>>) offsets(%dma_start3A_398 : memref<48xi32, #tpu.memory_space<vmem>>) semaphore(%dma_start3A_402 : memref<!tpu.dma_semaphore, #tpu.memory_space<semaphore_mem>>) {add = true}
    %scan3A_403 = arith.constant 0 : i32
    %scan3A_404 = arith.constant 48 : i32
    %scan3A_405 = arith.addi %scan3A_403, %scan3A_404 : i32
    %scan3A_406 = arith.constant 1 : i32
    scf.for %scan3A_1208 = %scan3A_403 to %scan3A_405 step %scan3A_406  : i32 {
      %mul3A_1209 = arith.constant 1 : i32
      %mul3A_1210 = arith.muli %scan3A_1208, %mul3A_1209 : i32
      %add3A_1211 = arith.constant 0 : i32
      %add3A_1212 = arith.addi %add3A_1211, %mul3A_1210 : i32
      %add3A_1213 = arith.constant 48 : i32
      %add3A_1214 = arith.addi %add3A_1213, %add3A_1212 : i32
      %broadcast_in_dim3A_1215 = vector.broadcast %add3A_1214 : i32 to vector<16xi32>
      %gather3A_1216 = tpu.vector_load_idx %arg12[%broadcast_in_dim3A_1215] : memref<96xf32, #tpu.memory_space<vmem>>[vector<16xi32>], vector<16xf32>,
      %add3A_1217 = arith.constant 48 : i32
      %add3A_1218 = arith.addi %add3A_1217, %add3A_1212 : i32
      %get3A_1219 = arith.index_cast %add3A_1218 : i32 to index
      %get3A_1220 = arith.constant 0 : index
      %get3A_1221 = tpu.vector_load %arg13[%get3A_1219, %get3A_1220] {strides = array<i32>} : memref<192x128xf32, #tpu.memory_space<vmem>>, vector<16xf32>,
      %mul3A_1222 = arith.mulf %get3A_1221, %gather3A_1216 : vector<16xf32>
      %swap3A_1223 = arith.index_cast %add3A_1218 : i32 to index
      %swap3A_1224 = arith.constant 0 : index
      %swap3A_1225 = tpu.vector_load %arg13[%swap3A_1223, %swap3A_1224] {strides = array<i32>} : memref<192x128xf32, #tpu.memory_space<vmem>>, vector<16xf32>,
      tpu.vector_store %arg13[%swap3A_1223, %swap3A_1224], %mul3A_1222 {strides = array<i32>} : memref<192x128xf32, #tpu.memory_space<vmem>>, vector<16xf32>,
      %get3A_1226 = arith.index_cast %add3A_1218 : i32 to index
      %get3A_1227 = arith.constant 16 : index
      %get3A_1228 = tpu.vector_load %arg13[%get3A_1226, %get3A_1227] {strides = array<i32>} : memref<192x128xf32, #tpu.memory_space<vmem>>, vector<16xf32>,
      %mul3A_1229 = arith.mulf %get3A_1228, %gather3A_1216 : vector<16xf32>
      %swap3A_1230 = arith.index_cast %add3A_1218 : i32 to index
      %swap3A_1231 = arith.constant 16 : index
      %swap3A_1232 = tpu.vector_load %arg13[%swap3A_1230, %swap3A_1231] {strides = array<i32>} : memref<192x128xf32, #tpu.memory_space<vmem>>, vector<16xf32>,
      tpu.vector_store %arg13[%swap3A_1230, %swap3A_1231], %mul3A_1229 {strides = array<i32>} : memref<192x128xf32, #tpu.memory_space<vmem>>, vector<16xf32>,
      %get3A_1233 = arith.index_cast %add3A_1218 : i32 to index
      %get3A_1234 = arith.constant 32 : index
      %get3A_1235 = tpu.vector_load %arg13[%get3A_1233, %get3A_1234] {strides = array<i32>} : memref<192x128xf32, #tpu.memory_space<vmem>>, vector<16xf32>,
      %mul3A_1236 = arith.mulf %get3A_1235, %gather3A_1216 : vector<16xf32>
      %swap3A_1237 = arith.index_cast %add3A_1218 : i32 to index
      %swap3A_1238 = arith.constant 32 : index
      %swap3A_1239 = tpu.vector_load %arg13[%swap3A_1237, %swap3A_1238] {strides = array<i32>} : memref<192x128xf32, #tpu.memory_space<vmem>>, vector<16xf32>,
      tpu.vector_store %arg13[%swap3A_1237, %swap3A_1238], %mul3A_1236 {strides = array<i32>} : memref<192x128xf32, #tpu.memory_space<vmem>>, vector<16xf32>,
      %get3A_1240 = arith.index_cast %add3A_1218 : i32 to index
      %get3A_1241 = arith.constant 48 : index
      %get3A_1242 = tpu.vector_load %arg13[%get3A_1240, %get3A_1241] {strides = array<i32>} : memref<192x128xf32, #tpu.memory_space<vmem>>, vector<16xf32>,
      %mul3A_1243 = arith.mulf %get3A_1242, %gather3A_1216 : vector<16xf32>
      %swap3A_1244 = arith.index_cast %add3A_1218 : i32 to index
      %swap3A_1245 = arith.constant 48 : index
      %swap3A_1246 = tpu.vector_load %arg13[%swap3A_1244, %swap3A_1245] {strides = array<i32>} : memref<192x128xf32, #tpu.memory_space<vmem>>, vector<16xf32>,
      tpu.vector_store %arg13[%swap3A_1244, %swap3A_1245], %mul3A_1243 {strides = array<i32>} : memref<192x128xf32, #tpu.memory_space<vmem>>, vector<16xf32>,
      %get3A_1247 = arith.index_cast %add3A_1218 : i32 to index
      %get3A_1248 = arith.constant 64 : index
      %get3A_1249 = tpu.vector_load %arg13[%get3A_1247, %get3A_1248] {strides = array<i32>} : memref<192x128xf32, #tpu.memory_space<vmem>>, vector<16xf32>,
      %mul3A_1250 = arith.mulf %get3A_1249, %gather3A_1216 : vector<16xf32>
      %swap3A_1251 = arith.index_cast %add3A_1218 : i32 to index
      %swap3A_1252 = arith.constant 64 : index
      %swap3A_1253 = tpu.vector_load %arg13[%swap3A_1251, %swap3A_1252] {strides = array<i32>} : memref<192x128xf32, #tpu.memory_space<vmem>>, vector<16xf32>,
      tpu.vector_store %arg13[%swap3A_1251, %swap3A_1252], %mul3A_1250 {strides = array<i32>} : memref<192x128xf32, #tpu.memory_space<vmem>>, vector<16xf32>,
      %get3A_1254 = arith.index_cast %add3A_1218 : i32 to index
      %get3A_1255 = arith.constant 80 : index
      %get3A_1256 = tpu.vector_load %arg13[%get3A_1254, %get3A_1255] {strides = array<i32>} : memref<192x128xf32, #tpu.memory_space<vmem>>, vector<16xf32>,
      %mul3A_1257 = arith.mulf %get3A_1256, %gather3A_1216 : vector<16xf32>
      %swap3A_1258 = arith.index_cast %add3A_1218 : i32 to index
      %swap3A_1259 = arith.constant 80 : index
      %swap3A_1260 = tpu.vector_load %arg13[%swap3A_1258, %swap3A_1259] {strides = array<i32>} : memref<192x128xf32, #tpu.memory_space<vmem>>, vector<16xf32>,
      tpu.vector_store %arg13[%swap3A_1258, %swap3A_1259], %mul3A_1257 {strides = array<i32>} : memref<192x128xf32, #tpu.memory_space<vmem>>, vector<16xf32>,
      %get3A_1261 = arith.index_cast %add3A_1218 : i32 to index
      %get3A_1262 = arith.constant 96 : index
      %get3A_1263 = tpu.vector_load %arg13[%get3A_1261, %get3A_1262] {strides = array<i32>} : memref<192x128xf32, #tpu.memory_space<vmem>>, vector<16xf32>,
      %mul3A_1264 = arith.mulf %get3A_1263, %gather3A_1216 : vector<16xf32>
      %swap3A_1265 = arith.index_cast %add3A_1218 : i32 to index
      %swap3A_1266 = arith.constant 96 : index
      %swap3A_1267 = tpu.vector_load %arg13[%swap3A_1265, %swap3A_1266] {strides = array<i32>} : memref<192x128xf32, #tpu.memory_space<vmem>>, vector<16xf32>,
      tpu.vector_store %arg13[%swap3A_1265, %swap3A_1266], %mul3A_1264 {strides = array<i32>} : memref<192x128xf32, #tpu.memory_space<vmem>>, vector<16xf32>,
      %get3A_1268 = arith.index_cast %add3A_1218 : i32 to index
      %get3A_1269 = arith.constant 112 : index
      %get3A_1270 = tpu.vector_load %arg13[%get3A_1268, %get3A_1269] {strides = array<i32>} : memref<192x128xf32, #tpu.memory_space<vmem>>, vector<16xf32>,
      %mul3A_1271 = arith.mulf %get3A_1270, %gather3A_1216 : vector<16xf32>
      %swap3A_1272 = arith.index_cast %add3A_1218 : i32 to index
      %swap3A_1273 = arith.constant 112 : index
      %swap3A_1274 = tpu.vector_load %arg13[%swap3A_1272, %swap3A_1273] {strides = array<i32>} : memref<192x128xf32, #tpu.memory_space<vmem>>, vector<16xf32>,
      tpu.vector_store %arg13[%swap3A_1272, %swap3A_1273], %mul3A_1271 {strides = array<i32>} : memref<192x128xf32, #tpu.memory_space<vmem>>, vector<16xf32>,
    }
    %scan3A_407 = arith.constant 48 : i32
    %dma_wait3A_408 = arith.constant 3 : i32
    %dma_wait3A_409 = arith.constant 3 : i32
    %dma_wait3A_410 = arith.constant 3 : i32
    %dma_wait3A_411 = arith.constant 0 : i32
    %dma_wait3A_412 = tpu.memref_slice %arg8[%dma_wait3A_409, %dma_wait3A_411] : memref<4x48xi32, #tpu.memory_space<vmem>> -> memref<1x48xi32, #tpu.memory_space<vmem>>
    %dma_wait3A_413 = tpu.memref_squeeze %dma_wait3A_412 : memref<1x48xi32, #tpu.memory_space<vmem>> -> memref<48xi32, #tpu.memory_space<vmem>>
    %dma_wait3A_414 = arith.constant 0 : i32
    %dma_wait3A_415 = tpu.memref_slice %arg4[%add3A, %dma_wait3A_408, %dma_wait3A_414] : memref<32x210x48xi32, #tpu.memory_space<hbm>> -> memref<1x1x48xi32, #tpu.memory_space<hbm>>
    %dma_wait3A_416 = tpu.memref_squeeze %dma_wait3A_415 : memref<1x1x48xi32, #tpu.memory_space<hbm>> -> memref<48xi32, #tpu.memory_space<hbm>>
    %dma_wait3A_417 = tpu.memref_slice %arg19[%dma_wait3A_410] : memref<4x!tpu.dma_semaphore, #tpu.memory_space<semaphore_mem>> -> memref<1x!tpu.dma_semaphore, #tpu.memory_space<semaphore_mem>>
    %dma_wait3A_418 = tpu.memref_squeeze %dma_wait3A_417 : memref<1x!tpu.dma_semaphore, #tpu.memory_space<semaphore_mem>> -> memref<!tpu.dma_semaphore, #tpu.memory_space<semaphore_mem>>
    %dma_wait3A_419 = arith.constant 0 : i32
    %dma_wait3A_420 = tpu.memref_slice %arg8[%dma_wait3A_409, %dma_wait3A_419] : memref<4x48xi32, #tpu.memory_space<vmem>> -> memref<1x48xi32, #tpu.memory_space<vmem>>
    %dma_wait3A_421 = tpu.memref_squeeze %dma_wait3A_420 : memref<1x48xi32, #tpu.memory_space<vmem>> -> memref<48xi32, #tpu.memory_space<vmem>>
    %dma_wait3A_422 = arith.constant 0 : i32
    %dma_wait3A_423 = tpu.memref_slice %arg4[%add3A, %dma_wait3A_408, %dma_wait3A_422] : memref<32x210x48xi32, #tpu.memory_space<hbm>> -> memref<1x1x48xi32, #tpu.memory_space<hbm>>
    %dma_wait3A_424 = tpu.memref_squeeze %dma_wait3A_423 : memref<1x1x48xi32, #tpu.memory_space<hbm>> -> memref<48xi32, #tpu.memory_space<hbm>>
    tpu.wait_dma2 semaphore(%dma_wait3A_418 : memref<!tpu.dma_semaphore, #tpu.memory_space<semaphore_mem>>) src(%dma_wait3A_424 : memref<48xi32, #tpu.memory_space<hbm>>) dst(%dma_wait3A_421 : memref<48xi32, #tpu.memory_space<vmem>>)
    %dma_wait3A_425 = arith.constant 3 : i32
    %dma_wait3A_426 = arith.constant 3 : i32
    %dma_wait3A_427 = arith.constant 3 : i32
    %dma_wait3A_428 = arith.constant 0 : i32
    %dma_wait3A_429 = tpu.memref_slice %arg9[%dma_wait3A_426, %dma_wait3A_428] : memref<4x48xi32, #tpu.memory_space<vmem>> -> memref<1x48xi32, #tpu.memory_space<vmem>>
    %dma_wait3A_430 = tpu.memref_squeeze %dma_wait3A_429 : memref<1x48xi32, #tpu.memory_space<vmem>> -> memref<48xi32, #tpu.memory_space<vmem>>
    %dma_wait3A_431 = arith.constant 0 : i32
    %dma_wait3A_432 = tpu.memref_slice %arg5[%add3A, %dma_wait3A_425, %dma_wait3A_431] : memref<32x210x48xi32, #tpu.memory_space<hbm>> -> memref<1x1x48xi32, #tpu.memory_space<hbm>>
    %dma_wait3A_433 = tpu.memref_squeeze %dma_wait3A_432 : memref<1x1x48xi32, #tpu.memory_space<hbm>> -> memref<48xi32, #tpu.memory_space<hbm>>
    %dma_wait3A_434 = tpu.memref_slice %arg19[%dma_wait3A_427] : memref<4x!tpu.dma_semaphore, #tpu.memory_space<semaphore_mem>> -> memref<1x!tpu.dma_semaphore, #tpu.memory_space<semaphore_mem>>
    %dma_wait3A_435 = tpu.memref_squeeze %dma_wait3A_434 : memref<1x!tpu.dma_semaphore, #tpu.memory_space<semaphore_mem>> -> memref<!tpu.dma_semaphore, #tpu.memory_space<semaphore_mem>>
    %dma_wait3A_436 = arith.constant 0 : i32
    %dma_wait3A_437 = tpu.memref_slice %arg9[%dma_wait3A_426, %dma_wait3A_436] : memref<4x48xi32, #tpu.memory_space<vmem>> -> memref<1x48xi32, #tpu.memory_space<vmem>>
    %dma_wait3A_438 = tpu.memref_squeeze %dma_wait3A_437 : memref<1x48xi32, #tpu.memory_space<vmem>> -> memref<48xi32, #tpu.memory_space<vmem>>
    %dma_wait3A_439 = arith.constant 0 : i32
    %dma_wait3A_440 = tpu.memref_slice %arg5[%add3A, %dma_wait3A_425, %dma_wait3A_439] : memref<32x210x48xi32, #tpu.memory_space<hbm>> -> memref<1x1x48xi32, #tpu.memory_space<hbm>>
    %dma_wait3A_441 = tpu.memref_squeeze %dma_wait3A_440 : memref<1x1x48xi32, #tpu.memory_space<hbm>> -> memref<48xi32, #tpu.memory_space<hbm>>
    tpu.wait_dma2 semaphore(%dma_wait3A_435 : memref<!tpu.dma_semaphore, #tpu.memory_space<semaphore_mem>>) src(%dma_wait3A_441 : memref<48xi32, #tpu.memory_space<hbm>>) dst(%dma_wait3A_438 : memref<48xi32, #tpu.memory_space<vmem>>)
    %dma_start3A_442 = arith.constant 3 : i32
    %dma_start3A_443 = arith.constant 3 : i32
    %dma_start3A_444 = arith.constant 144 : i32
    %dma_start3A_445 = arith.constant 0 : i32
    %dma_start3A_446 = tpu.memref_slice %arg13[%dma_start3A_444, %dma_start3A_445] : memref<192x128xf32, #tpu.memory_space<vmem>> -> memref<48x128xf32, #tpu.memory_space<vmem>>
    %dma_start3A_447 = arith.constant 0 : i32
    %dma_start3A_448 = tpu.memref_slice %arg8[%dma_start3A_442, %dma_start3A_447] : memref<4x48xi32, #tpu.memory_space<vmem>> -> memref<1x48xi32, #tpu.memory_space<vmem>>
    %dma_start3A_449 = tpu.memref_squeeze %dma_start3A_448 : memref<1x48xi32, #tpu.memory_space<vmem>> -> memref<48xi32, #tpu.memory_space<vmem>>
    %dma_start3A_450 = arith.constant 0 : i32
    %dma_start3A_451 = arith.constant 0 : i32
    %dma_start3A_452 = tpu.memref_slice %arg2[%dma_start3A_450, %dma_start3A_451] : memref<10000x128xf32, #tpu.memory_space<hbm>> -> memref<10000x128xf32, #tpu.memory_space<hbm>>
    %dma_start3A_453 = tpu.memref_slice %arg17[%dma_start3A_443] : memref<4x!tpu.dma_semaphore, #tpu.memory_space<semaphore_mem>> -> memref<1x!tpu.dma_semaphore, #tpu.memory_space<semaphore_mem>>
    %dma_start3A_454 = tpu.memref_squeeze %dma_start3A_453 : memref<1x!tpu.dma_semaphore, #tpu.memory_space<semaphore_mem>> -> memref<!tpu.dma_semaphore, #tpu.memory_space<semaphore_mem>>
    tpu.enqueue_indirect_dma source(%dma_start3A_452 : memref<10000x128xf32, #tpu.memory_space<hbm>>) target(%dma_start3A_446 : memref<48x128xf32, #tpu.memory_space<vmem>>) offsets(%dma_start3A_449 : memref<48xi32, #tpu.memory_space<vmem>>) semaphore(%dma_start3A_454 : memref<!tpu.dma_semaphore, #tpu.memory_space<semaphore_mem>>)
    %dma_start3A_455 = arith.constant 1 : i32
    %dma_start3A_456 = arith.constant 1 : i32
    %dma_start3A_457 = arith.constant 48 : i32
    %dma_start3A_458 = arith.constant 0 : i32
    %dma_start3A_459 = tpu.memref_slice %arg13[%dma_start3A_457, %dma_start3A_458] : memref<192x128xf32, #tpu.memory_space<vmem>> -> memref<48x128xf32, #tpu.memory_space<vmem>>
    %dma_start3A_460 = arith.constant 0 : i32
    %dma_start3A_461 = tpu.memref_slice %arg9[%dma_start3A_455, %dma_start3A_460] : memref<4x48xi32, #tpu.memory_space<vmem>> -> memref<1x48xi32, #tpu.memory_space<vmem>>
    %dma_start3A_462 = tpu.memref_squeeze %dma_start3A_461 : memref<1x48xi32, #tpu.memory_space<vmem>> -> memref<48xi32, #tpu.memory_space<vmem>>
    %dma_start3A_463 = arith.constant 0 : i32
    %dma_start3A_464 = arith.constant 0 : i32
    %dma_start3A_465 = tpu.memref_slice %arg15[%dma_start3A_463, %dma_start3A_464] : memref<10240x128xf32, #tpu.memory_space<vmem_shared>> -> memref<10240x128xf32, #tpu.memory_space<vmem_shared>>
    %dma_start3A_466 = tpu.memref_slice %arg18[%dma_start3A_456] : memref<4x!tpu.dma_semaphore, #tpu.memory_space<semaphore_mem>> -> memref<1x!tpu.dma_semaphore, #tpu.memory_space<semaphore_mem>>
    %dma_start3A_467 = tpu.memref_squeeze %dma_start3A_466 : memref<1x!tpu.dma_semaphore, #tpu.memory_space<semaphore_mem>> -> memref<!tpu.dma_semaphore, #tpu.memory_space<semaphore_mem>>
    tpu.enqueue_indirect_dma source(%dma_start3A_459 : memref<48x128xf32, #tpu.memory_space<vmem>>) target(%dma_start3A_465 : memref<10240x128xf32, #tpu.memory_space<vmem_shared>>) offsets(%dma_start3A_462 : memref<48xi32, #tpu.memory_space<vmem>>) semaphore(%dma_start3A_467 : memref<!tpu.dma_semaphore, #tpu.memory_space<semaphore_mem>>) {add = true}
    %dma_wait3A_468 = arith.constant 0 : i32
    %dma_wait3A_469 = arith.constant 0 : i32
    %dma_wait3A_470 = arith.constant 0 : i32
    %dma_wait3A_471 = arith.constant 0 : i32
    %dma_wait3A_472 = tpu.memref_slice %arg13[%dma_wait3A_470, %dma_wait3A_471] : memref<192x128xf32, #tpu.memory_space<vmem>> -> memref<48x128xf32, #tpu.memory_space<vmem>>
    %dma_wait3A_473 = arith.constant 0 : i32
    %dma_wait3A_474 = tpu.memref_slice %arg9[%dma_wait3A_468, %dma_wait3A_473] : memref<4x48xi32, #tpu.memory_space<vmem>> -> memref<1x48xi32, #tpu.memory_space<vmem>>
    %dma_wait3A_475 = tpu.memref_squeeze %dma_wait3A_474 : memref<1x48xi32, #tpu.memory_space<vmem>> -> memref<48xi32, #tpu.memory_space<vmem>>
    %dma_wait3A_476 = arith.constant 0 : i32
    %dma_wait3A_477 = arith.constant 0 : i32
    %dma_wait3A_478 = tpu.memref_slice %arg15[%dma_wait3A_476, %dma_wait3A_477] : memref<10240x128xf32, #tpu.memory_space<vmem_shared>> -> memref<10240x128xf32, #tpu.memory_space<vmem_shared>>
    %dma_wait3A_479 = tpu.memref_slice %arg18[%dma_wait3A_469] : memref<4x!tpu.dma_semaphore, #tpu.memory_space<semaphore_mem>> -> memref<1x!tpu.dma_semaphore, #tpu.memory_space<semaphore_mem>>
    %dma_wait3A_480 = tpu.memref_squeeze %dma_wait3A_479 : memref<1x!tpu.dma_semaphore, #tpu.memory_space<semaphore_mem>> -> memref<!tpu.dma_semaphore, #tpu.memory_space<semaphore_mem>>
    tpu.wait_indirect_dma semaphore(%dma_wait3A_480 : memref<!tpu.dma_semaphore, #tpu.memory_space<semaphore_mem>>) src(%dma_wait3A_472 : memref<48x128xf32, #tpu.memory_space<vmem>>) dst(%dma_wait3A_478 : memref<10240x128xf32, #tpu.memory_space<vmem_shared>>)
    %dma_wait3A_481 = arith.constant 0 : i32
    %dma_wait3A_482 = arith.constant 0 : i32
    %dma_wait3A_483 = arith.constant 0 : i32
    %dma_wait3A_484 = tpu.memref_slice %arg12[%dma_wait3A_483] : memref<96xf32, #tpu.memory_space<vmem>> -> memref<48xf32, #tpu.memory_space<vmem>>
    %dma_wait3A_485 = arith.constant 0 : i32
    %dma_wait3A_486 = tpu.memref_slice %arg9[%dma_wait3A_481, %dma_wait3A_485] : memref<4x48xi32, #tpu.memory_space<vmem>> -> memref<1x48xi32, #tpu.memory_space<vmem>>
    %dma_wait3A_487 = tpu.memref_squeeze %dma_wait3A_486 : memref<1x48xi32, #tpu.memory_space<vmem>> -> memref<48xi32, #tpu.memory_space<vmem>>
    %dma_wait3A_488 = arith.constant 0 : i32
    %dma_wait3A_489 = tpu.memref_slice %arg16[%dma_wait3A_488] : memref<10240xf32, #tpu.memory_space<vmem_shared>> -> memref<10240xf32, #tpu.memory_space<vmem_shared>>
    %dma_wait3A_490 = tpu.memref_slice %arg20[%dma_wait3A_482] : memref<2x!tpu.dma_semaphore, #tpu.memory_space<semaphore_mem>> -> memref<1x!tpu.dma_semaphore, #tpu.memory_space<semaphore_mem>>
    %dma_wait3A_491 = tpu.memref_squeeze %dma_wait3A_490 : memref<1x!tpu.dma_semaphore, #tpu.memory_space<semaphore_mem>> -> memref<!tpu.dma_semaphore, #tpu.memory_space<semaphore_mem>>
    tpu.wait_indirect_dma semaphore(%dma_wait3A_491 : memref<!tpu.dma_semaphore, #tpu.memory_space<semaphore_mem>>) src(%dma_wait3A_484 : memref<48xf32, #tpu.memory_space<vmem>>) dst(%dma_wait3A_489 : memref<10240xf32, #tpu.memory_space<vmem_shared>>)
    %dma_start3A_492 = arith.constant 4 : i32
    %dma_start3A_493 = arith.constant 0 : i32
    %dma_start3A_494 = arith.constant 0 : i32
    %dma_start3A_495 = arith.constant 0 : i32
    %dma_start3A_496 = tpu.memref_slice %arg8[%dma_start3A_493, %dma_start3A_495] : memref<4x48xi32, #tpu.memory_space<vmem>> -> memref<1x48xi32, #tpu.memory_space<vmem>>
    %dma_start3A_497 = tpu.memref_squeeze %dma_start3A_496 : memref<1x48xi32, #tpu.memory_space<vmem>> -> memref<48xi32, #tpu.memory_space<vmem>>
    %dma_start3A_498 = arith.constant 0 : i32
    %dma_start3A_499 = tpu.memref_slice %arg4[%add3A, %dma_start3A_492, %dma_start3A_498] : memref<32x210x48xi32, #tpu.memory_space<hbm>> -> memref<1x1x48xi32, #tpu.memory_space<hbm>>
    %dma_start3A_500 = tpu.memref_squeeze %dma_start3A_499 : memref<1x1x48xi32, #tpu.memory_space<hbm>> -> memref<48xi32, #tpu.memory_space<hbm>>
    %dma_start3A_501 = tpu.memref_slice %arg19[%dma_start3A_494] : memref<4x!tpu.dma_semaphore, #tpu.memory_space<semaphore_mem>> -> memref<1x!tpu.dma_semaphore, #tpu.memory_space<semaphore_mem>>
    %dma_start3A_502 = tpu.memref_squeeze %dma_start3A_501 : memref<1x!tpu.dma_semaphore, #tpu.memory_space<semaphore_mem>> -> memref<!tpu.dma_semaphore, #tpu.memory_space<semaphore_mem>>
    %dma_start3A_503 = arith.constant 0 : i32
    %dma_start3A_504 = tpu.memref_slice %arg8[%dma_start3A_493, %dma_start3A_503] : memref<4x48xi32, #tpu.memory_space<vmem>> -> memref<1x48xi32, #tpu.memory_space<vmem>>
    %dma_start3A_505 = tpu.memref_squeeze %dma_start3A_504 : memref<1x48xi32, #tpu.memory_space<vmem>> -> memref<48xi32, #tpu.memory_space<vmem>>
    %dma_start3A_506 = arith.constant 0 : i32
    %dma_start3A_507 = tpu.memref_slice %arg4[%add3A, %dma_start3A_492, %dma_start3A_506] : memref<32x210x48xi32, #tpu.memory_space<hbm>> -> memref<1x1x48xi32, #tpu.memory_space<hbm>>
    %dma_start3A_508 = tpu.memref_squeeze %dma_start3A_507 : memref<1x1x48xi32, #tpu.memory_space<hbm>> -> memref<48xi32, #tpu.memory_space<hbm>>
    tpu.enqueue_dma source(%dma_start3A_508 : memref<48xi32, #tpu.memory_space<hbm>>) target(%dma_start3A_505 : memref<48xi32, #tpu.memory_space<vmem>>) target_semaphore(%dma_start3A_502 : memref<!tpu.dma_semaphore, #tpu.memory_space<semaphore_mem>>)
    %dma_start3A_509 = arith.constant 4 : i32
    %dma_start3A_510 = arith.constant 0 : i32
    %dma_start3A_511 = arith.constant 0 : i32
    %dma_start3A_512 = arith.constant 0 : i32
    %dma_start3A_513 = tpu.memref_slice %arg9[%dma_start3A_510, %dma_start3A_512] : memref<4x48xi32, #tpu.memory_space<vmem>> -> memref<1x48xi32, #tpu.memory_space<vmem>>
    %dma_start3A_514 = tpu.memref_squeeze %dma_start3A_513 : memref<1x48xi32, #tpu.memory_space<vmem>> -> memref<48xi32, #tpu.memory_space<vmem>>
    %dma_start3A_515 = arith.constant 0 : i32
    %dma_start3A_516 = tpu.memref_slice %arg5[%add3A, %dma_start3A_509, %dma_start3A_515] : memref<32x210x48xi32, #tpu.memory_space<hbm>> -> memref<1x1x48xi32, #tpu.memory_space<hbm>>
    %dma_start3A_517 = tpu.memref_squeeze %dma_start3A_516 : memref<1x1x48xi32, #tpu.memory_space<hbm>> -> memref<48xi32, #tpu.memory_space<hbm>>
    %dma_start3A_518 = tpu.memref_slice %arg19[%dma_start3A_511] : memref<4x!tpu.dma_semaphore, #tpu.memory_space<semaphore_mem>> -> memref<1x!tpu.dma_semaphore, #tpu.memory_space<semaphore_mem>>
    %dma_start3A_519 = tpu.memref_squeeze %dma_start3A_518 : memref<1x!tpu.dma_semaphore, #tpu.memory_space<semaphore_mem>> -> memref<!tpu.dma_semaphore, #tpu.memory_space<semaphore_mem>>
    %dma_start3A_520 = arith.constant 0 : i32
    %dma_start3A_521 = tpu.memref_slice %arg9[%dma_start3A_510, %dma_start3A_520] : memref<4x48xi32, #tpu.memory_space<vmem>> -> memref<1x48xi32, #tpu.memory_space<vmem>>
    %dma_start3A_522 = tpu.memref_squeeze %dma_start3A_521 : memref<1x48xi32, #tpu.memory_space<vmem>> -> memref<48xi32, #tpu.memory_space<vmem>>
    %dma_start3A_523 = arith.constant 0 : i32
    %dma_start3A_524 = tpu.memref_slice %arg5[%add3A, %dma_start3A_509, %dma_start3A_523] : memref<32x210x48xi32, #tpu.memory_space<hbm>> -> memref<1x1x48xi32, #tpu.memory_space<hbm>>
    %dma_start3A_525 = tpu.memref_squeeze %dma_start3A_524 : memref<1x1x48xi32, #tpu.memory_space<hbm>> -> memref<48xi32, #tpu.memory_space<hbm>>
    tpu.enqueue_dma source(%dma_start3A_525 : memref<48xi32, #tpu.memory_space<hbm>>) target(%dma_start3A_522 : memref<48xi32, #tpu.memory_space<vmem>>) target_semaphore(%dma_start3A_519 : memref<!tpu.dma_semaphore, #tpu.memory_space<semaphore_mem>>)
    %dma_wait3A_526 = arith.constant 2 : i32
    %dma_wait3A_527 = arith.constant 2 : i32
    %dma_wait3A_528 = arith.constant 96 : i32
    %dma_wait3A_529 = arith.constant 0 : i32
    %dma_wait3A_530 = tpu.memref_slice %arg13[%dma_wait3A_528, %dma_wait3A_529] : memref<192x128xf32, #tpu.memory_space<vmem>> -> memref<48x128xf32, #tpu.memory_space<vmem>>
    %dma_wait3A_531 = arith.constant 0 : i32
    %dma_wait3A_532 = tpu.memref_slice %arg8[%dma_wait3A_526, %dma_wait3A_531] : memref<4x48xi32, #tpu.memory_space<vmem>> -> memref<1x48xi32, #tpu.memory_space<vmem>>
    %dma_wait3A_533 = tpu.memref_squeeze %dma_wait3A_532 : memref<1x48xi32, #tpu.memory_space<vmem>> -> memref<48xi32, #tpu.memory_space<vmem>>
    %dma_wait3A_534 = arith.constant 0 : i32
    %dma_wait3A_535 = arith.constant 0 : i32
    %dma_wait3A_536 = tpu.memref_slice %arg2[%dma_wait3A_534, %dma_wait3A_535] : memref<10000x128xf32, #tpu.memory_space<hbm>> -> memref<10000x128xf32, #tpu.memory_space<hbm>>
    %dma_wait3A_537 = tpu.memref_slice %arg17[%dma_wait3A_527] : memref<4x!tpu.dma_semaphore, #tpu.memory_space<semaphore_mem>> -> memref<1x!tpu.dma_semaphore, #tpu.memory_space<semaphore_mem>>
    %dma_wait3A_538 = tpu.memref_squeeze %dma_wait3A_537 : memref<1x!tpu.dma_semaphore, #tpu.memory_space<semaphore_mem>> -> memref<!tpu.dma_semaphore, #tpu.memory_space<semaphore_mem>>
    tpu.wait_indirect_dma semaphore(%dma_wait3A_538 : memref<!tpu.dma_semaphore, #tpu.memory_space<semaphore_mem>>) src(%dma_wait3A_536 : memref<10000x128xf32, #tpu.memory_space<hbm>>) dst(%dma_wait3A_530 : memref<48x128xf32, #tpu.memory_space<vmem>>)
    %get3A_539 = arith.constant 2 : i32
    %get3A_540 = arith.index_cast %get3A_539 : i32 to index
    %get3A_541 = arith.constant 0 : index
    %get3A_542 = tpu.vector_load %arg8[%get3A_540, %get3A_541] {strides = array<i32>} : memref<4x48xi32, #tpu.memory_space<vmem>>, vector<16xi32>,
    %get3A_543 = arith.constant 2 : i32
    %get3A_544 = arith.index_cast %get3A_543 : i32 to index
    %get3A_545 = arith.constant 0 : index
    %get3A_546 = tpu.vector_load %arg9[%get3A_544, %get3A_545] {strides = array<i32>} : memref<4x48xi32, #tpu.memory_space<vmem>>, vector<16xi32>,
    %gather3A_547 = tpu.vector_load_idx %arg10[%get3A_542] : memref<10240xf32, #tpu.memory_space<vmem>>[vector<16xi32>], vector<16xf32>,
    %gather3A_548 = tpu.vector_load_idx %arg11[%get3A_546] : memref<10240xf32, #tpu.memory_space<vmem>>[vector<16xi32>], vector<16xf32>,
    %add3A_549 = arith.addf %gather3A_547, %gather3A_548 : vector<16xf32>
    %gt3A_550 = arith.constant 0.000000e+00 : f32
    %gt3A_551 = vector.broadcast %gt3A_550 : f32 to vector<16xf32>
    %gt3A_552 = arith.cmpf ogt, %add3A_549, %gt3A_551 : vector<16xf32>
    %mul3A_553 = arith.constant 2.000000e-01 : f32
    %mul3A_554 = vector.broadcast %mul3A_553 : f32 to vector<16xf32>
    %mul3A_555 = arith.mulf %mul3A_554, %add3A_549 : vector<16xf32>
    %select_n3A_556 = arith.select %gt3A_552, %add3A_549, %mul3A_555 : vector<16xi1>, vector<16xf32>
    %exp3A_557 = math.exp %select_n3A_556 : vector<16xf32>
    %swap3A_558 = arith.constant 0 : index
    %swap3A_559 = tpu.vector_load %arg12[%swap3A_558] {strides = array<i32>} : memref<96xf32, #tpu.memory_space<vmem>>, vector<16xf32>,
    tpu.vector_store %arg12[%swap3A_558], %exp3A_557 {strides = array<i32>} : memref<96xf32, #tpu.memory_space<vmem>>, vector<16xf32>,
    %get3A_560 = arith.constant 2 : i32
    %get3A_561 = arith.index_cast %get3A_560 : i32 to index
    %get3A_562 = arith.constant 16 : index
    %get3A_563 = tpu.vector_load %arg8[%get3A_561, %get3A_562] {strides = array<i32>} : memref<4x48xi32, #tpu.memory_space<vmem>>, vector<16xi32>,
    %get3A_564 = arith.constant 2 : i32
    %get3A_565 = arith.index_cast %get3A_564 : i32 to index
    %get3A_566 = arith.constant 16 : index
    %get3A_567 = tpu.vector_load %arg9[%get3A_565, %get3A_566] {strides = array<i32>} : memref<4x48xi32, #tpu.memory_space<vmem>>, vector<16xi32>,
    %gather3A_568 = tpu.vector_load_idx %arg10[%get3A_563] : memref<10240xf32, #tpu.memory_space<vmem>>[vector<16xi32>], vector<16xf32>,
    %gather3A_569 = tpu.vector_load_idx %arg11[%get3A_567] : memref<10240xf32, #tpu.memory_space<vmem>>[vector<16xi32>], vector<16xf32>,
    %add3A_570 = arith.addf %gather3A_568, %gather3A_569 : vector<16xf32>
    %gt3A_571 = arith.constant 0.000000e+00 : f32
    %gt3A_572 = vector.broadcast %gt3A_571 : f32 to vector<16xf32>
    %gt3A_573 = arith.cmpf ogt, %add3A_570, %gt3A_572 : vector<16xf32>
    %mul3A_574 = arith.constant 2.000000e-01 : f32
    %mul3A_575 = vector.broadcast %mul3A_574 : f32 to vector<16xf32>
    %mul3A_576 = arith.mulf %mul3A_575, %add3A_570 : vector<16xf32>
    %select_n3A_577 = arith.select %gt3A_573, %add3A_570, %mul3A_576 : vector<16xi1>, vector<16xf32>
    %exp3A_578 = math.exp %select_n3A_577 : vector<16xf32>
    %swap3A_579 = arith.constant 16 : index
    %swap3A_580 = tpu.vector_load %arg12[%swap3A_579] {strides = array<i32>} : memref<96xf32, #tpu.memory_space<vmem>>, vector<16xf32>,
    tpu.vector_store %arg12[%swap3A_579], %exp3A_578 {strides = array<i32>} : memref<96xf32, #tpu.memory_space<vmem>>, vector<16xf32>,
    %get3A_581 = arith.constant 2 : i32
    %get3A_582 = arith.index_cast %get3A_581 : i32 to index
    %get3A_583 = arith.constant 32 : index
    %get3A_584 = tpu.vector_load %arg8[%get3A_582, %get3A_583] {strides = array<i32>} : memref<4x48xi32, #tpu.memory_space<vmem>>, vector<16xi32>,
    %get3A_585 = arith.constant 2 : i32
    %get3A_586 = arith.index_cast %get3A_585 : i32 to index
    %get3A_587 = arith.constant 32 : index
    %get3A_588 = tpu.vector_load %arg9[%get3A_586, %get3A_587] {strides = array<i32>} : memref<4x48xi32, #tpu.memory_space<vmem>>, vector<16xi32>,
    %gather3A_589 = tpu.vector_load_idx %arg10[%get3A_584] : memref<10240xf32, #tpu.memory_space<vmem>>[vector<16xi32>], vector<16xf32>,
    %gather3A_590 = tpu.vector_load_idx %arg11[%get3A_588] : memref<10240xf32, #tpu.memory_space<vmem>>[vector<16xi32>], vector<16xf32>,
    %add3A_591 = arith.addf %gather3A_589, %gather3A_590 : vector<16xf32>
    %gt3A_592 = arith.constant 0.000000e+00 : f32
    %gt3A_593 = vector.broadcast %gt3A_592 : f32 to vector<16xf32>
    %gt3A_594 = arith.cmpf ogt, %add3A_591, %gt3A_593 : vector<16xf32>
    %mul3A_595 = arith.constant 2.000000e-01 : f32
    %mul3A_596 = vector.broadcast %mul3A_595 : f32 to vector<16xf32>
    %mul3A_597 = arith.mulf %mul3A_596, %add3A_591 : vector<16xf32>
    %select_n3A_598 = arith.select %gt3A_594, %add3A_591, %mul3A_597 : vector<16xi1>, vector<16xf32>
    %exp3A_599 = math.exp %select_n3A_598 : vector<16xf32>
    %swap3A_600 = arith.constant 32 : index
    %swap3A_601 = tpu.vector_load %arg12[%swap3A_600] {strides = array<i32>} : memref<96xf32, #tpu.memory_space<vmem>>, vector<16xf32>,
    tpu.vector_store %arg12[%swap3A_600], %exp3A_599 {strides = array<i32>} : memref<96xf32, #tpu.memory_space<vmem>>, vector<16xf32>,
    %dma_start3A_602 = arith.constant 2 : i32
    %dma_start3A_603 = arith.constant 0 : i32
    %dma_start3A_604 = arith.constant 0 : i32
    %dma_start3A_605 = tpu.memref_slice %arg12[%dma_start3A_604] : memref<96xf32, #tpu.memory_space<vmem>> -> memref<48xf32, #tpu.memory_space<vmem>>
    %dma_start3A_606 = arith.constant 0 : i32
    %dma_start3A_607 = tpu.memref_slice %arg9[%dma_start3A_602, %dma_start3A_606] : memref<4x48xi32, #tpu.memory_space<vmem>> -> memref<1x48xi32, #tpu.memory_space<vmem>>
    %dma_start3A_608 = tpu.memref_squeeze %dma_start3A_607 : memref<1x48xi32, #tpu.memory_space<vmem>> -> memref<48xi32, #tpu.memory_space<vmem>>
    %dma_start3A_609 = arith.constant 0 : i32
    %dma_start3A_610 = tpu.memref_slice %arg16[%dma_start3A_609] : memref<10240xf32, #tpu.memory_space<vmem_shared>> -> memref<10240xf32, #tpu.memory_space<vmem_shared>>
    %dma_start3A_611 = tpu.memref_slice %arg20[%dma_start3A_603] : memref<2x!tpu.dma_semaphore, #tpu.memory_space<semaphore_mem>> -> memref<1x!tpu.dma_semaphore, #tpu.memory_space<semaphore_mem>>
    %dma_start3A_612 = tpu.memref_squeeze %dma_start3A_611 : memref<1x!tpu.dma_semaphore, #tpu.memory_space<semaphore_mem>> -> memref<!tpu.dma_semaphore, #tpu.memory_space<semaphore_mem>>
    tpu.enqueue_indirect_dma source(%dma_start3A_605 : memref<48xf32, #tpu.memory_space<vmem>>) target(%dma_start3A_610 : memref<10240xf32, #tpu.memory_space<vmem_shared>>) offsets(%dma_start3A_608 : memref<48xi32, #tpu.memory_space<vmem>>) semaphore(%dma_start3A_612 : memref<!tpu.dma_semaphore, #tpu.memory_space<semaphore_mem>>) {add = true}
    %scan3A_613 = arith.constant 0 : i32
    %scan3A_614 = arith.constant 48 : i32
    %scan3A_615 = arith.addi %scan3A_613, %scan3A_614 : i32
    %scan3A_616 = arith.constant 1 : i32
    scf.for %scan3A_1208 = %scan3A_613 to %scan3A_615 step %scan3A_616  : i32 {
      %mul3A_1209 = arith.constant 1 : i32
      %mul3A_1210 = arith.muli %scan3A_1208, %mul3A_1209 : i32
      %add3A_1211 = arith.constant 0 : i32
      %add3A_1212 = arith.addi %add3A_1211, %mul3A_1210 : i32
      %add3A_1213 = arith.constant 0 : i32
      %add3A_1214 = arith.addi %add3A_1213, %add3A_1212 : i32
      %broadcast_in_dim3A_1215 = vector.broadcast %add3A_1214 : i32 to vector<16xi32>
      %gather3A_1216 = tpu.vector_load_idx %arg12[%broadcast_in_dim3A_1215] : memref<96xf32, #tpu.memory_space<vmem>>[vector<16xi32>], vector<16xf32>,
      %add3A_1217 = arith.constant 96 : i32
      %add3A_1218 = arith.addi %add3A_1217, %add3A_1212 : i32
      %get3A_1219 = arith.index_cast %add3A_1218 : i32 to index
      %get3A_1220 = arith.constant 0 : index
      %get3A_1221 = tpu.vector_load %arg13[%get3A_1219, %get3A_1220] {strides = array<i32>} : memref<192x128xf32, #tpu.memory_space<vmem>>, vector<16xf32>,
      %mul3A_1222 = arith.mulf %get3A_1221, %gather3A_1216 : vector<16xf32>
      %swap3A_1223 = arith.index_cast %add3A_1218 : i32 to index
      %swap3A_1224 = arith.constant 0 : index
      %swap3A_1225 = tpu.vector_load %arg13[%swap3A_1223, %swap3A_1224] {strides = array<i32>} : memref<192x128xf32, #tpu.memory_space<vmem>>, vector<16xf32>,
      tpu.vector_store %arg13[%swap3A_1223, %swap3A_1224], %mul3A_1222 {strides = array<i32>} : memref<192x128xf32, #tpu.memory_space<vmem>>, vector<16xf32>,
      %get3A_1226 = arith.index_cast %add3A_1218 : i32 to index
      %get3A_1227 = arith.constant 16 : index
      %get3A_1228 = tpu.vector_load %arg13[%get3A_1226, %get3A_1227] {strides = array<i32>} : memref<192x128xf32, #tpu.memory_space<vmem>>, vector<16xf32>,
      %mul3A_1229 = arith.mulf %get3A_1228, %gather3A_1216 : vector<16xf32>
      %swap3A_1230 = arith.index_cast %add3A_1218 : i32 to index
      %swap3A_1231 = arith.constant 16 : index
      %swap3A_1232 = tpu.vector_load %arg13[%swap3A_1230, %swap3A_1231] {strides = array<i32>} : memref<192x128xf32, #tpu.memory_space<vmem>>, vector<16xf32>,
      tpu.vector_store %arg13[%swap3A_1230, %swap3A_1231], %mul3A_1229 {strides = array<i32>} : memref<192x128xf32, #tpu.memory_space<vmem>>, vector<16xf32>,
      %get3A_1233 = arith.index_cast %add3A_1218 : i32 to index
      %get3A_1234 = arith.constant 32 : index
      %get3A_1235 = tpu.vector_load %arg13[%get3A_1233, %get3A_1234] {strides = array<i32>} : memref<192x128xf32, #tpu.memory_space<vmem>>, vector<16xf32>,
      %mul3A_1236 = arith.mulf %get3A_1235, %gather3A_1216 : vector<16xf32>
      %swap3A_1237 = arith.index_cast %add3A_1218 : i32 to index
      %swap3A_1238 = arith.constant 32 : index
      %swap3A_1239 = tpu.vector_load %arg13[%swap3A_1237, %swap3A_1238] {strides = array<i32>} : memref<192x128xf32, #tpu.memory_space<vmem>>, vector<16xf32>,
      tpu.vector_store %arg13[%swap3A_1237, %swap3A_1238], %mul3A_1236 {strides = array<i32>} : memref<192x128xf32, #tpu.memory_space<vmem>>, vector<16xf32>,
      %get3A_1240 = arith.index_cast %add3A_1218 : i32 to index
      %get3A_1241 = arith.constant 48 : index
      %get3A_1242 = tpu.vector_load %arg13[%get3A_1240, %get3A_1241] {strides = array<i32>} : memref<192x128xf32, #tpu.memory_space<vmem>>, vector<16xf32>,
      %mul3A_1243 = arith.mulf %get3A_1242, %gather3A_1216 : vector<16xf32>
      %swap3A_1244 = arith.index_cast %add3A_1218 : i32 to index
      %swap3A_1245 = arith.constant 48 : index
      %swap3A_1246 = tpu.vector_load %arg13[%swap3A_1244, %swap3A_1245] {strides = array<i32>} : memref<192x128xf32, #tpu.memory_space<vmem>>, vector<16xf32>,
      tpu.vector_store %arg13[%swap3A_1244, %swap3A_1245], %mul3A_1243 {strides = array<i32>} : memref<192x128xf32, #tpu.memory_space<vmem>>, vector<16xf32>,
      %get3A_1247 = arith.index_cast %add3A_1218 : i32 to index
      %get3A_1248 = arith.constant 64 : index
      %get3A_1249 = tpu.vector_load %arg13[%get3A_1247, %get3A_1248] {strides = array<i32>} : memref<192x128xf32, #tpu.memory_space<vmem>>, vector<16xf32>,
      %mul3A_1250 = arith.mulf %get3A_1249, %gather3A_1216 : vector<16xf32>
      %swap3A_1251 = arith.index_cast %add3A_1218 : i32 to index
      %swap3A_1252 = arith.constant 64 : index
      %swap3A_1253 = tpu.vector_load %arg13[%swap3A_1251, %swap3A_1252] {strides = array<i32>} : memref<192x128xf32, #tpu.memory_space<vmem>>, vector<16xf32>,
      tpu.vector_store %arg13[%swap3A_1251, %swap3A_1252], %mul3A_1250 {strides = array<i32>} : memref<192x128xf32, #tpu.memory_space<vmem>>, vector<16xf32>,
      %get3A_1254 = arith.index_cast %add3A_1218 : i32 to index
      %get3A_1255 = arith.constant 80 : index
      %get3A_1256 = tpu.vector_load %arg13[%get3A_1254, %get3A_1255] {strides = array<i32>} : memref<192x128xf32, #tpu.memory_space<vmem>>, vector<16xf32>,
      %mul3A_1257 = arith.mulf %get3A_1256, %gather3A_1216 : vector<16xf32>
      %swap3A_1258 = arith.index_cast %add3A_1218 : i32 to index
      %swap3A_1259 = arith.constant 80 : index
      %swap3A_1260 = tpu.vector_load %arg13[%swap3A_1258, %swap3A_1259] {strides = array<i32>} : memref<192x128xf32, #tpu.memory_space<vmem>>, vector<16xf32>,
      tpu.vector_store %arg13[%swap3A_1258, %swap3A_1259], %mul3A_1257 {strides = array<i32>} : memref<192x128xf32, #tpu.memory_space<vmem>>, vector<16xf32>,
      %get3A_1261 = arith.index_cast %add3A_1218 : i32 to index
      %get3A_1262 = arith.constant 96 : index
      %get3A_1263 = tpu.vector_load %arg13[%get3A_1261, %get3A_1262] {strides = array<i32>} : memref<192x128xf32, #tpu.memory_space<vmem>>, vector<16xf32>,
      %mul3A_1264 = arith.mulf %get3A_1263, %gather3A_1216 : vector<16xf32>
      %swap3A_1265 = arith.index_cast %add3A_1218 : i32 to index
      %swap3A_1266 = arith.constant 96 : index
      %swap3A_1267 = tpu.vector_load %arg13[%swap3A_1265, %swap3A_1266] {strides = array<i32>} : memref<192x128xf32, #tpu.memory_space<vmem>>, vector<16xf32>,
      tpu.vector_store %arg13[%swap3A_1265, %swap3A_1266], %mul3A_1264 {strides = array<i32>} : memref<192x128xf32, #tpu.memory_space<vmem>>, vector<16xf32>,
      %get3A_1268 = arith.index_cast %add3A_1218 : i32 to index
      %get3A_1269 = arith.constant 112 : index
      %get3A_1270 = tpu.vector_load %arg13[%get3A_1268, %get3A_1269] {strides = array<i32>} : memref<192x128xf32, #tpu.memory_space<vmem>>, vector<16xf32>,
      %mul3A_1271 = arith.mulf %get3A_1270, %gather3A_1216 : vector<16xf32>
      %swap3A_1272 = arith.index_cast %add3A_1218 : i32 to index
      %swap3A_1273 = arith.constant 112 : index
      %swap3A_1274 = tpu.vector_load %arg13[%swap3A_1272, %swap3A_1273] {strides = array<i32>} : memref<192x128xf32, #tpu.memory_space<vmem>>, vector<16xf32>,
      tpu.vector_store %arg13[%swap3A_1272, %swap3A_1273], %mul3A_1271 {strides = array<i32>} : memref<192x128xf32, #tpu.memory_space<vmem>>, vector<16xf32>,
    }
    %scan3A_617 = arith.constant 48 : i32
    %dma_wait3A_618 = arith.constant 4 : i32
    %dma_wait3A_619 = arith.constant 0 : i32
    %dma_wait3A_620 = arith.constant 0 : i32
    %dma_wait3A_621 = arith.constant 0 : i32
    %dma_wait3A_622 = tpu.memref_slice %arg8[%dma_wait3A_619, %dma_wait3A_621] : memref<4x48xi32, #tpu.memory_space<vmem>> -> memref<1x48xi32, #tpu.memory_space<vmem>>
    %dma_wait3A_623 = tpu.memref_squeeze %dma_wait3A_622 : memref<1x48xi32, #tpu.memory_space<vmem>> -> memref<48xi32, #tpu.memory_space<vmem>>
    %dma_wait3A_624 = arith.constant 0 : i32
    %dma_wait3A_625 = tpu.memref_slice %arg4[%add3A, %dma_wait3A_618, %dma_wait3A_624] : memref<32x210x48xi32, #tpu.memory_space<hbm>> -> memref<1x1x48xi32, #tpu.memory_space<hbm>>
    %dma_wait3A_626 = tpu.memref_squeeze %dma_wait3A_625 : memref<1x1x48xi32, #tpu.memory_space<hbm>> -> memref<48xi32, #tpu.memory_space<hbm>>
    %dma_wait3A_627 = tpu.memref_slice %arg19[%dma_wait3A_620] : memref<4x!tpu.dma_semaphore, #tpu.memory_space<semaphore_mem>> -> memref<1x!tpu.dma_semaphore, #tpu.memory_space<semaphore_mem>>
    %dma_wait3A_628 = tpu.memref_squeeze %dma_wait3A_627 : memref<1x!tpu.dma_semaphore, #tpu.memory_space<semaphore_mem>> -> memref<!tpu.dma_semaphore, #tpu.memory_space<semaphore_mem>>
    %dma_wait3A_629 = arith.constant 0 : i32
    %dma_wait3A_630 = tpu.memref_slice %arg8[%dma_wait3A_619, %dma_wait3A_629] : memref<4x48xi32, #tpu.memory_space<vmem>> -> memref<1x48xi32, #tpu.memory_space<vmem>>
    %dma_wait3A_631 = tpu.memref_squeeze %dma_wait3A_630 : memref<1x48xi32, #tpu.memory_space<vmem>> -> memref<48xi32, #tpu.memory_space<vmem>>
    %dma_wait3A_632 = arith.constant 0 : i32
    %dma_wait3A_633 = tpu.memref_slice %arg4[%add3A, %dma_wait3A_618, %dma_wait3A_632] : memref<32x210x48xi32, #tpu.memory_space<hbm>> -> memref<1x1x48xi32, #tpu.memory_space<hbm>>
    %dma_wait3A_634 = tpu.memref_squeeze %dma_wait3A_633 : memref<1x1x48xi32, #tpu.memory_space<hbm>> -> memref<48xi32, #tpu.memory_space<hbm>>
    tpu.wait_dma2 semaphore(%dma_wait3A_628 : memref<!tpu.dma_semaphore, #tpu.memory_space<semaphore_mem>>) src(%dma_wait3A_634 : memref<48xi32, #tpu.memory_space<hbm>>) dst(%dma_wait3A_631 : memref<48xi32, #tpu.memory_space<vmem>>)
    %dma_wait3A_635 = arith.constant 4 : i32
    %dma_wait3A_636 = arith.constant 0 : i32
    %dma_wait3A_637 = arith.constant 0 : i32
    %dma_wait3A_638 = arith.constant 0 : i32
    %dma_wait3A_639 = tpu.memref_slice %arg9[%dma_wait3A_636, %dma_wait3A_638] : memref<4x48xi32, #tpu.memory_space<vmem>> -> memref<1x48xi32, #tpu.memory_space<vmem>>
    %dma_wait3A_640 = tpu.memref_squeeze %dma_wait3A_639 : memref<1x48xi32, #tpu.memory_space<vmem>> -> memref<48xi32, #tpu.memory_space<vmem>>
    %dma_wait3A_641 = arith.constant 0 : i32
    %dma_wait3A_642 = tpu.memref_slice %arg5[%add3A, %dma_wait3A_635, %dma_wait3A_641] : memref<32x210x48xi32, #tpu.memory_space<hbm>> -> memref<1x1x48xi32, #tpu.memory_space<hbm>>
    %dma_wait3A_643 = tpu.memref_squeeze %dma_wait3A_642 : memref<1x1x48xi32, #tpu.memory_space<hbm>> -> memref<48xi32, #tpu.memory_space<hbm>>
    %dma_wait3A_644 = tpu.memref_slice %arg19[%dma_wait3A_637] : memref<4x!tpu.dma_semaphore, #tpu.memory_space<semaphore_mem>> -> memref<1x!tpu.dma_semaphore, #tpu.memory_space<semaphore_mem>>
    %dma_wait3A_645 = tpu.memref_squeeze %dma_wait3A_644 : memref<1x!tpu.dma_semaphore, #tpu.memory_space<semaphore_mem>> -> memref<!tpu.dma_semaphore, #tpu.memory_space<semaphore_mem>>
    %dma_wait3A_646 = arith.constant 0 : i32
    %dma_wait3A_647 = tpu.memref_slice %arg9[%dma_wait3A_636, %dma_wait3A_646] : memref<4x48xi32, #tpu.memory_space<vmem>> -> memref<1x48xi32, #tpu.memory_space<vmem>>
    %dma_wait3A_648 = tpu.memref_squeeze %dma_wait3A_647 : memref<1x48xi32, #tpu.memory_space<vmem>> -> memref<48xi32, #tpu.memory_space<vmem>>
    %dma_wait3A_649 = arith.constant 0 : i32
    %dma_wait3A_650 = tpu.memref_slice %arg5[%add3A, %dma_wait3A_635, %dma_wait3A_649] : memref<32x210x48xi32, #tpu.memory_space<hbm>> -> memref<1x1x48xi32, #tpu.memory_space<hbm>>
    %dma_wait3A_651 = tpu.memref_squeeze %dma_wait3A_650 : memref<1x1x48xi32, #tpu.memory_space<hbm>> -> memref<48xi32, #tpu.memory_space<hbm>>
    tpu.wait_dma2 semaphore(%dma_wait3A_645 : memref<!tpu.dma_semaphore, #tpu.memory_space<semaphore_mem>>) src(%dma_wait3A_651 : memref<48xi32, #tpu.memory_space<hbm>>) dst(%dma_wait3A_648 : memref<48xi32, #tpu.memory_space<vmem>>)
    %dma_start3A_652 = arith.constant 0 : i32
    %dma_start3A_653 = arith.constant 0 : i32
    %dma_start3A_654 = arith.constant 0 : i32
    %dma_start3A_655 = arith.constant 0 : i32
    %dma_start3A_656 = tpu.memref_slice %arg13[%dma_start3A_654, %dma_start3A_655] : memref<192x128xf32, #tpu.memory_space<vmem>> -> memref<48x128xf32, #tpu.memory_space<vmem>>
    %dma_start3A_657 = arith.constant 0 : i32
    %dma_start3A_658 = tpu.memref_slice %arg8[%dma_start3A_652, %dma_start3A_657] : memref<4x48xi32, #tpu.memory_space<vmem>> -> memref<1x48xi32, #tpu.memory_space<vmem>>
    %dma_start3A_659 = tpu.memref_squeeze %dma_start3A_658 : memref<1x48xi32, #tpu.memory_space<vmem>> -> memref<48xi32, #tpu.memory_space<vmem>>
    %dma_start3A_660 = arith.constant 0 : i32
    %dma_start3A_661 = arith.constant 0 : i32
    %dma_start3A_662 = tpu.memref_slice %arg2[%dma_start3A_660, %dma_start3A_661] : memref<10000x128xf32, #tpu.memory_space<hbm>> -> memref<10000x128xf32, #tpu.memory_space<hbm>>
    %dma_start3A_663 = tpu.memref_slice %arg17[%dma_start3A_653] : memref<4x!tpu.dma_semaphore, #tpu.memory_space<semaphore_mem>> -> memref<1x!tpu.dma_semaphore, #tpu.memory_space<semaphore_mem>>
    %dma_start3A_664 = tpu.memref_squeeze %dma_start3A_663 : memref<1x!tpu.dma_semaphore, #tpu.memory_space<semaphore_mem>> -> memref<!tpu.dma_semaphore, #tpu.memory_space<semaphore_mem>>
    tpu.enqueue_indirect_dma source(%dma_start3A_662 : memref<10000x128xf32, #tpu.memory_space<hbm>>) target(%dma_start3A_656 : memref<48x128xf32, #tpu.memory_space<vmem>>) offsets(%dma_start3A_659 : memref<48xi32, #tpu.memory_space<vmem>>) semaphore(%dma_start3A_664 : memref<!tpu.dma_semaphore, #tpu.memory_space<semaphore_mem>>)
    %dma_start3A_665 = arith.constant 2 : i32
    %dma_start3A_666 = arith.constant 2 : i32
    %dma_start3A_667 = arith.constant 96 : i32
    %dma_start3A_668 = arith.constant 0 : i32
    %dma_start3A_669 = tpu.memref_slice %arg13[%dma_start3A_667, %dma_start3A_668] : memref<192x128xf32, #tpu.memory_space<vmem>> -> memref<48x128xf32, #tpu.memory_space<vmem>>
    %dma_start3A_670 = arith.constant 0 : i32
    %dma_start3A_671 = tpu.memref_slice %arg9[%dma_start3A_665, %dma_start3A_670] : memref<4x48xi32, #tpu.memory_space<vmem>> -> memref<1x48xi32, #tpu.memory_space<vmem>>
    %dma_start3A_672 = tpu.memref_squeeze %dma_start3A_671 : memref<1x48xi32, #tpu.memory_space<vmem>> -> memref<48xi32, #tpu.memory_space<vmem>>
    %dma_start3A_673 = arith.constant 0 : i32
    %dma_start3A_674 = arith.constant 0 : i32
    %dma_start3A_675 = tpu.memref_slice %arg15[%dma_start3A_673, %dma_start3A_674] : memref<10240x128xf32, #tpu.memory_space<vmem_shared>> -> memref<10240x128xf32, #tpu.memory_space<vmem_shared>>
    %dma_start3A_676 = tpu.memref_slice %arg18[%dma_start3A_666] : memref<4x!tpu.dma_semaphore, #tpu.memory_space<semaphore_mem>> -> memref<1x!tpu.dma_semaphore, #tpu.memory_space<semaphore_mem>>
    %dma_start3A_677 = tpu.memref_squeeze %dma_start3A_676 : memref<1x!tpu.dma_semaphore, #tpu.memory_space<semaphore_mem>> -> memref<!tpu.dma_semaphore, #tpu.memory_space<semaphore_mem>>
    tpu.enqueue_indirect_dma source(%dma_start3A_669 : memref<48x128xf32, #tpu.memory_space<vmem>>) target(%dma_start3A_675 : memref<10240x128xf32, #tpu.memory_space<vmem_shared>>) offsets(%dma_start3A_672 : memref<48xi32, #tpu.memory_space<vmem>>) semaphore(%dma_start3A_677 : memref<!tpu.dma_semaphore, #tpu.memory_space<semaphore_mem>>) {add = true}
    %dma_wait3A_678 = arith.constant 1 : i32
    %dma_wait3A_679 = arith.constant 1 : i32
    %dma_wait3A_680 = arith.constant 48 : i32
    %dma_wait3A_681 = arith.constant 0 : i32
    %dma_wait3A_682 = tpu.memref_slice %arg13[%dma_wait3A_680, %dma_wait3A_681] : memref<192x128xf32, #tpu.memory_space<vmem>> -> memref<48x128xf32, #tpu.memory_space<vmem>>
    %dma_wait3A_683 = arith.constant 0 : i32
    %dma_wait3A_684 = tpu.memref_slice %arg9[%dma_wait3A_678, %dma_wait3A_683] : memref<4x48xi32, #tpu.memory_space<vmem>> -> memref<1x48xi32, #tpu.memory_space<vmem>>
    %dma_wait3A_685 = tpu.memref_squeeze %dma_wait3A_684 : memref<1x48xi32, #tpu.memory_space<vmem>> -> memref<48xi32, #tpu.memory_space<vmem>>
    %dma_wait3A_686 = arith.constant 0 : i32
    %dma_wait3A_687 = arith.constant 0 : i32
    %dma_wait3A_688 = tpu.memref_slice %arg15[%dma_wait3A_686, %dma_wait3A_687] : memref<10240x128xf32, #tpu.memory_space<vmem_shared>> -> memref<10240x128xf32, #tpu.memory_space<vmem_shared>>
    %dma_wait3A_689 = tpu.memref_slice %arg18[%dma_wait3A_679] : memref<4x!tpu.dma_semaphore, #tpu.memory_space<semaphore_mem>> -> memref<1x!tpu.dma_semaphore, #tpu.memory_space<semaphore_mem>>
    %dma_wait3A_690 = tpu.memref_squeeze %dma_wait3A_689 : memref<1x!tpu.dma_semaphore, #tpu.memory_space<semaphore_mem>> -> memref<!tpu.dma_semaphore, #tpu.memory_space<semaphore_mem>>
    tpu.wait_indirect_dma semaphore(%dma_wait3A_690 : memref<!tpu.dma_semaphore, #tpu.memory_space<semaphore_mem>>) src(%dma_wait3A_682 : memref<48x128xf32, #tpu.memory_space<vmem>>) dst(%dma_wait3A_688 : memref<10240x128xf32, #tpu.memory_space<vmem_shared>>)
    %dma_wait3A_691 = arith.constant 1 : i32
    %dma_wait3A_692 = arith.constant 1 : i32
    %dma_wait3A_693 = arith.constant 48 : i32
    %dma_wait3A_694 = tpu.memref_slice %arg12[%dma_wait3A_693] : memref<96xf32, #tpu.memory_space<vmem>> -> memref<48xf32, #tpu.memory_space<vmem>>
    %dma_wait3A_695 = arith.constant 0 : i32
    %dma_wait3A_696 = tpu.memref_slice %arg9[%dma_wait3A_691, %dma_wait3A_695] : memref<4x48xi32, #tpu.memory_space<vmem>> -> memref<1x48xi32, #tpu.memory_space<vmem>>
    %dma_wait3A_697 = tpu.memref_squeeze %dma_wait3A_696 : memref<1x48xi32, #tpu.memory_space<vmem>> -> memref<48xi32, #tpu.memory_space<vmem>>
    %dma_wait3A_698 = arith.constant 0 : i32
    %dma_wait3A_699 = tpu.memref_slice %arg16[%dma_wait3A_698] : memref<10240xf32, #tpu.memory_space<vmem_shared>> -> memref<10240xf32, #tpu.memory_space<vmem_shared>>
    %dma_wait3A_700 = tpu.memref_slice %arg20[%dma_wait3A_692] : memref<2x!tpu.dma_semaphore, #tpu.memory_space<semaphore_mem>> -> memref<1x!tpu.dma_semaphore, #tpu.memory_space<semaphore_mem>>
    %dma_wait3A_701 = tpu.memref_squeeze %dma_wait3A_700 : memref<1x!tpu.dma_semaphore, #tpu.memory_space<semaphore_mem>> -> memref<!tpu.dma_semaphore, #tpu.memory_space<semaphore_mem>>
    tpu.wait_indirect_dma semaphore(%dma_wait3A_701 : memref<!tpu.dma_semaphore, #tpu.memory_space<semaphore_mem>>) src(%dma_wait3A_694 : memref<48xf32, #tpu.memory_space<vmem>>) dst(%dma_wait3A_699 : memref<10240xf32, #tpu.memory_space<vmem_shared>>)
    %dma_start3A_702 = arith.constant 5 : i32
    %dma_start3A_703 = arith.constant 1 : i32
    %dma_start3A_704 = arith.constant 1 : i32
    %dma_start3A_705 = arith.constant 0 : i32
    %dma_start3A_706 = tpu.memref_slice %arg8[%dma_start3A_703, %dma_start3A_705] : memref<4x48xi32, #tpu.memory_space<vmem>> -> memref<1x48xi32, #tpu.memory_space<vmem>>
    %dma_start3A_707 = tpu.memref_squeeze %dma_start3A_706 : memref<1x48xi32, #tpu.memory_space<vmem>> -> memref<48xi32, #tpu.memory_space<vmem>>
    %dma_start3A_708 = arith.constant 0 : i32
    %dma_start3A_709 = tpu.memref_slice %arg4[%add3A, %dma_start3A_702, %dma_start3A_708] : memref<32x210x48xi32, #tpu.memory_space<hbm>> -> memref<1x1x48xi32, #tpu.memory_space<hbm>>
    %dma_start3A_710 = tpu.memref_squeeze %dma_start3A_709 : memref<1x1x48xi32, #tpu.memory_space<hbm>> -> memref<48xi32, #tpu.memory_space<hbm>>
    %dma_start3A_711 = tpu.memref_slice %arg19[%dma_start3A_704] : memref<4x!tpu.dma_semaphore, #tpu.memory_space<semaphore_mem>> -> memref<1x!tpu.dma_semaphore, #tpu.memory_space<semaphore_mem>>
    %dma_start3A_712 = tpu.memref_squeeze %dma_start3A_711 : memref<1x!tpu.dma_semaphore, #tpu.memory_space<semaphore_mem>> -> memref<!tpu.dma_semaphore, #tpu.memory_space<semaphore_mem>>
    %dma_start3A_713 = arith.constant 0 : i32
    %dma_start3A_714 = tpu.memref_slice %arg8[%dma_start3A_703, %dma_start3A_713] : memref<4x48xi32, #tpu.memory_space<vmem>> -> memref<1x48xi32, #tpu.memory_space<vmem>>
    %dma_start3A_715 = tpu.memref_squeeze %dma_start3A_714 : memref<1x48xi32, #tpu.memory_space<vmem>> -> memref<48xi32, #tpu.memory_space<vmem>>
    %dma_start3A_716 = arith.constant 0 : i32
    %dma_start3A_717 = tpu.memref_slice %arg4[%add3A, %dma_start3A_702, %dma_start3A_716] : memref<32x210x48xi32, #tpu.memory_space<hbm>> -> memref<1x1x48xi32, #tpu.memory_space<hbm>>
    %dma_start3A_718 = tpu.memref_squeeze %dma_start3A_717 : memref<1x1x48xi32, #tpu.memory_space<hbm>> -> memref<48xi32, #tpu.memory_space<hbm>>
    tpu.enqueue_dma source(%dma_start3A_718 : memref<48xi32, #tpu.memory_space<hbm>>) target(%dma_start3A_715 : memref<48xi32, #tpu.memory_space<vmem>>) target_semaphore(%dma_start3A_712 : memref<!tpu.dma_semaphore, #tpu.memory_space<semaphore_mem>>)
    %dma_start3A_719 = arith.constant 5 : i32
    %dma_start3A_720 = arith.constant 1 : i32
    %dma_start3A_721 = arith.constant 1 : i32
    %dma_start3A_722 = arith.constant 0 : i32
    %dma_start3A_723 = tpu.memref_slice %arg9[%dma_start3A_720, %dma_start3A_722] : memref<4x48xi32, #tpu.memory_space<vmem>> -> memref<1x48xi32, #tpu.memory_space<vmem>>
    %dma_start3A_724 = tpu.memref_squeeze %dma_start3A_723 : memref<1x48xi32, #tpu.memory_space<vmem>> -> memref<48xi32, #tpu.memory_space<vmem>>
    %dma_start3A_725 = arith.constant 0 : i32
    %dma_start3A_726 = tpu.memref_slice %arg5[%add3A, %dma_start3A_719, %dma_start3A_725] : memref<32x210x48xi32, #tpu.memory_space<hbm>> -> memref<1x1x48xi32, #tpu.memory_space<hbm>>
    %dma_start3A_727 = tpu.memref_squeeze %dma_start3A_726 : memref<1x1x48xi32, #tpu.memory_space<hbm>> -> memref<48xi32, #tpu.memory_space<hbm>>
    %dma_start3A_728 = tpu.memref_slice %arg19[%dma_start3A_721] : memref<4x!tpu.dma_semaphore, #tpu.memory_space<semaphore_mem>> -> memref<1x!tpu.dma_semaphore, #tpu.memory_space<semaphore_mem>>
    %dma_start3A_729 = tpu.memref_squeeze %dma_start3A_728 : memref<1x!tpu.dma_semaphore, #tpu.memory_space<semaphore_mem>> -> memref<!tpu.dma_semaphore, #tpu.memory_space<semaphore_mem>>
    %dma_start3A_730 = arith.constant 0 : i32
    %dma_start3A_731 = tpu.memref_slice %arg9[%dma_start3A_720, %dma_start3A_730] : memref<4x48xi32, #tpu.memory_space<vmem>> -> memref<1x48xi32, #tpu.memory_space<vmem>>
    %dma_start3A_732 = tpu.memref_squeeze %dma_start3A_731 : memref<1x48xi32, #tpu.memory_space<vmem>> -> memref<48xi32, #tpu.memory_space<vmem>>
    %dma_start3A_733 = arith.constant 0 : i32
    %dma_start3A_734 = tpu.memref_slice %arg5[%add3A, %dma_start3A_719, %dma_start3A_733] : memref<32x210x48xi32, #tpu.memory_space<hbm>> -> memref<1x1x48xi32, #tpu.memory_space<hbm>>
    %dma_start3A_735 = tpu.memref_squeeze %dma_start3A_734 : memref<1x1x48xi32, #tpu.memory_space<hbm>> -> memref<48xi32, #tpu.memory_space<hbm>>
    tpu.enqueue_dma source(%dma_start3A_735 : memref<48xi32, #tpu.memory_space<hbm>>) target(%dma_start3A_732 : memref<48xi32, #tpu.memory_space<vmem>>) target_semaphore(%dma_start3A_729 : memref<!tpu.dma_semaphore, #tpu.memory_space<semaphore_mem>>)
    %dma_wait3A_736 = arith.constant 3 : i32
    %dma_wait3A_737 = arith.constant 3 : i32
    %dma_wait3A_738 = arith.constant 144 : i32
    %dma_wait3A_739 = arith.constant 0 : i32
    %dma_wait3A_740 = tpu.memref_slice %arg13[%dma_wait3A_738, %dma_wait3A_739] : memref<192x128xf32, #tpu.memory_space<vmem>> -> memref<48x128xf32, #tpu.memory_space<vmem>>
    %dma_wait3A_741 = arith.constant 0 : i32
    %dma_wait3A_742 = tpu.memref_slice %arg8[%dma_wait3A_736, %dma_wait3A_741] : memref<4x48xi32, #tpu.memory_space<vmem>> -> memref<1x48xi32, #tpu.memory_space<vmem>>
    %dma_wait3A_743 = tpu.memref_squeeze %dma_wait3A_742 : memref<1x48xi32, #tpu.memory_space<vmem>> -> memref<48xi32, #tpu.memory_space<vmem>>
    %dma_wait3A_744 = arith.constant 0 : i32
    %dma_wait3A_745 = arith.constant 0 : i32
    %dma_wait3A_746 = tpu.memref_slice %arg2[%dma_wait3A_744, %dma_wait3A_745] : memref<10000x128xf32, #tpu.memory_space<hbm>> -> memref<10000x128xf32, #tpu.memory_space<hbm>>
    %dma_wait3A_747 = tpu.memref_slice %arg17[%dma_wait3A_737] : memref<4x!tpu.dma_semaphore, #tpu.memory_space<semaphore_mem>> -> memref<1x!tpu.dma_semaphore, #tpu.memory_space<semaphore_mem>>
    %dma_wait3A_748 = tpu.memref_squeeze %dma_wait3A_747 : memref<1x!tpu.dma_semaphore, #tpu.memory_space<semaphore_mem>> -> memref<!tpu.dma_semaphore, #tpu.memory_space<semaphore_mem>>
    tpu.wait_indirect_dma semaphore(%dma_wait3A_748 : memref<!tpu.dma_semaphore, #tpu.memory_space<semaphore_mem>>) src(%dma_wait3A_746 : memref<10000x128xf32, #tpu.memory_space<hbm>>) dst(%dma_wait3A_740 : memref<48x128xf32, #tpu.memory_space<vmem>>)
    %get3A_749 = arith.constant 3 : i32
    %get3A_750 = arith.index_cast %get3A_749 : i32 to index
    %get3A_751 = arith.constant 0 : index
    %get3A_752 = tpu.vector_load %arg8[%get3A_750, %get3A_751] {strides = array<i32>} : memref<4x48xi32, #tpu.memory_space<vmem>>, vector<16xi32>,
    %get3A_753 = arith.constant 3 : i32
    %get3A_754 = arith.index_cast %get3A_753 : i32 to index
    %get3A_755 = arith.constant 0 : index
    %get3A_756 = tpu.vector_load %arg9[%get3A_754, %get3A_755] {strides = array<i32>} : memref<4x48xi32, #tpu.memory_space<vmem>>, vector<16xi32>,
    %gather3A_757 = tpu.vector_load_idx %arg10[%get3A_752] : memref<10240xf32, #tpu.memory_space<vmem>>[vector<16xi32>], vector<16xf32>,
    %gather3A_758 = tpu.vector_load_idx %arg11[%get3A_756] : memref<10240xf32, #tpu.memory_space<vmem>>[vector<16xi32>], vector<16xf32>,
    %add3A_759 = arith.addf %gather3A_757, %gather3A_758 : vector<16xf32>
    %gt3A_760 = arith.constant 0.000000e+00 : f32
    %gt3A_761 = vector.broadcast %gt3A_760 : f32 to vector<16xf32>
    %gt3A_762 = arith.cmpf ogt, %add3A_759, %gt3A_761 : vector<16xf32>
    %mul3A_763 = arith.constant 2.000000e-01 : f32
    %mul3A_764 = vector.broadcast %mul3A_763 : f32 to vector<16xf32>
    %mul3A_765 = arith.mulf %mul3A_764, %add3A_759 : vector<16xf32>
    %select_n3A_766 = arith.select %gt3A_762, %add3A_759, %mul3A_765 : vector<16xi1>, vector<16xf32>
    %exp3A_767 = math.exp %select_n3A_766 : vector<16xf32>
    %swap3A_768 = arith.constant 48 : index
    %swap3A_769 = tpu.vector_load %arg12[%swap3A_768] {strides = array<i32>} : memref<96xf32, #tpu.memory_space<vmem>>, vector<16xf32>,
    tpu.vector_store %arg12[%swap3A_768], %exp3A_767 {strides = array<i32>} : memref<96xf32, #tpu.memory_space<vmem>>, vector<16xf32>,
    %get3A_770 = arith.constant 3 : i32
    %get3A_771 = arith.index_cast %get3A_770 : i32 to index
    %get3A_772 = arith.constant 16 : index
    %get3A_773 = tpu.vector_load %arg8[%get3A_771, %get3A_772] {strides = array<i32>} : memref<4x48xi32, #tpu.memory_space<vmem>>, vector<16xi32>,
    %get3A_774 = arith.constant 3 : i32
    %get3A_775 = arith.index_cast %get3A_774 : i32 to index
    %get3A_776 = arith.constant 16 : index
    %get3A_777 = tpu.vector_load %arg9[%get3A_775, %get3A_776] {strides = array<i32>} : memref<4x48xi32, #tpu.memory_space<vmem>>, vector<16xi32>,
    %gather3A_778 = tpu.vector_load_idx %arg10[%get3A_773] : memref<10240xf32, #tpu.memory_space<vmem>>[vector<16xi32>], vector<16xf32>,
    %gather3A_779 = tpu.vector_load_idx %arg11[%get3A_777] : memref<10240xf32, #tpu.memory_space<vmem>>[vector<16xi32>], vector<16xf32>,
    %add3A_780 = arith.addf %gather3A_778, %gather3A_779 : vector<16xf32>
    %gt3A_781 = arith.constant 0.000000e+00 : f32
    %gt3A_782 = vector.broadcast %gt3A_781 : f32 to vector<16xf32>
    %gt3A_783 = arith.cmpf ogt, %add3A_780, %gt3A_782 : vector<16xf32>
    %mul3A_784 = arith.constant 2.000000e-01 : f32
    %mul3A_785 = vector.broadcast %mul3A_784 : f32 to vector<16xf32>
    %mul3A_786 = arith.mulf %mul3A_785, %add3A_780 : vector<16xf32>
    %select_n3A_787 = arith.select %gt3A_783, %add3A_780, %mul3A_786 : vector<16xi1>, vector<16xf32>
    %exp3A_788 = math.exp %select_n3A_787 : vector<16xf32>
    %swap3A_789 = arith.constant 64 : index
    %swap3A_790 = tpu.vector_load %arg12[%swap3A_789] {strides = array<i32>} : memref<96xf32, #tpu.memory_space<vmem>>, vector<16xf32>,
    tpu.vector_store %arg12[%swap3A_789], %exp3A_788 {strides = array<i32>} : memref<96xf32, #tpu.memory_space<vmem>>, vector<16xf32>,
    %get3A_791 = arith.constant 3 : i32
    %get3A_792 = arith.index_cast %get3A_791 : i32 to index
    %get3A_793 = arith.constant 32 : index
    %get3A_794 = tpu.vector_load %arg8[%get3A_792, %get3A_793] {strides = array<i32>} : memref<4x48xi32, #tpu.memory_space<vmem>>, vector<16xi32>,
    %get3A_795 = arith.constant 3 : i32
    %get3A_796 = arith.index_cast %get3A_795 : i32 to index
    %get3A_797 = arith.constant 32 : index
    %get3A_798 = tpu.vector_load %arg9[%get3A_796, %get3A_797] {strides = array<i32>} : memref<4x48xi32, #tpu.memory_space<vmem>>, vector<16xi32>,
    %gather3A_799 = tpu.vector_load_idx %arg10[%get3A_794] : memref<10240xf32, #tpu.memory_space<vmem>>[vector<16xi32>], vector<16xf32>,
    %gather3A_800 = tpu.vector_load_idx %arg11[%get3A_798] : memref<10240xf32, #tpu.memory_space<vmem>>[vector<16xi32>], vector<16xf32>,
    %add3A_801 = arith.addf %gather3A_799, %gather3A_800 : vector<16xf32>
    %gt3A_802 = arith.constant 0.000000e+00 : f32
    %gt3A_803 = vector.broadcast %gt3A_802 : f32 to vector<16xf32>
    %gt3A_804 = arith.cmpf ogt, %add3A_801, %gt3A_803 : vector<16xf32>
    %mul3A_805 = arith.constant 2.000000e-01 : f32
    %mul3A_806 = vector.broadcast %mul3A_805 : f32 to vector<16xf32>
    %mul3A_807 = arith.mulf %mul3A_806, %add3A_801 : vector<16xf32>
    %select_n3A_808 = arith.select %gt3A_804, %add3A_801, %mul3A_807 : vector<16xi1>, vector<16xf32>
    %exp3A_809 = math.exp %select_n3A_808 : vector<16xf32>
    %swap3A_810 = arith.constant 80 : index
    %swap3A_811 = tpu.vector_load %arg12[%swap3A_810] {strides = array<i32>} : memref<96xf32, #tpu.memory_space<vmem>>, vector<16xf32>,
    tpu.vector_store %arg12[%swap3A_810], %exp3A_809 {strides = array<i32>} : memref<96xf32, #tpu.memory_space<vmem>>, vector<16xf32>,
    %dma_start3A_812 = arith.constant 3 : i32
    %dma_start3A_813 = arith.constant 1 : i32
    %dma_start3A_814 = arith.constant 48 : i32
    %dma_start3A_815 = tpu.memref_slice %arg12[%dma_start3A_814] : memref<96xf32, #tpu.memory_space<vmem>> -> memref<48xf32, #tpu.memory_space<vmem>>
    %dma_start3A_816 = arith.constant 0 : i32
    %dma_start3A_817 = tpu.memref_slice %arg9[%dma_start3A_812, %dma_start3A_816] : memref<4x48xi32, #tpu.memory_space<vmem>> -> memref<1x48xi32, #tpu.memory_space<vmem>>
    %dma_start3A_818 = tpu.memref_squeeze %dma_start3A_817 : memref<1x48xi32, #tpu.memory_space<vmem>> -> memref<48xi32, #tpu.memory_space<vmem>>
    %dma_start3A_819 = arith.constant 0 : i32
    %dma_start3A_820 = tpu.memref_slice %arg16[%dma_start3A_819] : memref<10240xf32, #tpu.memory_space<vmem_shared>> -> memref<10240xf32, #tpu.memory_space<vmem_shared>>
    %dma_start3A_821 = tpu.memref_slice %arg20[%dma_start3A_813] : memref<2x!tpu.dma_semaphore, #tpu.memory_space<semaphore_mem>> -> memref<1x!tpu.dma_semaphore, #tpu.memory_space<semaphore_mem>>
    %dma_start3A_822 = tpu.memref_squeeze %dma_start3A_821 : memref<1x!tpu.dma_semaphore, #tpu.memory_space<semaphore_mem>> -> memref<!tpu.dma_semaphore, #tpu.memory_space<semaphore_mem>>
    tpu.enqueue_indirect_dma source(%dma_start3A_815 : memref<48xf32, #tpu.memory_space<vmem>>) target(%dma_start3A_820 : memref<10240xf32, #tpu.memory_space<vmem_shared>>) offsets(%dma_start3A_818 : memref<48xi32, #tpu.memory_space<vmem>>) semaphore(%dma_start3A_822 : memref<!tpu.dma_semaphore, #tpu.memory_space<semaphore_mem>>) {add = true}
    %scan3A_823 = arith.constant 0 : i32
    %scan3A_824 = arith.constant 48 : i32
    %scan3A_825 = arith.addi %scan3A_823, %scan3A_824 : i32
    %scan3A_826 = arith.constant 1 : i32
    scf.for %scan3A_1208 = %scan3A_823 to %scan3A_825 step %scan3A_826  : i32 {
      %mul3A_1209 = arith.constant 1 : i32
      %mul3A_1210 = arith.muli %scan3A_1208, %mul3A_1209 : i32
      %add3A_1211 = arith.constant 0 : i32
      %add3A_1212 = arith.addi %add3A_1211, %mul3A_1210 : i32
      %add3A_1213 = arith.constant 48 : i32
      %add3A_1214 = arith.addi %add3A_1213, %add3A_1212 : i32
      %broadcast_in_dim3A_1215 = vector.broadcast %add3A_1214 : i32 to vector<16xi32>
      %gather3A_1216 = tpu.vector_load_idx %arg12[%broadcast_in_dim3A_1215] : memref<96xf32, #tpu.memory_space<vmem>>[vector<16xi32>], vector<16xf32>,
      %add3A_1217 = arith.constant 144 : i32
      %add3A_1218 = arith.addi %add3A_1217, %add3A_1212 : i32
      %get3A_1219 = arith.index_cast %add3A_1218 : i32 to index
      %get3A_1220 = arith.constant 0 : index
      %get3A_1221 = tpu.vector_load %arg13[%get3A_1219, %get3A_1220] {strides = array<i32>} : memref<192x128xf32, #tpu.memory_space<vmem>>, vector<16xf32>,
      %mul3A_1222 = arith.mulf %get3A_1221, %gather3A_1216 : vector<16xf32>
      %swap3A_1223 = arith.index_cast %add3A_1218 : i32 to index
      %swap3A_1224 = arith.constant 0 : index
      %swap3A_1225 = tpu.vector_load %arg13[%swap3A_1223, %swap3A_1224] {strides = array<i32>} : memref<192x128xf32, #tpu.memory_space<vmem>>, vector<16xf32>,
      tpu.vector_store %arg13[%swap3A_1223, %swap3A_1224], %mul3A_1222 {strides = array<i32>} : memref<192x128xf32, #tpu.memory_space<vmem>>, vector<16xf32>,
      %get3A_1226 = arith.index_cast %add3A_1218 : i32 to index
      %get3A_1227 = arith.constant 16 : index
      %get3A_1228 = tpu.vector_load %arg13[%get3A_1226, %get3A_1227] {strides = array<i32>} : memref<192x128xf32, #tpu.memory_space<vmem>>, vector<16xf32>,
      %mul3A_1229 = arith.mulf %get3A_1228, %gather3A_1216 : vector<16xf32>
      %swap3A_1230 = arith.index_cast %add3A_1218 : i32 to index
      %swap3A_1231 = arith.constant 16 : index
      %swap3A_1232 = tpu.vector_load %arg13[%swap3A_1230, %swap3A_1231] {strides = array<i32>} : memref<192x128xf32, #tpu.memory_space<vmem>>, vector<16xf32>,
      tpu.vector_store %arg13[%swap3A_1230, %swap3A_1231], %mul3A_1229 {strides = array<i32>} : memref<192x128xf32, #tpu.memory_space<vmem>>, vector<16xf32>,
      %get3A_1233 = arith.index_cast %add3A_1218 : i32 to index
      %get3A_1234 = arith.constant 32 : index
      %get3A_1235 = tpu.vector_load %arg13[%get3A_1233, %get3A_1234] {strides = array<i32>} : memref<192x128xf32, #tpu.memory_space<vmem>>, vector<16xf32>,
      %mul3A_1236 = arith.mulf %get3A_1235, %gather3A_1216 : vector<16xf32>
      %swap3A_1237 = arith.index_cast %add3A_1218 : i32 to index
      %swap3A_1238 = arith.constant 32 : index
      %swap3A_1239 = tpu.vector_load %arg13[%swap3A_1237, %swap3A_1238] {strides = array<i32>} : memref<192x128xf32, #tpu.memory_space<vmem>>, vector<16xf32>,
      tpu.vector_store %arg13[%swap3A_1237, %swap3A_1238], %mul3A_1236 {strides = array<i32>} : memref<192x128xf32, #tpu.memory_space<vmem>>, vector<16xf32>,
      %get3A_1240 = arith.index_cast %add3A_1218 : i32 to index
      %get3A_1241 = arith.constant 48 : index
      %get3A_1242 = tpu.vector_load %arg13[%get3A_1240, %get3A_1241] {strides = array<i32>} : memref<192x128xf32, #tpu.memory_space<vmem>>, vector<16xf32>,
      %mul3A_1243 = arith.mulf %get3A_1242, %gather3A_1216 : vector<16xf32>
      %swap3A_1244 = arith.index_cast %add3A_1218 : i32 to index
      %swap3A_1245 = arith.constant 48 : index
      %swap3A_1246 = tpu.vector_load %arg13[%swap3A_1244, %swap3A_1245] {strides = array<i32>} : memref<192x128xf32, #tpu.memory_space<vmem>>, vector<16xf32>,
      tpu.vector_store %arg13[%swap3A_1244, %swap3A_1245], %mul3A_1243 {strides = array<i32>} : memref<192x128xf32, #tpu.memory_space<vmem>>, vector<16xf32>,
      %get3A_1247 = arith.index_cast %add3A_1218 : i32 to index
      %get3A_1248 = arith.constant 64 : index
      %get3A_1249 = tpu.vector_load %arg13[%get3A_1247, %get3A_1248] {strides = array<i32>} : memref<192x128xf32, #tpu.memory_space<vmem>>, vector<16xf32>,
      %mul3A_1250 = arith.mulf %get3A_1249, %gather3A_1216 : vector<16xf32>
      %swap3A_1251 = arith.index_cast %add3A_1218 : i32 to index
      %swap3A_1252 = arith.constant 64 : index
      %swap3A_1253 = tpu.vector_load %arg13[%swap3A_1251, %swap3A_1252] {strides = array<i32>} : memref<192x128xf32, #tpu.memory_space<vmem>>, vector<16xf32>,
      tpu.vector_store %arg13[%swap3A_1251, %swap3A_1252], %mul3A_1250 {strides = array<i32>} : memref<192x128xf32, #tpu.memory_space<vmem>>, vector<16xf32>,
      %get3A_1254 = arith.index_cast %add3A_1218 : i32 to index
      %get3A_1255 = arith.constant 80 : index
      %get3A_1256 = tpu.vector_load %arg13[%get3A_1254, %get3A_1255] {strides = array<i32>} : memref<192x128xf32, #tpu.memory_space<vmem>>, vector<16xf32>,
      %mul3A_1257 = arith.mulf %get3A_1256, %gather3A_1216 : vector<16xf32>
      %swap3A_1258 = arith.index_cast %add3A_1218 : i32 to index
      %swap3A_1259 = arith.constant 80 : index
      %swap3A_1260 = tpu.vector_load %arg13[%swap3A_1258, %swap3A_1259] {strides = array<i32>} : memref<192x128xf32, #tpu.memory_space<vmem>>, vector<16xf32>,
      tpu.vector_store %arg13[%swap3A_1258, %swap3A_1259], %mul3A_1257 {strides = array<i32>} : memref<192x128xf32, #tpu.memory_space<vmem>>, vector<16xf32>,
      %get3A_1261 = arith.index_cast %add3A_1218 : i32 to index
      %get3A_1262 = arith.constant 96 : index
      %get3A_1263 = tpu.vector_load %arg13[%get3A_1261, %get3A_1262] {strides = array<i32>} : memref<192x128xf32, #tpu.memory_space<vmem>>, vector<16xf32>,
      %mul3A_1264 = arith.mulf %get3A_1263, %gather3A_1216 : vector<16xf32>
      %swap3A_1265 = arith.index_cast %add3A_1218 : i32 to index
      %swap3A_1266 = arith.constant 96 : index
      %swap3A_1267 = tpu.vector_load %arg13[%swap3A_1265, %swap3A_1266] {strides = array<i32>} : memref<192x128xf32, #tpu.memory_space<vmem>>, vector<16xf32>,
      tpu.vector_store %arg13[%swap3A_1265, %swap3A_1266], %mul3A_1264 {strides = array<i32>} : memref<192x128xf32, #tpu.memory_space<vmem>>, vector<16xf32>,
      %get3A_1268 = arith.index_cast %add3A_1218 : i32 to index
      %get3A_1269 = arith.constant 112 : index
      %get3A_1270 = tpu.vector_load %arg13[%get3A_1268, %get3A_1269] {strides = array<i32>} : memref<192x128xf32, #tpu.memory_space<vmem>>, vector<16xf32>,
      %mul3A_1271 = arith.mulf %get3A_1270, %gather3A_1216 : vector<16xf32>
      %swap3A_1272 = arith.index_cast %add3A_1218 : i32 to index
      %swap3A_1273 = arith.constant 112 : index
      %swap3A_1274 = tpu.vector_load %arg13[%swap3A_1272, %swap3A_1273] {strides = array<i32>} : memref<192x128xf32, #tpu.memory_space<vmem>>, vector<16xf32>,
      tpu.vector_store %arg13[%swap3A_1272, %swap3A_1273], %mul3A_1271 {strides = array<i32>} : memref<192x128xf32, #tpu.memory_space<vmem>>, vector<16xf32>,
    }
    %scan3A_827 = arith.constant 48 : i32
    %dma_wait3A_828 = arith.constant 5 : i32
    %dma_wait3A_829 = arith.constant 1 : i32
    %dma_wait3A_830 = arith.constant 1 : i32
    %dma_wait3A_831 = arith.constant 0 : i32
    %dma_wait3A_832 = tpu.memref_slice %arg8[%dma_wait3A_829, %dma_wait3A_831] : memref<4x48xi32, #tpu.memory_space<vmem>> -> memref<1x48xi32, #tpu.memory_space<vmem>>
    %dma_wait3A_833 = tpu.memref_squeeze %dma_wait3A_832 : memref<1x48xi32, #tpu.memory_space<vmem>> -> memref<48xi32, #tpu.memory_space<vmem>>
    %dma_wait3A_834 = arith.constant 0 : i32
    %dma_wait3A_835 = tpu.memref_slice %arg4[%add3A, %dma_wait3A_828, %dma_wait3A_834] : memref<32x210x48xi32, #tpu.memory_space<hbm>> -> memref<1x1x48xi32, #tpu.memory_space<hbm>>
    %dma_wait3A_836 = tpu.memref_squeeze %dma_wait3A_835 : memref<1x1x48xi32, #tpu.memory_space<hbm>> -> memref<48xi32, #tpu.memory_space<hbm>>
    %dma_wait3A_837 = tpu.memref_slice %arg19[%dma_wait3A_830] : memref<4x!tpu.dma_semaphore, #tpu.memory_space<semaphore_mem>> -> memref<1x!tpu.dma_semaphore, #tpu.memory_space<semaphore_mem>>
    %dma_wait3A_838 = tpu.memref_squeeze %dma_wait3A_837 : memref<1x!tpu.dma_semaphore, #tpu.memory_space<semaphore_mem>> -> memref<!tpu.dma_semaphore, #tpu.memory_space<semaphore_mem>>
    %dma_wait3A_839 = arith.constant 0 : i32
    %dma_wait3A_840 = tpu.memref_slice %arg8[%dma_wait3A_829, %dma_wait3A_839] : memref<4x48xi32, #tpu.memory_space<vmem>> -> memref<1x48xi32, #tpu.memory_space<vmem>>
    %dma_wait3A_841 = tpu.memref_squeeze %dma_wait3A_840 : memref<1x48xi32, #tpu.memory_space<vmem>> -> memref<48xi32, #tpu.memory_space<vmem>>
    %dma_wait3A_842 = arith.constant 0 : i32
    %dma_wait3A_843 = tpu.memref_slice %arg4[%add3A, %dma_wait3A_828, %dma_wait3A_842] : memref<32x210x48xi32, #tpu.memory_space<hbm>> -> memref<1x1x48xi32, #tpu.memory_space<hbm>>
    %dma_wait3A_844 = tpu.memref_squeeze %dma_wait3A_843 : memref<1x1x48xi32, #tpu.memory_space<hbm>> -> memref<48xi32, #tpu.memory_space<hbm>>
    tpu.wait_dma2 semaphore(%dma_wait3A_838 : memref<!tpu.dma_semaphore, #tpu.memory_space<semaphore_mem>>) src(%dma_wait3A_844 : memref<48xi32, #tpu.memory_space<hbm>>) dst(%dma_wait3A_841 : memref<48xi32, #tpu.memory_space<vmem>>)
    %dma_wait3A_845 = arith.constant 5 : i32
    %dma_wait3A_846 = arith.constant 1 : i32
    %dma_wait3A_847 = arith.constant 1 : i32
    %dma_wait3A_848 = arith.constant 0 : i32
    %dma_wait3A_849 = tpu.memref_slice %arg9[%dma_wait3A_846, %dma_wait3A_848] : memref<4x48xi32, #tpu.memory_space<vmem>> -> memref<1x48xi32, #tpu.memory_space<vmem>>
    %dma_wait3A_850 = tpu.memref_squeeze %dma_wait3A_849 : memref<1x48xi32, #tpu.memory_space<vmem>> -> memref<48xi32, #tpu.memory_space<vmem>>
    %dma_wait3A_851 = arith.constant 0 : i32
    %dma_wait3A_852 = tpu.memref_slice %arg5[%add3A, %dma_wait3A_845, %dma_wait3A_851] : memref<32x210x48xi32, #tpu.memory_space<hbm>> -> memref<1x1x48xi32, #tpu.memory_space<hbm>>
    %dma_wait3A_853 = tpu.memref_squeeze %dma_wait3A_852 : memref<1x1x48xi32, #tpu.memory_space<hbm>> -> memref<48xi32, #tpu.memory_space<hbm>>
    %dma_wait3A_854 = tpu.memref_slice %arg19[%dma_wait3A_847] : memref<4x!tpu.dma_semaphore, #tpu.memory_space<semaphore_mem>> -> memref<1x!tpu.dma_semaphore, #tpu.memory_space<semaphore_mem>>
    %dma_wait3A_855 = tpu.memref_squeeze %dma_wait3A_854 : memref<1x!tpu.dma_semaphore, #tpu.memory_space<semaphore_mem>> -> memref<!tpu.dma_semaphore, #tpu.memory_space<semaphore_mem>>
    %dma_wait3A_856 = arith.constant 0 : i32
    %dma_wait3A_857 = tpu.memref_slice %arg9[%dma_wait3A_846, %dma_wait3A_856] : memref<4x48xi32, #tpu.memory_space<vmem>> -> memref<1x48xi32, #tpu.memory_space<vmem>>
    %dma_wait3A_858 = tpu.memref_squeeze %dma_wait3A_857 : memref<1x48xi32, #tpu.memory_space<vmem>> -> memref<48xi32, #tpu.memory_space<vmem>>
    %dma_wait3A_859 = arith.constant 0 : i32
    %dma_wait3A_860 = tpu.memref_slice %arg5[%add3A, %dma_wait3A_845, %dma_wait3A_859] : memref<32x210x48xi32, #tpu.memory_space<hbm>> -> memref<1x1x48xi32, #tpu.memory_space<hbm>>
    %dma_wait3A_861 = tpu.memref_squeeze %dma_wait3A_860 : memref<1x1x48xi32, #tpu.memory_space<hbm>> -> memref<48xi32, #tpu.memory_space<hbm>>
    tpu.wait_dma2 semaphore(%dma_wait3A_855 : memref<!tpu.dma_semaphore, #tpu.memory_space<semaphore_mem>>) src(%dma_wait3A_861 : memref<48xi32, #tpu.memory_space<hbm>>) dst(%dma_wait3A_858 : memref<48xi32, #tpu.memory_space<vmem>>)
    %dma_start3A_862 = arith.constant 1 : i32
    %dma_start3A_863 = arith.constant 1 : i32
    %dma_start3A_864 = arith.constant 48 : i32
    %dma_start3A_865 = arith.constant 0 : i32
    %dma_start3A_866 = tpu.memref_slice %arg13[%dma_start3A_864, %dma_start3A_865] : memref<192x128xf32, #tpu.memory_space<vmem>> -> memref<48x128xf32, #tpu.memory_space<vmem>>
    %dma_start3A_867 = arith.constant 0 : i32
    %dma_start3A_868 = tpu.memref_slice %arg8[%dma_start3A_862, %dma_start3A_867] : memref<4x48xi32, #tpu.memory_space<vmem>> -> memref<1x48xi32, #tpu.memory_space<vmem>>
    %dma_start3A_869 = tpu.memref_squeeze %dma_start3A_868 : memref<1x48xi32, #tpu.memory_space<vmem>> -> memref<48xi32, #tpu.memory_space<vmem>>
    %dma_start3A_870 = arith.constant 0 : i32
    %dma_start3A_871 = arith.constant 0 : i32
    %dma_start3A_872 = tpu.memref_slice %arg2[%dma_start3A_870, %dma_start3A_871] : memref<10000x128xf32, #tpu.memory_space<hbm>> -> memref<10000x128xf32, #tpu.memory_space<hbm>>
    %dma_start3A_873 = tpu.memref_slice %arg17[%dma_start3A_863] : memref<4x!tpu.dma_semaphore, #tpu.memory_space<semaphore_mem>> -> memref<1x!tpu.dma_semaphore, #tpu.memory_space<semaphore_mem>>
    %dma_start3A_874 = tpu.memref_squeeze %dma_start3A_873 : memref<1x!tpu.dma_semaphore, #tpu.memory_space<semaphore_mem>> -> memref<!tpu.dma_semaphore, #tpu.memory_space<semaphore_mem>>
    tpu.enqueue_indirect_dma source(%dma_start3A_872 : memref<10000x128xf32, #tpu.memory_space<hbm>>) target(%dma_start3A_866 : memref<48x128xf32, #tpu.memory_space<vmem>>) offsets(%dma_start3A_869 : memref<48xi32, #tpu.memory_space<vmem>>) semaphore(%dma_start3A_874 : memref<!tpu.dma_semaphore, #tpu.memory_space<semaphore_mem>>)
    %dma_start3A_875 = arith.constant 3 : i32
    %dma_start3A_876 = arith.constant 3 : i32
    %dma_start3A_877 = arith.constant 144 : i32
    %dma_start3A_878 = arith.constant 0 : i32
    %dma_start3A_879 = tpu.memref_slice %arg13[%dma_start3A_877, %dma_start3A_878] : memref<192x128xf32, #tpu.memory_space<vmem>> -> memref<48x128xf32, #tpu.memory_space<vmem>>
    %dma_start3A_880 = arith.constant 0 : i32
    %dma_start3A_881 = tpu.memref_slice %arg9[%dma_start3A_875, %dma_start3A_880] : memref<4x48xi32, #tpu.memory_space<vmem>> -> memref<1x48xi32, #tpu.memory_space<vmem>>
    %dma_start3A_882 = tpu.memref_squeeze %dma_start3A_881 : memref<1x48xi32, #tpu.memory_space<vmem>> -> memref<48xi32, #tpu.memory_space<vmem>>
    %dma_start3A_883 = arith.constant 0 : i32
    %dma_start3A_884 = arith.constant 0 : i32
    %dma_start3A_885 = tpu.memref_slice %arg15[%dma_start3A_883, %dma_start3A_884] : memref<10240x128xf32, #tpu.memory_space<vmem_shared>> -> memref<10240x128xf32, #tpu.memory_space<vmem_shared>>
    %dma_start3A_886 = tpu.memref_slice %arg18[%dma_start3A_876] : memref<4x!tpu.dma_semaphore, #tpu.memory_space<semaphore_mem>> -> memref<1x!tpu.dma_semaphore, #tpu.memory_space<semaphore_mem>>
    %dma_start3A_887 = tpu.memref_squeeze %dma_start3A_886 : memref<1x!tpu.dma_semaphore, #tpu.memory_space<semaphore_mem>> -> memref<!tpu.dma_semaphore, #tpu.memory_space<semaphore_mem>>
    tpu.enqueue_indirect_dma source(%dma_start3A_879 : memref<48x128xf32, #tpu.memory_space<vmem>>) target(%dma_start3A_885 : memref<10240x128xf32, #tpu.memory_space<vmem_shared>>) offsets(%dma_start3A_882 : memref<48xi32, #tpu.memory_space<vmem>>) semaphore(%dma_start3A_887 : memref<!tpu.dma_semaphore, #tpu.memory_space<semaphore_mem>>) {add = true}
    %scan3A_888 = arith.constant 0 : i32
    %scan3A_889 = arith.constant 51 : i32
    %scan3A_890 = arith.addi %scan3A_888, %scan3A_889 : i32
    %scan3A_891 = arith.constant 1 : i32
    scf.for %scan3A_1208 = %scan3A_888 to %scan3A_890 step %scan3A_891  : i32 {
      %mul3A_1209 = arith.constant 1 : i32
      %mul3A_1210 = arith.muli %scan3A_1208, %mul3A_1209 : i32
      %add3A_1211 = arith.constant 1 : i32
      %add3A_1212 = arith.addi %add3A_1211, %mul3A_1210 : i32
      %mul3A_1213 = arith.constant 4 : i32
      %mul3A_1214 = arith.muli %mul3A_1213, %add3A_1212 : i32
      %add3A_1215 = arith.constant 0 : i32
      %add3A_1216 = arith.addi %mul3A_1214, %add3A_1215 : i32
      %dma_wait3A_1217 = arith.constant 2 : i32
      %dma_wait3A_1218 = arith.constant 2 : i32
      %dma_wait3A_1219 = arith.constant 96 : i32
      %dma_wait3A_1220 = arith.constant 0 : i32
      %dma_wait3A_1221 = tpu.memref_slice %arg13[%dma_wait3A_1219, %dma_wait3A_1220] : memref<192x128xf32, #tpu.memory_space<vmem>> -> memref<48x128xf32, #tpu.memory_space<vmem>>
      %dma_wait3A_1222 = arith.constant 0 : i32
      %dma_wait3A_1223 = tpu.memref_slice %arg9[%dma_wait3A_1217, %dma_wait3A_1222] : memref<4x48xi32, #tpu.memory_space<vmem>> -> memref<1x48xi32, #tpu.memory_space<vmem>>
      %dma_wait3A_1224 = tpu.memref_squeeze %dma_wait3A_1223 : memref<1x48xi32, #tpu.memory_space<vmem>> -> memref<48xi32, #tpu.memory_space<vmem>>
      %dma_wait3A_1225 = arith.constant 0 : i32
      %dma_wait3A_1226 = arith.constant 0 : i32
      %dma_wait3A_1227 = tpu.memref_slice %arg15[%dma_wait3A_1225, %dma_wait3A_1226] : memref<10240x128xf32, #tpu.memory_space<vmem_shared>> -> memref<10240x128xf32, #tpu.memory_space<vmem_shared>>
      %dma_wait3A_1228 = tpu.memref_slice %arg18[%dma_wait3A_1218] : memref<4x!tpu.dma_semaphore, #tpu.memory_space<semaphore_mem>> -> memref<1x!tpu.dma_semaphore, #tpu.memory_space<semaphore_mem>>
      %dma_wait3A_1229 = tpu.memref_squeeze %dma_wait3A_1228 : memref<1x!tpu.dma_semaphore, #tpu.memory_space<semaphore_mem>> -> memref<!tpu.dma_semaphore, #tpu.memory_space<semaphore_mem>>
      tpu.wait_indirect_dma semaphore(%dma_wait3A_1229 : memref<!tpu.dma_semaphore, #tpu.memory_space<semaphore_mem>>) src(%dma_wait3A_1221 : memref<48x128xf32, #tpu.memory_space<vmem>>) dst(%dma_wait3A_1227 : memref<10240x128xf32, #tpu.memory_space<vmem_shared>>)
      %dma_wait3A_1230 = arith.constant 2 : i32
      %dma_wait3A_1231 = arith.constant 0 : i32
      %dma_wait3A_1232 = arith.constant 0 : i32
      %dma_wait3A_1233 = tpu.memref_slice %arg12[%dma_wait3A_1232] : memref<96xf32, #tpu.memory_space<vmem>> -> memref<48xf32, #tpu.memory_space<vmem>>
      %dma_wait3A_1234 = arith.constant 0 : i32
      %dma_wait3A_1235 = tpu.memref_slice %arg9[%dma_wait3A_1230, %dma_wait3A_1234] : memref<4x48xi32, #tpu.memory_space<vmem>> -> memref<1x48xi32, #tpu.memory_space<vmem>>
      %dma_wait3A_1236 = tpu.memref_squeeze %dma_wait3A_1235 : memref<1x48xi32, #tpu.memory_space<vmem>> -> memref<48xi32, #tpu.memory_space<vmem>>
      %dma_wait3A_1237 = arith.constant 0 : i32
      %dma_wait3A_1238 = tpu.memref_slice %arg16[%dma_wait3A_1237] : memref<10240xf32, #tpu.memory_space<vmem_shared>> -> memref<10240xf32, #tpu.memory_space<vmem_shared>>
      %dma_wait3A_1239 = tpu.memref_slice %arg20[%dma_wait3A_1231] : memref<2x!tpu.dma_semaphore, #tpu.memory_space<semaphore_mem>> -> memref<1x!tpu.dma_semaphore, #tpu.memory_space<semaphore_mem>>
      %dma_wait3A_1240 = tpu.memref_squeeze %dma_wait3A_1239 : memref<1x!tpu.dma_semaphore, #tpu.memory_space<semaphore_mem>> -> memref<!tpu.dma_semaphore, #tpu.memory_space<semaphore_mem>>
      tpu.wait_indirect_dma semaphore(%dma_wait3A_1240 : memref<!tpu.dma_semaphore, #tpu.memory_space<semaphore_mem>>) src(%dma_wait3A_1233 : memref<48xf32, #tpu.memory_space<vmem>>) dst(%dma_wait3A_1238 : memref<10240xf32, #tpu.memory_space<vmem_shared>>)
      %add3A_1241 = arith.constant 2 : i32
      %add3A_1242 = arith.addi %add3A_1216, %add3A_1241 : i32
      %dma_start3A_1243 = arith.constant 2 : i32
      %dma_start3A_1244 = arith.constant 2 : i32
      %dma_start3A_1245 = arith.constant 0 : i32
      %dma_start3A_1246 = tpu.memref_slice %arg8[%dma_start3A_1243, %dma_start3A_1245] : memref<4x48xi32, #tpu.memory_space<vmem>> -> memref<1x48xi32, #tpu.memory_space<vmem>>
      %dma_start3A_1247 = tpu.memref_squeeze %dma_start3A_1246 : memref<1x48xi32, #tpu.memory_space<vmem>> -> memref<48xi32, #tpu.memory_space<vmem>>
      %dma_start3A_1248 = arith.constant 0 : i32
      %dma_start3A_1249 = tpu.memref_slice %arg4[%add3A, %add3A_1242, %dma_start3A_1248] : memref<32x210x48xi32, #tpu.memory_space<hbm>> -> memref<1x1x48xi32, #tpu.memory_space<hbm>>
      %dma_start3A_1250 = tpu.memref_squeeze %dma_start3A_1249 : memref<1x1x48xi32, #tpu.memory_space<hbm>> -> memref<48xi32, #tpu.memory_space<hbm>>
      %dma_start3A_1251 = tpu.memref_slice %arg19[%dma_start3A_1244] : memref<4x!tpu.dma_semaphore, #tpu.memory_space<semaphore_mem>> -> memref<1x!tpu.dma_semaphore, #tpu.memory_space<semaphore_mem>>
      %dma_start3A_1252 = tpu.memref_squeeze %dma_start3A_1251 : memref<1x!tpu.dma_semaphore, #tpu.memory_space<semaphore_mem>> -> memref<!tpu.dma_semaphore, #tpu.memory_space<semaphore_mem>>
      %dma_start3A_1253 = arith.constant 0 : i32
      %dma_start3A_1254 = tpu.memref_slice %arg8[%dma_start3A_1243, %dma_start3A_1253] : memref<4x48xi32, #tpu.memory_space<vmem>> -> memref<1x48xi32, #tpu.memory_space<vmem>>
      %dma_start3A_1255 = tpu.memref_squeeze %dma_start3A_1254 : memref<1x48xi32, #tpu.memory_space<vmem>> -> memref<48xi32, #tpu.memory_space<vmem>>
      %dma_start3A_1256 = arith.constant 0 : i32
      %dma_start3A_1257 = tpu.memref_slice %arg4[%add3A, %add3A_1242, %dma_start3A_1256] : memref<32x210x48xi32, #tpu.memory_space<hbm>> -> memref<1x1x48xi32, #tpu.memory_space<hbm>>
      %dma_start3A_1258 = tpu.memref_squeeze %dma_start3A_1257 : memref<1x1x48xi32, #tpu.memory_space<hbm>> -> memref<48xi32, #tpu.memory_space<hbm>>
      tpu.enqueue_dma source(%dma_start3A_1258 : memref<48xi32, #tpu.memory_space<hbm>>) target(%dma_start3A_1255 : memref<48xi32, #tpu.memory_space<vmem>>) target_semaphore(%dma_start3A_1252 : memref<!tpu.dma_semaphore, #tpu.memory_space<semaphore_mem>>)
      %add3A_1259 = arith.constant 2 : i32
      %add3A_1260 = arith.addi %add3A_1216, %add3A_1259 : i32
      %dma_start3A_1261 = arith.constant 2 : i32
      %dma_start3A_1262 = arith.constant 2 : i32
      %dma_start3A_1263 = arith.constant 0 : i32
      %dma_start3A_1264 = tpu.memref_slice %arg9[%dma_start3A_1261, %dma_start3A_1263] : memref<4x48xi32, #tpu.memory_space<vmem>> -> memref<1x48xi32, #tpu.memory_space<vmem>>
      %dma_start3A_1265 = tpu.memref_squeeze %dma_start3A_1264 : memref<1x48xi32, #tpu.memory_space<vmem>> -> memref<48xi32, #tpu.memory_space<vmem>>
      %dma_start3A_1266 = arith.constant 0 : i32
      %dma_start3A_1267 = tpu.memref_slice %arg5[%add3A, %add3A_1260, %dma_start3A_1266] : memref<32x210x48xi32, #tpu.memory_space<hbm>> -> memref<1x1x48xi32, #tpu.memory_space<hbm>>
      %dma_start3A_1268 = tpu.memref_squeeze %dma_start3A_1267 : memref<1x1x48xi32, #tpu.memory_space<hbm>> -> memref<48xi32, #tpu.memory_space<hbm>>
      %dma_start3A_1269 = tpu.memref_slice %arg19[%dma_start3A_1262] : memref<4x!tpu.dma_semaphore, #tpu.memory_space<semaphore_mem>> -> memref<1x!tpu.dma_semaphore, #tpu.memory_space<semaphore_mem>>
      %dma_start3A_1270 = tpu.memref_squeeze %dma_start3A_1269 : memref<1x!tpu.dma_semaphore, #tpu.memory_space<semaphore_mem>> -> memref<!tpu.dma_semaphore, #tpu.memory_space<semaphore_mem>>
      %dma_start3A_1271 = arith.constant 0 : i32
      %dma_start3A_1272 = tpu.memref_slice %arg9[%dma_start3A_1261, %dma_start3A_1271] : memref<4x48xi32, #tpu.memory_space<vmem>> -> memref<1x48xi32, #tpu.memory_space<vmem>>
      %dma_start3A_1273 = tpu.memref_squeeze %dma_start3A_1272 : memref<1x48xi32, #tpu.memory_space<vmem>> -> memref<48xi32, #tpu.memory_space<vmem>>
      %dma_start3A_1274 = arith.constant 0 : i32
      %dma_start3A_1275 = tpu.memref_slice %arg5[%add3A, %add3A_1260, %dma_start3A_1274] : memref<32x210x48xi32, #tpu.memory_space<hbm>> -> memref<1x1x48xi32, #tpu.memory_space<hbm>>
      %dma_start3A_1276 = tpu.memref_squeeze %dma_start3A_1275 : memref<1x1x48xi32, #tpu.memory_space<hbm>> -> memref<48xi32, #tpu.memory_space<hbm>>
      tpu.enqueue_dma source(%dma_start3A_1276 : memref<48xi32, #tpu.memory_space<hbm>>) target(%dma_start3A_1273 : memref<48xi32, #tpu.memory_space<vmem>>) target_semaphore(%dma_start3A_1270 : memref<!tpu.dma_semaphore, #tpu.memory_space<semaphore_mem>>)
      %dma_wait3A_1277 = arith.constant 0 : i32
      %dma_wait3A_1278 = arith.constant 0 : i32
      %dma_wait3A_1279 = arith.constant 0 : i32
      %dma_wait3A_1280 = arith.constant 0 : i32
      %dma_wait3A_1281 = tpu.memref_slice %arg13[%dma_wait3A_1279, %dma_wait3A_1280] : memref<192x128xf32, #tpu.memory_space<vmem>> -> memref<48x128xf32, #tpu.memory_space<vmem>>
      %dma_wait3A_1282 = arith.constant 0 : i32
      %dma_wait3A_1283 = tpu.memref_slice %arg8[%dma_wait3A_1277, %dma_wait3A_1282] : memref<4x48xi32, #tpu.memory_space<vmem>> -> memref<1x48xi32, #tpu.memory_space<vmem>>
      %dma_wait3A_1284 = tpu.memref_squeeze %dma_wait3A_1283 : memref<1x48xi32, #tpu.memory_space<vmem>> -> memref<48xi32, #tpu.memory_space<vmem>>
      %dma_wait3A_1285 = arith.constant 0 : i32
      %dma_wait3A_1286 = arith.constant 0 : i32
      %dma_wait3A_1287 = tpu.memref_slice %arg2[%dma_wait3A_1285, %dma_wait3A_1286] : memref<10000x128xf32, #tpu.memory_space<hbm>> -> memref<10000x128xf32, #tpu.memory_space<hbm>>
      %dma_wait3A_1288 = tpu.memref_slice %arg17[%dma_wait3A_1278] : memref<4x!tpu.dma_semaphore, #tpu.memory_space<semaphore_mem>> -> memref<1x!tpu.dma_semaphore, #tpu.memory_space<semaphore_mem>>
      %dma_wait3A_1289 = tpu.memref_squeeze %dma_wait3A_1288 : memref<1x!tpu.dma_semaphore, #tpu.memory_space<semaphore_mem>> -> memref<!tpu.dma_semaphore, #tpu.memory_space<semaphore_mem>>
      tpu.wait_indirect_dma semaphore(%dma_wait3A_1289 : memref<!tpu.dma_semaphore, #tpu.memory_space<semaphore_mem>>) src(%dma_wait3A_1287 : memref<10000x128xf32, #tpu.memory_space<hbm>>) dst(%dma_wait3A_1281 : memref<48x128xf32, #tpu.memory_space<vmem>>)
      %get3A_1290 = arith.constant 0 : i32
      %get3A_1291 = arith.index_cast %get3A_1290 : i32 to index
      %get3A_1292 = arith.constant 0 : index
      %get3A_1293 = tpu.vector_load %arg8[%get3A_1291, %get3A_1292] {strides = array<i32>} : memref<4x48xi32, #tpu.memory_space<vmem>>, vector<16xi32>,
      %get3A_1294 = arith.constant 0 : i32
      %get3A_1295 = arith.index_cast %get3A_1294 : i32 to index
      %get3A_1296 = arith.constant 0 : index
      %get3A_1297 = tpu.vector_load %arg9[%get3A_1295, %get3A_1296] {strides = array<i32>} : memref<4x48xi32, #tpu.memory_space<vmem>>, vector<16xi32>,
      %gather3A_1298 = tpu.vector_load_idx %arg10[%get3A_1293] : memref<10240xf32, #tpu.memory_space<vmem>>[vector<16xi32>], vector<16xf32>,
      %gather3A_1299 = tpu.vector_load_idx %arg11[%get3A_1297] : memref<10240xf32, #tpu.memory_space<vmem>>[vector<16xi32>], vector<16xf32>,
      %add3A_1300 = arith.addf %gather3A_1298, %gather3A_1299 : vector<16xf32>
      %gt3A_1301 = arith.constant 0.000000e+00 : f32
      %gt3A_1302 = vector.broadcast %gt3A_1301 : f32 to vector<16xf32>
      %gt3A_1303 = arith.cmpf ogt, %add3A_1300, %gt3A_1302 : vector<16xf32>
      %mul3A_1304 = arith.constant 2.000000e-01 : f32
      %mul3A_1305 = vector.broadcast %mul3A_1304 : f32 to vector<16xf32>
      %mul3A_1306 = arith.mulf %mul3A_1305, %add3A_1300 : vector<16xf32>
      %select_n3A_1307 = arith.select %gt3A_1303, %add3A_1300, %mul3A_1306 : vector<16xi1>, vector<16xf32>
      %exp3A_1308 = math.exp %select_n3A_1307 : vector<16xf32>
      %swap3A_1309 = arith.constant 0 : index
      %swap3A_1310 = tpu.vector_load %arg12[%swap3A_1309] {strides = array<i32>} : memref<96xf32, #tpu.memory_space<vmem>>, vector<16xf32>,
      tpu.vector_store %arg12[%swap3A_1309], %exp3A_1308 {strides = array<i32>} : memref<96xf32, #tpu.memory_space<vmem>>, vector<16xf32>,
      %get3A_1311 = arith.constant 0 : i32
      %get3A_1312 = arith.index_cast %get3A_1311 : i32 to index
      %get3A_1313 = arith.constant 16 : index
      %get3A_1314 = tpu.vector_load %arg8[%get3A_1312, %get3A_1313] {strides = array<i32>} : memref<4x48xi32, #tpu.memory_space<vmem>>, vector<16xi32>,
      %get3A_1315 = arith.constant 0 : i32
      %get3A_1316 = arith.index_cast %get3A_1315 : i32 to index
      %get3A_1317 = arith.constant 16 : index
      %get3A_1318 = tpu.vector_load %arg9[%get3A_1316, %get3A_1317] {strides = array<i32>} : memref<4x48xi32, #tpu.memory_space<vmem>>, vector<16xi32>,
      %gather3A_1319 = tpu.vector_load_idx %arg10[%get3A_1314] : memref<10240xf32, #tpu.memory_space<vmem>>[vector<16xi32>], vector<16xf32>,
      %gather3A_1320 = tpu.vector_load_idx %arg11[%get3A_1318] : memref<10240xf32, #tpu.memory_space<vmem>>[vector<16xi32>], vector<16xf32>,
      %add3A_1321 = arith.addf %gather3A_1319, %gather3A_1320 : vector<16xf32>
      %gt3A_1322 = arith.constant 0.000000e+00 : f32
      %gt3A_1323 = vector.broadcast %gt3A_1322 : f32 to vector<16xf32>
      %gt3A_1324 = arith.cmpf ogt, %add3A_1321, %gt3A_1323 : vector<16xf32>
      %mul3A_1325 = arith.constant 2.000000e-01 : f32
      %mul3A_1326 = vector.broadcast %mul3A_1325 : f32 to vector<16xf32>
      %mul3A_1327 = arith.mulf %mul3A_1326, %add3A_1321 : vector<16xf32>
      %select_n3A_1328 = arith.select %gt3A_1324, %add3A_1321, %mul3A_1327 : vector<16xi1>, vector<16xf32>
      %exp3A_1329 = math.exp %select_n3A_1328 : vector<16xf32>
      %swap3A_1330 = arith.constant 16 : index
      %swap3A_1331 = tpu.vector_load %arg12[%swap3A_1330] {strides = array<i32>} : memref<96xf32, #tpu.memory_space<vmem>>, vector<16xf32>,
      tpu.vector_store %arg12[%swap3A_1330], %exp3A_1329 {strides = array<i32>} : memref<96xf32, #tpu.memory_space<vmem>>, vector<16xf32>,
      %get3A_1332 = arith.constant 0 : i32
      %get3A_1333 = arith.index_cast %get3A_1332 : i32 to index
      %get3A_1334 = arith.constant 32 : index
      %get3A_1335 = tpu.vector_load %arg8[%get3A_1333, %get3A_1334] {strides = array<i32>} : memref<4x48xi32, #tpu.memory_space<vmem>>, vector<16xi32>,
      %get3A_1336 = arith.constant 0 : i32
      %get3A_1337 = arith.index_cast %get3A_1336 : i32 to index
      %get3A_1338 = arith.constant 32 : index
      %get3A_1339 = tpu.vector_load %arg9[%get3A_1337, %get3A_1338] {strides = array<i32>} : memref<4x48xi32, #tpu.memory_space<vmem>>, vector<16xi32>,
      %gather3A_1340 = tpu.vector_load_idx %arg10[%get3A_1335] : memref<10240xf32, #tpu.memory_space<vmem>>[vector<16xi32>], vector<16xf32>,
      %gather3A_1341 = tpu.vector_load_idx %arg11[%get3A_1339] : memref<10240xf32, #tpu.memory_space<vmem>>[vector<16xi32>], vector<16xf32>,
      %add3A_1342 = arith.addf %gather3A_1340, %gather3A_1341 : vector<16xf32>
      %gt3A_1343 = arith.constant 0.000000e+00 : f32
      %gt3A_1344 = vector.broadcast %gt3A_1343 : f32 to vector<16xf32>
      %gt3A_1345 = arith.cmpf ogt, %add3A_1342, %gt3A_1344 : vector<16xf32>
      %mul3A_1346 = arith.constant 2.000000e-01 : f32
      %mul3A_1347 = vector.broadcast %mul3A_1346 : f32 to vector<16xf32>
      %mul3A_1348 = arith.mulf %mul3A_1347, %add3A_1342 : vector<16xf32>
      %select_n3A_1349 = arith.select %gt3A_1345, %add3A_1342, %mul3A_1348 : vector<16xi1>, vector<16xf32>
      %exp3A_1350 = math.exp %select_n3A_1349 : vector<16xf32>
      %swap3A_1351 = arith.constant 32 : index
      %swap3A_1352 = tpu.vector_load %arg12[%swap3A_1351] {strides = array<i32>} : memref<96xf32, #tpu.memory_space<vmem>>, vector<16xf32>,
      tpu.vector_store %arg12[%swap3A_1351], %exp3A_1350 {strides = array<i32>} : memref<96xf32, #tpu.memory_space<vmem>>, vector<16xf32>,
      %dma_start3A_1353 = arith.constant 0 : i32
      %dma_start3A_1354 = arith.constant 0 : i32
      %dma_start3A_1355 = arith.constant 0 : i32
      %dma_start3A_1356 = tpu.memref_slice %arg12[%dma_start3A_1355] : memref<96xf32, #tpu.memory_space<vmem>> -> memref<48xf32, #tpu.memory_space<vmem>>
      %dma_start3A_1357 = arith.constant 0 : i32
      %dma_start3A_1358 = tpu.memref_slice %arg9[%dma_start3A_1353, %dma_start3A_1357] : memref<4x48xi32, #tpu.memory_space<vmem>> -> memref<1x48xi32, #tpu.memory_space<vmem>>
      %dma_start3A_1359 = tpu.memref_squeeze %dma_start3A_1358 : memref<1x48xi32, #tpu.memory_space<vmem>> -> memref<48xi32, #tpu.memory_space<vmem>>
      %dma_start3A_1360 = arith.constant 0 : i32
      %dma_start3A_1361 = tpu.memref_slice %arg16[%dma_start3A_1360] : memref<10240xf32, #tpu.memory_space<vmem_shared>> -> memref<10240xf32, #tpu.memory_space<vmem_shared>>
      %dma_start3A_1362 = tpu.memref_slice %arg20[%dma_start3A_1354] : memref<2x!tpu.dma_semaphore, #tpu.memory_space<semaphore_mem>> -> memref<1x!tpu.dma_semaphore, #tpu.memory_space<semaphore_mem>>
      %dma_start3A_1363 = tpu.memref_squeeze %dma_start3A_1362 : memref<1x!tpu.dma_semaphore, #tpu.memory_space<semaphore_mem>> -> memref<!tpu.dma_semaphore, #tpu.memory_space<semaphore_mem>>
      tpu.enqueue_indirect_dma source(%dma_start3A_1356 : memref<48xf32, #tpu.memory_space<vmem>>) target(%dma_start3A_1361 : memref<10240xf32, #tpu.memory_space<vmem_shared>>) offsets(%dma_start3A_1359 : memref<48xi32, #tpu.memory_space<vmem>>) semaphore(%dma_start3A_1363 : memref<!tpu.dma_semaphore, #tpu.memory_space<semaphore_mem>>) {add = true}
      %scan3A_1364 = arith.constant 0 : i32
      %scan3A_1365 = arith.constant 48 : i32
      %scan3A_1366 = arith.addi %scan3A_1364, %scan3A_1365 : i32
      %scan3A_1367 = arith.constant 1 : i32
      scf.for %scan3A_2085 = %scan3A_1364 to %scan3A_1366 step %scan3A_1367  : i32 {
        %mul3A_2086 = arith.constant 1 : i32
        %mul3A_2087 = arith.muli %scan3A_2085, %mul3A_2086 : i32
        %add3A_2088 = arith.constant 0 : i32
        %add3A_2089 = arith.addi %add3A_2088, %mul3A_2087 : i32
        %add3A_2090 = arith.constant 0 : i32
        %add3A_2091 = arith.addi %add3A_2090, %add3A_2089 : i32
        %broadcast_in_dim3A_2092 = vector.broadcast %add3A_2091 : i32 to vector<16xi32>
        %gather3A_2093 = tpu.vector_load_idx %arg12[%broadcast_in_dim3A_2092] : memref<96xf32, #tpu.memory_space<vmem>>[vector<16xi32>], vector<16xf32>,
        %add3A_2094 = arith.constant 0 : i32
        %add3A_2095 = arith.addi %add3A_2094, %add3A_2089 : i32
        %get3A_2096 = arith.index_cast %add3A_2095 : i32 to index
        %get3A_2097 = arith.constant 0 : index
        %get3A_2098 = tpu.vector_load %arg13[%get3A_2096, %get3A_2097] {strides = array<i32>} : memref<192x128xf32, #tpu.memory_space<vmem>>, vector<16xf32>,
        %mul3A_2099 = arith.mulf %get3A_2098, %gather3A_2093 : vector<16xf32>
        %swap3A_2100 = arith.index_cast %add3A_2095 : i32 to index
        %swap3A_2101 = arith.constant 0 : index
        %swap3A_2102 = tpu.vector_load %arg13[%swap3A_2100, %swap3A_2101] {strides = array<i32>} : memref<192x128xf32, #tpu.memory_space<vmem>>, vector<16xf32>,
        tpu.vector_store %arg13[%swap3A_2100, %swap3A_2101], %mul3A_2099 {strides = array<i32>} : memref<192x128xf32, #tpu.memory_space<vmem>>, vector<16xf32>,
        %get3A_2103 = arith.index_cast %add3A_2095 : i32 to index
        %get3A_2104 = arith.constant 16 : index
        %get3A_2105 = tpu.vector_load %arg13[%get3A_2103, %get3A_2104] {strides = array<i32>} : memref<192x128xf32, #tpu.memory_space<vmem>>, vector<16xf32>,
        %mul3A_2106 = arith.mulf %get3A_2105, %gather3A_2093 : vector<16xf32>
        %swap3A_2107 = arith.index_cast %add3A_2095 : i32 to index
        %swap3A_2108 = arith.constant 16 : index
        %swap3A_2109 = tpu.vector_load %arg13[%swap3A_2107, %swap3A_2108] {strides = array<i32>} : memref<192x128xf32, #tpu.memory_space<vmem>>, vector<16xf32>,
        tpu.vector_store %arg13[%swap3A_2107, %swap3A_2108], %mul3A_2106 {strides = array<i32>} : memref<192x128xf32, #tpu.memory_space<vmem>>, vector<16xf32>,
        %get3A_2110 = arith.index_cast %add3A_2095 : i32 to index
        %get3A_2111 = arith.constant 32 : index
        %get3A_2112 = tpu.vector_load %arg13[%get3A_2110, %get3A_2111] {strides = array<i32>} : memref<192x128xf32, #tpu.memory_space<vmem>>, vector<16xf32>,
        %mul3A_2113 = arith.mulf %get3A_2112, %gather3A_2093 : vector<16xf32>
        %swap3A_2114 = arith.index_cast %add3A_2095 : i32 to index
        %swap3A_2115 = arith.constant 32 : index
        %swap3A_2116 = tpu.vector_load %arg13[%swap3A_2114, %swap3A_2115] {strides = array<i32>} : memref<192x128xf32, #tpu.memory_space<vmem>>, vector<16xf32>,
        tpu.vector_store %arg13[%swap3A_2114, %swap3A_2115], %mul3A_2113 {strides = array<i32>} : memref<192x128xf32, #tpu.memory_space<vmem>>, vector<16xf32>,
        %get3A_2117 = arith.index_cast %add3A_2095 : i32 to index
        %get3A_2118 = arith.constant 48 : index
        %get3A_2119 = tpu.vector_load %arg13[%get3A_2117, %get3A_2118] {strides = array<i32>} : memref<192x128xf32, #tpu.memory_space<vmem>>, vector<16xf32>,
        %mul3A_2120 = arith.mulf %get3A_2119, %gather3A_2093 : vector<16xf32>
        %swap3A_2121 = arith.index_cast %add3A_2095 : i32 to index
        %swap3A_2122 = arith.constant 48 : index
        %swap3A_2123 = tpu.vector_load %arg13[%swap3A_2121, %swap3A_2122] {strides = array<i32>} : memref<192x128xf32, #tpu.memory_space<vmem>>, vector<16xf32>,
        tpu.vector_store %arg13[%swap3A_2121, %swap3A_2122], %mul3A_2120 {strides = array<i32>} : memref<192x128xf32, #tpu.memory_space<vmem>>, vector<16xf32>,
        %get3A_2124 = arith.index_cast %add3A_2095 : i32 to index
        %get3A_2125 = arith.constant 64 : index
        %get3A_2126 = tpu.vector_load %arg13[%get3A_2124, %get3A_2125] {strides = array<i32>} : memref<192x128xf32, #tpu.memory_space<vmem>>, vector<16xf32>,
        %mul3A_2127 = arith.mulf %get3A_2126, %gather3A_2093 : vector<16xf32>
        %swap3A_2128 = arith.index_cast %add3A_2095 : i32 to index
        %swap3A_2129 = arith.constant 64 : index
        %swap3A_2130 = tpu.vector_load %arg13[%swap3A_2128, %swap3A_2129] {strides = array<i32>} : memref<192x128xf32, #tpu.memory_space<vmem>>, vector<16xf32>,
        tpu.vector_store %arg13[%swap3A_2128, %swap3A_2129], %mul3A_2127 {strides = array<i32>} : memref<192x128xf32, #tpu.memory_space<vmem>>, vector<16xf32>,
        %get3A_2131 = arith.index_cast %add3A_2095 : i32 to index
        %get3A_2132 = arith.constant 80 : index
        %get3A_2133 = tpu.vector_load %arg13[%get3A_2131, %get3A_2132] {strides = array<i32>} : memref<192x128xf32, #tpu.memory_space<vmem>>, vector<16xf32>,
        %mul3A_2134 = arith.mulf %get3A_2133, %gather3A_2093 : vector<16xf32>
        %swap3A_2135 = arith.index_cast %add3A_2095 : i32 to index
        %swap3A_2136 = arith.constant 80 : index
        %swap3A_2137 = tpu.vector_load %arg13[%swap3A_2135, %swap3A_2136] {strides = array<i32>} : memref<192x128xf32, #tpu.memory_space<vmem>>, vector<16xf32>,
        tpu.vector_store %arg13[%swap3A_2135, %swap3A_2136], %mul3A_2134 {strides = array<i32>} : memref<192x128xf32, #tpu.memory_space<vmem>>, vector<16xf32>,
        %get3A_2138 = arith.index_cast %add3A_2095 : i32 to index
        %get3A_2139 = arith.constant 96 : index
        %get3A_2140 = tpu.vector_load %arg13[%get3A_2138, %get3A_2139] {strides = array<i32>} : memref<192x128xf32, #tpu.memory_space<vmem>>, vector<16xf32>,
        %mul3A_2141 = arith.mulf %get3A_2140, %gather3A_2093 : vector<16xf32>
        %swap3A_2142 = arith.index_cast %add3A_2095 : i32 to index
        %swap3A_2143 = arith.constant 96 : index
        %swap3A_2144 = tpu.vector_load %arg13[%swap3A_2142, %swap3A_2143] {strides = array<i32>} : memref<192x128xf32, #tpu.memory_space<vmem>>, vector<16xf32>,
        tpu.vector_store %arg13[%swap3A_2142, %swap3A_2143], %mul3A_2141 {strides = array<i32>} : memref<192x128xf32, #tpu.memory_space<vmem>>, vector<16xf32>,
        %get3A_2145 = arith.index_cast %add3A_2095 : i32 to index
        %get3A_2146 = arith.constant 112 : index
        %get3A_2147 = tpu.vector_load %arg13[%get3A_2145, %get3A_2146] {strides = array<i32>} : memref<192x128xf32, #tpu.memory_space<vmem>>, vector<16xf32>,
        %mul3A_2148 = arith.mulf %get3A_2147, %gather3A_2093 : vector<16xf32>
        %swap3A_2149 = arith.index_cast %add3A_2095 : i32 to index
        %swap3A_2150 = arith.constant 112 : index
        %swap3A_2151 = tpu.vector_load %arg13[%swap3A_2149, %swap3A_2150] {strides = array<i32>} : memref<192x128xf32, #tpu.memory_space<vmem>>, vector<16xf32>,
        tpu.vector_store %arg13[%swap3A_2149, %swap3A_2150], %mul3A_2148 {strides = array<i32>} : memref<192x128xf32, #tpu.memory_space<vmem>>, vector<16xf32>,
      }
      %scan3A_1368 = arith.constant 48 : i32
      %add3A_1369 = arith.constant 2 : i32
      %add3A_1370 = arith.addi %add3A_1216, %add3A_1369 : i32
      %dma_wait3A_1371 = arith.constant 2 : i32
      %dma_wait3A_1372 = arith.constant 2 : i32
      %dma_wait3A_1373 = arith.constant 0 : i32
      %dma_wait3A_1374 = tpu.memref_slice %arg8[%dma_wait3A_1371, %dma_wait3A_1373] : memref<4x48xi32, #tpu.memory_space<vmem>> -> memref<1x48xi32, #tpu.memory_space<vmem>>
      %dma_wait3A_1375 = tpu.memref_squeeze %dma_wait3A_1374 : memref<1x48xi32, #tpu.memory_space<vmem>> -> memref<48xi32, #tpu.memory_space<vmem>>
      %dma_wait3A_1376 = arith.constant 0 : i32
      %dma_wait3A_1377 = tpu.memref_slice %arg4[%add3A, %add3A_1370, %dma_wait3A_1376] : memref<32x210x48xi32, #tpu.memory_space<hbm>> -> memref<1x1x48xi32, #tpu.memory_space<hbm>>
      %dma_wait3A_1378 = tpu.memref_squeeze %dma_wait3A_1377 : memref<1x1x48xi32, #tpu.memory_space<hbm>> -> memref<48xi32, #tpu.memory_space<hbm>>
      %dma_wait3A_1379 = tpu.memref_slice %arg19[%dma_wait3A_1372] : memref<4x!tpu.dma_semaphore, #tpu.memory_space<semaphore_mem>> -> memref<1x!tpu.dma_semaphore, #tpu.memory_space<semaphore_mem>>
      %dma_wait3A_1380 = tpu.memref_squeeze %dma_wait3A_1379 : memref<1x!tpu.dma_semaphore, #tpu.memory_space<semaphore_mem>> -> memref<!tpu.dma_semaphore, #tpu.memory_space<semaphore_mem>>
      %dma_wait3A_1381 = arith.constant 0 : i32
      %dma_wait3A_1382 = tpu.memref_slice %arg8[%dma_wait3A_1371, %dma_wait3A_1381] : memref<4x48xi32, #tpu.memory_space<vmem>> -> memref<1x48xi32, #tpu.memory_space<vmem>>
      %dma_wait3A_1383 = tpu.memref_squeeze %dma_wait3A_1382 : memref<1x48xi32, #tpu.memory_space<vmem>> -> memref<48xi32, #tpu.memory_space<vmem>>
      %dma_wait3A_1384 = arith.constant 0 : i32
      %dma_wait3A_1385 = tpu.memref_slice %arg4[%add3A, %add3A_1370, %dma_wait3A_1384] : memref<32x210x48xi32, #tpu.memory_space<hbm>> -> memref<1x1x48xi32, #tpu.memory_space<hbm>>
      %dma_wait3A_1386 = tpu.memref_squeeze %dma_wait3A_1385 : memref<1x1x48xi32, #tpu.memory_space<hbm>> -> memref<48xi32, #tpu.memory_space<hbm>>
      tpu.wait_dma2 semaphore(%dma_wait3A_1380 : memref<!tpu.dma_semaphore, #tpu.memory_space<semaphore_mem>>) src(%dma_wait3A_1386 : memref<48xi32, #tpu.memory_space<hbm>>) dst(%dma_wait3A_1383 : memref<48xi32, #tpu.memory_space<vmem>>)
      %add3A_1387 = arith.constant 2 : i32
      %add3A_1388 = arith.addi %add3A_1216, %add3A_1387 : i32
      %dma_wait3A_1389 = arith.constant 2 : i32
      %dma_wait3A_1390 = arith.constant 2 : i32
      %dma_wait3A_1391 = arith.constant 0 : i32
      %dma_wait3A_1392 = tpu.memref_slice %arg9[%dma_wait3A_1389, %dma_wait3A_1391] : memref<4x48xi32, #tpu.memory_space<vmem>> -> memref<1x48xi32, #tpu.memory_space<vmem>>
      %dma_wait3A_1393 = tpu.memref_squeeze %dma_wait3A_1392 : memref<1x48xi32, #tpu.memory_space<vmem>> -> memref<48xi32, #tpu.memory_space<vmem>>
      %dma_wait3A_1394 = arith.constant 0 : i32
      %dma_wait3A_1395 = tpu.memref_slice %arg5[%add3A, %add3A_1388, %dma_wait3A_1394] : memref<32x210x48xi32, #tpu.memory_space<hbm>> -> memref<1x1x48xi32, #tpu.memory_space<hbm>>
      %dma_wait3A_1396 = tpu.memref_squeeze %dma_wait3A_1395 : memref<1x1x48xi32, #tpu.memory_space<hbm>> -> memref<48xi32, #tpu.memory_space<hbm>>
      %dma_wait3A_1397 = tpu.memref_slice %arg19[%dma_wait3A_1390] : memref<4x!tpu.dma_semaphore, #tpu.memory_space<semaphore_mem>> -> memref<1x!tpu.dma_semaphore, #tpu.memory_space<semaphore_mem>>
      %dma_wait3A_1398 = tpu.memref_squeeze %dma_wait3A_1397 : memref<1x!tpu.dma_semaphore, #tpu.memory_space<semaphore_mem>> -> memref<!tpu.dma_semaphore, #tpu.memory_space<semaphore_mem>>
      %dma_wait3A_1399 = arith.constant 0 : i32
      %dma_wait3A_1400 = tpu.memref_slice %arg9[%dma_wait3A_1389, %dma_wait3A_1399] : memref<4x48xi32, #tpu.memory_space<vmem>> -> memref<1x48xi32, #tpu.memory_space<vmem>>
      %dma_wait3A_1401 = tpu.memref_squeeze %dma_wait3A_1400 : memref<1x48xi32, #tpu.memory_space<vmem>> -> memref<48xi32, #tpu.memory_space<vmem>>
      %dma_wait3A_1402 = arith.constant 0 : i32
      %dma_wait3A_1403 = tpu.memref_slice %arg5[%add3A, %add3A_1388, %dma_wait3A_1402] : memref<32x210x48xi32, #tpu.memory_space<hbm>> -> memref<1x1x48xi32, #tpu.memory_space<hbm>>
      %dma_wait3A_1404 = tpu.memref_squeeze %dma_wait3A_1403 : memref<1x1x48xi32, #tpu.memory_space<hbm>> -> memref<48xi32, #tpu.memory_space<hbm>>
      tpu.wait_dma2 semaphore(%dma_wait3A_1398 : memref<!tpu.dma_semaphore, #tpu.memory_space<semaphore_mem>>) src(%dma_wait3A_1404 : memref<48xi32, #tpu.memory_space<hbm>>) dst(%dma_wait3A_1401 : memref<48xi32, #tpu.memory_space<vmem>>)
      %dma_start3A_1405 = arith.constant 2 : i32
      %dma_start3A_1406 = arith.constant 2 : i32
      %dma_start3A_1407 = arith.constant 96 : i32
      %dma_start3A_1408 = arith.constant 0 : i32
      %dma_start3A_1409 = tpu.memref_slice %arg13[%dma_start3A_1407, %dma_start3A_1408] : memref<192x128xf32, #tpu.memory_space<vmem>> -> memref<48x128xf32, #tpu.memory_space<vmem>>
      %dma_start3A_1410 = arith.constant 0 : i32
      %dma_start3A_1411 = tpu.memref_slice %arg8[%dma_start3A_1405, %dma_start3A_1410] : memref<4x48xi32, #tpu.memory_space<vmem>> -> memref<1x48xi32, #tpu.memory_space<vmem>>
      %dma_start3A_1412 = tpu.memref_squeeze %dma_start3A_1411 : memref<1x48xi32, #tpu.memory_space<vmem>> -> memref<48xi32, #tpu.memory_space<vmem>>
      %dma_start3A_1413 = arith.constant 0 : i32
      %dma_start3A_1414 = arith.constant 0 : i32
      %dma_start3A_1415 = tpu.memref_slice %arg2[%dma_start3A_1413, %dma_start3A_1414] : memref<10000x128xf32, #tpu.memory_space<hbm>> -> memref<10000x128xf32, #tpu.memory_space<hbm>>
      %dma_start3A_1416 = tpu.memref_slice %arg17[%dma_start3A_1406] : memref<4x!tpu.dma_semaphore, #tpu.memory_space<semaphore_mem>> -> memref<1x!tpu.dma_semaphore, #tpu.memory_space<semaphore_mem>>
      %dma_start3A_1417 = tpu.memref_squeeze %dma_start3A_1416 : memref<1x!tpu.dma_semaphore, #tpu.memory_space<semaphore_mem>> -> memref<!tpu.dma_semaphore, #tpu.memory_space<semaphore_mem>>
      tpu.enqueue_indirect_dma source(%dma_start3A_1415 : memref<10000x128xf32, #tpu.memory_space<hbm>>) target(%dma_start3A_1409 : memref<48x128xf32, #tpu.memory_space<vmem>>) offsets(%dma_start3A_1412 : memref<48xi32, #tpu.memory_space<vmem>>) semaphore(%dma_start3A_1417 : memref<!tpu.dma_semaphore, #tpu.memory_space<semaphore_mem>>)
      %dma_start3A_1418 = arith.constant 0 : i32
      %dma_start3A_1419 = arith.constant 0 : i32
      %dma_start3A_1420 = arith.constant 0 : i32
      %dma_start3A_1421 = arith.constant 0 : i32
      %dma_start3A_1422 = tpu.memref_slice %arg13[%dma_start3A_1420, %dma_start3A_1421] : memref<192x128xf32, #tpu.memory_space<vmem>> -> memref<48x128xf32, #tpu.memory_space<vmem>>
      %dma_start3A_1423 = arith.constant 0 : i32
      %dma_start3A_1424 = tpu.memref_slice %arg9[%dma_start3A_1418, %dma_start3A_1423] : memref<4x48xi32, #tpu.memory_space<vmem>> -> memref<1x48xi32, #tpu.memory_space<vmem>>
      %dma_start3A_1425 = tpu.memref_squeeze %dma_start3A_1424 : memref<1x48xi32, #tpu.memory_space<vmem>> -> memref<48xi32, #tpu.memory_space<vmem>>
      %dma_start3A_1426 = arith.constant 0 : i32
      %dma_start3A_1427 = arith.constant 0 : i32
      %dma_start3A_1428 = tpu.memref_slice %arg15[%dma_start3A_1426, %dma_start3A_1427] : memref<10240x128xf32, #tpu.memory_space<vmem_shared>> -> memref<10240x128xf32, #tpu.memory_space<vmem_shared>>
      %dma_start3A_1429 = tpu.memref_slice %arg18[%dma_start3A_1419] : memref<4x!tpu.dma_semaphore, #tpu.memory_space<semaphore_mem>> -> memref<1x!tpu.dma_semaphore, #tpu.memory_space<semaphore_mem>>
      %dma_start3A_1430 = tpu.memref_squeeze %dma_start3A_1429 : memref<1x!tpu.dma_semaphore, #tpu.memory_space<semaphore_mem>> -> memref<!tpu.dma_semaphore, #tpu.memory_space<semaphore_mem>>
      tpu.enqueue_indirect_dma source(%dma_start3A_1422 : memref<48x128xf32, #tpu.memory_space<vmem>>) target(%dma_start3A_1428 : memref<10240x128xf32, #tpu.memory_space<vmem_shared>>) offsets(%dma_start3A_1425 : memref<48xi32, #tpu.memory_space<vmem>>) semaphore(%dma_start3A_1430 : memref<!tpu.dma_semaphore, #tpu.memory_space<semaphore_mem>>) {add = true}
      %mul3A_1431 = arith.constant 4 : i32
      %mul3A_1432 = arith.muli %mul3A_1431, %add3A_1212 : i32
      %add3A_1433 = arith.constant 1 : i32
      %add3A_1434 = arith.addi %mul3A_1432, %add3A_1433 : i32
      %dma_wait3A_1435 = arith.constant 3 : i32
      %dma_wait3A_1436 = arith.constant 3 : i32
      %dma_wait3A_1437 = arith.constant 144 : i32
      %dma_wait3A_1438 = arith.constant 0 : i32
      %dma_wait3A_1439 = tpu.memref_slice %arg13[%dma_wait3A_1437, %dma_wait3A_1438] : memref<192x128xf32, #tpu.memory_space<vmem>> -> memref<48x128xf32, #tpu.memory_space<vmem>>
      %dma_wait3A_1440 = arith.constant 0 : i32
      %dma_wait3A_1441 = tpu.memref_slice %arg9[%dma_wait3A_1435, %dma_wait3A_1440] : memref<4x48xi32, #tpu.memory_space<vmem>> -> memref<1x48xi32, #tpu.memory_space<vmem>>
      %dma_wait3A_1442 = tpu.memref_squeeze %dma_wait3A_1441 : memref<1x48xi32, #tpu.memory_space<vmem>> -> memref<48xi32, #tpu.memory_space<vmem>>
      %dma_wait3A_1443 = arith.constant 0 : i32
      %dma_wait3A_1444 = arith.constant 0 : i32
      %dma_wait3A_1445 = tpu.memref_slice %arg15[%dma_wait3A_1443, %dma_wait3A_1444] : memref<10240x128xf32, #tpu.memory_space<vmem_shared>> -> memref<10240x128xf32, #tpu.memory_space<vmem_shared>>
      %dma_wait3A_1446 = tpu.memref_slice %arg18[%dma_wait3A_1436] : memref<4x!tpu.dma_semaphore, #tpu.memory_space<semaphore_mem>> -> memref<1x!tpu.dma_semaphore, #tpu.memory_space<semaphore_mem>>
      %dma_wait3A_1447 = tpu.memref_squeeze %dma_wait3A_1446 : memref<1x!tpu.dma_semaphore, #tpu.memory_space<semaphore_mem>> -> memref<!tpu.dma_semaphore, #tpu.memory_space<semaphore_mem>>
      tpu.wait_indirect_dma semaphore(%dma_wait3A_1447 : memref<!tpu.dma_semaphore, #tpu.memory_space<semaphore_mem>>) src(%dma_wait3A_1439 : memref<48x128xf32, #tpu.memory_space<vmem>>) dst(%dma_wait3A_1445 : memref<10240x128xf32, #tpu.memory_space<vmem_shared>>)
      %dma_wait3A_1448 = arith.constant 3 : i32
      %dma_wait3A_1449 = arith.constant 1 : i32
      %dma_wait3A_1450 = arith.constant 48 : i32
      %dma_wait3A_1451 = tpu.memref_slice %arg12[%dma_wait3A_1450] : memref<96xf32, #tpu.memory_space<vmem>> -> memref<48xf32, #tpu.memory_space<vmem>>
      %dma_wait3A_1452 = arith.constant 0 : i32
      %dma_wait3A_1453 = tpu.memref_slice %arg9[%dma_wait3A_1448, %dma_wait3A_1452] : memref<4x48xi32, #tpu.memory_space<vmem>> -> memref<1x48xi32, #tpu.memory_space<vmem>>
      %dma_wait3A_1454 = tpu.memref_squeeze %dma_wait3A_1453 : memref<1x48xi32, #tpu.memory_space<vmem>> -> memref<48xi32, #tpu.memory_space<vmem>>
      %dma_wait3A_1455 = arith.constant 0 : i32
      %dma_wait3A_1456 = tpu.memref_slice %arg16[%dma_wait3A_1455] : memref<10240xf32, #tpu.memory_space<vmem_shared>> -> memref<10240xf32, #tpu.memory_space<vmem_shared>>
      %dma_wait3A_1457 = tpu.memref_slice %arg20[%dma_wait3A_1449] : memref<2x!tpu.dma_semaphore, #tpu.memory_space<semaphore_mem>> -> memref<1x!tpu.dma_semaphore, #tpu.memory_space<semaphore_mem>>
      %dma_wait3A_1458 = tpu.memref_squeeze %dma_wait3A_1457 : memref<1x!tpu.dma_semaphore, #tpu.memory_space<semaphore_mem>> -> memref<!tpu.dma_semaphore, #tpu.memory_space<semaphore_mem>>
      tpu.wait_indirect_dma semaphore(%dma_wait3A_1458 : memref<!tpu.dma_semaphore, #tpu.memory_space<semaphore_mem>>) src(%dma_wait3A_1451 : memref<48xf32, #tpu.memory_space<vmem>>) dst(%dma_wait3A_1456 : memref<10240xf32, #tpu.memory_space<vmem_shared>>)
      %add3A_1459 = arith.constant 2 : i32
      %add3A_1460 = arith.addi %add3A_1434, %add3A_1459 : i32
      %dma_start3A_1461 = arith.constant 3 : i32
      %dma_start3A_1462 = arith.constant 3 : i32
      %dma_start3A_1463 = arith.constant 0 : i32
      %dma_start3A_1464 = tpu.memref_slice %arg8[%dma_start3A_1461, %dma_start3A_1463] : memref<4x48xi32, #tpu.memory_space<vmem>> -> memref<1x48xi32, #tpu.memory_space<vmem>>
      %dma_start3A_1465 = tpu.memref_squeeze %dma_start3A_1464 : memref<1x48xi32, #tpu.memory_space<vmem>> -> memref<48xi32, #tpu.memory_space<vmem>>
      %dma_start3A_1466 = arith.constant 0 : i32
      %dma_start3A_1467 = tpu.memref_slice %arg4[%add3A, %add3A_1460, %dma_start3A_1466] : memref<32x210x48xi32, #tpu.memory_space<hbm>> -> memref<1x1x48xi32, #tpu.memory_space<hbm>>
      %dma_start3A_1468 = tpu.memref_squeeze %dma_start3A_1467 : memref<1x1x48xi32, #tpu.memory_space<hbm>> -> memref<48xi32, #tpu.memory_space<hbm>>
      %dma_start3A_1469 = tpu.memref_slice %arg19[%dma_start3A_1462] : memref<4x!tpu.dma_semaphore, #tpu.memory_space<semaphore_mem>> -> memref<1x!tpu.dma_semaphore, #tpu.memory_space<semaphore_mem>>
      %dma_start3A_1470 = tpu.memref_squeeze %dma_start3A_1469 : memref<1x!tpu.dma_semaphore, #tpu.memory_space<semaphore_mem>> -> memref<!tpu.dma_semaphore, #tpu.memory_space<semaphore_mem>>
      %dma_start3A_1471 = arith.constant 0 : i32
      %dma_start3A_1472 = tpu.memref_slice %arg8[%dma_start3A_1461, %dma_start3A_1471] : memref<4x48xi32, #tpu.memory_space<vmem>> -> memref<1x48xi32, #tpu.memory_space<vmem>>
      %dma_start3A_1473 = tpu.memref_squeeze %dma_start3A_1472 : memref<1x48xi32, #tpu.memory_space<vmem>> -> memref<48xi32, #tpu.memory_space<vmem>>
      %dma_start3A_1474 = arith.constant 0 : i32
      %dma_start3A_1475 = tpu.memref_slice %arg4[%add3A, %add3A_1460, %dma_start3A_1474] : memref<32x210x48xi32, #tpu.memory_space<hbm>> -> memref<1x1x48xi32, #tpu.memory_space<hbm>>
      %dma_start3A_1476 = tpu.memref_squeeze %dma_start3A_1475 : memref<1x1x48xi32, #tpu.memory_space<hbm>> -> memref<48xi32, #tpu.memory_space<hbm>>
      tpu.enqueue_dma source(%dma_start3A_1476 : memref<48xi32, #tpu.memory_space<hbm>>) target(%dma_start3A_1473 : memref<48xi32, #tpu.memory_space<vmem>>) target_semaphore(%dma_start3A_1470 : memref<!tpu.dma_semaphore, #tpu.memory_space<semaphore_mem>>)
      %add3A_1477 = arith.constant 2 : i32
      %add3A_1478 = arith.addi %add3A_1434, %add3A_1477 : i32
      %dma_start3A_1479 = arith.constant 3 : i32
      %dma_start3A_1480 = arith.constant 3 : i32
      %dma_start3A_1481 = arith.constant 0 : i32
      %dma_start3A_1482 = tpu.memref_slice %arg9[%dma_start3A_1479, %dma_start3A_1481] : memref<4x48xi32, #tpu.memory_space<vmem>> -> memref<1x48xi32, #tpu.memory_space<vmem>>
      %dma_start3A_1483 = tpu.memref_squeeze %dma_start3A_1482 : memref<1x48xi32, #tpu.memory_space<vmem>> -> memref<48xi32, #tpu.memory_space<vmem>>
      %dma_start3A_1484 = arith.constant 0 : i32
      %dma_start3A_1485 = tpu.memref_slice %arg5[%add3A, %add3A_1478, %dma_start3A_1484] : memref<32x210x48xi32, #tpu.memory_space<hbm>> -> memref<1x1x48xi32, #tpu.memory_space<hbm>>
      %dma_start3A_1486 = tpu.memref_squeeze %dma_start3A_1485 : memref<1x1x48xi32, #tpu.memory_space<hbm>> -> memref<48xi32, #tpu.memory_space<hbm>>
      %dma_start3A_1487 = tpu.memref_slice %arg19[%dma_start3A_1480] : memref<4x!tpu.dma_semaphore, #tpu.memory_space<semaphore_mem>> -> memref<1x!tpu.dma_semaphore, #tpu.memory_space<semaphore_mem>>
      %dma_start3A_1488 = tpu.memref_squeeze %dma_start3A_1487 : memref<1x!tpu.dma_semaphore, #tpu.memory_space<semaphore_mem>> -> memref<!tpu.dma_semaphore, #tpu.memory_space<semaphore_mem>>
      %dma_start3A_1489 = arith.constant 0 : i32
      %dma_start3A_1490 = tpu.memref_slice %arg9[%dma_start3A_1479, %dma_start3A_1489] : memref<4x48xi32, #tpu.memory_space<vmem>> -> memref<1x48xi32, #tpu.memory_space<vmem>>
      %dma_start3A_1491 = tpu.memref_squeeze %dma_start3A_1490 : memref<1x48xi32, #tpu.memory_space<vmem>> -> memref<48xi32, #tpu.memory_space<vmem>>
      %dma_start3A_1492 = arith.constant 0 : i32
      %dma_start3A_1493 = tpu.memref_slice %arg5[%add3A, %add3A_1478, %dma_start3A_1492] : memref<32x210x48xi32, #tpu.memory_space<hbm>> -> memref<1x1x48xi32, #tpu.memory_space<hbm>>
      %dma_start3A_1494 = tpu.memref_squeeze %dma_start3A_1493 : memref<1x1x48xi32, #tpu.memory_space<hbm>> -> memref<48xi32, #tpu.memory_space<hbm>>
      tpu.enqueue_dma source(%dma_start3A_1494 : memref<48xi32, #tpu.memory_space<hbm>>) target(%dma_start3A_1491 : memref<48xi32, #tpu.memory_space<vmem>>) target_semaphore(%dma_start3A_1488 : memref<!tpu.dma_semaphore, #tpu.memory_space<semaphore_mem>>)
      %dma_wait3A_1495 = arith.constant 1 : i32
      %dma_wait3A_1496 = arith.constant 1 : i32
      %dma_wait3A_1497 = arith.constant 48 : i32
      %dma_wait3A_1498 = arith.constant 0 : i32
      %dma_wait3A_1499 = tpu.memref_slice %arg13[%dma_wait3A_1497, %dma_wait3A_1498] : memref<192x128xf32, #tpu.memory_space<vmem>> -> memref<48x128xf32, #tpu.memory_space<vmem>>
      %dma_wait3A_1500 = arith.constant 0 : i32
      %dma_wait3A_1501 = tpu.memref_slice %arg8[%dma_wait3A_1495, %dma_wait3A_1500] : memref<4x48xi32, #tpu.memory_space<vmem>> -> memref<1x48xi32, #tpu.memory_space<vmem>>
      %dma_wait3A_1502 = tpu.memref_squeeze %dma_wait3A_1501 : memref<1x48xi32, #tpu.memory_space<vmem>> -> memref<48xi32, #tpu.memory_space<vmem>>
      %dma_wait3A_1503 = arith.constant 0 : i32
      %dma_wait3A_1504 = arith.constant 0 : i32
      %dma_wait3A_1505 = tpu.memref_slice %arg2[%dma_wait3A_1503, %dma_wait3A_1504] : memref<10000x128xf32, #tpu.memory_space<hbm>> -> memref<10000x128xf32, #tpu.memory_space<hbm>>
      %dma_wait3A_1506 = tpu.memref_slice %arg17[%dma_wait3A_1496] : memref<4x!tpu.dma_semaphore, #tpu.memory_space<semaphore_mem>> -> memref<1x!tpu.dma_semaphore, #tpu.memory_space<semaphore_mem>>
      %dma_wait3A_1507 = tpu.memref_squeeze %dma_wait3A_1506 : memref<1x!tpu.dma_semaphore, #tpu.memory_space<semaphore_mem>> -> memref<!tpu.dma_semaphore, #tpu.memory_space<semaphore_mem>>
      tpu.wait_indirect_dma semaphore(%dma_wait3A_1507 : memref<!tpu.dma_semaphore, #tpu.memory_space<semaphore_mem>>) src(%dma_wait3A_1505 : memref<10000x128xf32, #tpu.memory_space<hbm>>) dst(%dma_wait3A_1499 : memref<48x128xf32, #tpu.memory_space<vmem>>)
      %get3A_1508 = arith.constant 1 : i32
      %get3A_1509 = arith.index_cast %get3A_1508 : i32 to index
      %get3A_1510 = arith.constant 0 : index
      %get3A_1511 = tpu.vector_load %arg8[%get3A_1509, %get3A_1510] {strides = array<i32>} : memref<4x48xi32, #tpu.memory_space<vmem>>, vector<16xi32>,
      %get3A_1512 = arith.constant 1 : i32
      %get3A_1513 = arith.index_cast %get3A_1512 : i32 to index
      %get3A_1514 = arith.constant 0 : index
      %get3A_1515 = tpu.vector_load %arg9[%get3A_1513, %get3A_1514] {strides = array<i32>} : memref<4x48xi32, #tpu.memory_space<vmem>>, vector<16xi32>,
      %gather3A_1516 = tpu.vector_load_idx %arg10[%get3A_1511] : memref<10240xf32, #tpu.memory_space<vmem>>[vector<16xi32>], vector<16xf32>,
      %gather3A_1517 = tpu.vector_load_idx %arg11[%get3A_1515] : memref<10240xf32, #tpu.memory_space<vmem>>[vector<16xi32>], vector<16xf32>,
      %add3A_1518 = arith.addf %gather3A_1516, %gather3A_1517 : vector<16xf32>
      %gt3A_1519 = arith.constant 0.000000e+00 : f32
      %gt3A_1520 = vector.broadcast %gt3A_1519 : f32 to vector<16xf32>
      %gt3A_1521 = arith.cmpf ogt, %add3A_1518, %gt3A_1520 : vector<16xf32>
      %mul3A_1522 = arith.constant 2.000000e-01 : f32
      %mul3A_1523 = vector.broadcast %mul3A_1522 : f32 to vector<16xf32>
      %mul3A_1524 = arith.mulf %mul3A_1523, %add3A_1518 : vector<16xf32>
      %select_n3A_1525 = arith.select %gt3A_1521, %add3A_1518, %mul3A_1524 : vector<16xi1>, vector<16xf32>
      %exp3A_1526 = math.exp %select_n3A_1525 : vector<16xf32>
      %swap3A_1527 = arith.constant 48 : index
      %swap3A_1528 = tpu.vector_load %arg12[%swap3A_1527] {strides = array<i32>} : memref<96xf32, #tpu.memory_space<vmem>>, vector<16xf32>,
      tpu.vector_store %arg12[%swap3A_1527], %exp3A_1526 {strides = array<i32>} : memref<96xf32, #tpu.memory_space<vmem>>, vector<16xf32>,
      %get3A_1529 = arith.constant 1 : i32
      %get3A_1530 = arith.index_cast %get3A_1529 : i32 to index
      %get3A_1531 = arith.constant 16 : index
      %get3A_1532 = tpu.vector_load %arg8[%get3A_1530, %get3A_1531] {strides = array<i32>} : memref<4x48xi32, #tpu.memory_space<vmem>>, vector<16xi32>,
      %get3A_1533 = arith.constant 1 : i32
      %get3A_1534 = arith.index_cast %get3A_1533 : i32 to index
      %get3A_1535 = arith.constant 16 : index
      %get3A_1536 = tpu.vector_load %arg9[%get3A_1534, %get3A_1535] {strides = array<i32>} : memref<4x48xi32, #tpu.memory_space<vmem>>, vector<16xi32>,
      %gather3A_1537 = tpu.vector_load_idx %arg10[%get3A_1532] : memref<10240xf32, #tpu.memory_space<vmem>>[vector<16xi32>], vector<16xf32>,
      %gather3A_1538 = tpu.vector_load_idx %arg11[%get3A_1536] : memref<10240xf32, #tpu.memory_space<vmem>>[vector<16xi32>], vector<16xf32>,
      %add3A_1539 = arith.addf %gather3A_1537, %gather3A_1538 : vector<16xf32>
      %gt3A_1540 = arith.constant 0.000000e+00 : f32
      %gt3A_1541 = vector.broadcast %gt3A_1540 : f32 to vector<16xf32>
      %gt3A_1542 = arith.cmpf ogt, %add3A_1539, %gt3A_1541 : vector<16xf32>
      %mul3A_1543 = arith.constant 2.000000e-01 : f32
      %mul3A_1544 = vector.broadcast %mul3A_1543 : f32 to vector<16xf32>
      %mul3A_1545 = arith.mulf %mul3A_1544, %add3A_1539 : vector<16xf32>
      %select_n3A_1546 = arith.select %gt3A_1542, %add3A_1539, %mul3A_1545 : vector<16xi1>, vector<16xf32>
      %exp3A_1547 = math.exp %select_n3A_1546 : vector<16xf32>
      %swap3A_1548 = arith.constant 64 : index
      %swap3A_1549 = tpu.vector_load %arg12[%swap3A_1548] {strides = array<i32>} : memref<96xf32, #tpu.memory_space<vmem>>, vector<16xf32>,
      tpu.vector_store %arg12[%swap3A_1548], %exp3A_1547 {strides = array<i32>} : memref<96xf32, #tpu.memory_space<vmem>>, vector<16xf32>,
      %get3A_1550 = arith.constant 1 : i32
      %get3A_1551 = arith.index_cast %get3A_1550 : i32 to index
      %get3A_1552 = arith.constant 32 : index
      %get3A_1553 = tpu.vector_load %arg8[%get3A_1551, %get3A_1552] {strides = array<i32>} : memref<4x48xi32, #tpu.memory_space<vmem>>, vector<16xi32>,
      %get3A_1554 = arith.constant 1 : i32
      %get3A_1555 = arith.index_cast %get3A_1554 : i32 to index
      %get3A_1556 = arith.constant 32 : index
      %get3A_1557 = tpu.vector_load %arg9[%get3A_1555, %get3A_1556] {strides = array<i32>} : memref<4x48xi32, #tpu.memory_space<vmem>>, vector<16xi32>,
      %gather3A_1558 = tpu.vector_load_idx %arg10[%get3A_1553] : memref<10240xf32, #tpu.memory_space<vmem>>[vector<16xi32>], vector<16xf32>,
      %gather3A_1559 = tpu.vector_load_idx %arg11[%get3A_1557] : memref<10240xf32, #tpu.memory_space<vmem>>[vector<16xi32>], vector<16xf32>,
      %add3A_1560 = arith.addf %gather3A_1558, %gather3A_1559 : vector<16xf32>
      %gt3A_1561 = arith.constant 0.000000e+00 : f32
      %gt3A_1562 = vector.broadcast %gt3A_1561 : f32 to vector<16xf32>
      %gt3A_1563 = arith.cmpf ogt, %add3A_1560, %gt3A_1562 : vector<16xf32>
      %mul3A_1564 = arith.constant 2.000000e-01 : f32
      %mul3A_1565 = vector.broadcast %mul3A_1564 : f32 to vector<16xf32>
      %mul3A_1566 = arith.mulf %mul3A_1565, %add3A_1560 : vector<16xf32>
      %select_n3A_1567 = arith.select %gt3A_1563, %add3A_1560, %mul3A_1566 : vector<16xi1>, vector<16xf32>
      %exp3A_1568 = math.exp %select_n3A_1567 : vector<16xf32>
      %swap3A_1569 = arith.constant 80 : index
      %swap3A_1570 = tpu.vector_load %arg12[%swap3A_1569] {strides = array<i32>} : memref<96xf32, #tpu.memory_space<vmem>>, vector<16xf32>,
      tpu.vector_store %arg12[%swap3A_1569], %exp3A_1568 {strides = array<i32>} : memref<96xf32, #tpu.memory_space<vmem>>, vector<16xf32>,
      %dma_start3A_1571 = arith.constant 1 : i32
      %dma_start3A_1572 = arith.constant 1 : i32
      %dma_start3A_1573 = arith.constant 48 : i32
      %dma_start3A_1574 = tpu.memref_slice %arg12[%dma_start3A_1573] : memref<96xf32, #tpu.memory_space<vmem>> -> memref<48xf32, #tpu.memory_space<vmem>>
      %dma_start3A_1575 = arith.constant 0 : i32
      %dma_start3A_1576 = tpu.memref_slice %arg9[%dma_start3A_1571, %dma_start3A_1575] : memref<4x48xi32, #tpu.memory_space<vmem>> -> memref<1x48xi32, #tpu.memory_space<vmem>>
      %dma_start3A_1577 = tpu.memref_squeeze %dma_start3A_1576 : memref<1x48xi32, #tpu.memory_space<vmem>> -> memref<48xi32, #tpu.memory_space<vmem>>
      %dma_start3A_1578 = arith.constant 0 : i32
      %dma_start3A_1579 = tpu.memref_slice %arg16[%dma_start3A_1578] : memref<10240xf32, #tpu.memory_space<vmem_shared>> -> memref<10240xf32, #tpu.memory_space<vmem_shared>>
      %dma_start3A_1580 = tpu.memref_slice %arg20[%dma_start3A_1572] : memref<2x!tpu.dma_semaphore, #tpu.memory_space<semaphore_mem>> -> memref<1x!tpu.dma_semaphore, #tpu.memory_space<semaphore_mem>>
      %dma_start3A_1581 = tpu.memref_squeeze %dma_start3A_1580 : memref<1x!tpu.dma_semaphore, #tpu.memory_space<semaphore_mem>> -> memref<!tpu.dma_semaphore, #tpu.memory_space<semaphore_mem>>
      tpu.enqueue_indirect_dma source(%dma_start3A_1574 : memref<48xf32, #tpu.memory_space<vmem>>) target(%dma_start3A_1579 : memref<10240xf32, #tpu.memory_space<vmem_shared>>) offsets(%dma_start3A_1577 : memref<48xi32, #tpu.memory_space<vmem>>) semaphore(%dma_start3A_1581 : memref<!tpu.dma_semaphore, #tpu.memory_space<semaphore_mem>>) {add = true}
      %scan3A_1582 = arith.constant 0 : i32
      %scan3A_1583 = arith.constant 48 : i32
      %scan3A_1584 = arith.addi %scan3A_1582, %scan3A_1583 : i32
      %scan3A_1585 = arith.constant 1 : i32
      scf.for %scan3A_2085 = %scan3A_1582 to %scan3A_1584 step %scan3A_1585  : i32 {
        %mul3A_2086 = arith.constant 1 : i32
        %mul3A_2087 = arith.muli %scan3A_2085, %mul3A_2086 : i32
        %add3A_2088 = arith.constant 0 : i32
        %add3A_2089 = arith.addi %add3A_2088, %mul3A_2087 : i32
        %add3A_2090 = arith.constant 48 : i32
        %add3A_2091 = arith.addi %add3A_2090, %add3A_2089 : i32
        %broadcast_in_dim3A_2092 = vector.broadcast %add3A_2091 : i32 to vector<16xi32>
        %gather3A_2093 = tpu.vector_load_idx %arg12[%broadcast_in_dim3A_2092] : memref<96xf32, #tpu.memory_space<vmem>>[vector<16xi32>], vector<16xf32>,
        %add3A_2094 = arith.constant 48 : i32
        %add3A_2095 = arith.addi %add3A_2094, %add3A_2089 : i32
        %get3A_2096 = arith.index_cast %add3A_2095 : i32 to index
        %get3A_2097 = arith.constant 0 : index
        %get3A_2098 = tpu.vector_load %arg13[%get3A_2096, %get3A_2097] {strides = array<i32>} : memref<192x128xf32, #tpu.memory_space<vmem>>, vector<16xf32>,
        %mul3A_2099 = arith.mulf %get3A_2098, %gather3A_2093 : vector<16xf32>
        %swap3A_2100 = arith.index_cast %add3A_2095 : i32 to index
        %swap3A_2101 = arith.constant 0 : index
        %swap3A_2102 = tpu.vector_load %arg13[%swap3A_2100, %swap3A_2101] {strides = array<i32>} : memref<192x128xf32, #tpu.memory_space<vmem>>, vector<16xf32>,
        tpu.vector_store %arg13[%swap3A_2100, %swap3A_2101], %mul3A_2099 {strides = array<i32>} : memref<192x128xf32, #tpu.memory_space<vmem>>, vector<16xf32>,
        %get3A_2103 = arith.index_cast %add3A_2095 : i32 to index
        %get3A_2104 = arith.constant 16 : index
        %get3A_2105 = tpu.vector_load %arg13[%get3A_2103, %get3A_2104] {strides = array<i32>} : memref<192x128xf32, #tpu.memory_space<vmem>>, vector<16xf32>,
        %mul3A_2106 = arith.mulf %get3A_2105, %gather3A_2093 : vector<16xf32>
        %swap3A_2107 = arith.index_cast %add3A_2095 : i32 to index
        %swap3A_2108 = arith.constant 16 : index
        %swap3A_2109 = tpu.vector_load %arg13[%swap3A_2107, %swap3A_2108] {strides = array<i32>} : memref<192x128xf32, #tpu.memory_space<vmem>>, vector<16xf32>,
        tpu.vector_store %arg13[%swap3A_2107, %swap3A_2108], %mul3A_2106 {strides = array<i32>} : memref<192x128xf32, #tpu.memory_space<vmem>>, vector<16xf32>,
        %get3A_2110 = arith.index_cast %add3A_2095 : i32 to index
        %get3A_2111 = arith.constant 32 : index
        %get3A_2112 = tpu.vector_load %arg13[%get3A_2110, %get3A_2111] {strides = array<i32>} : memref<192x128xf32, #tpu.memory_space<vmem>>, vector<16xf32>,
        %mul3A_2113 = arith.mulf %get3A_2112, %gather3A_2093 : vector<16xf32>
        %swap3A_2114 = arith.index_cast %add3A_2095 : i32 to index
        %swap3A_2115 = arith.constant 32 : index
        %swap3A_2116 = tpu.vector_load %arg13[%swap3A_2114, %swap3A_2115] {strides = array<i32>} : memref<192x128xf32, #tpu.memory_space<vmem>>, vector<16xf32>,
        tpu.vector_store %arg13[%swap3A_2114, %swap3A_2115], %mul3A_2113 {strides = array<i32>} : memref<192x128xf32, #tpu.memory_space<vmem>>, vector<16xf32>,
        %get3A_2117 = arith.index_cast %add3A_2095 : i32 to index
        %get3A_2118 = arith.constant 48 : index
        %get3A_2119 = tpu.vector_load %arg13[%get3A_2117, %get3A_2118] {strides = array<i32>} : memref<192x128xf32, #tpu.memory_space<vmem>>, vector<16xf32>,
        %mul3A_2120 = arith.mulf %get3A_2119, %gather3A_2093 : vector<16xf32>
        %swap3A_2121 = arith.index_cast %add3A_2095 : i32 to index
        %swap3A_2122 = arith.constant 48 : index
        %swap3A_2123 = tpu.vector_load %arg13[%swap3A_2121, %swap3A_2122] {strides = array<i32>} : memref<192x128xf32, #tpu.memory_space<vmem>>, vector<16xf32>,
        tpu.vector_store %arg13[%swap3A_2121, %swap3A_2122], %mul3A_2120 {strides = array<i32>} : memref<192x128xf32, #tpu.memory_space<vmem>>, vector<16xf32>,
        %get3A_2124 = arith.index_cast %add3A_2095 : i32 to index
        %get3A_2125 = arith.constant 64 : index
        %get3A_2126 = tpu.vector_load %arg13[%get3A_2124, %get3A_2125] {strides = array<i32>} : memref<192x128xf32, #tpu.memory_space<vmem>>, vector<16xf32>,
        %mul3A_2127 = arith.mulf %get3A_2126, %gather3A_2093 : vector<16xf32>
        %swap3A_2128 = arith.index_cast %add3A_2095 : i32 to index
        %swap3A_2129 = arith.constant 64 : index
        %swap3A_2130 = tpu.vector_load %arg13[%swap3A_2128, %swap3A_2129] {strides = array<i32>} : memref<192x128xf32, #tpu.memory_space<vmem>>, vector<16xf32>,
        tpu.vector_store %arg13[%swap3A_2128, %swap3A_2129], %mul3A_2127 {strides = array<i32>} : memref<192x128xf32, #tpu.memory_space<vmem>>, vector<16xf32>,
        %get3A_2131 = arith.index_cast %add3A_2095 : i32 to index
        %get3A_2132 = arith.constant 80 : index
        %get3A_2133 = tpu.vector_load %arg13[%get3A_2131, %get3A_2132] {strides = array<i32>} : memref<192x128xf32, #tpu.memory_space<vmem>>, vector<16xf32>,
        %mul3A_2134 = arith.mulf %get3A_2133, %gather3A_2093 : vector<16xf32>
        %swap3A_2135 = arith.index_cast %add3A_2095 : i32 to index
        %swap3A_2136 = arith.constant 80 : index
        %swap3A_2137 = tpu.vector_load %arg13[%swap3A_2135, %swap3A_2136] {strides = array<i32>} : memref<192x128xf32, #tpu.memory_space<vmem>>, vector<16xf32>,
        tpu.vector_store %arg13[%swap3A_2135, %swap3A_2136], %mul3A_2134 {strides = array<i32>} : memref<192x128xf32, #tpu.memory_space<vmem>>, vector<16xf32>,
        %get3A_2138 = arith.index_cast %add3A_2095 : i32 to index
        %get3A_2139 = arith.constant 96 : index
        %get3A_2140 = tpu.vector_load %arg13[%get3A_2138, %get3A_2139] {strides = array<i32>} : memref<192x128xf32, #tpu.memory_space<vmem>>, vector<16xf32>,
        %mul3A_2141 = arith.mulf %get3A_2140, %gather3A_2093 : vector<16xf32>
        %swap3A_2142 = arith.index_cast %add3A_2095 : i32 to index
        %swap3A_2143 = arith.constant 96 : index
        %swap3A_2144 = tpu.vector_load %arg13[%swap3A_2142, %swap3A_2143] {strides = array<i32>} : memref<192x128xf32, #tpu.memory_space<vmem>>, vector<16xf32>,
        tpu.vector_store %arg13[%swap3A_2142, %swap3A_2143], %mul3A_2141 {strides = array<i32>} : memref<192x128xf32, #tpu.memory_space<vmem>>, vector<16xf32>,
        %get3A_2145 = arith.index_cast %add3A_2095 : i32 to index
        %get3A_2146 = arith.constant 112 : index
        %get3A_2147 = tpu.vector_load %arg13[%get3A_2145, %get3A_2146] {strides = array<i32>} : memref<192x128xf32, #tpu.memory_space<vmem>>, vector<16xf32>,
        %mul3A_2148 = arith.mulf %get3A_2147, %gather3A_2093 : vector<16xf32>
        %swap3A_2149 = arith.index_cast %add3A_2095 : i32 to index
        %swap3A_2150 = arith.constant 112 : index
        %swap3A_2151 = tpu.vector_load %arg13[%swap3A_2149, %swap3A_2150] {strides = array<i32>} : memref<192x128xf32, #tpu.memory_space<vmem>>, vector<16xf32>,
        tpu.vector_store %arg13[%swap3A_2149, %swap3A_2150], %mul3A_2148 {strides = array<i32>} : memref<192x128xf32, #tpu.memory_space<vmem>>, vector<16xf32>,
      }
      %scan3A_1586 = arith.constant 48 : i32
      %add3A_1587 = arith.constant 2 : i32
      %add3A_1588 = arith.addi %add3A_1434, %add3A_1587 : i32
      %dma_wait3A_1589 = arith.constant 3 : i32
      %dma_wait3A_1590 = arith.constant 3 : i32
      %dma_wait3A_1591 = arith.constant 0 : i32
      %dma_wait3A_1592 = tpu.memref_slice %arg8[%dma_wait3A_1589, %dma_wait3A_1591] : memref<4x48xi32, #tpu.memory_space<vmem>> -> memref<1x48xi32, #tpu.memory_space<vmem>>
      %dma_wait3A_1593 = tpu.memref_squeeze %dma_wait3A_1592 : memref<1x48xi32, #tpu.memory_space<vmem>> -> memref<48xi32, #tpu.memory_space<vmem>>
      %dma_wait3A_1594 = arith.constant 0 : i32
      %dma_wait3A_1595 = tpu.memref_slice %arg4[%add3A, %add3A_1588, %dma_wait3A_1594] : memref<32x210x48xi32, #tpu.memory_space<hbm>> -> memref<1x1x48xi32, #tpu.memory_space<hbm>>
      %dma_wait3A_1596 = tpu.memref_squeeze %dma_wait3A_1595 : memref<1x1x48xi32, #tpu.memory_space<hbm>> -> memref<48xi32, #tpu.memory_space<hbm>>
      %dma_wait3A_1597 = tpu.memref_slice %arg19[%dma_wait3A_1590] : memref<4x!tpu.dma_semaphore, #tpu.memory_space<semaphore_mem>> -> memref<1x!tpu.dma_semaphore, #tpu.memory_space<semaphore_mem>>
      %dma_wait3A_1598 = tpu.memref_squeeze %dma_wait3A_1597 : memref<1x!tpu.dma_semaphore, #tpu.memory_space<semaphore_mem>> -> memref<!tpu.dma_semaphore, #tpu.memory_space<semaphore_mem>>
      %dma_wait3A_1599 = arith.constant 0 : i32
      %dma_wait3A_1600 = tpu.memref_slice %arg8[%dma_wait3A_1589, %dma_wait3A_1599] : memref<4x48xi32, #tpu.memory_space<vmem>> -> memref<1x48xi32, #tpu.memory_space<vmem>>
      %dma_wait3A_1601 = tpu.memref_squeeze %dma_wait3A_1600 : memref<1x48xi32, #tpu.memory_space<vmem>> -> memref<48xi32, #tpu.memory_space<vmem>>
      %dma_wait3A_1602 = arith.constant 0 : i32
      %dma_wait3A_1603 = tpu.memref_slice %arg4[%add3A, %add3A_1588, %dma_wait3A_1602] : memref<32x210x48xi32, #tpu.memory_space<hbm>> -> memref<1x1x48xi32, #tpu.memory_space<hbm>>
      %dma_wait3A_1604 = tpu.memref_squeeze %dma_wait3A_1603 : memref<1x1x48xi32, #tpu.memory_space<hbm>> -> memref<48xi32, #tpu.memory_space<hbm>>
      tpu.wait_dma2 semaphore(%dma_wait3A_1598 : memref<!tpu.dma_semaphore, #tpu.memory_space<semaphore_mem>>) src(%dma_wait3A_1604 : memref<48xi32, #tpu.memory_space<hbm>>) dst(%dma_wait3A_1601 : memref<48xi32, #tpu.memory_space<vmem>>)
      %add3A_1605 = arith.constant 2 : i32
      %add3A_1606 = arith.addi %add3A_1434, %add3A_1605 : i32
      %dma_wait3A_1607 = arith.constant 3 : i32
      %dma_wait3A_1608 = arith.constant 3 : i32
      %dma_wait3A_1609 = arith.constant 0 : i32
      %dma_wait3A_1610 = tpu.memref_slice %arg9[%dma_wait3A_1607, %dma_wait3A_1609] : memref<4x48xi32, #tpu.memory_space<vmem>> -> memref<1x48xi32, #tpu.memory_space<vmem>>
      %dma_wait3A_1611 = tpu.memref_squeeze %dma_wait3A_1610 : memref<1x48xi32, #tpu.memory_space<vmem>> -> memref<48xi32, #tpu.memory_space<vmem>>
      %dma_wait3A_1612 = arith.constant 0 : i32
      %dma_wait3A_1613 = tpu.memref_slice %arg5[%add3A, %add3A_1606, %dma_wait3A_1612] : memref<32x210x48xi32, #tpu.memory_space<hbm>> -> memref<1x1x48xi32, #tpu.memory_space<hbm>>
      %dma_wait3A_1614 = tpu.memref_squeeze %dma_wait3A_1613 : memref<1x1x48xi32, #tpu.memory_space<hbm>> -> memref<48xi32, #tpu.memory_space<hbm>>
      %dma_wait3A_1615 = tpu.memref_slice %arg19[%dma_wait3A_1608] : memref<4x!tpu.dma_semaphore, #tpu.memory_space<semaphore_mem>> -> memref<1x!tpu.dma_semaphore, #tpu.memory_space<semaphore_mem>>
      %dma_wait3A_1616 = tpu.memref_squeeze %dma_wait3A_1615 : memref<1x!tpu.dma_semaphore, #tpu.memory_space<semaphore_mem>> -> memref<!tpu.dma_semaphore, #tpu.memory_space<semaphore_mem>>
      %dma_wait3A_1617 = arith.constant 0 : i32
      %dma_wait3A_1618 = tpu.memref_slice %arg9[%dma_wait3A_1607, %dma_wait3A_1617] : memref<4x48xi32, #tpu.memory_space<vmem>> -> memref<1x48xi32, #tpu.memory_space<vmem>>
      %dma_wait3A_1619 = tpu.memref_squeeze %dma_wait3A_1618 : memref<1x48xi32, #tpu.memory_space<vmem>> -> memref<48xi32, #tpu.memory_space<vmem>>
      %dma_wait3A_1620 = arith.constant 0 : i32
      %dma_wait3A_1621 = tpu.memref_slice %arg5[%add3A, %add3A_1606, %dma_wait3A_1620] : memref<32x210x48xi32, #tpu.memory_space<hbm>> -> memref<1x1x48xi32, #tpu.memory_space<hbm>>
      %dma_wait3A_1622 = tpu.memref_squeeze %dma_wait3A_1621 : memref<1x1x48xi32, #tpu.memory_space<hbm>> -> memref<48xi32, #tpu.memory_space<hbm>>
      tpu.wait_dma2 semaphore(%dma_wait3A_1616 : memref<!tpu.dma_semaphore, #tpu.memory_space<semaphore_mem>>) src(%dma_wait3A_1622 : memref<48xi32, #tpu.memory_space<hbm>>) dst(%dma_wait3A_1619 : memref<48xi32, #tpu.memory_space<vmem>>)
      %dma_start3A_1623 = arith.constant 3 : i32
      %dma_start3A_1624 = arith.constant 3 : i32
      %dma_start3A_1625 = arith.constant 144 : i32
      %dma_start3A_1626 = arith.constant 0 : i32
      %dma_start3A_1627 = tpu.memref_slice %arg13[%dma_start3A_1625, %dma_start3A_1626] : memref<192x128xf32, #tpu.memory_space<vmem>> -> memref<48x128xf32, #tpu.memory_space<vmem>>
      %dma_start3A_1628 = arith.constant 0 : i32
      %dma_start3A_1629 = tpu.memref_slice %arg8[%dma_start3A_1623, %dma_start3A_1628] : memref<4x48xi32, #tpu.memory_space<vmem>> -> memref<1x48xi32, #tpu.memory_space<vmem>>
      %dma_start3A_1630 = tpu.memref_squeeze %dma_start3A_1629 : memref<1x48xi32, #tpu.memory_space<vmem>> -> memref<48xi32, #tpu.memory_space<vmem>>
      %dma_start3A_1631 = arith.constant 0 : i32
      %dma_start3A_1632 = arith.constant 0 : i32
      %dma_start3A_1633 = tpu.memref_slice %arg2[%dma_start3A_1631, %dma_start3A_1632] : memref<10000x128xf32, #tpu.memory_space<hbm>> -> memref<10000x128xf32, #tpu.memory_space<hbm>>
      %dma_start3A_1634 = tpu.memref_slice %arg17[%dma_start3A_1624] : memref<4x!tpu.dma_semaphore, #tpu.memory_space<semaphore_mem>> -> memref<1x!tpu.dma_semaphore, #tpu.memory_space<semaphore_mem>>
      %dma_start3A_1635 = tpu.memref_squeeze %dma_start3A_1634 : memref<1x!tpu.dma_semaphore, #tpu.memory_space<semaphore_mem>> -> memref<!tpu.dma_semaphore, #tpu.memory_space<semaphore_mem>>
      tpu.enqueue_indirect_dma source(%dma_start3A_1633 : memref<10000x128xf32, #tpu.memory_space<hbm>>) target(%dma_start3A_1627 : memref<48x128xf32, #tpu.memory_space<vmem>>) offsets(%dma_start3A_1630 : memref<48xi32, #tpu.memory_space<vmem>>) semaphore(%dma_start3A_1635 : memref<!tpu.dma_semaphore, #tpu.memory_space<semaphore_mem>>)
      %dma_start3A_1636 = arith.constant 1 : i32
      %dma_start3A_1637 = arith.constant 1 : i32
      %dma_start3A_1638 = arith.constant 48 : i32
      %dma_start3A_1639 = arith.constant 0 : i32
      %dma_start3A_1640 = tpu.memref_slice %arg13[%dma_start3A_1638, %dma_start3A_1639] : memref<192x128xf32, #tpu.memory_space<vmem>> -> memref<48x128xf32, #tpu.memory_space<vmem>>
      %dma_start3A_1641 = arith.constant 0 : i32
      %dma_start3A_1642 = tpu.memref_slice %arg9[%dma_start3A_1636, %dma_start3A_1641] : memref<4x48xi32, #tpu.memory_space<vmem>> -> memref<1x48xi32, #tpu.memory_space<vmem>>
      %dma_start3A_1643 = tpu.memref_squeeze %dma_start3A_1642 : memref<1x48xi32, #tpu.memory_space<vmem>> -> memref<48xi32, #tpu.memory_space<vmem>>
      %dma_start3A_1644 = arith.constant 0 : i32
      %dma_start3A_1645 = arith.constant 0 : i32
      %dma_start3A_1646 = tpu.memref_slice %arg15[%dma_start3A_1644, %dma_start3A_1645] : memref<10240x128xf32, #tpu.memory_space<vmem_shared>> -> memref<10240x128xf32, #tpu.memory_space<vmem_shared>>
      %dma_start3A_1647 = tpu.memref_slice %arg18[%dma_start3A_1637] : memref<4x!tpu.dma_semaphore, #tpu.memory_space<semaphore_mem>> -> memref<1x!tpu.dma_semaphore, #tpu.memory_space<semaphore_mem>>
      %dma_start3A_1648 = tpu.memref_squeeze %dma_start3A_1647 : memref<1x!tpu.dma_semaphore, #tpu.memory_space<semaphore_mem>> -> memref<!tpu.dma_semaphore, #tpu.memory_space<semaphore_mem>>
      tpu.enqueue_indirect_dma source(%dma_start3A_1640 : memref<48x128xf32, #tpu.memory_space<vmem>>) target(%dma_start3A_1646 : memref<10240x128xf32, #tpu.memory_space<vmem_shared>>) offsets(%dma_start3A_1643 : memref<48xi32, #tpu.memory_space<vmem>>) semaphore(%dma_start3A_1648 : memref<!tpu.dma_semaphore, #tpu.memory_space<semaphore_mem>>) {add = true}
      %mul3A_1649 = arith.constant 4 : i32
      %mul3A_1650 = arith.muli %mul3A_1649, %add3A_1212 : i32
      %add3A_1651 = arith.constant 2 : i32
      %add3A_1652 = arith.addi %mul3A_1650, %add3A_1651 : i32
      %dma_wait3A_1653 = arith.constant 0 : i32
      %dma_wait3A_1654 = arith.constant 0 : i32
      %dma_wait3A_1655 = arith.constant 0 : i32
      %dma_wait3A_1656 = arith.constant 0 : i32
      %dma_wait3A_1657 = tpu.memref_slice %arg13[%dma_wait3A_1655, %dma_wait3A_1656] : memref<192x128xf32, #tpu.memory_space<vmem>> -> memref<48x128xf32, #tpu.memory_space<vmem>>
      %dma_wait3A_1658 = arith.constant 0 : i32
      %dma_wait3A_1659 = tpu.memref_slice %arg9[%dma_wait3A_1653, %dma_wait3A_1658] : memref<4x48xi32, #tpu.memory_space<vmem>> -> memref<1x48xi32, #tpu.memory_space<vmem>>
      %dma_wait3A_1660 = tpu.memref_squeeze %dma_wait3A_1659 : memref<1x48xi32, #tpu.memory_space<vmem>> -> memref<48xi32, #tpu.memory_space<vmem>>
      %dma_wait3A_1661 = arith.constant 0 : i32
      %dma_wait3A_1662 = arith.constant 0 : i32
      %dma_wait3A_1663 = tpu.memref_slice %arg15[%dma_wait3A_1661, %dma_wait3A_1662] : memref<10240x128xf32, #tpu.memory_space<vmem_shared>> -> memref<10240x128xf32, #tpu.memory_space<vmem_shared>>
      %dma_wait3A_1664 = tpu.memref_slice %arg18[%dma_wait3A_1654] : memref<4x!tpu.dma_semaphore, #tpu.memory_space<semaphore_mem>> -> memref<1x!tpu.dma_semaphore, #tpu.memory_space<semaphore_mem>>
      %dma_wait3A_1665 = tpu.memref_squeeze %dma_wait3A_1664 : memref<1x!tpu.dma_semaphore, #tpu.memory_space<semaphore_mem>> -> memref<!tpu.dma_semaphore, #tpu.memory_space<semaphore_mem>>
      tpu.wait_indirect_dma semaphore(%dma_wait3A_1665 : memref<!tpu.dma_semaphore, #tpu.memory_space<semaphore_mem>>) src(%dma_wait3A_1657 : memref<48x128xf32, #tpu.memory_space<vmem>>) dst(%dma_wait3A_1663 : memref<10240x128xf32, #tpu.memory_space<vmem_shared>>)
      %dma_wait3A_1666 = arith.constant 0 : i32
      %dma_wait3A_1667 = arith.constant 0 : i32
      %dma_wait3A_1668 = arith.constant 0 : i32
      %dma_wait3A_1669 = tpu.memref_slice %arg12[%dma_wait3A_1668] : memref<96xf32, #tpu.memory_space<vmem>> -> memref<48xf32, #tpu.memory_space<vmem>>
      %dma_wait3A_1670 = arith.constant 0 : i32
      %dma_wait3A_1671 = tpu.memref_slice %arg9[%dma_wait3A_1666, %dma_wait3A_1670] : memref<4x48xi32, #tpu.memory_space<vmem>> -> memref<1x48xi32, #tpu.memory_space<vmem>>
      %dma_wait3A_1672 = tpu.memref_squeeze %dma_wait3A_1671 : memref<1x48xi32, #tpu.memory_space<vmem>> -> memref<48xi32, #tpu.memory_space<vmem>>
      %dma_wait3A_1673 = arith.constant 0 : i32
      %dma_wait3A_1674 = tpu.memref_slice %arg16[%dma_wait3A_1673] : memref<10240xf32, #tpu.memory_space<vmem_shared>> -> memref<10240xf32, #tpu.memory_space<vmem_shared>>
      %dma_wait3A_1675 = tpu.memref_slice %arg20[%dma_wait3A_1667] : memref<2x!tpu.dma_semaphore, #tpu.memory_space<semaphore_mem>> -> memref<1x!tpu.dma_semaphore, #tpu.memory_space<semaphore_mem>>
      %dma_wait3A_1676 = tpu.memref_squeeze %dma_wait3A_1675 : memref<1x!tpu.dma_semaphore, #tpu.memory_space<semaphore_mem>> -> memref<!tpu.dma_semaphore, #tpu.memory_space<semaphore_mem>>
      tpu.wait_indirect_dma semaphore(%dma_wait3A_1676 : memref<!tpu.dma_semaphore, #tpu.memory_space<semaphore_mem>>) src(%dma_wait3A_1669 : memref<48xf32, #tpu.memory_space<vmem>>) dst(%dma_wait3A_1674 : memref<10240xf32, #tpu.memory_space<vmem_shared>>)
      %add3A_1677 = arith.constant 2 : i32
      %add3A_1678 = arith.addi %add3A_1652, %add3A_1677 : i32
      %dma_start3A_1679 = arith.constant 0 : i32
      %dma_start3A_1680 = arith.constant 0 : i32
      %dma_start3A_1681 = arith.constant 0 : i32
      %dma_start3A_1682 = tpu.memref_slice %arg8[%dma_start3A_1679, %dma_start3A_1681] : memref<4x48xi32, #tpu.memory_space<vmem>> -> memref<1x48xi32, #tpu.memory_space<vmem>>
      %dma_start3A_1683 = tpu.memref_squeeze %dma_start3A_1682 : memref<1x48xi32, #tpu.memory_space<vmem>> -> memref<48xi32, #tpu.memory_space<vmem>>
      %dma_start3A_1684 = arith.constant 0 : i32
      %dma_start3A_1685 = tpu.memref_slice %arg4[%add3A, %add3A_1678, %dma_start3A_1684] : memref<32x210x48xi32, #tpu.memory_space<hbm>> -> memref<1x1x48xi32, #tpu.memory_space<hbm>>
      %dma_start3A_1686 = tpu.memref_squeeze %dma_start3A_1685 : memref<1x1x48xi32, #tpu.memory_space<hbm>> -> memref<48xi32, #tpu.memory_space<hbm>>
      %dma_start3A_1687 = tpu.memref_slice %arg19[%dma_start3A_1680] : memref<4x!tpu.dma_semaphore, #tpu.memory_space<semaphore_mem>> -> memref<1x!tpu.dma_semaphore, #tpu.memory_space<semaphore_mem>>
      %dma_start3A_1688 = tpu.memref_squeeze %dma_start3A_1687 : memref<1x!tpu.dma_semaphore, #tpu.memory_space<semaphore_mem>> -> memref<!tpu.dma_semaphore, #tpu.memory_space<semaphore_mem>>
      %dma_start3A_1689 = arith.constant 0 : i32
      %dma_start3A_1690 = tpu.memref_slice %arg8[%dma_start3A_1679, %dma_start3A_1689] : memref<4x48xi32, #tpu.memory_space<vmem>> -> memref<1x48xi32, #tpu.memory_space<vmem>>
      %dma_start3A_1691 = tpu.memref_squeeze %dma_start3A_1690 : memref<1x48xi32, #tpu.memory_space<vmem>> -> memref<48xi32, #tpu.memory_space<vmem>>
      %dma_start3A_1692 = arith.constant 0 : i32
      %dma_start3A_1693 = tpu.memref_slice %arg4[%add3A, %add3A_1678, %dma_start3A_1692] : memref<32x210x48xi32, #tpu.memory_space<hbm>> -> memref<1x1x48xi32, #tpu.memory_space<hbm>>
      %dma_start3A_1694 = tpu.memref_squeeze %dma_start3A_1693 : memref<1x1x48xi32, #tpu.memory_space<hbm>> -> memref<48xi32, #tpu.memory_space<hbm>>
      tpu.enqueue_dma source(%dma_start3A_1694 : memref<48xi32, #tpu.memory_space<hbm>>) target(%dma_start3A_1691 : memref<48xi32, #tpu.memory_space<vmem>>) target_semaphore(%dma_start3A_1688 : memref<!tpu.dma_semaphore, #tpu.memory_space<semaphore_mem>>)
      %add3A_1695 = arith.constant 2 : i32
      %add3A_1696 = arith.addi %add3A_1652, %add3A_1695 : i32
      %dma_start3A_1697 = arith.constant 0 : i32
      %dma_start3A_1698 = arith.constant 0 : i32
      %dma_start3A_1699 = arith.constant 0 : i32
      %dma_start3A_1700 = tpu.memref_slice %arg9[%dma_start3A_1697, %dma_start3A_1699] : memref<4x48xi32, #tpu.memory_space<vmem>> -> memref<1x48xi32, #tpu.memory_space<vmem>>
      %dma_start3A_1701 = tpu.memref_squeeze %dma_start3A_1700 : memref<1x48xi32, #tpu.memory_space<vmem>> -> memref<48xi32, #tpu.memory_space<vmem>>
      %dma_start3A_1702 = arith.constant 0 : i32
      %dma_start3A_1703 = tpu.memref_slice %arg5[%add3A, %add3A_1696, %dma_start3A_1702] : memref<32x210x48xi32, #tpu.memory_space<hbm>> -> memref<1x1x48xi32, #tpu.memory_space<hbm>>
      %dma_start3A_1704 = tpu.memref_squeeze %dma_start3A_1703 : memref<1x1x48xi32, #tpu.memory_space<hbm>> -> memref<48xi32, #tpu.memory_space<hbm>>
      %dma_start3A_1705 = tpu.memref_slice %arg19[%dma_start3A_1698] : memref<4x!tpu.dma_semaphore, #tpu.memory_space<semaphore_mem>> -> memref<1x!tpu.dma_semaphore, #tpu.memory_space<semaphore_mem>>
      %dma_start3A_1706 = tpu.memref_squeeze %dma_start3A_1705 : memref<1x!tpu.dma_semaphore, #tpu.memory_space<semaphore_mem>> -> memref<!tpu.dma_semaphore, #tpu.memory_space<semaphore_mem>>
      %dma_start3A_1707 = arith.constant 0 : i32
      %dma_start3A_1708 = tpu.memref_slice %arg9[%dma_start3A_1697, %dma_start3A_1707] : memref<4x48xi32, #tpu.memory_space<vmem>> -> memref<1x48xi32, #tpu.memory_space<vmem>>
      %dma_start3A_1709 = tpu.memref_squeeze %dma_start3A_1708 : memref<1x48xi32, #tpu.memory_space<vmem>> -> memref<48xi32, #tpu.memory_space<vmem>>
      %dma_start3A_1710 = arith.constant 0 : i32
      %dma_start3A_1711 = tpu.memref_slice %arg5[%add3A, %add3A_1696, %dma_start3A_1710] : memref<32x210x48xi32, #tpu.memory_space<hbm>> -> memref<1x1x48xi32, #tpu.memory_space<hbm>>
      %dma_start3A_1712 = tpu.memref_squeeze %dma_start3A_1711 : memref<1x1x48xi32, #tpu.memory_space<hbm>> -> memref<48xi32, #tpu.memory_space<hbm>>
      tpu.enqueue_dma source(%dma_start3A_1712 : memref<48xi32, #tpu.memory_space<hbm>>) target(%dma_start3A_1709 : memref<48xi32, #tpu.memory_space<vmem>>) target_semaphore(%dma_start3A_1706 : memref<!tpu.dma_semaphore, #tpu.memory_space<semaphore_mem>>)
      %dma_wait3A_1713 = arith.constant 2 : i32
      %dma_wait3A_1714 = arith.constant 2 : i32
      %dma_wait3A_1715 = arith.constant 96 : i32
      %dma_wait3A_1716 = arith.constant 0 : i32
      %dma_wait3A_1717 = tpu.memref_slice %arg13[%dma_wait3A_1715, %dma_wait3A_1716] : memref<192x128xf32, #tpu.memory_space<vmem>> -> memref<48x128xf32, #tpu.memory_space<vmem>>
      %dma_wait3A_1718 = arith.constant 0 : i32
      %dma_wait3A_1719 = tpu.memref_slice %arg8[%dma_wait3A_1713, %dma_wait3A_1718] : memref<4x48xi32, #tpu.memory_space<vmem>> -> memref<1x48xi32, #tpu.memory_space<vmem>>
      %dma_wait3A_1720 = tpu.memref_squeeze %dma_wait3A_1719 : memref<1x48xi32, #tpu.memory_space<vmem>> -> memref<48xi32, #tpu.memory_space<vmem>>
      %dma_wait3A_1721 = arith.constant 0 : i32
      %dma_wait3A_1722 = arith.constant 0 : i32
      %dma_wait3A_1723 = tpu.memref_slice %arg2[%dma_wait3A_1721, %dma_wait3A_1722] : memref<10000x128xf32, #tpu.memory_space<hbm>> -> memref<10000x128xf32, #tpu.memory_space<hbm>>
      %dma_wait3A_1724 = tpu.memref_slice %arg17[%dma_wait3A_1714] : memref<4x!tpu.dma_semaphore, #tpu.memory_space<semaphore_mem>> -> memref<1x!tpu.dma_semaphore, #tpu.memory_space<semaphore_mem>>
      %dma_wait3A_1725 = tpu.memref_squeeze %dma_wait3A_1724 : memref<1x!tpu.dma_semaphore, #tpu.memory_space<semaphore_mem>> -> memref<!tpu.dma_semaphore, #tpu.memory_space<semaphore_mem>>
      tpu.wait_indirect_dma semaphore(%dma_wait3A_1725 : memref<!tpu.dma_semaphore, #tpu.memory_space<semaphore_mem>>) src(%dma_wait3A_1723 : memref<10000x128xf32, #tpu.memory_space<hbm>>) dst(%dma_wait3A_1717 : memref<48x128xf32, #tpu.memory_space<vmem>>)
      %get3A_1726 = arith.constant 2 : i32
      %get3A_1727 = arith.index_cast %get3A_1726 : i32 to index
      %get3A_1728 = arith.constant 0 : index
      %get3A_1729 = tpu.vector_load %arg8[%get3A_1727, %get3A_1728] {strides = array<i32>} : memref<4x48xi32, #tpu.memory_space<vmem>>, vector<16xi32>,
      %get3A_1730 = arith.constant 2 : i32
      %get3A_1731 = arith.index_cast %get3A_1730 : i32 to index
      %get3A_1732 = arith.constant 0 : index
      %get3A_1733 = tpu.vector_load %arg9[%get3A_1731, %get3A_1732] {strides = array<i32>} : memref<4x48xi32, #tpu.memory_space<vmem>>, vector<16xi32>,
      %gather3A_1734 = tpu.vector_load_idx %arg10[%get3A_1729] : memref<10240xf32, #tpu.memory_space<vmem>>[vector<16xi32>], vector<16xf32>,
      %gather3A_1735 = tpu.vector_load_idx %arg11[%get3A_1733] : memref<10240xf32, #tpu.memory_space<vmem>>[vector<16xi32>], vector<16xf32>,
      %add3A_1736 = arith.addf %gather3A_1734, %gather3A_1735 : vector<16xf32>
      %gt3A_1737 = arith.constant 0.000000e+00 : f32
      %gt3A_1738 = vector.broadcast %gt3A_1737 : f32 to vector<16xf32>
      %gt3A_1739 = arith.cmpf ogt, %add3A_1736, %gt3A_1738 : vector<16xf32>
      %mul3A_1740 = arith.constant 2.000000e-01 : f32
      %mul3A_1741 = vector.broadcast %mul3A_1740 : f32 to vector<16xf32>
      %mul3A_1742 = arith.mulf %mul3A_1741, %add3A_1736 : vector<16xf32>
      %select_n3A_1743 = arith.select %gt3A_1739, %add3A_1736, %mul3A_1742 : vector<16xi1>, vector<16xf32>
      %exp3A_1744 = math.exp %select_n3A_1743 : vector<16xf32>
      %swap3A_1745 = arith.constant 0 : index
      %swap3A_1746 = tpu.vector_load %arg12[%swap3A_1745] {strides = array<i32>} : memref<96xf32, #tpu.memory_space<vmem>>, vector<16xf32>,
      tpu.vector_store %arg12[%swap3A_1745], %exp3A_1744 {strides = array<i32>} : memref<96xf32, #tpu.memory_space<vmem>>, vector<16xf32>,
      %get3A_1747 = arith.constant 2 : i32
      %get3A_1748 = arith.index_cast %get3A_1747 : i32 to index
      %get3A_1749 = arith.constant 16 : index
      %get3A_1750 = tpu.vector_load %arg8[%get3A_1748, %get3A_1749] {strides = array<i32>} : memref<4x48xi32, #tpu.memory_space<vmem>>, vector<16xi32>,
      %get3A_1751 = arith.constant 2 : i32
      %get3A_1752 = arith.index_cast %get3A_1751 : i32 to index
      %get3A_1753 = arith.constant 16 : index
      %get3A_1754 = tpu.vector_load %arg9[%get3A_1752, %get3A_1753] {strides = array<i32>} : memref<4x48xi32, #tpu.memory_space<vmem>>, vector<16xi32>,
      %gather3A_1755 = tpu.vector_load_idx %arg10[%get3A_1750] : memref<10240xf32, #tpu.memory_space<vmem>>[vector<16xi32>], vector<16xf32>,
      %gather3A_1756 = tpu.vector_load_idx %arg11[%get3A_1754] : memref<10240xf32, #tpu.memory_space<vmem>>[vector<16xi32>], vector<16xf32>,
      %add3A_1757 = arith.addf %gather3A_1755, %gather3A_1756 : vector<16xf32>
      %gt3A_1758 = arith.constant 0.000000e+00 : f32
      %gt3A_1759 = vector.broadcast %gt3A_1758 : f32 to vector<16xf32>
      %gt3A_1760 = arith.cmpf ogt, %add3A_1757, %gt3A_1759 : vector<16xf32>
      %mul3A_1761 = arith.constant 2.000000e-01 : f32
      %mul3A_1762 = vector.broadcast %mul3A_1761 : f32 to vector<16xf32>
      %mul3A_1763 = arith.mulf %mul3A_1762, %add3A_1757 : vector<16xf32>
      %select_n3A_1764 = arith.select %gt3A_1760, %add3A_1757, %mul3A_1763 : vector<16xi1>, vector<16xf32>
      %exp3A_1765 = math.exp %select_n3A_1764 : vector<16xf32>
      %swap3A_1766 = arith.constant 16 : index
      %swap3A_1767 = tpu.vector_load %arg12[%swap3A_1766] {strides = array<i32>} : memref<96xf32, #tpu.memory_space<vmem>>, vector<16xf32>,
      tpu.vector_store %arg12[%swap3A_1766], %exp3A_1765 {strides = array<i32>} : memref<96xf32, #tpu.memory_space<vmem>>, vector<16xf32>,
      %get3A_1768 = arith.constant 2 : i32
      %get3A_1769 = arith.index_cast %get3A_1768 : i32 to index
      %get3A_1770 = arith.constant 32 : index
      %get3A_1771 = tpu.vector_load %arg8[%get3A_1769, %get3A_1770] {strides = array<i32>} : memref<4x48xi32, #tpu.memory_space<vmem>>, vector<16xi32>,
      %get3A_1772 = arith.constant 2 : i32
      %get3A_1773 = arith.index_cast %get3A_1772 : i32 to index
      %get3A_1774 = arith.constant 32 : index
      %get3A_1775 = tpu.vector_load %arg9[%get3A_1773, %get3A_1774] {strides = array<i32>} : memref<4x48xi32, #tpu.memory_space<vmem>>, vector<16xi32>,
      %gather3A_1776 = tpu.vector_load_idx %arg10[%get3A_1771] : memref<10240xf32, #tpu.memory_space<vmem>>[vector<16xi32>], vector<16xf32>,
      %gather3A_1777 = tpu.vector_load_idx %arg11[%get3A_1775] : memref<10240xf32, #tpu.memory_space<vmem>>[vector<16xi32>], vector<16xf32>,
      %add3A_1778 = arith.addf %gather3A_1776, %gather3A_1777 : vector<16xf32>
      %gt3A_1779 = arith.constant 0.000000e+00 : f32
      %gt3A_1780 = vector.broadcast %gt3A_1779 : f32 to vector<16xf32>
      %gt3A_1781 = arith.cmpf ogt, %add3A_1778, %gt3A_1780 : vector<16xf32>
      %mul3A_1782 = arith.constant 2.000000e-01 : f32
      %mul3A_1783 = vector.broadcast %mul3A_1782 : f32 to vector<16xf32>
      %mul3A_1784 = arith.mulf %mul3A_1783, %add3A_1778 : vector<16xf32>
      %select_n3A_1785 = arith.select %gt3A_1781, %add3A_1778, %mul3A_1784 : vector<16xi1>, vector<16xf32>
      %exp3A_1786 = math.exp %select_n3A_1785 : vector<16xf32>
      %swap3A_1787 = arith.constant 32 : index
      %swap3A_1788 = tpu.vector_load %arg12[%swap3A_1787] {strides = array<i32>} : memref<96xf32, #tpu.memory_space<vmem>>, vector<16xf32>,
      tpu.vector_store %arg12[%swap3A_1787], %exp3A_1786 {strides = array<i32>} : memref<96xf32, #tpu.memory_space<vmem>>, vector<16xf32>,
      %dma_start3A_1789 = arith.constant 2 : i32
      %dma_start3A_1790 = arith.constant 0 : i32
      %dma_start3A_1791 = arith.constant 0 : i32
      %dma_start3A_1792 = tpu.memref_slice %arg12[%dma_start3A_1791] : memref<96xf32, #tpu.memory_space<vmem>> -> memref<48xf32, #tpu.memory_space<vmem>>
      %dma_start3A_1793 = arith.constant 0 : i32
      %dma_start3A_1794 = tpu.memref_slice %arg9[%dma_start3A_1789, %dma_start3A_1793] : memref<4x48xi32, #tpu.memory_space<vmem>> -> memref<1x48xi32, #tpu.memory_space<vmem>>
      %dma_start3A_1795 = tpu.memref_squeeze %dma_start3A_1794 : memref<1x48xi32, #tpu.memory_space<vmem>> -> memref<48xi32, #tpu.memory_space<vmem>>
      %dma_start3A_1796 = arith.constant 0 : i32
      %dma_start3A_1797 = tpu.memref_slice %arg16[%dma_start3A_1796] : memref<10240xf32, #tpu.memory_space<vmem_shared>> -> memref<10240xf32, #tpu.memory_space<vmem_shared>>
      %dma_start3A_1798 = tpu.memref_slice %arg20[%dma_start3A_1790] : memref<2x!tpu.dma_semaphore, #tpu.memory_space<semaphore_mem>> -> memref<1x!tpu.dma_semaphore, #tpu.memory_space<semaphore_mem>>
      %dma_start3A_1799 = tpu.memref_squeeze %dma_start3A_1798 : memref<1x!tpu.dma_semaphore, #tpu.memory_space<semaphore_mem>> -> memref<!tpu.dma_semaphore, #tpu.memory_space<semaphore_mem>>
      tpu.enqueue_indirect_dma source(%dma_start3A_1792 : memref<48xf32, #tpu.memory_space<vmem>>) target(%dma_start3A_1797 : memref<10240xf32, #tpu.memory_space<vmem_shared>>) offsets(%dma_start3A_1795 : memref<48xi32, #tpu.memory_space<vmem>>) semaphore(%dma_start3A_1799 : memref<!tpu.dma_semaphore, #tpu.memory_space<semaphore_mem>>) {add = true}
      %scan3A_1800 = arith.constant 0 : i32
      %scan3A_1801 = arith.constant 48 : i32
      %scan3A_1802 = arith.addi %scan3A_1800, %scan3A_1801 : i32
      %scan3A_1803 = arith.constant 1 : i32
      scf.for %scan3A_2085 = %scan3A_1800 to %scan3A_1802 step %scan3A_1803  : i32 {
        %mul3A_2086 = arith.constant 1 : i32
        %mul3A_2087 = arith.muli %scan3A_2085, %mul3A_2086 : i32
        %add3A_2088 = arith.constant 0 : i32
        %add3A_2089 = arith.addi %add3A_2088, %mul3A_2087 : i32
        %add3A_2090 = arith.constant 0 : i32
        %add3A_2091 = arith.addi %add3A_2090, %add3A_2089 : i32
        %broadcast_in_dim3A_2092 = vector.broadcast %add3A_2091 : i32 to vector<16xi32>
        %gather3A_2093 = tpu.vector_load_idx %arg12[%broadcast_in_dim3A_2092] : memref<96xf32, #tpu.memory_space<vmem>>[vector<16xi32>], vector<16xf32>,
        %add3A_2094 = arith.constant 96 : i32
        %add3A_2095 = arith.addi %add3A_2094, %add3A_2089 : i32
        %get3A_2096 = arith.index_cast %add3A_2095 : i32 to index
        %get3A_2097 = arith.constant 0 : index
        %get3A_2098 = tpu.vector_load %arg13[%get3A_2096, %get3A_2097] {strides = array<i32>} : memref<192x128xf32, #tpu.memory_space<vmem>>, vector<16xf32>,
        %mul3A_2099 = arith.mulf %get3A_2098, %gather3A_2093 : vector<16xf32>
        %swap3A_2100 = arith.index_cast %add3A_2095 : i32 to index
        %swap3A_2101 = arith.constant 0 : index
        %swap3A_2102 = tpu.vector_load %arg13[%swap3A_2100, %swap3A_2101] {strides = array<i32>} : memref<192x128xf32, #tpu.memory_space<vmem>>, vector<16xf32>,
        tpu.vector_store %arg13[%swap3A_2100, %swap3A_2101], %mul3A_2099 {strides = array<i32>} : memref<192x128xf32, #tpu.memory_space<vmem>>, vector<16xf32>,
        %get3A_2103 = arith.index_cast %add3A_2095 : i32 to index
        %get3A_2104 = arith.constant 16 : index
        %get3A_2105 = tpu.vector_load %arg13[%get3A_2103, %get3A_2104] {strides = array<i32>} : memref<192x128xf32, #tpu.memory_space<vmem>>, vector<16xf32>,
        %mul3A_2106 = arith.mulf %get3A_2105, %gather3A_2093 : vector<16xf32>
        %swap3A_2107 = arith.index_cast %add3A_2095 : i32 to index
        %swap3A_2108 = arith.constant 16 : index
        %swap3A_2109 = tpu.vector_load %arg13[%swap3A_2107, %swap3A_2108] {strides = array<i32>} : memref<192x128xf32, #tpu.memory_space<vmem>>, vector<16xf32>,
        tpu.vector_store %arg13[%swap3A_2107, %swap3A_2108], %mul3A_2106 {strides = array<i32>} : memref<192x128xf32, #tpu.memory_space<vmem>>, vector<16xf32>,
        %get3A_2110 = arith.index_cast %add3A_2095 : i32 to index
        %get3A_2111 = arith.constant 32 : index
        %get3A_2112 = tpu.vector_load %arg13[%get3A_2110, %get3A_2111] {strides = array<i32>} : memref<192x128xf32, #tpu.memory_space<vmem>>, vector<16xf32>,
        %mul3A_2113 = arith.mulf %get3A_2112, %gather3A_2093 : vector<16xf32>
        %swap3A_2114 = arith.index_cast %add3A_2095 : i32 to index
        %swap3A_2115 = arith.constant 32 : index
        %swap3A_2116 = tpu.vector_load %arg13[%swap3A_2114, %swap3A_2115] {strides = array<i32>} : memref<192x128xf32, #tpu.memory_space<vmem>>, vector<16xf32>,
        tpu.vector_store %arg13[%swap3A_2114, %swap3A_2115], %mul3A_2113 {strides = array<i32>} : memref<192x128xf32, #tpu.memory_space<vmem>>, vector<16xf32>,
        %get3A_2117 = arith.index_cast %add3A_2095 : i32 to index
        %get3A_2118 = arith.constant 48 : index
        %get3A_2119 = tpu.vector_load %arg13[%get3A_2117, %get3A_2118] {strides = array<i32>} : memref<192x128xf32, #tpu.memory_space<vmem>>, vector<16xf32>,
        %mul3A_2120 = arith.mulf %get3A_2119, %gather3A_2093 : vector<16xf32>
        %swap3A_2121 = arith.index_cast %add3A_2095 : i32 to index
        %swap3A_2122 = arith.constant 48 : index
        %swap3A_2123 = tpu.vector_load %arg13[%swap3A_2121, %swap3A_2122] {strides = array<i32>} : memref<192x128xf32, #tpu.memory_space<vmem>>, vector<16xf32>,
        tpu.vector_store %arg13[%swap3A_2121, %swap3A_2122], %mul3A_2120 {strides = array<i32>} : memref<192x128xf32, #tpu.memory_space<vmem>>, vector<16xf32>,
        %get3A_2124 = arith.index_cast %add3A_2095 : i32 to index
        %get3A_2125 = arith.constant 64 : index
        %get3A_2126 = tpu.vector_load %arg13[%get3A_2124, %get3A_2125] {strides = array<i32>} : memref<192x128xf32, #tpu.memory_space<vmem>>, vector<16xf32>,
        %mul3A_2127 = arith.mulf %get3A_2126, %gather3A_2093 : vector<16xf32>
        %swap3A_2128 = arith.index_cast %add3A_2095 : i32 to index
        %swap3A_2129 = arith.constant 64 : index
        %swap3A_2130 = tpu.vector_load %arg13[%swap3A_2128, %swap3A_2129] {strides = array<i32>} : memref<192x128xf32, #tpu.memory_space<vmem>>, vector<16xf32>,
        tpu.vector_store %arg13[%swap3A_2128, %swap3A_2129], %mul3A_2127 {strides = array<i32>} : memref<192x128xf32, #tpu.memory_space<vmem>>, vector<16xf32>,
        %get3A_2131 = arith.index_cast %add3A_2095 : i32 to index
        %get3A_2132 = arith.constant 80 : index
        %get3A_2133 = tpu.vector_load %arg13[%get3A_2131, %get3A_2132] {strides = array<i32>} : memref<192x128xf32, #tpu.memory_space<vmem>>, vector<16xf32>,
        %mul3A_2134 = arith.mulf %get3A_2133, %gather3A_2093 : vector<16xf32>
        %swap3A_2135 = arith.index_cast %add3A_2095 : i32 to index
        %swap3A_2136 = arith.constant 80 : index
        %swap3A_2137 = tpu.vector_load %arg13[%swap3A_2135, %swap3A_2136] {strides = array<i32>} : memref<192x128xf32, #tpu.memory_space<vmem>>, vector<16xf32>,
        tpu.vector_store %arg13[%swap3A_2135, %swap3A_2136], %mul3A_2134 {strides = array<i32>} : memref<192x128xf32, #tpu.memory_space<vmem>>, vector<16xf32>,
        %get3A_2138 = arith.index_cast %add3A_2095 : i32 to index
        %get3A_2139 = arith.constant 96 : index
        %get3A_2140 = tpu.vector_load %arg13[%get3A_2138, %get3A_2139] {strides = array<i32>} : memref<192x128xf32, #tpu.memory_space<vmem>>, vector<16xf32>,
        %mul3A_2141 = arith.mulf %get3A_2140, %gather3A_2093 : vector<16xf32>
        %swap3A_2142 = arith.index_cast %add3A_2095 : i32 to index
        %swap3A_2143 = arith.constant 96 : index
        %swap3A_2144 = tpu.vector_load %arg13[%swap3A_2142, %swap3A_2143] {strides = array<i32>} : memref<192x128xf32, #tpu.memory_space<vmem>>, vector<16xf32>,
        tpu.vector_store %arg13[%swap3A_2142, %swap3A_2143], %mul3A_2141 {strides = array<i32>} : memref<192x128xf32, #tpu.memory_space<vmem>>, vector<16xf32>,
        %get3A_2145 = arith.index_cast %add3A_2095 : i32 to index
        %get3A_2146 = arith.constant 112 : index
        %get3A_2147 = tpu.vector_load %arg13[%get3A_2145, %get3A_2146] {strides = array<i32>} : memref<192x128xf32, #tpu.memory_space<vmem>>, vector<16xf32>,
        %mul3A_2148 = arith.mulf %get3A_2147, %gather3A_2093 : vector<16xf32>
        %swap3A_2149 = arith.index_cast %add3A_2095 : i32 to index
        %swap3A_2150 = arith.constant 112 : index
        %swap3A_2151 = tpu.vector_load %arg13[%swap3A_2149, %swap3A_2150] {strides = array<i32>} : memref<192x128xf32, #tpu.memory_space<vmem>>, vector<16xf32>,
        tpu.vector_store %arg13[%swap3A_2149, %swap3A_2150], %mul3A_2148 {strides = array<i32>} : memref<192x128xf32, #tpu.memory_space<vmem>>, vector<16xf32>,
      }
      %scan3A_1804 = arith.constant 48 : i32
      %add3A_1805 = arith.constant 2 : i32
      %add3A_1806 = arith.addi %add3A_1652, %add3A_1805 : i32
      %dma_wait3A_1807 = arith.constant 0 : i32
      %dma_wait3A_1808 = arith.constant 0 : i32
      %dma_wait3A_1809 = arith.constant 0 : i32
      %dma_wait3A_1810 = tpu.memref_slice %arg8[%dma_wait3A_1807, %dma_wait3A_1809] : memref<4x48xi32, #tpu.memory_space<vmem>> -> memref<1x48xi32, #tpu.memory_space<vmem>>
      %dma_wait3A_1811 = tpu.memref_squeeze %dma_wait3A_1810 : memref<1x48xi32, #tpu.memory_space<vmem>> -> memref<48xi32, #tpu.memory_space<vmem>>
      %dma_wait3A_1812 = arith.constant 0 : i32
      %dma_wait3A_1813 = tpu.memref_slice %arg4[%add3A, %add3A_1806, %dma_wait3A_1812] : memref<32x210x48xi32, #tpu.memory_space<hbm>> -> memref<1x1x48xi32, #tpu.memory_space<hbm>>
      %dma_wait3A_1814 = tpu.memref_squeeze %dma_wait3A_1813 : memref<1x1x48xi32, #tpu.memory_space<hbm>> -> memref<48xi32, #tpu.memory_space<hbm>>
      %dma_wait3A_1815 = tpu.memref_slice %arg19[%dma_wait3A_1808] : memref<4x!tpu.dma_semaphore, #tpu.memory_space<semaphore_mem>> -> memref<1x!tpu.dma_semaphore, #tpu.memory_space<semaphore_mem>>
      %dma_wait3A_1816 = tpu.memref_squeeze %dma_wait3A_1815 : memref<1x!tpu.dma_semaphore, #tpu.memory_space<semaphore_mem>> -> memref<!tpu.dma_semaphore, #tpu.memory_space<semaphore_mem>>
      %dma_wait3A_1817 = arith.constant 0 : i32
      %dma_wait3A_1818 = tpu.memref_slice %arg8[%dma_wait3A_1807, %dma_wait3A_1817] : memref<4x48xi32, #tpu.memory_space<vmem>> -> memref<1x48xi32, #tpu.memory_space<vmem>>
      %dma_wait3A_1819 = tpu.memref_squeeze %dma_wait3A_1818 : memref<1x48xi32, #tpu.memory_space<vmem>> -> memref<48xi32, #tpu.memory_space<vmem>>
      %dma_wait3A_1820 = arith.constant 0 : i32
      %dma_wait3A_1821 = tpu.memref_slice %arg4[%add3A, %add3A_1806, %dma_wait3A_1820] : memref<32x210x48xi32, #tpu.memory_space<hbm>> -> memref<1x1x48xi32, #tpu.memory_space<hbm>>
      %dma_wait3A_1822 = tpu.memref_squeeze %dma_wait3A_1821 : memref<1x1x48xi32, #tpu.memory_space<hbm>> -> memref<48xi32, #tpu.memory_space<hbm>>
      tpu.wait_dma2 semaphore(%dma_wait3A_1816 : memref<!tpu.dma_semaphore, #tpu.memory_space<semaphore_mem>>) src(%dma_wait3A_1822 : memref<48xi32, #tpu.memory_space<hbm>>) dst(%dma_wait3A_1819 : memref<48xi32, #tpu.memory_space<vmem>>)
      %add3A_1823 = arith.constant 2 : i32
      %add3A_1824 = arith.addi %add3A_1652, %add3A_1823 : i32
      %dma_wait3A_1825 = arith.constant 0 : i32
      %dma_wait3A_1826 = arith.constant 0 : i32
      %dma_wait3A_1827 = arith.constant 0 : i32
      %dma_wait3A_1828 = tpu.memref_slice %arg9[%dma_wait3A_1825, %dma_wait3A_1827] : memref<4x48xi32, #tpu.memory_space<vmem>> -> memref<1x48xi32, #tpu.memory_space<vmem>>
      %dma_wait3A_1829 = tpu.memref_squeeze %dma_wait3A_1828 : memref<1x48xi32, #tpu.memory_space<vmem>> -> memref<48xi32, #tpu.memory_space<vmem>>
      %dma_wait3A_1830 = arith.constant 0 : i32
      %dma_wait3A_1831 = tpu.memref_slice %arg5[%add3A, %add3A_1824, %dma_wait3A_1830] : memref<32x210x48xi32, #tpu.memory_space<hbm>> -> memref<1x1x48xi32, #tpu.memory_space<hbm>>
      %dma_wait3A_1832 = tpu.memref_squeeze %dma_wait3A_1831 : memref<1x1x48xi32, #tpu.memory_space<hbm>> -> memref<48xi32, #tpu.memory_space<hbm>>
      %dma_wait3A_1833 = tpu.memref_slice %arg19[%dma_wait3A_1826] : memref<4x!tpu.dma_semaphore, #tpu.memory_space<semaphore_mem>> -> memref<1x!tpu.dma_semaphore, #tpu.memory_space<semaphore_mem>>
      %dma_wait3A_1834 = tpu.memref_squeeze %dma_wait3A_1833 : memref<1x!tpu.dma_semaphore, #tpu.memory_space<semaphore_mem>> -> memref<!tpu.dma_semaphore, #tpu.memory_space<semaphore_mem>>
      %dma_wait3A_1835 = arith.constant 0 : i32
      %dma_wait3A_1836 = tpu.memref_slice %arg9[%dma_wait3A_1825, %dma_wait3A_1835] : memref<4x48xi32, #tpu.memory_space<vmem>> -> memref<1x48xi32, #tpu.memory_space<vmem>>
      %dma_wait3A_1837 = tpu.memref_squeeze %dma_wait3A_1836 : memref<1x48xi32, #tpu.memory_space<vmem>> -> memref<48xi32, #tpu.memory_space<vmem>>
      %dma_wait3A_1838 = arith.constant 0 : i32
      %dma_wait3A_1839 = tpu.memref_slice %arg5[%add3A, %add3A_1824, %dma_wait3A_1838] : memref<32x210x48xi32, #tpu.memory_space<hbm>> -> memref<1x1x48xi32, #tpu.memory_space<hbm>>
      %dma_wait3A_1840 = tpu.memref_squeeze %dma_wait3A_1839 : memref<1x1x48xi32, #tpu.memory_space<hbm>> -> memref<48xi32, #tpu.memory_space<hbm>>
      tpu.wait_dma2 semaphore(%dma_wait3A_1834 : memref<!tpu.dma_semaphore, #tpu.memory_space<semaphore_mem>>) src(%dma_wait3A_1840 : memref<48xi32, #tpu.memory_space<hbm>>) dst(%dma_wait3A_1837 : memref<48xi32, #tpu.memory_space<vmem>>)
      %dma_start3A_1841 = arith.constant 0 : i32
      %dma_start3A_1842 = arith.constant 0 : i32
      %dma_start3A_1843 = arith.constant 0 : i32
      %dma_start3A_1844 = arith.constant 0 : i32
      %dma_start3A_1845 = tpu.memref_slice %arg13[%dma_start3A_1843, %dma_start3A_1844] : memref<192x128xf32, #tpu.memory_space<vmem>> -> memref<48x128xf32, #tpu.memory_space<vmem>>
      %dma_start3A_1846 = arith.constant 0 : i32
      %dma_start3A_1847 = tpu.memref_slice %arg8[%dma_start3A_1841, %dma_start3A_1846] : memref<4x48xi32, #tpu.memory_space<vmem>> -> memref<1x48xi32, #tpu.memory_space<vmem>>
      %dma_start3A_1848 = tpu.memref_squeeze %dma_start3A_1847 : memref<1x48xi32, #tpu.memory_space<vmem>> -> memref<48xi32, #tpu.memory_space<vmem>>
      %dma_start3A_1849 = arith.constant 0 : i32
      %dma_start3A_1850 = arith.constant 0 : i32
      %dma_start3A_1851 = tpu.memref_slice %arg2[%dma_start3A_1849, %dma_start3A_1850] : memref<10000x128xf32, #tpu.memory_space<hbm>> -> memref<10000x128xf32, #tpu.memory_space<hbm>>
      %dma_start3A_1852 = tpu.memref_slice %arg17[%dma_start3A_1842] : memref<4x!tpu.dma_semaphore, #tpu.memory_space<semaphore_mem>> -> memref<1x!tpu.dma_semaphore, #tpu.memory_space<semaphore_mem>>
      %dma_start3A_1853 = tpu.memref_squeeze %dma_start3A_1852 : memref<1x!tpu.dma_semaphore, #tpu.memory_space<semaphore_mem>> -> memref<!tpu.dma_semaphore, #tpu.memory_space<semaphore_mem>>
      tpu.enqueue_indirect_dma source(%dma_start3A_1851 : memref<10000x128xf32, #tpu.memory_space<hbm>>) target(%dma_start3A_1845 : memref<48x128xf32, #tpu.memory_space<vmem>>) offsets(%dma_start3A_1848 : memref<48xi32, #tpu.memory_space<vmem>>) semaphore(%dma_start3A_1853 : memref<!tpu.dma_semaphore, #tpu.memory_space<semaphore_mem>>)
      %dma_start3A_1854 = arith.constant 2 : i32
      %dma_start3A_1855 = arith.constant 2 : i32
      %dma_start3A_1856 = arith.constant 96 : i32
      %dma_start3A_1857 = arith.constant 0 : i32
      %dma_start3A_1858 = tpu.memref_slice %arg13[%dma_start3A_1856, %dma_start3A_1857] : memref<192x128xf32, #tpu.memory_space<vmem>> -> memref<48x128xf32, #tpu.memory_space<vmem>>
      %dma_start3A_1859 = arith.constant 0 : i32
      %dma_start3A_1860 = tpu.memref_slice %arg9[%dma_start3A_1854, %dma_start3A_1859] : memref<4x48xi32, #tpu.memory_space<vmem>> -> memref<1x48xi32, #tpu.memory_space<vmem>>
      %dma_start3A_1861 = tpu.memref_squeeze %dma_start3A_1860 : memref<1x48xi32, #tpu.memory_space<vmem>> -> memref<48xi32, #tpu.memory_space<vmem>>
      %dma_start3A_1862 = arith.constant 0 : i32
      %dma_start3A_1863 = arith.constant 0 : i32
      %dma_start3A_1864 = tpu.memref_slice %arg15[%dma_start3A_1862, %dma_start3A_1863] : memref<10240x128xf32, #tpu.memory_space<vmem_shared>> -> memref<10240x128xf32, #tpu.memory_space<vmem_shared>>
      %dma_start3A_1865 = tpu.memref_slice %arg18[%dma_start3A_1855] : memref<4x!tpu.dma_semaphore, #tpu.memory_space<semaphore_mem>> -> memref<1x!tpu.dma_semaphore, #tpu.memory_space<semaphore_mem>>
      %dma_start3A_1866 = tpu.memref_squeeze %dma_start3A_1865 : memref<1x!tpu.dma_semaphore, #tpu.memory_space<semaphore_mem>> -> memref<!tpu.dma_semaphore, #tpu.memory_space<semaphore_mem>>
      tpu.enqueue_indirect_dma source(%dma_start3A_1858 : memref<48x128xf32, #tpu.memory_space<vmem>>) target(%dma_start3A_1864 : memref<10240x128xf32, #tpu.memory_space<vmem_shared>>) offsets(%dma_start3A_1861 : memref<48xi32, #tpu.memory_space<vmem>>) semaphore(%dma_start3A_1866 : memref<!tpu.dma_semaphore, #tpu.memory_space<semaphore_mem>>) {add = true}
      %mul3A_1867 = arith.constant 4 : i32
      %mul3A_1868 = arith.muli %mul3A_1867, %add3A_1212 : i32
      %add3A_1869 = arith.constant 3 : i32
      %add3A_1870 = arith.addi %mul3A_1868, %add3A_1869 : i32
      %dma_wait3A_1871 = arith.constant 1 : i32
      %dma_wait3A_1872 = arith.constant 1 : i32
      %dma_wait3A_1873 = arith.constant 48 : i32
      %dma_wait3A_1874 = arith.constant 0 : i32
      %dma_wait3A_1875 = tpu.memref_slice %arg13[%dma_wait3A_1873, %dma_wait3A_1874] : memref<192x128xf32, #tpu.memory_space<vmem>> -> memref<48x128xf32, #tpu.memory_space<vmem>>
      %dma_wait3A_1876 = arith.constant 0 : i32
      %dma_wait3A_1877 = tpu.memref_slice %arg9[%dma_wait3A_1871, %dma_wait3A_1876] : memref<4x48xi32, #tpu.memory_space<vmem>> -> memref<1x48xi32, #tpu.memory_space<vmem>>
      %dma_wait3A_1878 = tpu.memref_squeeze %dma_wait3A_1877 : memref<1x48xi32, #tpu.memory_space<vmem>> -> memref<48xi32, #tpu.memory_space<vmem>>
      %dma_wait3A_1879 = arith.constant 0 : i32
      %dma_wait3A_1880 = arith.constant 0 : i32
      %dma_wait3A_1881 = tpu.memref_slice %arg15[%dma_wait3A_1879, %dma_wait3A_1880] : memref<10240x128xf32, #tpu.memory_space<vmem_shared>> -> memref<10240x128xf32, #tpu.memory_space<vmem_shared>>
      %dma_wait3A_1882 = tpu.memref_slice %arg18[%dma_wait3A_1872] : memref<4x!tpu.dma_semaphore, #tpu.memory_space<semaphore_mem>> -> memref<1x!tpu.dma_semaphore, #tpu.memory_space<semaphore_mem>>
      %dma_wait3A_1883 = tpu.memref_squeeze %dma_wait3A_1882 : memref<1x!tpu.dma_semaphore, #tpu.memory_space<semaphore_mem>> -> memref<!tpu.dma_semaphore, #tpu.memory_space<semaphore_mem>>
      tpu.wait_indirect_dma semaphore(%dma_wait3A_1883 : memref<!tpu.dma_semaphore, #tpu.memory_space<semaphore_mem>>) src(%dma_wait3A_1875 : memref<48x128xf32, #tpu.memory_space<vmem>>) dst(%dma_wait3A_1881 : memref<10240x128xf32, #tpu.memory_space<vmem_shared>>)
      %dma_wait3A_1884 = arith.constant 1 : i32
      %dma_wait3A_1885 = arith.constant 1 : i32
      %dma_wait3A_1886 = arith.constant 48 : i32
      %dma_wait3A_1887 = tpu.memref_slice %arg12[%dma_wait3A_1886] : memref<96xf32, #tpu.memory_space<vmem>> -> memref<48xf32, #tpu.memory_space<vmem>>
      %dma_wait3A_1888 = arith.constant 0 : i32
      %dma_wait3A_1889 = tpu.memref_slice %arg9[%dma_wait3A_1884, %dma_wait3A_1888] : memref<4x48xi32, #tpu.memory_space<vmem>> -> memref<1x48xi32, #tpu.memory_space<vmem>>
      %dma_wait3A_1890 = tpu.memref_squeeze %dma_wait3A_1889 : memref<1x48xi32, #tpu.memory_space<vmem>> -> memref<48xi32, #tpu.memory_space<vmem>>
      %dma_wait3A_1891 = arith.constant 0 : i32
      %dma_wait3A_1892 = tpu.memref_slice %arg16[%dma_wait3A_1891] : memref<10240xf32, #tpu.memory_space<vmem_shared>> -> memref<10240xf32, #tpu.memory_space<vmem_shared>>
      %dma_wait3A_1893 = tpu.memref_slice %arg20[%dma_wait3A_1885] : memref<2x!tpu.dma_semaphore, #tpu.memory_space<semaphore_mem>> -> memref<1x!tpu.dma_semaphore, #tpu.memory_space<semaphore_mem>>
      %dma_wait3A_1894 = tpu.memref_squeeze %dma_wait3A_1893 : memref<1x!tpu.dma_semaphore, #tpu.memory_space<semaphore_mem>> -> memref<!tpu.dma_semaphore, #tpu.memory_space<semaphore_mem>>
      tpu.wait_indirect_dma semaphore(%dma_wait3A_1894 : memref<!tpu.dma_semaphore, #tpu.memory_space<semaphore_mem>>) src(%dma_wait3A_1887 : memref<48xf32, #tpu.memory_space<vmem>>) dst(%dma_wait3A_1892 : memref<10240xf32, #tpu.memory_space<vmem_shared>>)
      %add3A_1895 = arith.constant 2 : i32
      %add3A_1896 = arith.addi %add3A_1870, %add3A_1895 : i32
      %dma_start3A_1897 = arith.constant 1 : i32
      %dma_start3A_1898 = arith.constant 1 : i32
      %dma_start3A_1899 = arith.constant 0 : i32
      %dma_start3A_1900 = tpu.memref_slice %arg8[%dma_start3A_1897, %dma_start3A_1899] : memref<4x48xi32, #tpu.memory_space<vmem>> -> memref<1x48xi32, #tpu.memory_space<vmem>>
      %dma_start3A_1901 = tpu.memref_squeeze %dma_start3A_1900 : memref<1x48xi32, #tpu.memory_space<vmem>> -> memref<48xi32, #tpu.memory_space<vmem>>
      %dma_start3A_1902 = arith.constant 0 : i32
      %dma_start3A_1903 = tpu.memref_slice %arg4[%add3A, %add3A_1896, %dma_start3A_1902] : memref<32x210x48xi32, #tpu.memory_space<hbm>> -> memref<1x1x48xi32, #tpu.memory_space<hbm>>
      %dma_start3A_1904 = tpu.memref_squeeze %dma_start3A_1903 : memref<1x1x48xi32, #tpu.memory_space<hbm>> -> memref<48xi32, #tpu.memory_space<hbm>>
      %dma_start3A_1905 = tpu.memref_slice %arg19[%dma_start3A_1898] : memref<4x!tpu.dma_semaphore, #tpu.memory_space<semaphore_mem>> -> memref<1x!tpu.dma_semaphore, #tpu.memory_space<semaphore_mem>>
      %dma_start3A_1906 = tpu.memref_squeeze %dma_start3A_1905 : memref<1x!tpu.dma_semaphore, #tpu.memory_space<semaphore_mem>> -> memref<!tpu.dma_semaphore, #tpu.memory_space<semaphore_mem>>
      %dma_start3A_1907 = arith.constant 0 : i32
      %dma_start3A_1908 = tpu.memref_slice %arg8[%dma_start3A_1897, %dma_start3A_1907] : memref<4x48xi32, #tpu.memory_space<vmem>> -> memref<1x48xi32, #tpu.memory_space<vmem>>
      %dma_start3A_1909 = tpu.memref_squeeze %dma_start3A_1908 : memref<1x48xi32, #tpu.memory_space<vmem>> -> memref<48xi32, #tpu.memory_space<vmem>>
      %dma_start3A_1910 = arith.constant 0 : i32
      %dma_start3A_1911 = tpu.memref_slice %arg4[%add3A, %add3A_1896, %dma_start3A_1910] : memref<32x210x48xi32, #tpu.memory_space<hbm>> -> memref<1x1x48xi32, #tpu.memory_space<hbm>>
      %dma_start3A_1912 = tpu.memref_squeeze %dma_start3A_1911 : memref<1x1x48xi32, #tpu.memory_space<hbm>> -> memref<48xi32, #tpu.memory_space<hbm>>
      tpu.enqueue_dma source(%dma_start3A_1912 : memref<48xi32, #tpu.memory_space<hbm>>) target(%dma_start3A_1909 : memref<48xi32, #tpu.memory_space<vmem>>) target_semaphore(%dma_start3A_1906 : memref<!tpu.dma_semaphore, #tpu.memory_space<semaphore_mem>>)
      %add3A_1913 = arith.constant 2 : i32
      %add3A_1914 = arith.addi %add3A_1870, %add3A_1913 : i32
      %dma_start3A_1915 = arith.constant 1 : i32
      %dma_start3A_1916 = arith.constant 1 : i32
      %dma_start3A_1917 = arith.constant 0 : i32
      %dma_start3A_1918 = tpu.memref_slice %arg9[%dma_start3A_1915, %dma_start3A_1917] : memref<4x48xi32, #tpu.memory_space<vmem>> -> memref<1x48xi32, #tpu.memory_space<vmem>>
      %dma_start3A_1919 = tpu.memref_squeeze %dma_start3A_1918 : memref<1x48xi32, #tpu.memory_space<vmem>> -> memref<48xi32, #tpu.memory_space<vmem>>
      %dma_start3A_1920 = arith.constant 0 : i32
      %dma_start3A_1921 = tpu.memref_slice %arg5[%add3A, %add3A_1914, %dma_start3A_1920] : memref<32x210x48xi32, #tpu.memory_space<hbm>> -> memref<1x1x48xi32, #tpu.memory_space<hbm>>
      %dma_start3A_1922 = tpu.memref_squeeze %dma_start3A_1921 : memref<1x1x48xi32, #tpu.memory_space<hbm>> -> memref<48xi32, #tpu.memory_space<hbm>>
      %dma_start3A_1923 = tpu.memref_slice %arg19[%dma_start3A_1916] : memref<4x!tpu.dma_semaphore, #tpu.memory_space<semaphore_mem>> -> memref<1x!tpu.dma_semaphore, #tpu.memory_space<semaphore_mem>>
      %dma_start3A_1924 = tpu.memref_squeeze %dma_start3A_1923 : memref<1x!tpu.dma_semaphore, #tpu.memory_space<semaphore_mem>> -> memref<!tpu.dma_semaphore, #tpu.memory_space<semaphore_mem>>
      %dma_start3A_1925 = arith.constant 0 : i32
      %dma_start3A_1926 = tpu.memref_slice %arg9[%dma_start3A_1915, %dma_start3A_1925] : memref<4x48xi32, #tpu.memory_space<vmem>> -> memref<1x48xi32, #tpu.memory_space<vmem>>
      %dma_start3A_1927 = tpu.memref_squeeze %dma_start3A_1926 : memref<1x48xi32, #tpu.memory_space<vmem>> -> memref<48xi32, #tpu.memory_space<vmem>>
      %dma_start3A_1928 = arith.constant 0 : i32
      %dma_start3A_1929 = tpu.memref_slice %arg5[%add3A, %add3A_1914, %dma_start3A_1928] : memref<32x210x48xi32, #tpu.memory_space<hbm>> -> memref<1x1x48xi32, #tpu.memory_space<hbm>>
      %dma_start3A_1930 = tpu.memref_squeeze %dma_start3A_1929 : memref<1x1x48xi32, #tpu.memory_space<hbm>> -> memref<48xi32, #tpu.memory_space<hbm>>
      tpu.enqueue_dma source(%dma_start3A_1930 : memref<48xi32, #tpu.memory_space<hbm>>) target(%dma_start3A_1927 : memref<48xi32, #tpu.memory_space<vmem>>) target_semaphore(%dma_start3A_1924 : memref<!tpu.dma_semaphore, #tpu.memory_space<semaphore_mem>>)
      %dma_wait3A_1931 = arith.constant 3 : i32
      %dma_wait3A_1932 = arith.constant 3 : i32
      %dma_wait3A_1933 = arith.constant 144 : i32
      %dma_wait3A_1934 = arith.constant 0 : i32
      %dma_wait3A_1935 = tpu.memref_slice %arg13[%dma_wait3A_1933, %dma_wait3A_1934] : memref<192x128xf32, #tpu.memory_space<vmem>> -> memref<48x128xf32, #tpu.memory_space<vmem>>
      %dma_wait3A_1936 = arith.constant 0 : i32
      %dma_wait3A_1937 = tpu.memref_slice %arg8[%dma_wait3A_1931, %dma_wait3A_1936] : memref<4x48xi32, #tpu.memory_space<vmem>> -> memref<1x48xi32, #tpu.memory_space<vmem>>
      %dma_wait3A_1938 = tpu.memref_squeeze %dma_wait3A_1937 : memref<1x48xi32, #tpu.memory_space<vmem>> -> memref<48xi32, #tpu.memory_space<vmem>>
      %dma_wait3A_1939 = arith.constant 0 : i32
      %dma_wait3A_1940 = arith.constant 0 : i32
      %dma_wait3A_1941 = tpu.memref_slice %arg2[%dma_wait3A_1939, %dma_wait3A_1940] : memref<10000x128xf32, #tpu.memory_space<hbm>> -> memref<10000x128xf32, #tpu.memory_space<hbm>>
      %dma_wait3A_1942 = tpu.memref_slice %arg17[%dma_wait3A_1932] : memref<4x!tpu.dma_semaphore, #tpu.memory_space<semaphore_mem>> -> memref<1x!tpu.dma_semaphore, #tpu.memory_space<semaphore_mem>>
      %dma_wait3A_1943 = tpu.memref_squeeze %dma_wait3A_1942 : memref<1x!tpu.dma_semaphore, #tpu.memory_space<semaphore_mem>> -> memref<!tpu.dma_semaphore, #tpu.memory_space<semaphore_mem>>
      tpu.wait_indirect_dma semaphore(%dma_wait3A_1943 : memref<!tpu.dma_semaphore, #tpu.memory_space<semaphore_mem>>) src(%dma_wait3A_1941 : memref<10000x128xf32, #tpu.memory_space<hbm>>) dst(%dma_wait3A_1935 : memref<48x128xf32, #tpu.memory_space<vmem>>)
      %get3A_1944 = arith.constant 3 : i32
      %get3A_1945 = arith.index_cast %get3A_1944 : i32 to index
      %get3A_1946 = arith.constant 0 : index
      %get3A_1947 = tpu.vector_load %arg8[%get3A_1945, %get3A_1946] {strides = array<i32>} : memref<4x48xi32, #tpu.memory_space<vmem>>, vector<16xi32>,
      %get3A_1948 = arith.constant 3 : i32
      %get3A_1949 = arith.index_cast %get3A_1948 : i32 to index
      %get3A_1950 = arith.constant 0 : index
      %get3A_1951 = tpu.vector_load %arg9[%get3A_1949, %get3A_1950] {strides = array<i32>} : memref<4x48xi32, #tpu.memory_space<vmem>>, vector<16xi32>,
      %gather3A_1952 = tpu.vector_load_idx %arg10[%get3A_1947] : memref<10240xf32, #tpu.memory_space<vmem>>[vector<16xi32>], vector<16xf32>,
      %gather3A_1953 = tpu.vector_load_idx %arg11[%get3A_1951] : memref<10240xf32, #tpu.memory_space<vmem>>[vector<16xi32>], vector<16xf32>,
      %add3A_1954 = arith.addf %gather3A_1952, %gather3A_1953 : vector<16xf32>
      %gt3A_1955 = arith.constant 0.000000e+00 : f32
      %gt3A_1956 = vector.broadcast %gt3A_1955 : f32 to vector<16xf32>
      %gt3A_1957 = arith.cmpf ogt, %add3A_1954, %gt3A_1956 : vector<16xf32>
      %mul3A_1958 = arith.constant 2.000000e-01 : f32
      %mul3A_1959 = vector.broadcast %mul3A_1958 : f32 to vector<16xf32>
      %mul3A_1960 = arith.mulf %mul3A_1959, %add3A_1954 : vector<16xf32>
      %select_n3A_1961 = arith.select %gt3A_1957, %add3A_1954, %mul3A_1960 : vector<16xi1>, vector<16xf32>
      %exp3A_1962 = math.exp %select_n3A_1961 : vector<16xf32>
      %swap3A_1963 = arith.constant 48 : index
      %swap3A_1964 = tpu.vector_load %arg12[%swap3A_1963] {strides = array<i32>} : memref<96xf32, #tpu.memory_space<vmem>>, vector<16xf32>,
      tpu.vector_store %arg12[%swap3A_1963], %exp3A_1962 {strides = array<i32>} : memref<96xf32, #tpu.memory_space<vmem>>, vector<16xf32>,
      %get3A_1965 = arith.constant 3 : i32
      %get3A_1966 = arith.index_cast %get3A_1965 : i32 to index
      %get3A_1967 = arith.constant 16 : index
      %get3A_1968 = tpu.vector_load %arg8[%get3A_1966, %get3A_1967] {strides = array<i32>} : memref<4x48xi32, #tpu.memory_space<vmem>>, vector<16xi32>,
      %get3A_1969 = arith.constant 3 : i32
      %get3A_1970 = arith.index_cast %get3A_1969 : i32 to index
      %get3A_1971 = arith.constant 16 : index
      %get3A_1972 = tpu.vector_load %arg9[%get3A_1970, %get3A_1971] {strides = array<i32>} : memref<4x48xi32, #tpu.memory_space<vmem>>, vector<16xi32>,
      %gather3A_1973 = tpu.vector_load_idx %arg10[%get3A_1968] : memref<10240xf32, #tpu.memory_space<vmem>>[vector<16xi32>], vector<16xf32>,
      %gather3A_1974 = tpu.vector_load_idx %arg11[%get3A_1972] : memref<10240xf32, #tpu.memory_space<vmem>>[vector<16xi32>], vector<16xf32>,
      %add3A_1975 = arith.addf %gather3A_1973, %gather3A_1974 : vector<16xf32>
      %gt3A_1976 = arith.constant 0.000000e+00 : f32
      %gt3A_1977 = vector.broadcast %gt3A_1976 : f32 to vector<16xf32>
      %gt3A_1978 = arith.cmpf ogt, %add3A_1975, %gt3A_1977 : vector<16xf32>
      %mul3A_1979 = arith.constant 2.000000e-01 : f32
      %mul3A_1980 = vector.broadcast %mul3A_1979 : f32 to vector<16xf32>
      %mul3A_1981 = arith.mulf %mul3A_1980, %add3A_1975 : vector<16xf32>
      %select_n3A_1982 = arith.select %gt3A_1978, %add3A_1975, %mul3A_1981 : vector<16xi1>, vector<16xf32>
      %exp3A_1983 = math.exp %select_n3A_1982 : vector<16xf32>
      %swap3A_1984 = arith.constant 64 : index
      %swap3A_1985 = tpu.vector_load %arg12[%swap3A_1984] {strides = array<i32>} : memref<96xf32, #tpu.memory_space<vmem>>, vector<16xf32>,
      tpu.vector_store %arg12[%swap3A_1984], %exp3A_1983 {strides = array<i32>} : memref<96xf32, #tpu.memory_space<vmem>>, vector<16xf32>,
      %get3A_1986 = arith.constant 3 : i32
      %get3A_1987 = arith.index_cast %get3A_1986 : i32 to index
      %get3A_1988 = arith.constant 32 : index
      %get3A_1989 = tpu.vector_load %arg8[%get3A_1987, %get3A_1988] {strides = array<i32>} : memref<4x48xi32, #tpu.memory_space<vmem>>, vector<16xi32>,
      %get3A_1990 = arith.constant 3 : i32
      %get3A_1991 = arith.index_cast %get3A_1990 : i32 to index
      %get3A_1992 = arith.constant 32 : index
      %get3A_1993 = tpu.vector_load %arg9[%get3A_1991, %get3A_1992] {strides = array<i32>} : memref<4x48xi32, #tpu.memory_space<vmem>>, vector<16xi32>,
      %gather3A_1994 = tpu.vector_load_idx %arg10[%get3A_1989] : memref<10240xf32, #tpu.memory_space<vmem>>[vector<16xi32>], vector<16xf32>,
      %gather3A_1995 = tpu.vector_load_idx %arg11[%get3A_1993] : memref<10240xf32, #tpu.memory_space<vmem>>[vector<16xi32>], vector<16xf32>,
      %add3A_1996 = arith.addf %gather3A_1994, %gather3A_1995 : vector<16xf32>
      %gt3A_1997 = arith.constant 0.000000e+00 : f32
      %gt3A_1998 = vector.broadcast %gt3A_1997 : f32 to vector<16xf32>
      %gt3A_1999 = arith.cmpf ogt, %add3A_1996, %gt3A_1998 : vector<16xf32>
      %mul3A_2000 = arith.constant 2.000000e-01 : f32
      %mul3A_2001 = vector.broadcast %mul3A_2000 : f32 to vector<16xf32>
      %mul3A_2002 = arith.mulf %mul3A_2001, %add3A_1996 : vector<16xf32>
      %select_n3A_2003 = arith.select %gt3A_1999, %add3A_1996, %mul3A_2002 : vector<16xi1>, vector<16xf32>
      %exp3A_2004 = math.exp %select_n3A_2003 : vector<16xf32>
      %swap3A_2005 = arith.constant 80 : index
      %swap3A_2006 = tpu.vector_load %arg12[%swap3A_2005] {strides = array<i32>} : memref<96xf32, #tpu.memory_space<vmem>>, vector<16xf32>,
      tpu.vector_store %arg12[%swap3A_2005], %exp3A_2004 {strides = array<i32>} : memref<96xf32, #tpu.memory_space<vmem>>, vector<16xf32>,
      %dma_start3A_2007 = arith.constant 3 : i32
      %dma_start3A_2008 = arith.constant 1 : i32
      %dma_start3A_2009 = arith.constant 48 : i32
      %dma_start3A_2010 = tpu.memref_slice %arg12[%dma_start3A_2009] : memref<96xf32, #tpu.memory_space<vmem>> -> memref<48xf32, #tpu.memory_space<vmem>>
      %dma_start3A_2011 = arith.constant 0 : i32
      %dma_start3A_2012 = tpu.memref_slice %arg9[%dma_start3A_2007, %dma_start3A_2011] : memref<4x48xi32, #tpu.memory_space<vmem>> -> memref<1x48xi32, #tpu.memory_space<vmem>>
      %dma_start3A_2013 = tpu.memref_squeeze %dma_start3A_2012 : memref<1x48xi32, #tpu.memory_space<vmem>> -> memref<48xi32, #tpu.memory_space<vmem>>
      %dma_start3A_2014 = arith.constant 0 : i32
      %dma_start3A_2015 = tpu.memref_slice %arg16[%dma_start3A_2014] : memref<10240xf32, #tpu.memory_space<vmem_shared>> -> memref<10240xf32, #tpu.memory_space<vmem_shared>>
      %dma_start3A_2016 = tpu.memref_slice %arg20[%dma_start3A_2008] : memref<2x!tpu.dma_semaphore, #tpu.memory_space<semaphore_mem>> -> memref<1x!tpu.dma_semaphore, #tpu.memory_space<semaphore_mem>>
      %dma_start3A_2017 = tpu.memref_squeeze %dma_start3A_2016 : memref<1x!tpu.dma_semaphore, #tpu.memory_space<semaphore_mem>> -> memref<!tpu.dma_semaphore, #tpu.memory_space<semaphore_mem>>
      tpu.enqueue_indirect_dma source(%dma_start3A_2010 : memref<48xf32, #tpu.memory_space<vmem>>) target(%dma_start3A_2015 : memref<10240xf32, #tpu.memory_space<vmem_shared>>) offsets(%dma_start3A_2013 : memref<48xi32, #tpu.memory_space<vmem>>) semaphore(%dma_start3A_2017 : memref<!tpu.dma_semaphore, #tpu.memory_space<semaphore_mem>>) {add = true}
      %scan3A_2018 = arith.constant 0 : i32
      %scan3A_2019 = arith.constant 48 : i32
      %scan3A_2020 = arith.addi %scan3A_2018, %scan3A_2019 : i32
      %scan3A_2021 = arith.constant 1 : i32
      scf.for %scan3A_2085 = %scan3A_2018 to %scan3A_2020 step %scan3A_2021  : i32 {
        %mul3A_2086 = arith.constant 1 : i32
        %mul3A_2087 = arith.muli %scan3A_2085, %mul3A_2086 : i32
        %add3A_2088 = arith.constant 0 : i32
        %add3A_2089 = arith.addi %add3A_2088, %mul3A_2087 : i32
        %add3A_2090 = arith.constant 48 : i32
        %add3A_2091 = arith.addi %add3A_2090, %add3A_2089 : i32
        %broadcast_in_dim3A_2092 = vector.broadcast %add3A_2091 : i32 to vector<16xi32>
        %gather3A_2093 = tpu.vector_load_idx %arg12[%broadcast_in_dim3A_2092] : memref<96xf32, #tpu.memory_space<vmem>>[vector<16xi32>], vector<16xf32>,
        %add3A_2094 = arith.constant 144 : i32
        %add3A_2095 = arith.addi %add3A_2094, %add3A_2089 : i32
        %get3A_2096 = arith.index_cast %add3A_2095 : i32 to index
        %get3A_2097 = arith.constant 0 : index
        %get3A_2098 = tpu.vector_load %arg13[%get3A_2096, %get3A_2097] {strides = array<i32>} : memref<192x128xf32, #tpu.memory_space<vmem>>, vector<16xf32>,
        %mul3A_2099 = arith.mulf %get3A_2098, %gather3A_2093 : vector<16xf32>
        %swap3A_2100 = arith.index_cast %add3A_2095 : i32 to index
        %swap3A_2101 = arith.constant 0 : index
        %swap3A_2102 = tpu.vector_load %arg13[%swap3A_2100, %swap3A_2101] {strides = array<i32>} : memref<192x128xf32, #tpu.memory_space<vmem>>, vector<16xf32>,
        tpu.vector_store %arg13[%swap3A_2100, %swap3A_2101], %mul3A_2099 {strides = array<i32>} : memref<192x128xf32, #tpu.memory_space<vmem>>, vector<16xf32>,
        %get3A_2103 = arith.index_cast %add3A_2095 : i32 to index
        %get3A_2104 = arith.constant 16 : index
        %get3A_2105 = tpu.vector_load %arg13[%get3A_2103, %get3A_2104] {strides = array<i32>} : memref<192x128xf32, #tpu.memory_space<vmem>>, vector<16xf32>,
        %mul3A_2106 = arith.mulf %get3A_2105, %gather3A_2093 : vector<16xf32>
        %swap3A_2107 = arith.index_cast %add3A_2095 : i32 to index
        %swap3A_2108 = arith.constant 16 : index
        %swap3A_2109 = tpu.vector_load %arg13[%swap3A_2107, %swap3A_2108] {strides = array<i32>} : memref<192x128xf32, #tpu.memory_space<vmem>>, vector<16xf32>,
        tpu.vector_store %arg13[%swap3A_2107, %swap3A_2108], %mul3A_2106 {strides = array<i32>} : memref<192x128xf32, #tpu.memory_space<vmem>>, vector<16xf32>,
        %get3A_2110 = arith.index_cast %add3A_2095 : i32 to index
        %get3A_2111 = arith.constant 32 : index
        %get3A_2112 = tpu.vector_load %arg13[%get3A_2110, %get3A_2111] {strides = array<i32>} : memref<192x128xf32, #tpu.memory_space<vmem>>, vector<16xf32>,
        %mul3A_2113 = arith.mulf %get3A_2112, %gather3A_2093 : vector<16xf32>
        %swap3A_2114 = arith.index_cast %add3A_2095 : i32 to index
        %swap3A_2115 = arith.constant 32 : index
        %swap3A_2116 = tpu.vector_load %arg13[%swap3A_2114, %swap3A_2115] {strides = array<i32>} : memref<192x128xf32, #tpu.memory_space<vmem>>, vector<16xf32>,
        tpu.vector_store %arg13[%swap3A_2114, %swap3A_2115], %mul3A_2113 {strides = array<i32>} : memref<192x128xf32, #tpu.memory_space<vmem>>, vector<16xf32>,
        %get3A_2117 = arith.index_cast %add3A_2095 : i32 to index
        %get3A_2118 = arith.constant 48 : index
        %get3A_2119 = tpu.vector_load %arg13[%get3A_2117, %get3A_2118] {strides = array<i32>} : memref<192x128xf32, #tpu.memory_space<vmem>>, vector<16xf32>,
        %mul3A_2120 = arith.mulf %get3A_2119, %gather3A_2093 : vector<16xf32>
        %swap3A_2121 = arith.index_cast %add3A_2095 : i32 to index
        %swap3A_2122 = arith.constant 48 : index
        %swap3A_2123 = tpu.vector_load %arg13[%swap3A_2121, %swap3A_2122] {strides = array<i32>} : memref<192x128xf32, #tpu.memory_space<vmem>>, vector<16xf32>,
        tpu.vector_store %arg13[%swap3A_2121, %swap3A_2122], %mul3A_2120 {strides = array<i32>} : memref<192x128xf32, #tpu.memory_space<vmem>>, vector<16xf32>,
        %get3A_2124 = arith.index_cast %add3A_2095 : i32 to index
        %get3A_2125 = arith.constant 64 : index
        %get3A_2126 = tpu.vector_load %arg13[%get3A_2124, %get3A_2125] {strides = array<i32>} : memref<192x128xf32, #tpu.memory_space<vmem>>, vector<16xf32>,
        %mul3A_2127 = arith.mulf %get3A_2126, %gather3A_2093 : vector<16xf32>
        %swap3A_2128 = arith.index_cast %add3A_2095 : i32 to index
        %swap3A_2129 = arith.constant 64 : index
        %swap3A_2130 = tpu.vector_load %arg13[%swap3A_2128, %swap3A_2129] {strides = array<i32>} : memref<192x128xf32, #tpu.memory_space<vmem>>, vector<16xf32>,
        tpu.vector_store %arg13[%swap3A_2128, %swap3A_2129], %mul3A_2127 {strides = array<i32>} : memref<192x128xf32, #tpu.memory_space<vmem>>, vector<16xf32>,
        %get3A_2131 = arith.index_cast %add3A_2095 : i32 to index
        %get3A_2132 = arith.constant 80 : index
        %get3A_2133 = tpu.vector_load %arg13[%get3A_2131, %get3A_2132] {strides = array<i32>} : memref<192x128xf32, #tpu.memory_space<vmem>>, vector<16xf32>,
        %mul3A_2134 = arith.mulf %get3A_2133, %gather3A_2093 : vector<16xf32>
        %swap3A_2135 = arith.index_cast %add3A_2095 : i32 to index
        %swap3A_2136 = arith.constant 80 : index
        %swap3A_2137 = tpu.vector_load %arg13[%swap3A_2135, %swap3A_2136] {strides = array<i32>} : memref<192x128xf32, #tpu.memory_space<vmem>>, vector<16xf32>,
        tpu.vector_store %arg13[%swap3A_2135, %swap3A_2136], %mul3A_2134 {strides = array<i32>} : memref<192x128xf32, #tpu.memory_space<vmem>>, vector<16xf32>,
        %get3A_2138 = arith.index_cast %add3A_2095 : i32 to index
        %get3A_2139 = arith.constant 96 : index
        %get3A_2140 = tpu.vector_load %arg13[%get3A_2138, %get3A_2139] {strides = array<i32>} : memref<192x128xf32, #tpu.memory_space<vmem>>, vector<16xf32>,
        %mul3A_2141 = arith.mulf %get3A_2140, %gather3A_2093 : vector<16xf32>
        %swap3A_2142 = arith.index_cast %add3A_2095 : i32 to index
        %swap3A_2143 = arith.constant 96 : index
        %swap3A_2144 = tpu.vector_load %arg13[%swap3A_2142, %swap3A_2143] {strides = array<i32>} : memref<192x128xf32, #tpu.memory_space<vmem>>, vector<16xf32>,
        tpu.vector_store %arg13[%swap3A_2142, %swap3A_2143], %mul3A_2141 {strides = array<i32>} : memref<192x128xf32, #tpu.memory_space<vmem>>, vector<16xf32>,
        %get3A_2145 = arith.index_cast %add3A_2095 : i32 to index
        %get3A_2146 = arith.constant 112 : index
        %get3A_2147 = tpu.vector_load %arg13[%get3A_2145, %get3A_2146] {strides = array<i32>} : memref<192x128xf32, #tpu.memory_space<vmem>>, vector<16xf32>,
        %mul3A_2148 = arith.mulf %get3A_2147, %gather3A_2093 : vector<16xf32>
        %swap3A_2149 = arith.index_cast %add3A_2095 : i32 to index
        %swap3A_2150 = arith.constant 112 : index
        %swap3A_2151 = tpu.vector_load %arg13[%swap3A_2149, %swap3A_2150] {strides = array<i32>} : memref<192x128xf32, #tpu.memory_space<vmem>>, vector<16xf32>,
        tpu.vector_store %arg13[%swap3A_2149, %swap3A_2150], %mul3A_2148 {strides = array<i32>} : memref<192x128xf32, #tpu.memory_space<vmem>>, vector<16xf32>,
      }
      %scan3A_2022 = arith.constant 48 : i32
      %add3A_2023 = arith.constant 2 : i32
      %add3A_2024 = arith.addi %add3A_1870, %add3A_2023 : i32
      %dma_wait3A_2025 = arith.constant 1 : i32
      %dma_wait3A_2026 = arith.constant 1 : i32
      %dma_wait3A_2027 = arith.constant 0 : i32
      %dma_wait3A_2028 = tpu.memref_slice %arg8[%dma_wait3A_2025, %dma_wait3A_2027] : memref<4x48xi32, #tpu.memory_space<vmem>> -> memref<1x48xi32, #tpu.memory_space<vmem>>
      %dma_wait3A_2029 = tpu.memref_squeeze %dma_wait3A_2028 : memref<1x48xi32, #tpu.memory_space<vmem>> -> memref<48xi32, #tpu.memory_space<vmem>>
      %dma_wait3A_2030 = arith.constant 0 : i32
      %dma_wait3A_2031 = tpu.memref_slice %arg4[%add3A, %add3A_2024, %dma_wait3A_2030] : memref<32x210x48xi32, #tpu.memory_space<hbm>> -> memref<1x1x48xi32, #tpu.memory_space<hbm>>
      %dma_wait3A_2032 = tpu.memref_squeeze %dma_wait3A_2031 : memref<1x1x48xi32, #tpu.memory_space<hbm>> -> memref<48xi32, #tpu.memory_space<hbm>>
      %dma_wait3A_2033 = tpu.memref_slice %arg19[%dma_wait3A_2026] : memref<4x!tpu.dma_semaphore, #tpu.memory_space<semaphore_mem>> -> memref<1x!tpu.dma_semaphore, #tpu.memory_space<semaphore_mem>>
      %dma_wait3A_2034 = tpu.memref_squeeze %dma_wait3A_2033 : memref<1x!tpu.dma_semaphore, #tpu.memory_space<semaphore_mem>> -> memref<!tpu.dma_semaphore, #tpu.memory_space<semaphore_mem>>
      %dma_wait3A_2035 = arith.constant 0 : i32
      %dma_wait3A_2036 = tpu.memref_slice %arg8[%dma_wait3A_2025, %dma_wait3A_2035] : memref<4x48xi32, #tpu.memory_space<vmem>> -> memref<1x48xi32, #tpu.memory_space<vmem>>
      %dma_wait3A_2037 = tpu.memref_squeeze %dma_wait3A_2036 : memref<1x48xi32, #tpu.memory_space<vmem>> -> memref<48xi32, #tpu.memory_space<vmem>>
      %dma_wait3A_2038 = arith.constant 0 : i32
      %dma_wait3A_2039 = tpu.memref_slice %arg4[%add3A, %add3A_2024, %dma_wait3A_2038] : memref<32x210x48xi32, #tpu.memory_space<hbm>> -> memref<1x1x48xi32, #tpu.memory_space<hbm>>
      %dma_wait3A_2040 = tpu.memref_squeeze %dma_wait3A_2039 : memref<1x1x48xi32, #tpu.memory_space<hbm>> -> memref<48xi32, #tpu.memory_space<hbm>>
      tpu.wait_dma2 semaphore(%dma_wait3A_2034 : memref<!tpu.dma_semaphore, #tpu.memory_space<semaphore_mem>>) src(%dma_wait3A_2040 : memref<48xi32, #tpu.memory_space<hbm>>) dst(%dma_wait3A_2037 : memref<48xi32, #tpu.memory_space<vmem>>)
      %add3A_2041 = arith.constant 2 : i32
      %add3A_2042 = arith.addi %add3A_1870, %add3A_2041 : i32
      %dma_wait3A_2043 = arith.constant 1 : i32
      %dma_wait3A_2044 = arith.constant 1 : i32
      %dma_wait3A_2045 = arith.constant 0 : i32
      %dma_wait3A_2046 = tpu.memref_slice %arg9[%dma_wait3A_2043, %dma_wait3A_2045] : memref<4x48xi32, #tpu.memory_space<vmem>> -> memref<1x48xi32, #tpu.memory_space<vmem>>
      %dma_wait3A_2047 = tpu.memref_squeeze %dma_wait3A_2046 : memref<1x48xi32, #tpu.memory_space<vmem>> -> memref<48xi32, #tpu.memory_space<vmem>>
      %dma_wait3A_2048 = arith.constant 0 : i32
      %dma_wait3A_2049 = tpu.memref_slice %arg5[%add3A, %add3A_2042, %dma_wait3A_2048] : memref<32x210x48xi32, #tpu.memory_space<hbm>> -> memref<1x1x48xi32, #tpu.memory_space<hbm>>
      %dma_wait3A_2050 = tpu.memref_squeeze %dma_wait3A_2049 : memref<1x1x48xi32, #tpu.memory_space<hbm>> -> memref<48xi32, #tpu.memory_space<hbm>>
      %dma_wait3A_2051 = tpu.memref_slice %arg19[%dma_wait3A_2044] : memref<4x!tpu.dma_semaphore, #tpu.memory_space<semaphore_mem>> -> memref<1x!tpu.dma_semaphore, #tpu.memory_space<semaphore_mem>>
      %dma_wait3A_2052 = tpu.memref_squeeze %dma_wait3A_2051 : memref<1x!tpu.dma_semaphore, #tpu.memory_space<semaphore_mem>> -> memref<!tpu.dma_semaphore, #tpu.memory_space<semaphore_mem>>
      %dma_wait3A_2053 = arith.constant 0 : i32
      %dma_wait3A_2054 = tpu.memref_slice %arg9[%dma_wait3A_2043, %dma_wait3A_2053] : memref<4x48xi32, #tpu.memory_space<vmem>> -> memref<1x48xi32, #tpu.memory_space<vmem>>
      %dma_wait3A_2055 = tpu.memref_squeeze %dma_wait3A_2054 : memref<1x48xi32, #tpu.memory_space<vmem>> -> memref<48xi32, #tpu.memory_space<vmem>>
      %dma_wait3A_2056 = arith.constant 0 : i32
      %dma_wait3A_2057 = tpu.memref_slice %arg5[%add3A, %add3A_2042, %dma_wait3A_2056] : memref<32x210x48xi32, #tpu.memory_space<hbm>> -> memref<1x1x48xi32, #tpu.memory_space<hbm>>
      %dma_wait3A_2058 = tpu.memref_squeeze %dma_wait3A_2057 : memref<1x1x48xi32, #tpu.memory_space<hbm>> -> memref<48xi32, #tpu.memory_space<hbm>>
      tpu.wait_dma2 semaphore(%dma_wait3A_2052 : memref<!tpu.dma_semaphore, #tpu.memory_space<semaphore_mem>>) src(%dma_wait3A_2058 : memref<48xi32, #tpu.memory_space<hbm>>) dst(%dma_wait3A_2055 : memref<48xi32, #tpu.memory_space<vmem>>)
      %dma_start3A_2059 = arith.constant 1 : i32
      %dma_start3A_2060 = arith.constant 1 : i32
      %dma_start3A_2061 = arith.constant 48 : i32
      %dma_start3A_2062 = arith.constant 0 : i32
      %dma_start3A_2063 = tpu.memref_slice %arg13[%dma_start3A_2061, %dma_start3A_2062] : memref<192x128xf32, #tpu.memory_space<vmem>> -> memref<48x128xf32, #tpu.memory_space<vmem>>
      %dma_start3A_2064 = arith.constant 0 : i32
      %dma_start3A_2065 = tpu.memref_slice %arg8[%dma_start3A_2059, %dma_start3A_2064] : memref<4x48xi32, #tpu.memory_space<vmem>> -> memref<1x48xi32, #tpu.memory_space<vmem>>
      %dma_start3A_2066 = tpu.memref_squeeze %dma_start3A_2065 : memref<1x48xi32, #tpu.memory_space<vmem>> -> memref<48xi32, #tpu.memory_space<vmem>>
      %dma_start3A_2067 = arith.constant 0 : i32
      %dma_start3A_2068 = arith.constant 0 : i32
      %dma_start3A_2069 = tpu.memref_slice %arg2[%dma_start3A_2067, %dma_start3A_2068] : memref<10000x128xf32, #tpu.memory_space<hbm>> -> memref<10000x128xf32, #tpu.memory_space<hbm>>
      %dma_start3A_2070 = tpu.memref_slice %arg17[%dma_start3A_2060] : memref<4x!tpu.dma_semaphore, #tpu.memory_space<semaphore_mem>> -> memref<1x!tpu.dma_semaphore, #tpu.memory_space<semaphore_mem>>
      %dma_start3A_2071 = tpu.memref_squeeze %dma_start3A_2070 : memref<1x!tpu.dma_semaphore, #tpu.memory_space<semaphore_mem>> -> memref<!tpu.dma_semaphore, #tpu.memory_space<semaphore_mem>>
      tpu.enqueue_indirect_dma source(%dma_start3A_2069 : memref<10000x128xf32, #tpu.memory_space<hbm>>) target(%dma_start3A_2063 : memref<48x128xf32, #tpu.memory_space<vmem>>) offsets(%dma_start3A_2066 : memref<48xi32, #tpu.memory_space<vmem>>) semaphore(%dma_start3A_2071 : memref<!tpu.dma_semaphore, #tpu.memory_space<semaphore_mem>>)
      %dma_start3A_2072 = arith.constant 3 : i32
      %dma_start3A_2073 = arith.constant 3 : i32
      %dma_start3A_2074 = arith.constant 144 : i32
      %dma_start3A_2075 = arith.constant 0 : i32
      %dma_start3A_2076 = tpu.memref_slice %arg13[%dma_start3A_2074, %dma_start3A_2075] : memref<192x128xf32, #tpu.memory_space<vmem>> -> memref<48x128xf32, #tpu.memory_space<vmem>>
      %dma_start3A_2077 = arith.constant 0 : i32
      %dma_start3A_2078 = tpu.memref_slice %arg9[%dma_start3A_2072, %dma_start3A_2077] : memref<4x48xi32, #tpu.memory_space<vmem>> -> memref<1x48xi32, #tpu.memory_space<vmem>>
      %dma_start3A_2079 = tpu.memref_squeeze %dma_start3A_2078 : memref<1x48xi32, #tpu.memory_space<vmem>> -> memref<48xi32, #tpu.memory_space<vmem>>
      %dma_start3A_2080 = arith.constant 0 : i32
      %dma_start3A_2081 = arith.constant 0 : i32
      %dma_start3A_2082 = tpu.memref_slice %arg15[%dma_start3A_2080, %dma_start3A_2081] : memref<10240x128xf32, #tpu.memory_space<vmem_shared>> -> memref<10240x128xf32, #tpu.memory_space<vmem_shared>>
      %dma_start3A_2083 = tpu.memref_slice %arg18[%dma_start3A_2073] : memref<4x!tpu.dma_semaphore, #tpu.memory_space<semaphore_mem>> -> memref<1x!tpu.dma_semaphore, #tpu.memory_space<semaphore_mem>>
      %dma_start3A_2084 = tpu.memref_squeeze %dma_start3A_2083 : memref<1x!tpu.dma_semaphore, #tpu.memory_space<semaphore_mem>> -> memref<!tpu.dma_semaphore, #tpu.memory_space<semaphore_mem>>
      tpu.enqueue_indirect_dma source(%dma_start3A_2076 : memref<48x128xf32, #tpu.memory_space<vmem>>) target(%dma_start3A_2082 : memref<10240x128xf32, #tpu.memory_space<vmem_shared>>) offsets(%dma_start3A_2079 : memref<48xi32, #tpu.memory_space<vmem>>) semaphore(%dma_start3A_2084 : memref<!tpu.dma_semaphore, #tpu.memory_space<semaphore_mem>>) {add = true}
    }
    %scan3A_892 = arith.constant 51 : i32
    %dma_wait3A_893 = arith.constant 2 : i32
    %dma_wait3A_894 = arith.constant 2 : i32
    %dma_wait3A_895 = arith.constant 96 : i32
    %dma_wait3A_896 = arith.constant 0 : i32
    %dma_wait3A_897 = tpu.memref_slice %arg13[%dma_wait3A_895, %dma_wait3A_896] : memref<192x128xf32, #tpu.memory_space<vmem>> -> memref<48x128xf32, #tpu.memory_space<vmem>>
    %dma_wait3A_898 = arith.constant 0 : i32
    %dma_wait3A_899 = tpu.memref_slice %arg9[%dma_wait3A_893, %dma_wait3A_898] : memref<4x48xi32, #tpu.memory_space<vmem>> -> memref<1x48xi32, #tpu.memory_space<vmem>>
    %dma_wait3A_900 = tpu.memref_squeeze %dma_wait3A_899 : memref<1x48xi32, #tpu.memory_space<vmem>> -> memref<48xi32, #tpu.memory_space<vmem>>
    %dma_wait3A_901 = arith.constant 0 : i32
    %dma_wait3A_902 = arith.constant 0 : i32
    %dma_wait3A_903 = tpu.memref_slice %arg15[%dma_wait3A_901, %dma_wait3A_902] : memref<10240x128xf32, #tpu.memory_space<vmem_shared>> -> memref<10240x128xf32, #tpu.memory_space<vmem_shared>>
    %dma_wait3A_904 = tpu.memref_slice %arg18[%dma_wait3A_894] : memref<4x!tpu.dma_semaphore, #tpu.memory_space<semaphore_mem>> -> memref<1x!tpu.dma_semaphore, #tpu.memory_space<semaphore_mem>>
    %dma_wait3A_905 = tpu.memref_squeeze %dma_wait3A_904 : memref<1x!tpu.dma_semaphore, #tpu.memory_space<semaphore_mem>> -> memref<!tpu.dma_semaphore, #tpu.memory_space<semaphore_mem>>
    tpu.wait_indirect_dma semaphore(%dma_wait3A_905 : memref<!tpu.dma_semaphore, #tpu.memory_space<semaphore_mem>>) src(%dma_wait3A_897 : memref<48x128xf32, #tpu.memory_space<vmem>>) dst(%dma_wait3A_903 : memref<10240x128xf32, #tpu.memory_space<vmem_shared>>)
    %dma_wait3A_906 = arith.constant 2 : i32
    %dma_wait3A_907 = arith.constant 0 : i32
    %dma_wait3A_908 = arith.constant 0 : i32
    %dma_wait3A_909 = tpu.memref_slice %arg12[%dma_wait3A_908] : memref<96xf32, #tpu.memory_space<vmem>> -> memref<48xf32, #tpu.memory_space<vmem>>
    %dma_wait3A_910 = arith.constant 0 : i32
    %dma_wait3A_911 = tpu.memref_slice %arg9[%dma_wait3A_906, %dma_wait3A_910] : memref<4x48xi32, #tpu.memory_space<vmem>> -> memref<1x48xi32, #tpu.memory_space<vmem>>
    %dma_wait3A_912 = tpu.memref_squeeze %dma_wait3A_911 : memref<1x48xi32, #tpu.memory_space<vmem>> -> memref<48xi32, #tpu.memory_space<vmem>>
    %dma_wait3A_913 = arith.constant 0 : i32
    %dma_wait3A_914 = tpu.memref_slice %arg16[%dma_wait3A_913] : memref<10240xf32, #tpu.memory_space<vmem_shared>> -> memref<10240xf32, #tpu.memory_space<vmem_shared>>
    %dma_wait3A_915 = tpu.memref_slice %arg20[%dma_wait3A_907] : memref<2x!tpu.dma_semaphore, #tpu.memory_space<semaphore_mem>> -> memref<1x!tpu.dma_semaphore, #tpu.memory_space<semaphore_mem>>
    %dma_wait3A_916 = tpu.memref_squeeze %dma_wait3A_915 : memref<1x!tpu.dma_semaphore, #tpu.memory_space<semaphore_mem>> -> memref<!tpu.dma_semaphore, #tpu.memory_space<semaphore_mem>>
    tpu.wait_indirect_dma semaphore(%dma_wait3A_916 : memref<!tpu.dma_semaphore, #tpu.memory_space<semaphore_mem>>) src(%dma_wait3A_909 : memref<48xf32, #tpu.memory_space<vmem>>) dst(%dma_wait3A_914 : memref<10240xf32, #tpu.memory_space<vmem_shared>>)
    %dma_wait3A_917 = arith.constant 0 : i32
    %dma_wait3A_918 = arith.constant 0 : i32
    %dma_wait3A_919 = arith.constant 0 : i32
    %dma_wait3A_920 = arith.constant 0 : i32
    %dma_wait3A_921 = tpu.memref_slice %arg13[%dma_wait3A_919, %dma_wait3A_920] : memref<192x128xf32, #tpu.memory_space<vmem>> -> memref<48x128xf32, #tpu.memory_space<vmem>>
    %dma_wait3A_922 = arith.constant 0 : i32
    %dma_wait3A_923 = tpu.memref_slice %arg8[%dma_wait3A_917, %dma_wait3A_922] : memref<4x48xi32, #tpu.memory_space<vmem>> -> memref<1x48xi32, #tpu.memory_space<vmem>>
    %dma_wait3A_924 = tpu.memref_squeeze %dma_wait3A_923 : memref<1x48xi32, #tpu.memory_space<vmem>> -> memref<48xi32, #tpu.memory_space<vmem>>
    %dma_wait3A_925 = arith.constant 0 : i32
    %dma_wait3A_926 = arith.constant 0 : i32
    %dma_wait3A_927 = tpu.memref_slice %arg2[%dma_wait3A_925, %dma_wait3A_926] : memref<10000x128xf32, #tpu.memory_space<hbm>> -> memref<10000x128xf32, #tpu.memory_space<hbm>>
    %dma_wait3A_928 = tpu.memref_slice %arg17[%dma_wait3A_918] : memref<4x!tpu.dma_semaphore, #tpu.memory_space<semaphore_mem>> -> memref<1x!tpu.dma_semaphore, #tpu.memory_space<semaphore_mem>>
    %dma_wait3A_929 = tpu.memref_squeeze %dma_wait3A_928 : memref<1x!tpu.dma_semaphore, #tpu.memory_space<semaphore_mem>> -> memref<!tpu.dma_semaphore, #tpu.memory_space<semaphore_mem>>
    tpu.wait_indirect_dma semaphore(%dma_wait3A_929 : memref<!tpu.dma_semaphore, #tpu.memory_space<semaphore_mem>>) src(%dma_wait3A_927 : memref<10000x128xf32, #tpu.memory_space<hbm>>) dst(%dma_wait3A_921 : memref<48x128xf32, #tpu.memory_space<vmem>>)
    %get3A_930 = arith.constant 0 : i32
    %get3A_931 = arith.index_cast %get3A_930 : i32 to index
    %get3A_932 = arith.constant 0 : index
    %get3A_933 = tpu.vector_load %arg8[%get3A_931, %get3A_932] {strides = array<i32>} : memref<4x48xi32, #tpu.memory_space<vmem>>, vector<16xi32>,
    %get3A_934 = arith.constant 0 : i32
    %get3A_935 = arith.index_cast %get3A_934 : i32 to index
    %get3A_936 = arith.constant 0 : index
    %get3A_937 = tpu.vector_load %arg9[%get3A_935, %get3A_936] {strides = array<i32>} : memref<4x48xi32, #tpu.memory_space<vmem>>, vector<16xi32>,
    %gather3A_938 = tpu.vector_load_idx %arg10[%get3A_933] : memref<10240xf32, #tpu.memory_space<vmem>>[vector<16xi32>], vector<16xf32>,
    %gather3A_939 = tpu.vector_load_idx %arg11[%get3A_937] : memref<10240xf32, #tpu.memory_space<vmem>>[vector<16xi32>], vector<16xf32>,
    %add3A_940 = arith.addf %gather3A_938, %gather3A_939 : vector<16xf32>
    %gt3A_941 = arith.constant 0.000000e+00 : f32
    %gt3A_942 = vector.broadcast %gt3A_941 : f32 to vector<16xf32>
    %gt3A_943 = arith.cmpf ogt, %add3A_940, %gt3A_942 : vector<16xf32>
    %mul3A_944 = arith.constant 2.000000e-01 : f32
    %mul3A_945 = vector.broadcast %mul3A_944 : f32 to vector<16xf32>
    %mul3A_946 = arith.mulf %mul3A_945, %add3A_940 : vector<16xf32>
    %select_n3A_947 = arith.select %gt3A_943, %add3A_940, %mul3A_946 : vector<16xi1>, vector<16xf32>
    %exp3A_948 = math.exp %select_n3A_947 : vector<16xf32>
    %swap3A_949 = arith.constant 0 : index
    %swap3A_950 = tpu.vector_load %arg12[%swap3A_949] {strides = array<i32>} : memref<96xf32, #tpu.memory_space<vmem>>, vector<16xf32>,
    tpu.vector_store %arg12[%swap3A_949], %exp3A_948 {strides = array<i32>} : memref<96xf32, #tpu.memory_space<vmem>>, vector<16xf32>,
    %get3A_951 = arith.constant 0 : i32
    %get3A_952 = arith.index_cast %get3A_951 : i32 to index
    %get3A_953 = arith.constant 16 : index
    %get3A_954 = tpu.vector_load %arg8[%get3A_952, %get3A_953] {strides = array<i32>} : memref<4x48xi32, #tpu.memory_space<vmem>>, vector<16xi32>,
    %get3A_955 = arith.constant 0 : i32
    %get3A_956 = arith.index_cast %get3A_955 : i32 to index
    %get3A_957 = arith.constant 16 : index
    %get3A_958 = tpu.vector_load %arg9[%get3A_956, %get3A_957] {strides = array<i32>} : memref<4x48xi32, #tpu.memory_space<vmem>>, vector<16xi32>,
    %gather3A_959 = tpu.vector_load_idx %arg10[%get3A_954] : memref<10240xf32, #tpu.memory_space<vmem>>[vector<16xi32>], vector<16xf32>,
    %gather3A_960 = tpu.vector_load_idx %arg11[%get3A_958] : memref<10240xf32, #tpu.memory_space<vmem>>[vector<16xi32>], vector<16xf32>,
    %add3A_961 = arith.addf %gather3A_959, %gather3A_960 : vector<16xf32>
    %gt3A_962 = arith.constant 0.000000e+00 : f32
    %gt3A_963 = vector.broadcast %gt3A_962 : f32 to vector<16xf32>
    %gt3A_964 = arith.cmpf ogt, %add3A_961, %gt3A_963 : vector<16xf32>
    %mul3A_965 = arith.constant 2.000000e-01 : f32
    %mul3A_966 = vector.broadcast %mul3A_965 : f32 to vector<16xf32>
    %mul3A_967 = arith.mulf %mul3A_966, %add3A_961 : vector<16xf32>
    %select_n3A_968 = arith.select %gt3A_964, %add3A_961, %mul3A_967 : vector<16xi1>, vector<16xf32>
    %exp3A_969 = math.exp %select_n3A_968 : vector<16xf32>
    %swap3A_970 = arith.constant 16 : index
    %swap3A_971 = tpu.vector_load %arg12[%swap3A_970] {strides = array<i32>} : memref<96xf32, #tpu.memory_space<vmem>>, vector<16xf32>,
    tpu.vector_store %arg12[%swap3A_970], %exp3A_969 {strides = array<i32>} : memref<96xf32, #tpu.memory_space<vmem>>, vector<16xf32>,
    %get3A_972 = arith.constant 0 : i32
    %get3A_973 = arith.index_cast %get3A_972 : i32 to index
    %get3A_974 = arith.constant 32 : index
    %get3A_975 = tpu.vector_load %arg8[%get3A_973, %get3A_974] {strides = array<i32>} : memref<4x48xi32, #tpu.memory_space<vmem>>, vector<16xi32>,
    %get3A_976 = arith.constant 0 : i32
    %get3A_977 = arith.index_cast %get3A_976 : i32 to index
    %get3A_978 = arith.constant 32 : index
    %get3A_979 = tpu.vector_load %arg9[%get3A_977, %get3A_978] {strides = array<i32>} : memref<4x48xi32, #tpu.memory_space<vmem>>, vector<16xi32>,
    %gather3A_980 = tpu.vector_load_idx %arg10[%get3A_975] : memref<10240xf32, #tpu.memory_space<vmem>>[vector<16xi32>], vector<16xf32>,
    %gather3A_981 = tpu.vector_load_idx %arg11[%get3A_979] : memref<10240xf32, #tpu.memory_space<vmem>>[vector<16xi32>], vector<16xf32>,
    %add3A_982 = arith.addf %gather3A_980, %gather3A_981 : vector<16xf32>
    %gt3A_983 = arith.constant 0.000000e+00 : f32
    %gt3A_984 = vector.broadcast %gt3A_983 : f32 to vector<16xf32>
    %gt3A_985 = arith.cmpf ogt, %add3A_982, %gt3A_984 : vector<16xf32>
    %mul3A_986 = arith.constant 2.000000e-01 : f32
    %mul3A_987 = vector.broadcast %mul3A_986 : f32 to vector<16xf32>
    %mul3A_988 = arith.mulf %mul3A_987, %add3A_982 : vector<16xf32>
    %select_n3A_989 = arith.select %gt3A_985, %add3A_982, %mul3A_988 : vector<16xi1>, vector<16xf32>
    %exp3A_990 = math.exp %select_n3A_989 : vector<16xf32>
    %swap3A_991 = arith.constant 32 : index
    %swap3A_992 = tpu.vector_load %arg12[%swap3A_991] {strides = array<i32>} : memref<96xf32, #tpu.memory_space<vmem>>, vector<16xf32>,
    tpu.vector_store %arg12[%swap3A_991], %exp3A_990 {strides = array<i32>} : memref<96xf32, #tpu.memory_space<vmem>>, vector<16xf32>,
    %dma_start3A_993 = arith.constant 0 : i32
    %dma_start3A_994 = arith.constant 0 : i32
    %dma_start3A_995 = arith.constant 0 : i32
    %dma_start3A_996 = tpu.memref_slice %arg12[%dma_start3A_995] : memref<96xf32, #tpu.memory_space<vmem>> -> memref<48xf32, #tpu.memory_space<vmem>>
    %dma_start3A_997 = arith.constant 0 : i32
    %dma_start3A_998 = tpu.memref_slice %arg9[%dma_start3A_993, %dma_start3A_997] : memref<4x48xi32, #tpu.memory_space<vmem>> -> memref<1x48xi32, #tpu.memory_space<vmem>>
    %dma_start3A_999 = tpu.memref_squeeze %dma_start3A_998 : memref<1x48xi32, #tpu.memory_space<vmem>> -> memref<48xi32, #tpu.memory_space<vmem>>
    %dma_start3A_1000 = arith.constant 0 : i32
    %dma_start3A_1001 = tpu.memref_slice %arg16[%dma_start3A_1000] : memref<10240xf32, #tpu.memory_space<vmem_shared>> -> memref<10240xf32, #tpu.memory_space<vmem_shared>>
    %dma_start3A_1002 = tpu.memref_slice %arg20[%dma_start3A_994] : memref<2x!tpu.dma_semaphore, #tpu.memory_space<semaphore_mem>> -> memref<1x!tpu.dma_semaphore, #tpu.memory_space<semaphore_mem>>
    %dma_start3A_1003 = tpu.memref_squeeze %dma_start3A_1002 : memref<1x!tpu.dma_semaphore, #tpu.memory_space<semaphore_mem>> -> memref<!tpu.dma_semaphore, #tpu.memory_space<semaphore_mem>>
    tpu.enqueue_indirect_dma source(%dma_start3A_996 : memref<48xf32, #tpu.memory_space<vmem>>) target(%dma_start3A_1001 : memref<10240xf32, #tpu.memory_space<vmem_shared>>) offsets(%dma_start3A_999 : memref<48xi32, #tpu.memory_space<vmem>>) semaphore(%dma_start3A_1003 : memref<!tpu.dma_semaphore, #tpu.memory_space<semaphore_mem>>) {add = true}
    %scan3A_1004 = arith.constant 0 : i32
    %scan3A_1005 = arith.constant 48 : i32
    %scan3A_1006 = arith.addi %scan3A_1004, %scan3A_1005 : i32
    %scan3A_1007 = arith.constant 1 : i32
    scf.for %scan3A_1208 = %scan3A_1004 to %scan3A_1006 step %scan3A_1007  : i32 {
      %mul3A_1209 = arith.constant 1 : i32
      %mul3A_1210 = arith.muli %scan3A_1208, %mul3A_1209 : i32
      %add3A_1211 = arith.constant 0 : i32
      %add3A_1212 = arith.addi %add3A_1211, %mul3A_1210 : i32
      %add3A_1213 = arith.constant 0 : i32
      %add3A_1214 = arith.addi %add3A_1213, %add3A_1212 : i32
      %broadcast_in_dim3A_1215 = vector.broadcast %add3A_1214 : i32 to vector<16xi32>
      %gather3A_1216 = tpu.vector_load_idx %arg12[%broadcast_in_dim3A_1215] : memref<96xf32, #tpu.memory_space<vmem>>[vector<16xi32>], vector<16xf32>,
      %add3A_1217 = arith.constant 0 : i32
      %add3A_1218 = arith.addi %add3A_1217, %add3A_1212 : i32
      %get3A_1219 = arith.index_cast %add3A_1218 : i32 to index
      %get3A_1220 = arith.constant 0 : index
      %get3A_1221 = tpu.vector_load %arg13[%get3A_1219, %get3A_1220] {strides = array<i32>} : memref<192x128xf32, #tpu.memory_space<vmem>>, vector<16xf32>,
      %mul3A_1222 = arith.mulf %get3A_1221, %gather3A_1216 : vector<16xf32>
      %swap3A_1223 = arith.index_cast %add3A_1218 : i32 to index
      %swap3A_1224 = arith.constant 0 : index
      %swap3A_1225 = tpu.vector_load %arg13[%swap3A_1223, %swap3A_1224] {strides = array<i32>} : memref<192x128xf32, #tpu.memory_space<vmem>>, vector<16xf32>,
      tpu.vector_store %arg13[%swap3A_1223, %swap3A_1224], %mul3A_1222 {strides = array<i32>} : memref<192x128xf32, #tpu.memory_space<vmem>>, vector<16xf32>,
      %get3A_1226 = arith.index_cast %add3A_1218 : i32 to index
      %get3A_1227 = arith.constant 16 : index
      %get3A_1228 = tpu.vector_load %arg13[%get3A_1226, %get3A_1227] {strides = array<i32>} : memref<192x128xf32, #tpu.memory_space<vmem>>, vector<16xf32>,
      %mul3A_1229 = arith.mulf %get3A_1228, %gather3A_1216 : vector<16xf32>
      %swap3A_1230 = arith.index_cast %add3A_1218 : i32 to index
      %swap3A_1231 = arith.constant 16 : index
      %swap3A_1232 = tpu.vector_load %arg13[%swap3A_1230, %swap3A_1231] {strides = array<i32>} : memref<192x128xf32, #tpu.memory_space<vmem>>, vector<16xf32>,
      tpu.vector_store %arg13[%swap3A_1230, %swap3A_1231], %mul3A_1229 {strides = array<i32>} : memref<192x128xf32, #tpu.memory_space<vmem>>, vector<16xf32>,
      %get3A_1233 = arith.index_cast %add3A_1218 : i32 to index
      %get3A_1234 = arith.constant 32 : index
      %get3A_1235 = tpu.vector_load %arg13[%get3A_1233, %get3A_1234] {strides = array<i32>} : memref<192x128xf32, #tpu.memory_space<vmem>>, vector<16xf32>,
      %mul3A_1236 = arith.mulf %get3A_1235, %gather3A_1216 : vector<16xf32>
      %swap3A_1237 = arith.index_cast %add3A_1218 : i32 to index
      %swap3A_1238 = arith.constant 32 : index
      %swap3A_1239 = tpu.vector_load %arg13[%swap3A_1237, %swap3A_1238] {strides = array<i32>} : memref<192x128xf32, #tpu.memory_space<vmem>>, vector<16xf32>,
      tpu.vector_store %arg13[%swap3A_1237, %swap3A_1238], %mul3A_1236 {strides = array<i32>} : memref<192x128xf32, #tpu.memory_space<vmem>>, vector<16xf32>,
      %get3A_1240 = arith.index_cast %add3A_1218 : i32 to index
      %get3A_1241 = arith.constant 48 : index
      %get3A_1242 = tpu.vector_load %arg13[%get3A_1240, %get3A_1241] {strides = array<i32>} : memref<192x128xf32, #tpu.memory_space<vmem>>, vector<16xf32>,
      %mul3A_1243 = arith.mulf %get3A_1242, %gather3A_1216 : vector<16xf32>
      %swap3A_1244 = arith.index_cast %add3A_1218 : i32 to index
      %swap3A_1245 = arith.constant 48 : index
      %swap3A_1246 = tpu.vector_load %arg13[%swap3A_1244, %swap3A_1245] {strides = array<i32>} : memref<192x128xf32, #tpu.memory_space<vmem>>, vector<16xf32>,
      tpu.vector_store %arg13[%swap3A_1244, %swap3A_1245], %mul3A_1243 {strides = array<i32>} : memref<192x128xf32, #tpu.memory_space<vmem>>, vector<16xf32>,
      %get3A_1247 = arith.index_cast %add3A_1218 : i32 to index
      %get3A_1248 = arith.constant 64 : index
      %get3A_1249 = tpu.vector_load %arg13[%get3A_1247, %get3A_1248] {strides = array<i32>} : memref<192x128xf32, #tpu.memory_space<vmem>>, vector<16xf32>,
      %mul3A_1250 = arith.mulf %get3A_1249, %gather3A_1216 : vector<16xf32>
      %swap3A_1251 = arith.index_cast %add3A_1218 : i32 to index
      %swap3A_1252 = arith.constant 64 : index
      %swap3A_1253 = tpu.vector_load %arg13[%swap3A_1251, %swap3A_1252] {strides = array<i32>} : memref<192x128xf32, #tpu.memory_space<vmem>>, vector<16xf32>,
      tpu.vector_store %arg13[%swap3A_1251, %swap3A_1252], %mul3A_1250 {strides = array<i32>} : memref<192x128xf32, #tpu.memory_space<vmem>>, vector<16xf32>,
      %get3A_1254 = arith.index_cast %add3A_1218 : i32 to index
      %get3A_1255 = arith.constant 80 : index
      %get3A_1256 = tpu.vector_load %arg13[%get3A_1254, %get3A_1255] {strides = array<i32>} : memref<192x128xf32, #tpu.memory_space<vmem>>, vector<16xf32>,
      %mul3A_1257 = arith.mulf %get3A_1256, %gather3A_1216 : vector<16xf32>
      %swap3A_1258 = arith.index_cast %add3A_1218 : i32 to index
      %swap3A_1259 = arith.constant 80 : index
      %swap3A_1260 = tpu.vector_load %arg13[%swap3A_1258, %swap3A_1259] {strides = array<i32>} : memref<192x128xf32, #tpu.memory_space<vmem>>, vector<16xf32>,
      tpu.vector_store %arg13[%swap3A_1258, %swap3A_1259], %mul3A_1257 {strides = array<i32>} : memref<192x128xf32, #tpu.memory_space<vmem>>, vector<16xf32>,
      %get3A_1261 = arith.index_cast %add3A_1218 : i32 to index
      %get3A_1262 = arith.constant 96 : index
      %get3A_1263 = tpu.vector_load %arg13[%get3A_1261, %get3A_1262] {strides = array<i32>} : memref<192x128xf32, #tpu.memory_space<vmem>>, vector<16xf32>,
      %mul3A_1264 = arith.mulf %get3A_1263, %gather3A_1216 : vector<16xf32>
      %swap3A_1265 = arith.index_cast %add3A_1218 : i32 to index
      %swap3A_1266 = arith.constant 96 : index
      %swap3A_1267 = tpu.vector_load %arg13[%swap3A_1265, %swap3A_1266] {strides = array<i32>} : memref<192x128xf32, #tpu.memory_space<vmem>>, vector<16xf32>,
      tpu.vector_store %arg13[%swap3A_1265, %swap3A_1266], %mul3A_1264 {strides = array<i32>} : memref<192x128xf32, #tpu.memory_space<vmem>>, vector<16xf32>,
      %get3A_1268 = arith.index_cast %add3A_1218 : i32 to index
      %get3A_1269 = arith.constant 112 : index
      %get3A_1270 = tpu.vector_load %arg13[%get3A_1268, %get3A_1269] {strides = array<i32>} : memref<192x128xf32, #tpu.memory_space<vmem>>, vector<16xf32>,
      %mul3A_1271 = arith.mulf %get3A_1270, %gather3A_1216 : vector<16xf32>
      %swap3A_1272 = arith.index_cast %add3A_1218 : i32 to index
      %swap3A_1273 = arith.constant 112 : index
      %swap3A_1274 = tpu.vector_load %arg13[%swap3A_1272, %swap3A_1273] {strides = array<i32>} : memref<192x128xf32, #tpu.memory_space<vmem>>, vector<16xf32>,
      tpu.vector_store %arg13[%swap3A_1272, %swap3A_1273], %mul3A_1271 {strides = array<i32>} : memref<192x128xf32, #tpu.memory_space<vmem>>, vector<16xf32>,
    }
    %scan3A_1008 = arith.constant 48 : i32
    %dma_start3A_1009 = arith.constant 0 : i32
    %dma_start3A_1010 = arith.constant 0 : i32
    %dma_start3A_1011 = arith.constant 0 : i32
    %dma_start3A_1012 = arith.constant 0 : i32
    %dma_start3A_1013 = tpu.memref_slice %arg13[%dma_start3A_1011, %dma_start3A_1012] : memref<192x128xf32, #tpu.memory_space<vmem>> -> memref<48x128xf32, #tpu.memory_space<vmem>>
    %dma_start3A_1014 = arith.constant 0 : i32
    %dma_start3A_1015 = tpu.memref_slice %arg9[%dma_start3A_1009, %dma_start3A_1014] : memref<4x48xi32, #tpu.memory_space<vmem>> -> memref<1x48xi32, #tpu.memory_space<vmem>>
    %dma_start3A_1016 = tpu.memref_squeeze %dma_start3A_1015 : memref<1x48xi32, #tpu.memory_space<vmem>> -> memref<48xi32, #tpu.memory_space<vmem>>
    %dma_start3A_1017 = arith.constant 0 : i32
    %dma_start3A_1018 = arith.constant 0 : i32
    %dma_start3A_1019 = tpu.memref_slice %arg15[%dma_start3A_1017, %dma_start3A_1018] : memref<10240x128xf32, #tpu.memory_space<vmem_shared>> -> memref<10240x128xf32, #tpu.memory_space<vmem_shared>>
    %dma_start3A_1020 = tpu.memref_slice %arg18[%dma_start3A_1010] : memref<4x!tpu.dma_semaphore, #tpu.memory_space<semaphore_mem>> -> memref<1x!tpu.dma_semaphore, #tpu.memory_space<semaphore_mem>>
    %dma_start3A_1021 = tpu.memref_squeeze %dma_start3A_1020 : memref<1x!tpu.dma_semaphore, #tpu.memory_space<semaphore_mem>> -> memref<!tpu.dma_semaphore, #tpu.memory_space<semaphore_mem>>
    tpu.enqueue_indirect_dma source(%dma_start3A_1013 : memref<48x128xf32, #tpu.memory_space<vmem>>) target(%dma_start3A_1019 : memref<10240x128xf32, #tpu.memory_space<vmem_shared>>) offsets(%dma_start3A_1016 : memref<48xi32, #tpu.memory_space<vmem>>) semaphore(%dma_start3A_1021 : memref<!tpu.dma_semaphore, #tpu.memory_space<semaphore_mem>>) {add = true}
    %dma_wait3A_1022 = arith.constant 3 : i32
    %dma_wait3A_1023 = arith.constant 3 : i32
    %dma_wait3A_1024 = arith.constant 144 : i32
    %dma_wait3A_1025 = arith.constant 0 : i32
    %dma_wait3A_1026 = tpu.memref_slice %arg13[%dma_wait3A_1024, %dma_wait3A_1025] : memref<192x128xf32, #tpu.memory_space<vmem>> -> memref<48x128xf32, #tpu.memory_space<vmem>>
    %dma_wait3A_1027 = arith.constant 0 : i32
    %dma_wait3A_1028 = tpu.memref_slice %arg9[%dma_wait3A_1022, %dma_wait3A_1027] : memref<4x48xi32, #tpu.memory_space<vmem>> -> memref<1x48xi32, #tpu.memory_space<vmem>>
    %dma_wait3A_1029 = tpu.memref_squeeze %dma_wait3A_1028 : memref<1x48xi32, #tpu.memory_space<vmem>> -> memref<48xi32, #tpu.memory_space<vmem>>
    %dma_wait3A_1030 = arith.constant 0 : i32
    %dma_wait3A_1031 = arith.constant 0 : i32
    %dma_wait3A_1032 = tpu.memref_slice %arg15[%dma_wait3A_1030, %dma_wait3A_1031] : memref<10240x128xf32, #tpu.memory_space<vmem_shared>> -> memref<10240x128xf32, #tpu.memory_space<vmem_shared>>
    %dma_wait3A_1033 = tpu.memref_slice %arg18[%dma_wait3A_1023] : memref<4x!tpu.dma_semaphore, #tpu.memory_space<semaphore_mem>> -> memref<1x!tpu.dma_semaphore, #tpu.memory_space<semaphore_mem>>
    %dma_wait3A_1034 = tpu.memref_squeeze %dma_wait3A_1033 : memref<1x!tpu.dma_semaphore, #tpu.memory_space<semaphore_mem>> -> memref<!tpu.dma_semaphore, #tpu.memory_space<semaphore_mem>>
    tpu.wait_indirect_dma semaphore(%dma_wait3A_1034 : memref<!tpu.dma_semaphore, #tpu.memory_space<semaphore_mem>>) src(%dma_wait3A_1026 : memref<48x128xf32, #tpu.memory_space<vmem>>) dst(%dma_wait3A_1032 : memref<10240x128xf32, #tpu.memory_space<vmem_shared>>)
    %dma_wait3A_1035 = arith.constant 3 : i32
    %dma_wait3A_1036 = arith.constant 1 : i32
    %dma_wait3A_1037 = arith.constant 48 : i32
    %dma_wait3A_1038 = tpu.memref_slice %arg12[%dma_wait3A_1037] : memref<96xf32, #tpu.memory_space<vmem>> -> memref<48xf32, #tpu.memory_space<vmem>>
    %dma_wait3A_1039 = arith.constant 0 : i32
    %dma_wait3A_1040 = tpu.memref_slice %arg9[%dma_wait3A_1035, %dma_wait3A_1039] : memref<4x48xi32, #tpu.memory_space<vmem>> -> memref<1x48xi32, #tpu.memory_space<vmem>>
    %dma_wait3A_1041 = tpu.memref_squeeze %dma_wait3A_1040 : memref<1x48xi32, #tpu.memory_space<vmem>> -> memref<48xi32, #tpu.memory_space<vmem>>
    %dma_wait3A_1042 = arith.constant 0 : i32
    %dma_wait3A_1043 = tpu.memref_slice %arg16[%dma_wait3A_1042] : memref<10240xf32, #tpu.memory_space<vmem_shared>> -> memref<10240xf32, #tpu.memory_space<vmem_shared>>
    %dma_wait3A_1044 = tpu.memref_slice %arg20[%dma_wait3A_1036] : memref<2x!tpu.dma_semaphore, #tpu.memory_space<semaphore_mem>> -> memref<1x!tpu.dma_semaphore, #tpu.memory_space<semaphore_mem>>
    %dma_wait3A_1045 = tpu.memref_squeeze %dma_wait3A_1044 : memref<1x!tpu.dma_semaphore, #tpu.memory_space<semaphore_mem>> -> memref<!tpu.dma_semaphore, #tpu.memory_space<semaphore_mem>>
    tpu.wait_indirect_dma semaphore(%dma_wait3A_1045 : memref<!tpu.dma_semaphore, #tpu.memory_space<semaphore_mem>>) src(%dma_wait3A_1038 : memref<48xf32, #tpu.memory_space<vmem>>) dst(%dma_wait3A_1043 : memref<10240xf32, #tpu.memory_space<vmem_shared>>)
    %dma_wait3A_1046 = arith.constant 1 : i32
    %dma_wait3A_1047 = arith.constant 1 : i32
    %dma_wait3A_1048 = arith.constant 48 : i32
    %dma_wait3A_1049 = arith.constant 0 : i32
    %dma_wait3A_1050 = tpu.memref_slice %arg13[%dma_wait3A_1048, %dma_wait3A_1049] : memref<192x128xf32, #tpu.memory_space<vmem>> -> memref<48x128xf32, #tpu.memory_space<vmem>>
    %dma_wait3A_1051 = arith.constant 0 : i32
    %dma_wait3A_1052 = tpu.memref_slice %arg8[%dma_wait3A_1046, %dma_wait3A_1051] : memref<4x48xi32, #tpu.memory_space<vmem>> -> memref<1x48xi32, #tpu.memory_space<vmem>>
    %dma_wait3A_1053 = tpu.memref_squeeze %dma_wait3A_1052 : memref<1x48xi32, #tpu.memory_space<vmem>> -> memref<48xi32, #tpu.memory_space<vmem>>
    %dma_wait3A_1054 = arith.constant 0 : i32
    %dma_wait3A_1055 = arith.constant 0 : i32
    %dma_wait3A_1056 = tpu.memref_slice %arg2[%dma_wait3A_1054, %dma_wait3A_1055] : memref<10000x128xf32, #tpu.memory_space<hbm>> -> memref<10000x128xf32, #tpu.memory_space<hbm>>
    %dma_wait3A_1057 = tpu.memref_slice %arg17[%dma_wait3A_1047] : memref<4x!tpu.dma_semaphore, #tpu.memory_space<semaphore_mem>> -> memref<1x!tpu.dma_semaphore, #tpu.memory_space<semaphore_mem>>
    %dma_wait3A_1058 = tpu.memref_squeeze %dma_wait3A_1057 : memref<1x!tpu.dma_semaphore, #tpu.memory_space<semaphore_mem>> -> memref<!tpu.dma_semaphore, #tpu.memory_space<semaphore_mem>>
    tpu.wait_indirect_dma semaphore(%dma_wait3A_1058 : memref<!tpu.dma_semaphore, #tpu.memory_space<semaphore_mem>>) src(%dma_wait3A_1056 : memref<10000x128xf32, #tpu.memory_space<hbm>>) dst(%dma_wait3A_1050 : memref<48x128xf32, #tpu.memory_space<vmem>>)
    %get3A_1059 = arith.constant 1 : i32
    %get3A_1060 = arith.index_cast %get3A_1059 : i32 to index
    %get3A_1061 = arith.constant 0 : index
    %get3A_1062 = tpu.vector_load %arg8[%get3A_1060, %get3A_1061] {strides = array<i32>} : memref<4x48xi32, #tpu.memory_space<vmem>>, vector<16xi32>,
    %get3A_1063 = arith.constant 1 : i32
    %get3A_1064 = arith.index_cast %get3A_1063 : i32 to index
    %get3A_1065 = arith.constant 0 : index
    %get3A_1066 = tpu.vector_load %arg9[%get3A_1064, %get3A_1065] {strides = array<i32>} : memref<4x48xi32, #tpu.memory_space<vmem>>, vector<16xi32>,
    %gather3A_1067 = tpu.vector_load_idx %arg10[%get3A_1062] : memref<10240xf32, #tpu.memory_space<vmem>>[vector<16xi32>], vector<16xf32>,
    %gather3A_1068 = tpu.vector_load_idx %arg11[%get3A_1066] : memref<10240xf32, #tpu.memory_space<vmem>>[vector<16xi32>], vector<16xf32>,
    %add3A_1069 = arith.addf %gather3A_1067, %gather3A_1068 : vector<16xf32>
    %gt3A_1070 = arith.constant 0.000000e+00 : f32
    %gt3A_1071 = vector.broadcast %gt3A_1070 : f32 to vector<16xf32>
    %gt3A_1072 = arith.cmpf ogt, %add3A_1069, %gt3A_1071 : vector<16xf32>
    %mul3A_1073 = arith.constant 2.000000e-01 : f32
    %mul3A_1074 = vector.broadcast %mul3A_1073 : f32 to vector<16xf32>
    %mul3A_1075 = arith.mulf %mul3A_1074, %add3A_1069 : vector<16xf32>
    %select_n3A_1076 = arith.select %gt3A_1072, %add3A_1069, %mul3A_1075 : vector<16xi1>, vector<16xf32>
    %exp3A_1077 = math.exp %select_n3A_1076 : vector<16xf32>
    %swap3A_1078 = arith.constant 48 : index
    %swap3A_1079 = tpu.vector_load %arg12[%swap3A_1078] {strides = array<i32>} : memref<96xf32, #tpu.memory_space<vmem>>, vector<16xf32>,
    tpu.vector_store %arg12[%swap3A_1078], %exp3A_1077 {strides = array<i32>} : memref<96xf32, #tpu.memory_space<vmem>>, vector<16xf32>,
    %get3A_1080 = arith.constant 1 : i32
    %get3A_1081 = arith.index_cast %get3A_1080 : i32 to index
    %get3A_1082 = arith.constant 16 : index
    %get3A_1083 = tpu.vector_load %arg8[%get3A_1081, %get3A_1082] {strides = array<i32>} : memref<4x48xi32, #tpu.memory_space<vmem>>, vector<16xi32>,
    %get3A_1084 = arith.constant 1 : i32
    %get3A_1085 = arith.index_cast %get3A_1084 : i32 to index
    %get3A_1086 = arith.constant 16 : index
    %get3A_1087 = tpu.vector_load %arg9[%get3A_1085, %get3A_1086] {strides = array<i32>} : memref<4x48xi32, #tpu.memory_space<vmem>>, vector<16xi32>,
    %gather3A_1088 = tpu.vector_load_idx %arg10[%get3A_1083] : memref<10240xf32, #tpu.memory_space<vmem>>[vector<16xi32>], vector<16xf32>,
    %gather3A_1089 = tpu.vector_load_idx %arg11[%get3A_1087] : memref<10240xf32, #tpu.memory_space<vmem>>[vector<16xi32>], vector<16xf32>,
    %add3A_1090 = arith.addf %gather3A_1088, %gather3A_1089 : vector<16xf32>
    %gt3A_1091 = arith.constant 0.000000e+00 : f32
    %gt3A_1092 = vector.broadcast %gt3A_1091 : f32 to vector<16xf32>
    %gt3A_1093 = arith.cmpf ogt, %add3A_1090, %gt3A_1092 : vector<16xf32>
    %mul3A_1094 = arith.constant 2.000000e-01 : f32
    %mul3A_1095 = vector.broadcast %mul3A_1094 : f32 to vector<16xf32>
    %mul3A_1096 = arith.mulf %mul3A_1095, %add3A_1090 : vector<16xf32>
    %select_n3A_1097 = arith.select %gt3A_1093, %add3A_1090, %mul3A_1096 : vector<16xi1>, vector<16xf32>
    %exp3A_1098 = math.exp %select_n3A_1097 : vector<16xf32>
    %swap3A_1099 = arith.constant 64 : index
    %swap3A_1100 = tpu.vector_load %arg12[%swap3A_1099] {strides = array<i32>} : memref<96xf32, #tpu.memory_space<vmem>>, vector<16xf32>,
    tpu.vector_store %arg12[%swap3A_1099], %exp3A_1098 {strides = array<i32>} : memref<96xf32, #tpu.memory_space<vmem>>, vector<16xf32>,
    %get3A_1101 = arith.constant 1 : i32
    %get3A_1102 = arith.index_cast %get3A_1101 : i32 to index
    %get3A_1103 = arith.constant 32 : index
    %get3A_1104 = tpu.vector_load %arg8[%get3A_1102, %get3A_1103] {strides = array<i32>} : memref<4x48xi32, #tpu.memory_space<vmem>>, vector<16xi32>,
    %get3A_1105 = arith.constant 1 : i32
    %get3A_1106 = arith.index_cast %get3A_1105 : i32 to index
    %get3A_1107 = arith.constant 32 : index
    %get3A_1108 = tpu.vector_load %arg9[%get3A_1106, %get3A_1107] {strides = array<i32>} : memref<4x48xi32, #tpu.memory_space<vmem>>, vector<16xi32>,
    %gather3A_1109 = tpu.vector_load_idx %arg10[%get3A_1104] : memref<10240xf32, #tpu.memory_space<vmem>>[vector<16xi32>], vector<16xf32>,
    %gather3A_1110 = tpu.vector_load_idx %arg11[%get3A_1108] : memref<10240xf32, #tpu.memory_space<vmem>>[vector<16xi32>], vector<16xf32>,
    %add3A_1111 = arith.addf %gather3A_1109, %gather3A_1110 : vector<16xf32>
    %gt3A_1112 = arith.constant 0.000000e+00 : f32
    %gt3A_1113 = vector.broadcast %gt3A_1112 : f32 to vector<16xf32>
    %gt3A_1114 = arith.cmpf ogt, %add3A_1111, %gt3A_1113 : vector<16xf32>
    %mul3A_1115 = arith.constant 2.000000e-01 : f32
    %mul3A_1116 = vector.broadcast %mul3A_1115 : f32 to vector<16xf32>
    %mul3A_1117 = arith.mulf %mul3A_1116, %add3A_1111 : vector<16xf32>
    %select_n3A_1118 = arith.select %gt3A_1114, %add3A_1111, %mul3A_1117 : vector<16xi1>, vector<16xf32>
    %exp3A_1119 = math.exp %select_n3A_1118 : vector<16xf32>
    %swap3A_1120 = arith.constant 80 : index
    %swap3A_1121 = tpu.vector_load %arg12[%swap3A_1120] {strides = array<i32>} : memref<96xf32, #tpu.memory_space<vmem>>, vector<16xf32>,
    tpu.vector_store %arg12[%swap3A_1120], %exp3A_1119 {strides = array<i32>} : memref<96xf32, #tpu.memory_space<vmem>>, vector<16xf32>,
    %dma_start3A_1122 = arith.constant 1 : i32
    %dma_start3A_1123 = arith.constant 1 : i32
    %dma_start3A_1124 = arith.constant 48 : i32
    %dma_start3A_1125 = tpu.memref_slice %arg12[%dma_start3A_1124] : memref<96xf32, #tpu.memory_space<vmem>> -> memref<48xf32, #tpu.memory_space<vmem>>
    %dma_start3A_1126 = arith.constant 0 : i32
    %dma_start3A_1127 = tpu.memref_slice %arg9[%dma_start3A_1122, %dma_start3A_1126] : memref<4x48xi32, #tpu.memory_space<vmem>> -> memref<1x48xi32, #tpu.memory_space<vmem>>
    %dma_start3A_1128 = tpu.memref_squeeze %dma_start3A_1127 : memref<1x48xi32, #tpu.memory_space<vmem>> -> memref<48xi32, #tpu.memory_space<vmem>>
    %dma_start3A_1129 = arith.constant 0 : i32
    %dma_start3A_1130 = tpu.memref_slice %arg16[%dma_start3A_1129] : memref<10240xf32, #tpu.memory_space<vmem_shared>> -> memref<10240xf32, #tpu.memory_space<vmem_shared>>
    %dma_start3A_1131 = tpu.memref_slice %arg20[%dma_start3A_1123] : memref<2x!tpu.dma_semaphore, #tpu.memory_space<semaphore_mem>> -> memref<1x!tpu.dma_semaphore, #tpu.memory_space<semaphore_mem>>
    %dma_start3A_1132 = tpu.memref_squeeze %dma_start3A_1131 : memref<1x!tpu.dma_semaphore, #tpu.memory_space<semaphore_mem>> -> memref<!tpu.dma_semaphore, #tpu.memory_space<semaphore_mem>>
    tpu.enqueue_indirect_dma source(%dma_start3A_1125 : memref<48xf32, #tpu.memory_space<vmem>>) target(%dma_start3A_1130 : memref<10240xf32, #tpu.memory_space<vmem_shared>>) offsets(%dma_start3A_1128 : memref<48xi32, #tpu.memory_space<vmem>>) semaphore(%dma_start3A_1132 : memref<!tpu.dma_semaphore, #tpu.memory_space<semaphore_mem>>) {add = true}
    %scan3A_1133 = arith.constant 0 : i32
    %scan3A_1134 = arith.constant 48 : i32
    %scan3A_1135 = arith.addi %scan3A_1133, %scan3A_1134 : i32
    %scan3A_1136 = arith.constant 1 : i32
    scf.for %scan3A_1208 = %scan3A_1133 to %scan3A_1135 step %scan3A_1136  : i32 {
      %mul3A_1209 = arith.constant 1 : i32
      %mul3A_1210 = arith.muli %scan3A_1208, %mul3A_1209 : i32
      %add3A_1211 = arith.constant 0 : i32
      %add3A_1212 = arith.addi %add3A_1211, %mul3A_1210 : i32
      %add3A_1213 = arith.constant 48 : i32
      %add3A_1214 = arith.addi %add3A_1213, %add3A_1212 : i32
      %broadcast_in_dim3A_1215 = vector.broadcast %add3A_1214 : i32 to vector<16xi32>
      %gather3A_1216 = tpu.vector_load_idx %arg12[%broadcast_in_dim3A_1215] : memref<96xf32, #tpu.memory_space<vmem>>[vector<16xi32>], vector<16xf32>,
      %add3A_1217 = arith.constant 48 : i32
      %add3A_1218 = arith.addi %add3A_1217, %add3A_1212 : i32
      %get3A_1219 = arith.index_cast %add3A_1218 : i32 to index
      %get3A_1220 = arith.constant 0 : index
      %get3A_1221 = tpu.vector_load %arg13[%get3A_1219, %get3A_1220] {strides = array<i32>} : memref<192x128xf32, #tpu.memory_space<vmem>>, vector<16xf32>,
      %mul3A_1222 = arith.mulf %get3A_1221, %gather3A_1216 : vector<16xf32>
      %swap3A_1223 = arith.index_cast %add3A_1218 : i32 to index
      %swap3A_1224 = arith.constant 0 : index
      %swap3A_1225 = tpu.vector_load %arg13[%swap3A_1223, %swap3A_1224] {strides = array<i32>} : memref<192x128xf32, #tpu.memory_space<vmem>>, vector<16xf32>,
      tpu.vector_store %arg13[%swap3A_1223, %swap3A_1224], %mul3A_1222 {strides = array<i32>} : memref<192x128xf32, #tpu.memory_space<vmem>>, vector<16xf32>,
      %get3A_1226 = arith.index_cast %add3A_1218 : i32 to index
      %get3A_1227 = arith.constant 16 : index
      %get3A_1228 = tpu.vector_load %arg13[%get3A_1226, %get3A_1227] {strides = array<i32>} : memref<192x128xf32, #tpu.memory_space<vmem>>, vector<16xf32>,
      %mul3A_1229 = arith.mulf %get3A_1228, %gather3A_1216 : vector<16xf32>
      %swap3A_1230 = arith.index_cast %add3A_1218 : i32 to index
      %swap3A_1231 = arith.constant 16 : index
      %swap3A_1232 = tpu.vector_load %arg13[%swap3A_1230, %swap3A_1231] {strides = array<i32>} : memref<192x128xf32, #tpu.memory_space<vmem>>, vector<16xf32>,
      tpu.vector_store %arg13[%swap3A_1230, %swap3A_1231], %mul3A_1229 {strides = array<i32>} : memref<192x128xf32, #tpu.memory_space<vmem>>, vector<16xf32>,
      %get3A_1233 = arith.index_cast %add3A_1218 : i32 to index
      %get3A_1234 = arith.constant 32 : index
      %get3A_1235 = tpu.vector_load %arg13[%get3A_1233, %get3A_1234] {strides = array<i32>} : memref<192x128xf32, #tpu.memory_space<vmem>>, vector<16xf32>,
      %mul3A_1236 = arith.mulf %get3A_1235, %gather3A_1216 : vector<16xf32>
      %swap3A_1237 = arith.index_cast %add3A_1218 : i32 to index
      %swap3A_1238 = arith.constant 32 : index
      %swap3A_1239 = tpu.vector_load %arg13[%swap3A_1237, %swap3A_1238] {strides = array<i32>} : memref<192x128xf32, #tpu.memory_space<vmem>>, vector<16xf32>,
      tpu.vector_store %arg13[%swap3A_1237, %swap3A_1238], %mul3A_1236 {strides = array<i32>} : memref<192x128xf32, #tpu.memory_space<vmem>>, vector<16xf32>,
      %get3A_1240 = arith.index_cast %add3A_1218 : i32 to index
      %get3A_1241 = arith.constant 48 : index
      %get3A_1242 = tpu.vector_load %arg13[%get3A_1240, %get3A_1241] {strides = array<i32>} : memref<192x128xf32, #tpu.memory_space<vmem>>, vector<16xf32>,
      %mul3A_1243 = arith.mulf %get3A_1242, %gather3A_1216 : vector<16xf32>
      %swap3A_1244 = arith.index_cast %add3A_1218 : i32 to index
      %swap3A_1245 = arith.constant 48 : index
      %swap3A_1246 = tpu.vector_load %arg13[%swap3A_1244, %swap3A_1245] {strides = array<i32>} : memref<192x128xf32, #tpu.memory_space<vmem>>, vector<16xf32>,
      tpu.vector_store %arg13[%swap3A_1244, %swap3A_1245], %mul3A_1243 {strides = array<i32>} : memref<192x128xf32, #tpu.memory_space<vmem>>, vector<16xf32>,
      %get3A_1247 = arith.index_cast %add3A_1218 : i32 to index
      %get3A_1248 = arith.constant 64 : index
      %get3A_1249 = tpu.vector_load %arg13[%get3A_1247, %get3A_1248] {strides = array<i32>} : memref<192x128xf32, #tpu.memory_space<vmem>>, vector<16xf32>,
      %mul3A_1250 = arith.mulf %get3A_1249, %gather3A_1216 : vector<16xf32>
      %swap3A_1251 = arith.index_cast %add3A_1218 : i32 to index
      %swap3A_1252 = arith.constant 64 : index
      %swap3A_1253 = tpu.vector_load %arg13[%swap3A_1251, %swap3A_1252] {strides = array<i32>} : memref<192x128xf32, #tpu.memory_space<vmem>>, vector<16xf32>,
      tpu.vector_store %arg13[%swap3A_1251, %swap3A_1252], %mul3A_1250 {strides = array<i32>} : memref<192x128xf32, #tpu.memory_space<vmem>>, vector<16xf32>,
      %get3A_1254 = arith.index_cast %add3A_1218 : i32 to index
      %get3A_1255 = arith.constant 80 : index
      %get3A_1256 = tpu.vector_load %arg13[%get3A_1254, %get3A_1255] {strides = array<i32>} : memref<192x128xf32, #tpu.memory_space<vmem>>, vector<16xf32>,
      %mul3A_1257 = arith.mulf %get3A_1256, %gather3A_1216 : vector<16xf32>
      %swap3A_1258 = arith.index_cast %add3A_1218 : i32 to index
      %swap3A_1259 = arith.constant 80 : index
      %swap3A_1260 = tpu.vector_load %arg13[%swap3A_1258, %swap3A_1259] {strides = array<i32>} : memref<192x128xf32, #tpu.memory_space<vmem>>, vector<16xf32>,
      tpu.vector_store %arg13[%swap3A_1258, %swap3A_1259], %mul3A_1257 {strides = array<i32>} : memref<192x128xf32, #tpu.memory_space<vmem>>, vector<16xf32>,
      %get3A_1261 = arith.index_cast %add3A_1218 : i32 to index
      %get3A_1262 = arith.constant 96 : index
      %get3A_1263 = tpu.vector_load %arg13[%get3A_1261, %get3A_1262] {strides = array<i32>} : memref<192x128xf32, #tpu.memory_space<vmem>>, vector<16xf32>,
      %mul3A_1264 = arith.mulf %get3A_1263, %gather3A_1216 : vector<16xf32>
      %swap3A_1265 = arith.index_cast %add3A_1218 : i32 to index
      %swap3A_1266 = arith.constant 96 : index
      %swap3A_1267 = tpu.vector_load %arg13[%swap3A_1265, %swap3A_1266] {strides = array<i32>} : memref<192x128xf32, #tpu.memory_space<vmem>>, vector<16xf32>,
      tpu.vector_store %arg13[%swap3A_1265, %swap3A_1266], %mul3A_1264 {strides = array<i32>} : memref<192x128xf32, #tpu.memory_space<vmem>>, vector<16xf32>,
      %get3A_1268 = arith.index_cast %add3A_1218 : i32 to index
      %get3A_1269 = arith.constant 112 : index
      %get3A_1270 = tpu.vector_load %arg13[%get3A_1268, %get3A_1269] {strides = array<i32>} : memref<192x128xf32, #tpu.memory_space<vmem>>, vector<16xf32>,
      %mul3A_1271 = arith.mulf %get3A_1270, %gather3A_1216 : vector<16xf32>
      %swap3A_1272 = arith.index_cast %add3A_1218 : i32 to index
      %swap3A_1273 = arith.constant 112 : index
      %swap3A_1274 = tpu.vector_load %arg13[%swap3A_1272, %swap3A_1273] {strides = array<i32>} : memref<192x128xf32, #tpu.memory_space<vmem>>, vector<16xf32>,
      tpu.vector_store %arg13[%swap3A_1272, %swap3A_1273], %mul3A_1271 {strides = array<i32>} : memref<192x128xf32, #tpu.memory_space<vmem>>, vector<16xf32>,
    }
    %scan3A_1137 = arith.constant 48 : i32
    %dma_start3A_1138 = arith.constant 1 : i32
    %dma_start3A_1139 = arith.constant 1 : i32
    %dma_start3A_1140 = arith.constant 48 : i32
    %dma_start3A_1141 = arith.constant 0 : i32
    %dma_start3A_1142 = tpu.memref_slice %arg13[%dma_start3A_1140, %dma_start3A_1141] : memref<192x128xf32, #tpu.memory_space<vmem>> -> memref<48x128xf32, #tpu.memory_space<vmem>>
    %dma_start3A_1143 = arith.constant 0 : i32
    %dma_start3A_1144 = tpu.memref_slice %arg9[%dma_start3A_1138, %dma_start3A_1143] : memref<4x48xi32, #tpu.memory_space<vmem>> -> memref<1x48xi32, #tpu.memory_space<vmem>>
    %dma_start3A_1145 = tpu.memref_squeeze %dma_start3A_1144 : memref<1x48xi32, #tpu.memory_space<vmem>> -> memref<48xi32, #tpu.memory_space<vmem>>
    %dma_start3A_1146 = arith.constant 0 : i32
    %dma_start3A_1147 = arith.constant 0 : i32
    %dma_start3A_1148 = tpu.memref_slice %arg15[%dma_start3A_1146, %dma_start3A_1147] : memref<10240x128xf32, #tpu.memory_space<vmem_shared>> -> memref<10240x128xf32, #tpu.memory_space<vmem_shared>>
    %dma_start3A_1149 = tpu.memref_slice %arg18[%dma_start3A_1139] : memref<4x!tpu.dma_semaphore, #tpu.memory_space<semaphore_mem>> -> memref<1x!tpu.dma_semaphore, #tpu.memory_space<semaphore_mem>>
    %dma_start3A_1150 = tpu.memref_squeeze %dma_start3A_1149 : memref<1x!tpu.dma_semaphore, #tpu.memory_space<semaphore_mem>> -> memref<!tpu.dma_semaphore, #tpu.memory_space<semaphore_mem>>
    tpu.enqueue_indirect_dma source(%dma_start3A_1142 : memref<48x128xf32, #tpu.memory_space<vmem>>) target(%dma_start3A_1148 : memref<10240x128xf32, #tpu.memory_space<vmem_shared>>) offsets(%dma_start3A_1145 : memref<48xi32, #tpu.memory_space<vmem>>) semaphore(%dma_start3A_1150 : memref<!tpu.dma_semaphore, #tpu.memory_space<semaphore_mem>>) {add = true}
    %dma_wait3A_1151 = arith.constant 0 : i32
    %dma_wait3A_1152 = arith.constant 0 : i32
    %dma_wait3A_1153 = arith.constant 0 : i32
    %dma_wait3A_1154 = arith.constant 0 : i32
    %dma_wait3A_1155 = tpu.memref_slice %arg13[%dma_wait3A_1153, %dma_wait3A_1154] : memref<192x128xf32, #tpu.memory_space<vmem>> -> memref<48x128xf32, #tpu.memory_space<vmem>>
    %dma_wait3A_1156 = arith.constant 0 : i32
    %dma_wait3A_1157 = tpu.memref_slice %arg9[%dma_wait3A_1151, %dma_wait3A_1156] : memref<4x48xi32, #tpu.memory_space<vmem>> -> memref<1x48xi32, #tpu.memory_space<vmem>>
    %dma_wait3A_1158 = tpu.memref_squeeze %dma_wait3A_1157 : memref<1x48xi32, #tpu.memory_space<vmem>> -> memref<48xi32, #tpu.memory_space<vmem>>
    %dma_wait3A_1159 = arith.constant 0 : i32
    %dma_wait3A_1160 = arith.constant 0 : i32
    %dma_wait3A_1161 = tpu.memref_slice %arg15[%dma_wait3A_1159, %dma_wait3A_1160] : memref<10240x128xf32, #tpu.memory_space<vmem_shared>> -> memref<10240x128xf32, #tpu.memory_space<vmem_shared>>
    %dma_wait3A_1162 = tpu.memref_slice %arg18[%dma_wait3A_1152] : memref<4x!tpu.dma_semaphore, #tpu.memory_space<semaphore_mem>> -> memref<1x!tpu.dma_semaphore, #tpu.memory_space<semaphore_mem>>
    %dma_wait3A_1163 = tpu.memref_squeeze %dma_wait3A_1162 : memref<1x!tpu.dma_semaphore, #tpu.memory_space<semaphore_mem>> -> memref<!tpu.dma_semaphore, #tpu.memory_space<semaphore_mem>>
    tpu.wait_indirect_dma semaphore(%dma_wait3A_1163 : memref<!tpu.dma_semaphore, #tpu.memory_space<semaphore_mem>>) src(%dma_wait3A_1155 : memref<48x128xf32, #tpu.memory_space<vmem>>) dst(%dma_wait3A_1161 : memref<10240x128xf32, #tpu.memory_space<vmem_shared>>)
    %dma_wait3A_1164 = arith.constant 0 : i32
    %dma_wait3A_1165 = arith.constant 0 : i32
    %dma_wait3A_1166 = arith.constant 0 : i32
    %dma_wait3A_1167 = tpu.memref_slice %arg12[%dma_wait3A_1166] : memref<96xf32, #tpu.memory_space<vmem>> -> memref<48xf32, #tpu.memory_space<vmem>>
    %dma_wait3A_1168 = arith.constant 0 : i32
    %dma_wait3A_1169 = tpu.memref_slice %arg9[%dma_wait3A_1164, %dma_wait3A_1168] : memref<4x48xi32, #tpu.memory_space<vmem>> -> memref<1x48xi32, #tpu.memory_space<vmem>>
    %dma_wait3A_1170 = tpu.memref_squeeze %dma_wait3A_1169 : memref<1x48xi32, #tpu.memory_space<vmem>> -> memref<48xi32, #tpu.memory_space<vmem>>
    %dma_wait3A_1171 = arith.constant 0 : i32
    %dma_wait3A_1172 = tpu.memref_slice %arg16[%dma_wait3A_1171] : memref<10240xf32, #tpu.memory_space<vmem_shared>> -> memref<10240xf32, #tpu.memory_space<vmem_shared>>
    %dma_wait3A_1173 = tpu.memref_slice %arg20[%dma_wait3A_1165] : memref<2x!tpu.dma_semaphore, #tpu.memory_space<semaphore_mem>> -> memref<1x!tpu.dma_semaphore, #tpu.memory_space<semaphore_mem>>
    %dma_wait3A_1174 = tpu.memref_squeeze %dma_wait3A_1173 : memref<1x!tpu.dma_semaphore, #tpu.memory_space<semaphore_mem>> -> memref<!tpu.dma_semaphore, #tpu.memory_space<semaphore_mem>>
    tpu.wait_indirect_dma semaphore(%dma_wait3A_1174 : memref<!tpu.dma_semaphore, #tpu.memory_space<semaphore_mem>>) src(%dma_wait3A_1167 : memref<48xf32, #tpu.memory_space<vmem>>) dst(%dma_wait3A_1172 : memref<10240xf32, #tpu.memory_space<vmem_shared>>)
    %dma_wait3A_1175 = arith.constant 1 : i32
    %dma_wait3A_1176 = arith.constant 1 : i32
    %dma_wait3A_1177 = arith.constant 48 : i32
    %dma_wait3A_1178 = arith.constant 0 : i32
    %dma_wait3A_1179 = tpu.memref_slice %arg13[%dma_wait3A_1177, %dma_wait3A_1178] : memref<192x128xf32, #tpu.memory_space<vmem>> -> memref<48x128xf32, #tpu.memory_space<vmem>>
    %dma_wait3A_1180 = arith.constant 0 : i32
    %dma_wait3A_1181 = tpu.memref_slice %arg9[%dma_wait3A_1175, %dma_wait3A_1180] : memref<4x48xi32, #tpu.memory_space<vmem>> -> memref<1x48xi32, #tpu.memory_space<vmem>>
    %dma_wait3A_1182 = tpu.memref_squeeze %dma_wait3A_1181 : memref<1x48xi32, #tpu.memory_space<vmem>> -> memref<48xi32, #tpu.memory_space<vmem>>
    %dma_wait3A_1183 = arith.constant 0 : i32
    %dma_wait3A_1184 = arith.constant 0 : i32
    %dma_wait3A_1185 = tpu.memref_slice %arg15[%dma_wait3A_1183, %dma_wait3A_1184] : memref<10240x128xf32, #tpu.memory_space<vmem_shared>> -> memref<10240x128xf32, #tpu.memory_space<vmem_shared>>
    %dma_wait3A_1186 = tpu.memref_slice %arg18[%dma_wait3A_1176] : memref<4x!tpu.dma_semaphore, #tpu.memory_space<semaphore_mem>> -> memref<1x!tpu.dma_semaphore, #tpu.memory_space<semaphore_mem>>
    %dma_wait3A_1187 = tpu.memref_squeeze %dma_wait3A_1186 : memref<1x!tpu.dma_semaphore, #tpu.memory_space<semaphore_mem>> -> memref<!tpu.dma_semaphore, #tpu.memory_space<semaphore_mem>>
    tpu.wait_indirect_dma semaphore(%dma_wait3A_1187 : memref<!tpu.dma_semaphore, #tpu.memory_space<semaphore_mem>>) src(%dma_wait3A_1179 : memref<48x128xf32, #tpu.memory_space<vmem>>) dst(%dma_wait3A_1185 : memref<10240x128xf32, #tpu.memory_space<vmem_shared>>)
    %dma_wait3A_1188 = arith.constant 1 : i32
    %dma_wait3A_1189 = arith.constant 1 : i32
    %dma_wait3A_1190 = arith.constant 48 : i32
    %dma_wait3A_1191 = tpu.memref_slice %arg12[%dma_wait3A_1190] : memref<96xf32, #tpu.memory_space<vmem>> -> memref<48xf32, #tpu.memory_space<vmem>>
    %dma_wait3A_1192 = arith.constant 0 : i32
    %dma_wait3A_1193 = tpu.memref_slice %arg9[%dma_wait3A_1188, %dma_wait3A_1192] : memref<4x48xi32, #tpu.memory_space<vmem>> -> memref<1x48xi32, #tpu.memory_space<vmem>>
    %dma_wait3A_1194 = tpu.memref_squeeze %dma_wait3A_1193 : memref<1x48xi32, #tpu.memory_space<vmem>> -> memref<48xi32, #tpu.memory_space<vmem>>
    %dma_wait3A_1195 = arith.constant 0 : i32
    %dma_wait3A_1196 = tpu.memref_slice %arg16[%dma_wait3A_1195] : memref<10240xf32, #tpu.memory_space<vmem_shared>> -> memref<10240xf32, #tpu.memory_space<vmem_shared>>
    %dma_wait3A_1197 = tpu.memref_slice %arg20[%dma_wait3A_1189] : memref<2x!tpu.dma_semaphore, #tpu.memory_space<semaphore_mem>> -> memref<1x!tpu.dma_semaphore, #tpu.memory_space<semaphore_mem>>
    %dma_wait3A_1198 = tpu.memref_squeeze %dma_wait3A_1197 : memref<1x!tpu.dma_semaphore, #tpu.memory_space<semaphore_mem>> -> memref<!tpu.dma_semaphore, #tpu.memory_space<semaphore_mem>>
    tpu.wait_indirect_dma semaphore(%dma_wait3A_1198 : memref<!tpu.dma_semaphore, #tpu.memory_space<semaphore_mem>>) src(%dma_wait3A_1191 : memref<48xf32, #tpu.memory_space<vmem>>) dst(%dma_wait3A_1196 : memref<10240xf32, #tpu.memory_space<vmem_shared>>)
    %barrier3A_1199 = arith.constant 0 : index
    tpu.barrier barrier_id(%barrier3A_1199)
    %mul3A_1200 = arith.constant 640 : i32
    %mul3A_1201 = arith.muli %arg1, %mul3A_1200 : i32
    %mul3A_1202 = arith.constant 640 : i32
    %mul3A_1203 = arith.muli %arg1, %mul3A_1202 : i32
    "tpu.region"() ({
      %run_scoped3A_1208 = tpu.sem_alloc : memref<!tpu.dma_semaphore, #tpu.memory_space<semaphore_mem>>
      %dma_start3A_1209 = arith.constant 0 : i32
      %dma_start3A_1210 = tpu.memref_slice %arg6[%arg0, %mul3A_1203, %dma_start3A_1209] : memref<2x10240x128xf32, #tpu.memory_space<hbm>> -> memref<1x640x128xf32, #tpu.memory_space<hbm>>
      %dma_start3A_1211 = tpu.memref_squeeze %dma_start3A_1210 : memref<1x640x128xf32, #tpu.memory_space<hbm>> -> memref<640x128xf32, #tpu.memory_space<hbm>>
      %dma_start3A_1212 = arith.constant 0 : i32
      %dma_start3A_1213 = tpu.memref_slice %arg15[%mul3A_1201, %dma_start3A_1212] : memref<10240x128xf32, #tpu.memory_space<vmem_shared>> -> memref<640x128xf32, #tpu.memory_space<vmem_shared>>
      tpu.enqueue_dma source(%dma_start3A_1213 : memref<640x128xf32, #tpu.memory_space<vmem_shared>>) target(%dma_start3A_1211 : memref<640x128xf32, #tpu.memory_space<hbm>>) target_semaphore(%run_scoped3A_1208 : memref<!tpu.dma_semaphore, #tpu.memory_space<semaphore_mem>>)
      %dma_wait3A_1214 = arith.constant 0 : i32
      %dma_wait3A_1215 = tpu.memref_slice %arg6[%arg0, %mul3A_1203, %dma_wait3A_1214] : memref<2x10240x128xf32, #tpu.memory_space<hbm>> -> memref<1x640x128xf32, #tpu.memory_space<hbm>>
      %dma_wait3A_1216 = tpu.memref_squeeze %dma_wait3A_1215 : memref<1x640x128xf32, #tpu.memory_space<hbm>> -> memref<640x128xf32, #tpu.memory_space<hbm>>
      %dma_wait3A_1217 = arith.constant 0 : i32
      %dma_wait3A_1218 = tpu.memref_slice %arg15[%mul3A_1201, %dma_wait3A_1217] : memref<10240x128xf32, #tpu.memory_space<vmem_shared>> -> memref<640x128xf32, #tpu.memory_space<vmem_shared>>
      tpu.wait_dma2 semaphore(%run_scoped3A_1208 : memref<!tpu.dma_semaphore, #tpu.memory_space<semaphore_mem>>) src(%dma_wait3A_1218 : memref<640x128xf32, #tpu.memory_space<vmem_shared>>) dst(%dma_wait3A_1216 : memref<640x128xf32, #tpu.memory_space<hbm>>)
      tpu.yield
    }) : () -> ()
    %mul3A_1204 = arith.constant 640 : i32
    %mul3A_1205 = arith.muli %arg1, %mul3A_1204 : i32
    %mul3A_1206 = arith.constant 640 : i32
    %mul3A_1207 = arith.muli %arg1, %mul3A_1206 : i32
    "tpu.region"() ({
      %run_scoped3A_1208 = tpu.sem_alloc : memref<!tpu.dma_semaphore, #tpu.memory_space<semaphore_mem>>
      %dma_start3A_1209 = tpu.memref_slice %arg7[%arg0, %mul3A_1207] : memref<2x10240xf32, #tpu.memory_space<hbm>> -> memref<1x640xf32, #tpu.memory_space<hbm>>
      %dma_start3A_1210 = tpu.memref_squeeze %dma_start3A_1209 : memref<1x640xf32, #tpu.memory_space<hbm>> -> memref<640xf32, #tpu.memory_space<hbm>>
      %dma_start3A_1211 = tpu.memref_slice %arg16[%mul3A_1205] : memref<10240xf32, #tpu.memory_space<vmem_shared>> -> memref<640xf32, #tpu.memory_space<vmem_shared>>
      tpu.enqueue_dma source(%dma_start3A_1211 : memref<640xf32, #tpu.memory_space<vmem_shared>>) target(%dma_start3A_1210 : memref<640xf32, #tpu.memory_space<hbm>>) target_semaphore(%run_scoped3A_1208 : memref<!tpu.dma_semaphore, #tpu.memory_space<semaphore_mem>>)
      %dma_wait3A_1212 = tpu.memref_slice %arg7[%arg0, %mul3A_1207] : memref<2x10240xf32, #tpu.memory_space<hbm>> -> memref<1x640xf32, #tpu.memory_space<hbm>>
      %dma_wait3A_1213 = tpu.memref_squeeze %dma_wait3A_1212 : memref<1x640xf32, #tpu.memory_space<hbm>> -> memref<640xf32, #tpu.memory_space<hbm>>
      %dma_wait3A_1214 = tpu.memref_slice %arg16[%mul3A_1205] : memref<10240xf32, #tpu.memory_space<vmem_shared>> -> memref<640xf32, #tpu.memory_space<vmem_shared>>
      tpu.wait_dma2 semaphore(%run_scoped3A_1208 : memref<!tpu.dma_semaphore, #tpu.memory_space<semaphore_mem>>) src(%dma_wait3A_1214 : memref<640xf32, #tpu.memory_space<vmem_shared>>) dst(%dma_wait3A_1213 : memref<640xf32, #tpu.memory_space<hbm>>)
      tpu.yield
    }) : () -> ()
    return
  }
}

module attributes {stable_mosaic.version = 14 : i64} {
  func.func @_proj_body(%arg0: memref<10000x128xf32, #tpu.memory_space<vmem>>, %arg1: memref<128x128xf32, #tpu.memory_space<vmem>>, %arg2: memref<2x128xf32, #tpu.memory_space<vmem>>, %arg3: memref<10000x128xf32, #tpu.memory_space<vmem>>, %arg4: memref<2x10000xf32, #tpu.memory_space<vmem>>) attributes {dimension_semantics = [], scalar_prefetch = 0 : i64, scratch_operands = 0 : i64, tpu.core_type = #tpu.core_type<tc>} {
    %get3A = arith.constant 0 : index
    %get3A_0 = arith.constant 0 : index
    %get3A_1 = vector.load %arg0[%get3A, %get3A_0] : memref<10000x128xf32, #tpu.memory_space<vmem>>, vector<10000x128xf32>
    %get3A_2 = arith.constant 0 : index
    %get3A_3 = arith.constant 0 : index
    %get3A_4 = vector.load %arg1[%get3A_2, %get3A_3] : memref<128x128xf32, #tpu.memory_space<vmem>>, vector<128x128xf32>
    %dot_general3A = arith.constant dense<0.000000e+00> : vector<10000x128xf32>
    %dot_general3A_5 = tpu.matmul %get3A_1, %get3A_4, %dot_general3A {dimension_numbers = #tpu.dot_dimension_numbers<[1], [0], [0], [1], [0, 0, 1, 1], [], []>, transpose_lhs_hint = false} : vector<10000x128xf32>, vector<128x128xf32>, vector<10000x128xf32> -> vector<10000x128xf32>
    %swap3A = arith.constant 0 : index
    %swap3A_6 = arith.constant 0 : index
    %swap3A_7 = vector.load %arg3[%swap3A, %swap3A_6] : memref<10000x128xf32, #tpu.memory_space<vmem>>, vector<10000x128xf32>
    tpu.vector_store %arg3[%swap3A, %swap3A_6], %dot_general3A_5 {strides = array<i32>} : memref<10000x128xf32, #tpu.memory_space<vmem>>, vector<10000x128xf32>,
    %get3A_8 = arith.constant 0 : index
    %get3A_9 = arith.constant 0 : index
    %get3A_10 = vector.load %arg2[%get3A_8, %get3A_9] : memref<2x128xf32, #tpu.memory_space<vmem>>, vector<1x128xf32>
    %get3A_11 = vector.shape_cast %get3A_10 : vector<1x128xf32> to vector<128xf32>
    %broadcast_in_dim3A = vector.shape_cast %get3A_11 : vector<128xf32> to vector<1x128xf32>
    %mul3A = vector.broadcast %broadcast_in_dim3A : vector<1x128xf32> to vector<10000x128xf32>
    %mul3A_12 = arith.mulf %dot_general3A_5, %mul3A : vector<10000x128xf32>
    %reduce_sum3A = arith.constant dense<0.000000e+00> : vector<10000xf32>
    %reduce_sum3A_13 = vector.multi_reduction <add>, %mul3A_12, %reduce_sum3A [1] : vector<10000x128xf32> to vector<10000xf32>
    %swap3A_14 = arith.constant 0 : index
    %swap3A_15 = arith.constant 0 : index
    %swap3A_16 = vector.load %arg4[%swap3A_14, %swap3A_15] : memref<2x10000xf32, #tpu.memory_space<vmem>>, vector<1x10000xf32>
    %swap3A_17 = vector.shape_cast %swap3A_16 : vector<1x10000xf32> to vector<10000xf32>
    %swap3A_18 = vector.shape_cast %reduce_sum3A_13 : vector<10000xf32> to vector<1x10000xf32>
    tpu.vector_store %arg4[%swap3A_14, %swap3A_15], %swap3A_18 {strides = array<i32>} : memref<2x10000xf32, #tpu.memory_space<vmem>>, vector<1x10000xf32>,
    %get3A_19 = arith.constant 1 : index
    %get3A_20 = arith.constant 0 : index
    %get3A_21 = vector.load %arg2[%get3A_19, %get3A_20] : memref<2x128xf32, #tpu.memory_space<vmem>>, vector<1x128xf32>
    %get3A_22 = vector.shape_cast %get3A_21 : vector<1x128xf32> to vector<128xf32>
    %broadcast_in_dim3A_23 = vector.shape_cast %get3A_22 : vector<128xf32> to vector<1x128xf32>
    %mul3A_24 = vector.broadcast %broadcast_in_dim3A_23 : vector<1x128xf32> to vector<10000x128xf32>
    %mul3A_25 = arith.mulf %dot_general3A_5, %mul3A_24 : vector<10000x128xf32>
    %reduce_sum3A_26 = arith.constant dense<0.000000e+00> : vector<10000xf32>
    %reduce_sum3A_27 = vector.multi_reduction <add>, %mul3A_25, %reduce_sum3A_26 [1] : vector<10000x128xf32> to vector<10000xf32>
    %swap3A_28 = arith.constant 1 : index
    %swap3A_29 = arith.constant 0 : index
    %swap3A_30 = vector.load %arg4[%swap3A_28, %swap3A_29] : memref<2x10000xf32, #tpu.memory_space<vmem>>, vector<1x10000xf32>
    %swap3A_31 = vector.shape_cast %swap3A_30 : vector<1x10000xf32> to vector<10000xf32>
    %swap3A_32 = vector.shape_cast %reduce_sum3A_27 : vector<10000xf32> to vector<1x10000xf32>
    tpu.vector_store %arg4[%swap3A_28, %swap3A_29], %swap3A_32 {strides = array<i32>} : memref<2x10000xf32, #tpu.memory_space<vmem>>, vector<1x10000xf32>,
    return
  }
}

module attributes {stable_mosaic.version = 14 : i64} {
  func.func @_combine_body(%arg0: memref<2x10240x128xf32, #tpu.memory_space<vmem>>, %arg1: memref<2x10240xf32, #tpu.memory_space<vmem>>, %arg2: memref<10000x128xf32, #tpu.memory_space<vmem>>, %arg3: memref<128xf32, #tpu.memory_space<vmem>>, %arg4: memref<10000x128xf32, #tpu.memory_space<vmem>>) attributes {dimension_semantics = [], scalar_prefetch = 0 : i64, scratch_operands = 0 : i64, tpu.core_type = #tpu.core_type<tc>} {
    %get3A = arith.constant 0 : index
    %get3A_0 = arith.constant 0 : index
    %get3A_1 = arith.constant 0 : index
    %get3A_2 = vector.load %arg0[%get3A, %get3A_0, %get3A_1] : memref<2x10240x128xf32, #tpu.memory_space<vmem>>, vector<1x10000x128xf32>
    %get3A_3 = vector.shape_cast %get3A_2 : vector<1x10000x128xf32> to vector<10000x128xf32>
    %get3A_4 = arith.constant 1 : index
    %get3A_5 = arith.constant 0 : index
    %get3A_6 = arith.constant 0 : index
    %get3A_7 = vector.load %arg0[%get3A_4, %get3A_5, %get3A_6] : memref<2x10240x128xf32, #tpu.memory_space<vmem>>, vector<1x10000x128xf32>
    %get3A_8 = vector.shape_cast %get3A_7 : vector<1x10000x128xf32> to vector<10000x128xf32>
    %add3A = arith.addf %get3A_3, %get3A_8 : vector<10000x128xf32>
    %get3A_9 = arith.constant 0 : index
    %get3A_10 = arith.constant 0 : index
    %get3A_11 = vector.load %arg1[%get3A_9, %get3A_10] : memref<2x10240xf32, #tpu.memory_space<vmem>>, vector<1x10000xf32>
    %get3A_12 = vector.shape_cast %get3A_11 : vector<1x10000xf32> to vector<10000xf32>
    %get3A_13 = arith.constant 1 : index
    %get3A_14 = arith.constant 0 : index
    %get3A_15 = vector.load %arg1[%get3A_13, %get3A_14] : memref<2x10240xf32, #tpu.memory_space<vmem>>, vector<1x10000xf32>
    %get3A_16 = vector.shape_cast %get3A_15 : vector<1x10000xf32> to vector<10000xf32>
    %add3A_17 = arith.addf %get3A_12, %get3A_16 : vector<10000xf32>
    %broadcast_in_dim3A = vector.shape_cast %add3A_17 : vector<10000xf32> to vector<10000x1xf32>
    %gt3A = arith.constant 0.000000e+00 : f32
    %gt3A_18 = vector.broadcast %gt3A : f32 to vector<10000x1xf32>
    %gt3A_19 = arith.cmpf ogt, %broadcast_in_dim3A, %gt3A_18 : vector<10000x1xf32>
    %div3A = vector.broadcast %broadcast_in_dim3A : vector<10000x1xf32> to vector<10000x128xf32>
    %div3A_20 = arith.divf %add3A, %div3A : vector<10000x128xf32>
    %jit3A = arith.constant 0.000000e+00 : f32
    %broadcast_in_dim3A_21 = vector.shape_cast %gt3A_19 : vector<10000x1xi1> to vector<10000x1xi1>
    %broadcast_in_dim3A_22 = vector.broadcast %broadcast_in_dim3A_21 : vector<10000x1xi1> to vector<10000x128xi1>
    %broadcast_in_dim3A_23 = vector.broadcast %jit3A : f32 to vector<10000x128xf32>
    %select_n3A = arith.select %broadcast_in_dim3A_22, %div3A_20, %broadcast_in_dim3A_23 : vector<10000x128xi1>, vector<10000x128xf32>
    %get3A_24 = arith.constant 0 : index
    %get3A_25 = arith.constant 0 : index
    %get3A_26 = vector.load %arg2[%get3A_24, %get3A_25] : memref<10000x128xf32, #tpu.memory_space<vmem>>, vector<10000x128xf32>
    %add3A_27 = arith.addf %select_n3A, %get3A_26 : vector<10000x128xf32>
    %get3A_28 = arith.constant 0 : index
    %get3A_29 = vector.load %arg3[%get3A_28] : memref<128xf32, #tpu.memory_space<vmem>>, vector<128xf32>
    %broadcast_in_dim3A_30 = vector.shape_cast %get3A_29 : vector<128xf32> to vector<1x128xf32>
    %add3A_31 = vector.broadcast %broadcast_in_dim3A_30 : vector<1x128xf32> to vector<10000x128xf32>
    %add3A_32 = arith.addf %add3A_27, %add3A_31 : vector<10000x128xf32>
    %swap3A = arith.constant 0 : index
    %swap3A_33 = arith.constant 0 : index
    %swap3A_34 = vector.load %arg4[%swap3A, %swap3A_33] : memref<10000x128xf32, #tpu.memory_space<vmem>>, vector<10000x128xf32>
    tpu.vector_store %arg4[%swap3A, %swap3A_33], %add3A_32 {strides = array<i32>} : memref<10000x128xf32, #tpu.memory_space<vmem>>, vector<10000x128xf32>,
    return
  }
}

</mosaic_0001>

<sc_bundles>
// kernel: kernel.5.cloned.1.call-start
scs
__scs_entry_jumppad:
0x0: {  	(pc) =	sbr.rel $0x88, $3  }
0x1: {  	(tag) =	ssettag $0x0;
	lr =	simm.s32 $0x1  }
0x2: {  	[smem:$0x3F9B] =	sst lr;
	_ =	strace $0xD0000000  }
0x3: {  	_ = 	snop  }
0x4: {  	_ = 	snop  }
0x5: {  	_ = 	snop  }
0x6: {  	_ = 	snop  }
0x7: {  	_ = 	snop  }
__scs_overlays_trampoline_lowered:
0x8: {  	[smem:$0x3FAA] =	sst s0  }
0x9: {  	[smem:$0x3FAB] =	sst s1  }
0xa: {  	[smem:$0x3FAC] =	sst s2  }
0xb: {  	[smem:$0x3FAD] =	sst s3  }
0xc: {  	[smem:$0x3FAE] =	sst s4  }
0xd: {  	[smem:$0x3FAF] =	sst s5  }
0xe: {  	[smem:$0x3FB0] =	sst s6  }
0xf: {  	[smem:$0x3FB1] =	sst s7  }
0x10: {  	[smem:$0x3FB2] =	sst s8  }
0x11: {  	[smem:$0x3FB3] =	sst s9;
	s0 =	simm.s32 @!p0 $0x0  }
0x12: {  	s1 =	sld [smem:$0x3F99];
	s0 =	simm.s32 @p0 $0x1  }
0x13: {  	[smem:$0x3FB4] =	sst s0;
	s0 =	simm.s32 @!p1 $0x0  }
0x14: {  	s2 =	sld [smem:$0x3F98];
	s0 =	simm.s32 @p1 $0x1  }
0x15: {  	[smem:$0x3FB5] =	sst s0;
	s0 =	simm.s32 @!p2 $0x0  }
0x16: {  	s3 =	sld [smem:$0x3FDB];
	s0 =	simm.s32 @p2 $0x1  }
0x17: {  	s4 =	simm.s32 $0x1BF5;
	[smem:$0x3FB7] =	sst s0  }
0x18: {  	s0 =	sld [smem:$0x3F9A];
	_ =	swait.ge [sflag:s4], $0x0  }
0x19: {  	s7 =	sld [smem:$0x3F9B]  }
0x1a: {  	s8 =	sadd.s32 $0xFFFFE003, lr  }
0x1b: {  	s9 =	sadd.s32 $0xFFFFFEF7, lr;
	s5 =	simm.s32 $0xFFFFFFFF;
	p2 =	slt.u32 s8, $0xFFFFF086  }
0x1c: {  	p1 =	slt.u32 s9, $0xF7A;
	s5 =	simm.s32 @!p2 $0x0  }
0x1d: {  	s5 =	simm.s32 @p1 $0x1;
	p0 =	seq.s32 s7, s2  }
0x1e: {  	s7 =	smul.u32 @!p0 $0xF7A, s2;
	p2 =	seq.s32 @!p0 s5, $0x0  }
0x1f: {  	s9 =	smul.u32 $0xF7A, s1;
	s8 =	simm.s32 @!p0 $0x1BF5;
	p2 =	por !p2, p0  }
0x20: {  	[sflag:s8] =	ssyncset.s32 @!p0 $0xFFFFF086;
	s6 =	sadd.s32 @!p0 s3, s7;
	s7 =	simm.s32 @!p0 $0x108  }
0x21: {  	s3 =	sadd.s32 s3, s9;
	s6 =	sadd.s32 @!p0 $0x88, s6;
	s7 =	simm.s32 @p2 $0x1082  }
0x22: {  	[simem:s7], [sflag:s8] =	dma.local @!p0 [hbm:s6], $0xF7A  }
0x23: {  	s9 =	sor.u32 $0xD0000000, s2;
	s6 =	simm.s32 $0x108;
	_ =	swait.ge @!p0 [sflag:s8], $0x0  }
0x24: {  	s3 =	sadd.s32 $0x88, s3;
	s6 =	simm.s32 @!p1 $0x1082;
	[sflag:s4] =	ssyncset.s32 $0xFFFFF086  }
0x25: {  	[simem:s6], [sflag:s4] =	dma.local [hbm:s3], $0xF7A  }
0x26: {  	[smem:$0x3F9B] =	sst s1;
	(tag) =	ssettag s2;
	_ =	strace s9  }
0x27: {  	s1 =	sld [smem:$0x3FAB]  }
0x28: {  	s2 =	sld [smem:$0x3FAC]  }
0x29: {  	s4 =	sld [smem:$0x3FAE]  }
0x2a: {  	p0 =	seq.s32 s5, $0x0;
	s5 =	sld [smem:$0x3FAF]  }
0x2b: {  	s6 =	sld [smem:$0x3FB0]  }
0x2c: {  	s7 =	sld [smem:$0x3FB1]  }
0x2d: {  	s3 =	simm.s32 $0x108;
	s8 =	sld [smem:$0x3FB2]  }
0x2e: {  	s3 =	simm.s32 @!p0 $0x1082;
	s9 =	sld [smem:$0x3FB3]  }
0x2f: {  	lr =	sadd.s32 s0, s3;
	s0 =	sld [smem:$0x3FAA]  }
0x30: {  	s3 =	sld [smem:$0x3FAD]  }
0x31: {  	[smem:$0x3FB6] =	sst s10  }
0x32: {  	s10 =	sld [smem:$0x3FB4];
	_ =	sdelay $0x3  }
0x33: {  	p0 =	seq.s32 s10, $0x1;
	s10 =	sld [smem:$0x3FB6];
	_ =	sdelay $0x3  }
0x34: {  	[smem:$0x3FB6] =	sst s10  }
0x35: {  	s10 =	sld [smem:$0x3FB5];
	_ =	sdelay $0x3  }
0x36: {  	p1 =	seq.s32 s10, $0x1;
	s10 =	sld [smem:$0x3FB6];
	_ =	sdelay $0x3  }
0x37: {  	[smem:$0x3FB6] =	sst s10  }
0x38: {  	s10 =	sld [smem:$0x3FB7]  }
0x39: {  	_ = 	snop;
	(pc) =	sbr.ind lr, $3  }
0x3a: {  	_ = 	snop  }
0x3b: {  	_ = 	snop  }
0x3c: {  	p2 =	seq.s32 s10, $0x1;
	s10 =	sld [smem:$0x3FB6]  }
0x3d: {  	_ =	shalt  }
0x3e: {  	_ =	shalt  }
0x3f: {  	_ =	shalt  }
0x40: {  	_ =	shalt  }
0x41: {  	_ =	shalt  }
0x42: {  	_ =	shalt  }
0x43: {  	_ =	shalt  }
0x44: {  	_ =	shalt  }
0x45: {  	_ =	shalt  }
0x46: {  	_ =	shalt  }
0x47: {  	_ =	shalt  }
0x48: {  	_ =	shalt  }
0x49: {  	_ =	shalt  }
0x4a: {  	_ =	shalt  }
0x4b: {  	_ =	shalt  }
0x4c: {  	_ =	shalt  }
0x4d: {  	_ =	shalt  }
0x4e: {  	_ =	shalt  }
0x4f: {  	_ =	shalt  }
0x50: {  	_ =	shalt  }
0x51: {  	_ =	shalt  }
0x52: {  	_ =	shalt  }
0x53: {  	_ =	shalt  }
0x54: {  	_ =	shalt  }
0x55: {  	_ =	shalt  }
0x56: {  	_ =	shalt  }
0x57: {  	_ =	shalt  }
0x58: {  	_ =	shalt  }
0x59: {  	_ =	shalt  }
0x5a: {  	_ =	shalt  }
0x5b: {  	_ =	shalt  }
0x5c: {  	_ =	shalt  }
0x5d: {  	_ =	shalt  }
0x5e: {  	_ =	shalt  }
0x5f: {  	_ =	shalt  }
0x60: {  	_ =	shalt  }
0x61: {  	_ =	shalt  }
0x62: {  	_ =	shalt  }
0x63: {  	_ =	shalt  }
0x64: {  	_ =	shalt  }
0x65: {  	_ =	shalt  }
0x66: {  	_ =	shalt  }
0x67: {  	_ =	shalt  }
0x68: {  	_ =	shalt  }
0x69: {  	_ =	shalt  }
0x6a: {  	_ =	shalt  }
0x6b: {  	_ =	shalt  }
0x6c: {  	_ =	shalt  }
0x6d: {  	_ =	shalt  }
0x6e: {  	_ =	shalt  }
0x6f: {  	_ =	shalt  }
0x70: {  	_ =	shalt  }
0x71: {  	_ =	shalt  }
0x72: {  	_ =	shalt  }
0x73: {  	_ =	shalt  }
0x74: {  	_ =	shalt  }
0x75: {  	_ =	shalt  }
0x76: {  	_ =	shalt  }
0x77: {  	_ =	shalt  }
0x78: {  	_ =	shalt  }
0x79: {  	_ =	shalt  }
0x7a: {  	_ =	shalt  }
0x7b: {  	_ =	shalt  }
0x7c: {  	_ =	shalt  }
0x7d: {  	_ =	shalt  }
0x7e: {  	_ =	shalt  }
0x7f: {  	_ =	shalt  }
0x80: {  	_ =	shalt  }
0x81: {  	_ =	shalt  }
0x82: {  	_ =	shalt  }
0x83: {  	_ =	shalt  }
0x84: {  	_ =	shalt  }
0x85: {  	_ =	shalt  }
0x86: {  	_ =	shalt  }
0x87: {  	_ =	shalt  }
.Lfunc_end0:
.L_simem_size_0:
called_computation_lowered:
.L_overlay_start_0:
0x88: {  	s2 =	sld [smem:$0x3FD9]  }
0x89: {  	s3 =	sld [smem:$0x3FFE];
	_ =	sdelay $0x1  }
0x8a: {  	s1 =	srdreg.scid  }
0x8b: {  	s0 =	sand.u32 $0x1, s1  }
0x8c: {  	s17 =	sshll.u32 s0, $0xA;
	s2 =	sadd.s32 s3, s2  }
0x8d: {  	s2 =	sadd.s32 s2, s17  }
0x8e: {  	[smem:$0x3FC2] =	sst s2  }
0x8f: {  	_ = 	snop  }
0x90: {  	s2 =	sld [smem:$0x3FD0];
	(tm) =	ssettm $0x1  }
0x91: {  	s18 =	sld [smem:$0x3FFB];
	_ =	sdelay $0x3  }
0x92: {  	_ =	strace s18  }
0x93: {  	s3 =	sld [smem:$0x3FFC];
	_ =	sdelay $0x3  }
0x94: {  	_ =	strace s3  }
0x95: {  	s3 =	sld [smem:$0x3FFD];
	_ =	sdelay $0x3  }
0x96: {  	_ =	strace s3  }
0x97: {  	_ =	strace $0x8FFFFFFF  }
0x98: {  	s19 =	sld [smem:$0x3FDB];
	_ =	sdelay $0x1  }
0x99: {  	s4 =	simm.s32 $_scs_section_size  }
0x9a: {  	s5 =	simm.s32 $_size__tile_overlayer_lowered;
	s6 =	simm.s32 $_tile_overlayer_lowered  }
0x9b: {  	s22 =	simm.s32 $0x1BFF;
	s21 =	sshll.u32 s6, $0x1;
	s3 =	sadd.s32 s4, s19  }
0x9c: {  	s7 =	simm.s32 $0x0;
	s20 =	sshll.u32 s5, $0x1;
	s5 =	sadd.s32 s21, s3  }
0x9d: {  	[timem:s7], [sflag:s22] =	dma.local [hbm:s5], s20  }
0x9e: {  	_ =	swait.ge [sflag:s22], s20  }
0x9f: {  	s4 =	ssub.s32 $0x0, s20;
	[sflag:s22] =	ssyncset.done $0x0  }
0xa0: {  	[sflag:s22] =	ssyncadd.s32 s4;
	_ =	sdelay $0x1  }
0xa1: {  	s23 =	simm.s32 $0x1B8B  }
0xa2: {  	_ =	swait.ge [sflag:s23], $0x1  }
0xa3: {  	[sflag:s23] =	ssyncset.done $0x0  }
0xa4: {  	s25 =	simm.s32 $0x1B8E;
	s24 =	sld [smem:$0x3FFE];
	[sflag:s23] =	ssyncadd.s32 $0xFFFFFFFF  }
0xa5: {  	s26 =	simm.s32 $execute0_lowered;
	[smem:$0x3FD2] =	sst s25  }
0xa6: {  	s5 =	sshll.u32 s26, $0x1;
	_ =	strace $0x80000046;
	[dreg:$0x1] =	wrdreg $0xFFFFFFFF  }
0xa7: {  	s28 =	simm.s32 $_size_execute0_lowered;
	s3 =	sadd.s32 s3, s5;
	[dreg:$0x0] =	wrdreg $0x0  }
0xa8: {  	s5 =	sshll.u32 s28, $0x1;
	[dreg:$0x2] =	wrdreg s3  }
0xa9: {  	[dreg:$0x3] =	wrdreg s5  }
0xaa: {  	[dreg:$0x4] =	wrdreg $0xC0  }
0xab: {  	_ =	task [dreg:s7], $0x5FFFF  }
0xac: {  	[dreg:$0x1] =	wrdreg $0xFFFFFFFF  }
0xad: {  	[dreg:$0x0] =	wrdreg $0x60  }
0xae: {  	[dreg:$0x2] =	wrdreg s2  }
0xaf: {  	[dreg:$0x3] =	wrdreg s24  }
0xb0: {  	[dreg:$0x4] =	wrdreg $0xB7000  }
0xb1: {  	[dreg:$0x5] =	wrdreg $0x1F7000  }
0xb2: {  	[dreg:$0x6] =	wrdreg $0x9  }
0xb3: {  	_ =	task.clear_ibuf [dreg:s7], $0x7FFFF;
	_ =	strace $0x90000046  }
0xb4: {  	s29 =	simm.s32 $0x9;
	_ =	strace $0x80000048  }
0xb5: {  	_ =	swait.ge [sflag:s29], $0x1  }
0xb6: {  	[sflag:s29] =	ssyncadd.s32 $0xFFFFFFFF  }
0xb7: {  	_ =	strace $0x90000048  }
0xb8: {  	_ =	sfence  }
0xb9: {  	s30 =	sld [smem:$0x0];
	_ =	sdelay $0x2  }
0xba: {  	s31 =	sshll.u32 s1, $0xD;
	s1 =	sshrl.u32 s1, $0x2  }
0xbb: {  	s3 =	sand.u32 $0x4000, s31;
	s1 =	sadd.s32 s1, s30  }
0xbc: {  	s0 =	sor.u32 s3, s0;
	s1 =	sshll.u32 s1, $0x11  }
0xbd: {  	s0 =	sor.u32 s1, s0  }
0xbe: {  	s0 =	sadd.s32 $0x8F2B, s0  }
0xbf: {  	[sflag:s0] =	ssyncadd.remote.s32 $0x1  }
0xc0: {  	_ =	sfence.sel $0xFFFF  }
0xc1: {  	[dreg:$0x0] =	wrdreg $0xFFFFFFFF;
	(pc) =	sbr.abs _section_cstart, $3  }
0xc2: {  	[dreg:$0x1] =	wrdreg $0xFFFFFFFF  }
0xc3: {  	_ =	task.clear_ibuf [dreg:s7], $0x2FFFF;
	_ =	strace $0x9FFFFFFF  }
0xc4: {  	(tm) =	ssettm $0x7FFFFFFF  }
0xc5: {  	_ =	shalt  }
tec
execute0_lowered:
.L_overlay_start_1:
0x0: {  	(tag) =	ssettag $0x1  }
0x1: {  	s1 =	rddreg [dreg:$0x0]  }
0x2: {  	s0 =	rddreg [dreg:$0x1]  }
0x3: {  	s2 =	rddreg [dreg:$0x2]  }
0x4: {  	s3 =	rddreg [dreg:$0x3];
	s11 =	stileid.u32  }
0x5: {  	s4 =	srdreg.scid;
	s6 =	simm.s32 $0x0;
	s24 =	smul.u32 $0x14000, s11  }
0x6: {  	s4 =	sand.u32 $0x1, s4;
	[smem:$0x7FF] =	sst s6;
	s25 =	smul.u32 $0x500, s11  }
0x7: {  	s7 =	sadd.s32 $0x37800, s0;
	s8 =	sadd.s32 $0x1C800, s0;
	s10 =	smul.u32 $0x50000, s11  }
0x8: {  	s5 =	smul.u32 $0x140000, s4;
	_ =	strace $0x80000047;
	[dreg:$0x5] =	wrdreg s7  }
0x9: {  	s7 =	sadd.s32 $0x1800, s0;
	s9 =	sshll.u32 s4, $0x7;
	s26 =	sshll.u32 s4, $0x4  }
0xa: {  	s4 =	ssub.s32 $0x2, s4;
	s6 =	sor.u32 s9, s25;
	s9 =	sor.u32 s11, s26  }
0xb: {  	s11 =	smul.u32 $0xA00, s11;
	s12 =	sshrl.u32 s4, $0x1;
	s10 =	sshrl.u32 s10, $0x2  }
0xc: {  	s5 =	sadd.s32 s24, s5;
	s6 =	sshrl.u32 s6, $0x3;
	s9 =	smul.u32 $0x6C00, s9  }
0xd: {  	s17 =	sadd.s32 s10, s2;
	s5 =	sshrl.u32 s5, $0x3;
	s11 =	sshrl.u32 s11, $0x2  }
0xe: {  	s6 =	sadd.s32 s6, s0;
	[dreg:$0x6] =	wrdreg s17;
	s11 =	sadd.s32 s11, s3  }
0xf: {  	s5 =	sadd.s32 s5, s0;
	s0 =	sadd.s32 $0x37810, s0;
	[dreg:$0x7] =	wrdreg s11  }
0x10: {  	s4 =	ssub.s32 s4, s12;
	s12 =	sshrl.u32 s9, $0x3;
	[dreg:$0x8] =	wrdreg s0  }
0x11: {  	s13 =	sadd.s32 s7, s12;
	s14 =	sor.u32 $0x10, s12;
	s15 =	sadd.s32 s8, s12  }
0x12: {  	s18 =	sor.u32 $0x20, s12;
	s20 =	sor.u32 $0x30, s12;
	[dreg:$0x9] =	wrdreg s13  }
0x13: {  	s22 =	sor.u32 $0x40, s12;
	s10 =	sadd.s32 $0x38200, s5;
	[dreg:$0xa] =	wrdreg s15  }
0x14: {  	s23 =	sor.u32 $0x50, s12;
	s12 =	smax.u32 s4, $0x1;
	[dreg:$0x15] =	wrdreg s10  }
0x15: {  	s16 =	sadd.s32 s7, s14;
	[dreg:$0x17] =	wrdreg s12  }
0x16: {  	s0 =	sadd.s32 s8, s14;
	[dreg:$0xb] =	wrdreg s16  }
0x17: {  	s19 =	sadd.s32 s7, s18;
	[dreg:$0xc] =	wrdreg s0  }
0x18: {  	s11 =	sadd.s32 s8, s18;
	[dreg:$0xd] =	wrdreg s19  }
0x19: {  	s21 =	sadd.s32 s7, s20;
	[dreg:$0xe] =	wrdreg s11  }
0x1a: {  	s24 =	sadd.s32 s7, s22;
	[dreg:$0xf] =	wrdreg s21  }
0x1b: {  	s25 =	sadd.s32 s8, s22;
	[dreg:$0x11] =	wrdreg s24  }
0x1c: {  	s26 =	sadd.s32 s7, s23;
	[dreg:$0x12] =	wrdreg s25  }
0x1d: {  	s28 =	simm.s32 $0x280;
	s13 =	sadd.s32 $0x1800, s17;
	[dreg:$0x13] =	wrdreg s26  }
0x1e: {  	s31 =	simm.s32 $0x1;
	s14 =	sadd.s32 $0x3000, s17;
	[dreg:$0x18] =	wrdreg s13  }
0x1f: {  	s30 =	simm.s32 $0x180;
	s15 =	sadd.s32 $0x4800, s17;
	[dreg:$0x19] =	wrdreg s14  }
0x20: {  	s29 =	simm.s32 $0x8;
	s18 =	sadd.s32 $0x7800, s17;
	[dreg:$0x1a] =	wrdreg s15  }
0x21: {  	s4 =	simm.s32 $0xB;
	s22 =	sadd.s32 $0xD800, s17;
	[dreg:$0x1c] =	wrdreg s18  }
0x22: {  	s5 =	simm.s32 $0x9;
	s0 =	sadd.s32 s8, s20;
	[smem:$0x7F9] =	sst s22  }
0x23: {  	s12 =	simm.s32 $0xE;
	s11 =	sadd.s32 $0x88200, s6;
	[dreg:$0x10] =	wrdreg s0  }
0x24: {  	s16 =	sadd.s32 $0x6000, s17;
	s19 =	sadd.s32 $0x9000, s17;
	[dreg:$0x16] =	wrdreg s11  }
0x25: {  	s20 =	sadd.s32 $0xA800, s17;
	s21 =	sadd.s32 $0xC000, s17;
	[dreg:$0x1b] =	wrdreg s16  }
0x26: {  	s24 =	sadd.s32 $0x10800, s17;
	s25 =	sadd.s32 $0x12000, s17;
	[dreg:$0x1d] =	wrdreg s19  }
0x27: {  	s26 =	sadd.s32 $0x13800, s17;
	s22 =	simm.s32 $0x80;
	[dreg:$0x1e] =	wrdreg s20  }
0x28: {  	s14 =	simm.s32 $0x2;
	s18 =	simm.s32 $0x5;
	[dreg:$0x1f] =	wrdreg s21  }
0x29: {  	s6 =	simm.s32 $0x6;
	s15 =	simm.s32 $0xA;
	[smem:$0x7FB] =	sst s24  }
0x2a: {  	s13 =	simm.s32 $0x0;
	s0 =	sadd.s32 s8, s23;
	[smem:$0x7FC] =	sst s25  }
0x2b: {  	s23 =	sadd.s32 $0xF000, s17;
	[smem:$0x7FD] =	sst s26;
	s21 =	simm.s32 $0xF  }
0x2c: {  	s24 =	simm.s32 $0x2C00;
	s25 =	simm.s32 $0x200;
	s26 =	simm.s32 $0x30  }
0x2d: {  	s16 =	simm.s32 $0xC;
	s11 =	simm.s32 $0xD;
	[dreg:$0x14] =	wrdreg s0  }
0x2e: {  	v0 =	vimm.f32 $0.0e+00;
	[smem:$0x7FA] =	sst s23;
	s23 =	simm.s32 $0x400;
	s0 =	simm.s32 $0x5400  }
.LBB2_1:
0x2f: {  	[smem:$0x7F8] =	sst s13;
	s10 =	simm.s32 $0x0;
	s13 =	simm.s32 $0x200  }
.LBB2_2:
0x30: {  	p0 =	sne.s32 s13, $0x5E00;
	[tilespmem:s10+$0x54F0] =	vst v0  }
0x31: {  	[tilespmem:s10+$0x5480] =	vst v0  }
0x32: {  	[tilespmem:s10+$0x5490] =	vst v0  }
.Ltmp0:
0x33: {  	[tilespmem:s10+$0x54A0] =	vst v0;
	(pc) =	sbr.rel @p0 .LBB2_2-.Ltmp0, $4  }
0x34: {  	[tilespmem:s10+$0x54B0] =	vst v0  }
0x35: {  	[tilespmem:s10+$0x54C0] =	vst v0  }
0x36: {  	[tilespmem:s10+$0x54D0] =	vst v0  }
0x37: {  	[tilespmem:s10+$0x54E0] =	vst v0;
	s10 =	sshra.s32 s13, $0x2;
	s13 =	sadd.s32 $0x200, s13  }
0x38: {  	[tilespmem:s10+$0x54F0] =	vst v0  }
0x39: {  	[tilespmem:s10+$0x5480] =	vst v0  }
0x3a: {  	[tilespmem:s10+$0x5490] =	vst v0  }
0x3b: {  	[tilespmem:s10+$0x54A0] =	vst v0  }
0x3c: {  	[tilespmem:s10+$0x54B0] =	vst v0  }
0x3d: {  	[tilespmem:s10+$0x54C0] =	vst v0  }
0x3e: {  	[tilespmem:s10+$0x54D0] =	vst v0  }
0x3f: {  	[tilespmem:s10+$0x54E0] =	vst v0  }
0x40: {  	[tilespmem:$0xB480] =	vst v0  }
0x41: {  	[tilespmem:$0xB490] =	vst v0  }
0x42: {  	[tilespmem:$0xB4A0] =	vst v0  }
0x43: {  	[tilespmem:$0xB4B0] =	vst v0  }
0x44: {  	[tilespmem:$0xB4C0] =	vst v0  }
0x45: {  	[tilespmem:$0xB4D0] =	vst v0  }
0x46: {  	[tilespmem:$0xB4E0] =	vst v0  }
0x47: {  	[tilespmem:$0xB4F0] =	vst v0  }
0x48: {  	[tilespmem:$0xB500] =	vst v0  }
0x49: {  	[tilespmem:$0xB510] =	vst v0  }
0x4a: {  	[tilespmem:$0xB520] =	vst v0  }
0x4b: {  	[tilespmem:$0xB530] =	vst v0  }
0x4c: {  	[tilespmem:$0xB540] =	vst v0  }
0x4d: {  	[tilespmem:$0xB550] =	vst v0  }
0x4e: {  	[tilespmem:$0xB560] =	vst v0  }
0x4f: {  	[tilespmem:$0xB570] =	vst v0  }
0x50: {  	[tilespmem:$0xB580] =	vst v0  }
0x51: {  	[tilespmem:$0xB590] =	vst v0  }
0x52: {  	[tilespmem:$0xB5A0] =	vst v0  }
0x53: {  	[tilespmem:$0xB5B0] =	vst v0  }
0x54: {  	[tilespmem:$0xB5C0] =	vst v0  }
0x55: {  	[tilespmem:$0xB5D0] =	vst v0  }
0x56: {  	[tilespmem:$0xB5E0] =	vst v0  }
0x57: {  	[tilespmem:$0xB5F0] =	vst v0  }
0x58: {  	[tilespmem:$0xB600] =	vst v0  }
0x59: {  	[tilespmem:$0xB610] =	vst v0  }
0x5a: {  	[tilespmem:$0xB620] =	vst v0  }
0x5b: {  	[tilespmem:$0xB630] =	vst v0  }
0x5c: {  	[tilespmem:$0xB640] =	vst v0  }
0x5d: {  	[tilespmem:$0xB650] =	vst v0  }
0x5e: {  	[tilespmem:$0xB660] =	vst v0  }
0x5f: {  	[tilespmem:$0xB670] =	vst v0  }
0x60: {  	[tilespmem:$0xB680] =	vst v0  }
0x61: {  	[tilespmem:$0xB690] =	vst v0  }
0x62: {  	[tilespmem:$0xB6A0] =	vst v0  }
0x63: {  	[tilespmem:$0xB6B0] =	vst v0  }
0x64: {  	[tilespmem:$0xB6C0] =	vst v0  }
0x65: {  	[tilespmem:$0xB6D0] =	vst v0  }
0x66: {  	[tilespmem:$0xB6E0] =	vst v0  }
0x67: {  	s20 =	simm.s32 $0x5480;
	[tilespmem:$0xB6F0] =	vst v0  }
0x68: {  	[spmem:s17] =	stream.linear.scatter [tilespmem:s20], [sflag:$0xF], $0x1800, $0x38;
	[tilespmem:$0x1F980] =	vst v63  }
0x69: {  	_ =	swait.ge [sflag:s21], $0x1800  }
0x6a: {  	[sflag:s21] =	ssyncset.done $0x0  }
0x6b: {  	s13 =	rddreg [dreg:$0x18];
	[sflag:s21] =	ssyncadd.s32 $0xFFFFE800  }
0x6c: {  	[spmem:s13] =	stream.linear.scatter [tilespmem:s20], [sflag:$0xF], $0x1800, $0x38;
	[tilespmem:$0x1F980] =	vst v63  }
0x6d: {  	_ =	swait.ge [sflag:s21], $0x1800  }
0x6e: {  	[sflag:s21] =	ssyncset.done $0x0  }
0x6f: {  	s17 =	rddreg [dreg:$0x19];
	[sflag:s21] =	ssyncadd.s32 $0xFFFFE800  }
0x70: {  	[spmem:s17] =	stream.linear.scatter [tilespmem:s20], [sflag:$0xF], $0x1800, $0x38;
	[tilespmem:$0x1F980] =	vst v63  }
0x71: {  	_ =	swait.ge [sflag:s21], $0x1800  }
0x72: {  	[sflag:s21] =	ssyncset.done $0x0  }
0x73: {  	s19 =	rddreg [dreg:$0x1a];
	[sflag:s21] =	ssyncadd.s32 $0xFFFFE800  }
0x74: {  	[spmem:s19] =	stream.linear.scatter [tilespmem:s20], [sflag:$0xF], $0x1800, $0x38;
	[tilespmem:$0x1F980] =	vst v63  }
0x75: {  	_ =	swait.ge [sflag:s21], $0x1800  }
0x76: {  	[sflag:s21] =	ssyncset.done $0x0  }
0x77: {  	s13 =	rddreg [dreg:$0x1b];
	[sflag:s21] =	ssyncadd.s32 $0xFFFFE800  }
0x78: {  	[spmem:s13] =	stream.linear.scatter [tilespmem:s20], [sflag:$0xF], $0x1800, $0x38;
	[tilespmem:$0x1F980] =	vst v63  }
0x79: {  	_ =	swait.ge [sflag:s21], $0x1800  }
0x7a: {  	[sflag:s21] =	ssyncset.done $0x0  }
0x7b: {  	s17 =	rddreg [dreg:$0x1c];
	[sflag:s21] =	ssyncadd.s32 $0xFFFFE800  }
0x7c: {  	[spmem:s17] =	stream.linear.scatter [tilespmem:s20], [sflag:$0xF], $0x1800, $0x38;
	[tilespmem:$0x1F980] =	vst v63  }
0x7d: {  	_ =	swait.ge [sflag:s21], $0x1800  }
0x7e: {  	[sflag:s21] =	ssyncset.done $0x0  }
0x7f: {  	s19 =	rddreg [dreg:$0x1d];
	[sflag:s21] =	ssyncadd.s32 $0xFFFFE800  }
0x80: {  	[spmem:s19] =	stream.linear.scatter [tilespmem:s20], [sflag:$0xF], $0x1800, $0x38;
	[tilespmem:$0x1F980] =	vst v63  }
0x81: {  	_ =	swait.ge [sflag:s21], $0x1800  }
0x82: {  	[sflag:s21] =	ssyncset.done $0x0  }
0x83: {  	s13 =	rddreg [dreg:$0x1e];
	[sflag:s21] =	ssyncadd.s32 $0xFFFFE800  }
0x84: {  	[spmem:s13] =	stream.linear.scatter [tilespmem:s20], [sflag:$0xF], $0x1800, $0x38;
	[tilespmem:$0x1F980] =	vst v63  }
0x85: {  	_ =	swait.ge [sflag:s21], $0x1800  }
0x86: {  	[sflag:s21] =	ssyncset.done $0x0  }
0x87: {  	s17 =	rddreg [dreg:$0x1f];
	[sflag:s21] =	ssyncadd.s32 $0xFFFFE800  }
0x88: {  	[spmem:s17] =	stream.linear.scatter [tilespmem:s20], [sflag:$0xF], $0x1800, $0x38;
	[tilespmem:$0x1F980] =	vst v63  }
0x89: {  	_ =	swait.ge [sflag:s21], $0x1800  }
0x8a: {  	s19 =	sld [smem:$0x7F9]  }
0x8b: {  	[sflag:s21] =	ssyncset.done $0x0  }
0x8c: {  	[sflag:s21] =	ssyncadd.s32 $0xFFFFE800  }
0x8d: {  	[spmem:s19] =	stream.linear.scatter [tilespmem:s20], [sflag:$0xF], $0x1800, $0x38;
	[tilespmem:$0x1F980] =	vst v63  }
0x8e: {  	_ =	swait.ge [sflag:s21], $0x1800  }
0x8f: {  	s13 =	sld [smem:$0x7FA]  }
0x90: {  	[sflag:s21] =	ssyncset.done $0x0  }
0x91: {  	[sflag:s21] =	ssyncadd.s32 $0xFFFFE800  }
0x92: {  	[spmem:s13] =	stream.linear.scatter [tilespmem:s20], [sflag:$0xF], $0x1800, $0x38;
	[tilespmem:$0x1F980] =	vst v63  }
0x93: {  	_ =	swait.ge [sflag:s21], $0x1800  }
0x94: {  	s17 =	sld [smem:$0x7FB]  }
0x95: {  	[sflag:s21] =	ssyncset.done $0x0  }
0x96: {  	[sflag:s21] =	ssyncadd.s32 $0xFFFFE800  }
0x97: {  	[spmem:s17] =	stream.linear.scatter [tilespmem:s20], [sflag:$0xF], $0x1800, $0x38;
	[tilespmem:$0x1F980] =	vst v63  }
0x98: {  	_ =	swait.ge [sflag:s21], $0x1800  }
0x99: {  	s19 =	sld [smem:$0x7FC]  }
0x9a: {  	[sflag:s21] =	ssyncset.done $0x0  }
0x9b: {  	[sflag:s21] =	ssyncadd.s32 $0xFFFFE800  }
0x9c: {  	[spmem:s19] =	stream.linear.scatter [tilespmem:s20], [sflag:$0xF], $0x1800, $0x38;
	[tilespmem:$0x1F980] =	vst v63  }
0x9d: {  	_ =	swait.ge [sflag:s21], $0x1800  }
0x9e: {  	s13 =	sld [smem:$0x7FD]  }
0x9f: {  	[sflag:s21] =	ssyncset.done $0x0  }
0xa0: {  	[sflag:s21] =	ssyncadd.s32 $0xFFFFE800  }
0xa1: {  	[spmem:s13] =	stream.linear.scatter [tilespmem:s20], [sflag:$0xF], $0x800, $0x38;
	[tilespmem:$0x1F980] =	vst v63  }
0xa2: {  	_ =	swait.ge [sflag:s21], $0x800  }
0xa3: {  	[sflag:s21] =	ssyncset.done $0x0  }
0xa4: {  	s17 =	simm.s32 $0xB480;
	s13 =	rddreg [dreg:$0x7];
	[sflag:s21] =	ssyncadd.s32 $0xFFFFF800  }
0xa5: {  	[spmem:s13] =	stream.linear.scatter [tilespmem:s17], [sflag:$0xF], $0x280, $0x38;
	[tilespmem:$0x1F980] =	vst v63  }
0xa6: {  	_ =	swait.ge [sflag:s21], $0x280  }
0xa7: {  	[sflag:s21] =	ssyncset.done $0x0  }
0xa8: {  	[sflag:s21] =	ssyncadd.s32 $0xFFFFFD80  }
0xa9: {  	[bflag:$0x0] =	sbarrier.arrive $0xFFFF  }
0xaa: {  	s17 =	simm.s32 $0x100;
	s19 =	rddreg [dreg:$0x5]  }
0xab: {  	[tilespmem:s23], [sflag:$0xF] =	stream.strided.gather [hbm4b:s19+s22], $0x2800, s17, s22, $0x38;
	[tilespmem:$0x1F980] =	vst v63  }
0xac: {  	_ =	swait.ge [sflag:s21], $0x2800  }
0xad: {  	[sflag:s21] =	ssyncset.done $0x0  }
0xae: {  	s13 =	rddreg [dreg:$0x8];
	[sflag:s21] =	ssyncadd.s32 $0xFFFFD800  }
0xaf: {  	[tilespmem:s24], [sflag:$0xF] =	stream.strided.gather [hbm4b:s13+s22], $0x2800, s17, s22, $0x38;
	[tilespmem:$0x1F980] =	vst v63  }
0xb0: {  	_ =	swait.ge [sflag:s21], $0x2800  }
0xb1: {  	[sflag:s21] =	ssyncset.done $0x0  }
0xb2: {  	s10 =	simm.s32 $0x0;
	s19 =	rddreg [dreg:$0x9];
	[sflag:s21] =	ssyncadd.s32 $0xFFFFD800  }
0xb3: {  	[tilespmem:s10], [sflag:$0xF] =	stream.linear.gather [hbm4b:s19+s10], $0x80, $0x38;
	[tilespmem:$0x1F980] =	vst v63  }
0xb4: {  	_ =	swait.ge [sflag:s21], $0x80  }
0xb5: {  	[sflag:s21] =	ssyncset.done $0x0  }
0xb6: {  	s19 =	rddreg [dreg:$0xa];
	[sflag:s21] =	ssyncadd.s32 $0xFFFFFF80  }
0xb7: {  	[tilespmem:s25], [sflag:$0xF] =	stream.linear.gather [hbm4b:s19+s10], $0x80, $0x38;
	[tilespmem:$0x1F980] =	vst v63  }
0xb8: {  	_ =	swait.ge [sflag:s21], $0x80  }
0xb9: {  	[sflag:s21] =	ssyncset.done $0x0  }
0xba: {  	[sflag:s21] =	ssyncadd.s32 $0xFFFFFF80  }
0xbb: {  	[tilespmem:s20], [sflag:$0x1] =	stream.indirect.gather [hbm4b:s1+s26], $0x80, s10, s26, $0xb8;
	[tilespmem:$0x1F980] =	vst v63  }
0xbc: {  	s19 =	rddreg [dreg:$0xb]  }
0xbd: {  	[tilespmem:s22], [sflag:$0xF] =	stream.linear.gather [hbm4b:s19+s10], $0x80, $0x38;
	[tilespmem:$0x1F980] =	vst v63  }
0xbe: {  	_ =	swait.ge [sflag:s21], $0x80  }
0xbf: {  	[sflag:s21] =	ssyncset.done $0x0  }
0xc0: {  	s20 =	rddreg [dreg:$0xc];
	[sflag:s21] =	ssyncadd.s32 $0xFFFFFF80  }
0xc1: {  	[tilespmem:s28], [sflag:$0xF] =	stream.linear.gather [hbm4b:s20+s10], $0x80, $0x38;
	[tilespmem:$0x1F980] =	vst v63  }
0xc2: {  	_ =	swait.ge [sflag:s21], $0x80  }
0xc3: {  	[sflag:s21] =	ssyncset.done $0x0  }
0xc4: {  	[sflag:s21] =	ssyncadd.s32 $0xFFFFFF80;
	s21 =	simm.s32 $0x6C80  }
0xc5: {  	[tilespmem:s21], [sflag:$0x2] =	stream.indirect.gather [hbm4b:s1+s26], $0x80, s22, s26, $0xb8;
	[tilespmem:$0x1F980] =	vst v63  }
0xc6: {  	s19 =	rddreg [dreg:$0xd]  }
0xc7: {  	[tilespmem:s17], [sflag:$0xB] =	stream.linear.gather [hbm4b:s19+s10], $0x80, $0x38;
	[tilespmem:$0x1F980] =	vst v63  }
0xc8: {  	s20 =	rddreg [dreg:$0xe];
	s21 =	simm.s32 $0x300  }
0xc9: {  	[tilespmem:s21], [sflag:$0xB] =	stream.linear.gather [hbm4b:s20+s10], $0x80, $0x38;
	[tilespmem:$0x1F980] =	vst v63  }
0xca: {  	_ =	swait.ge [sflag:s31], $0x1800  }
0xcb: {  	[sflag:s31] =	ssyncset.done $0x0  }
0xcc: {  	[sflag:s31] =	ssyncadd.s32 $0xFFFFE800  }
0xcd: {  	v1 =	vld [tilespmem:$0x0]  }
0xce: {  	v2 =	vld [tilespmem:$0x200];
	_ =	sdelay $0x6  }
0xcf: {  	v1 =	vld.idx.msk [tilespmem:v1+s23+$0x0], $0xffff  }
0xd0: {  	v2 =	vld.idx.msk [tilespmem:v2+s24+$0x0], $0xffff;
	_ =	sdelay $0x4  }
0xd1: {  	v1 =	vadd.f32 v2, v1;
	_ =	sdelay $0x1  }
0xd2: {  	v2 =	vmul.f32 $2.000000030e-01, v1  }
0xd3: {  	vm0 =	vgt.f32 v1, $0.0e+00  }
0xd4: {  	v1 =	vsel vm0, v1, v2  }
0xd5: {  	v1 =	vmul.f32 $1.442695020e+00, v1;
	_ =	sdelay $0x1  }
0xd6: {  	(erf) = vpow2.f32 v1;
	_ =	sdelay $0x2  }
0xd7: {  	v1 =	vld [tilespmem:$0x10]  }
0xd8: {  	v2 =	vld [tilespmem:$0x210];
	_ =	sdelay $0x4  }
0xd9: {  	v3 =	vpop (erf)  }
0xda: {  	[tilespmem:$0x5400] =	vst v3  }
0xdb: {  	v1 =	vld.idx.msk [tilespmem:v1+s23+$0x0], $0xffff  }
0xdc: {  	v2 =	vld.idx.msk [tilespmem:v2+s24+$0x0], $0xffff;
	_ =	sdelay $0x4  }
0xdd: {  	v1 =	vadd.f32 v2, v1;
	_ =	sdelay $0x1  }
0xde: {  	v2 =	vmul.f32 $2.000000030e-01, v1  }
0xdf: {  	vm14 =	vgt.f32 v1, $0.0e+00  }
0xe0: {  	v1 =	vsel vm14, v1, v2  }
0xe1: {  	v1 =	vmul.f32 $1.442695020e+00, v1;
	_ =	sdelay $0x1  }
0xe2: {  	(erf) = vpow2.f32 v1;
	_ =	sdelay $0x2  }
0xe3: {  	v1 =	vld [tilespmem:$0x20]  }
0xe4: {  	v2 =	vld [tilespmem:$0x220];
	_ =	sdelay $0x4  }
0xe5: {  	v3 =	vpop (erf)  }
0xe6: {  	[tilespmem:$0x5410] =	vst v3  }
0xe7: {  	v1 =	vld.idx.msk [tilespmem:v1+s23+$0x0], $0xffff  }
0xe8: {  	v2 =	vld.idx.msk [tilespmem:v2+s24+$0x0], $0xffff;
	_ =	sdelay $0x4  }
0xe9: {  	v1 =	vadd.f32 v2, v1;
	_ =	sdelay $0x1  }
0xea: {  	v2 =	vmul.f32 $2.000000030e-01, v1  }
0xeb: {  	vm15 =	vgt.f32 v1, $0.0e+00  }
0xec: {  	v1 =	vsel vm15, v1, v2  }
0xed: {  	v1 =	vmul.f32 $1.442695020e+00, v1;
	_ =	sdelay $0x1  }
0xee: {  	(erf) = vpow2.f32 v1;
	_ =	sdelay $0x8  }
0xef: {  	v1 =	vpop (erf)  }
0xf0: {  	s19 =	simm.s32 $0x54C0;
	[tilespmem:$0x5420] =	vst v1;
	v1 =	vmov s10  }
0xf1: {  	[spmem:s3] =	stream.indirect.scatter.add.f32 [tilespmem:s0], [sflag:$0xD], $0x1, s25, s26, $0xb8;
	[tilespmem:$0x1F980] =	vst v63  }
0xf2: {  	v5 =	vld [tilespmem:s19+$0x30]  }
0xf3: {  	v8 =	vld [tilespmem:s19+$0x10]  }
0xf4: {  	v6 =	vld [tilespmem:s19+$0xFFFFFFC0]  }
0xf5: {  	v2 =	vld.idx.msk [tilespmem:v1+s0+$0x0], $0xffff  }
0xf6: {  	v10 =	vld [tilespmem:s19+$0xFFFFFFE0]  }
0xf7: {  	v3 =	vld [tilespmem:s19+$0x20]  }
0xf8: {  	v4 =	vld [tilespmem:s19+$0xFFFFFFD0]  }
0xf9: {  	v1 =	vld [tilespmem:s19+$0xFFFFFFF0]  }
0xfa: {  	v9 =	vmul.f32 v5, v2;
	v5 =	vld [tilespmem:s19+$0x0]  }
0xfb: {  	v7 =	vmul.f32 v6, v2  }
0xfc: {  	s13 =	simm.s32 $0x1;
	s10 =	simm.s32 $0x54C0;
	v6 =	vmul.f32 v10, v2;
	v8 =	vmul.f32 v8, v2  }
.LBB2_4:
0xfd: {  	p0 =	sne.s32 s13, $0x2F  }
0xfe: {  	v4 =	vmul.f32 v4, v2;
	v3 =	vmul.f32 v3, v2;
	[tilespmem:s19+$0x30] =	vst v9;
	s10 =	sadd.s32 $0x80, s10;
	s17 =	smov.u32 s13;
	s13 =	sadd.s32 $0x1, s13  }
0xff: {  	[tilespmem:s19+$0xFFFFFFC0] =	vst v7;
	v7 =	vmul.f32 v1, v2;
	v2 =	vmul.f32 v5, v2  }
0x100: {  	[tilespmem:s19+$0x10] =	vst v8  }
0x101: {  	v5 =	vmov s17;
	[tilespmem:s19+$0xFFFFFFE0] =	vst v6  }
0x102: {  	v1 =	vld [tilespmem:s10+$0xFFFFFFF0];
	[tilespmem:s19+$0xFFFFFFF0] =	vst v7  }
0x103: {  	v6 =	vld [tilespmem:s10+$0x30];
	[tilespmem:s19+$0x0] =	vst v2  }
0x104: {  	v8 =	vld [tilespmem:s10+$0x10];
	[tilespmem:s19+$0x20] =	vst v3  }
0x105: {  	v7 =	vld [tilespmem:s10+$0xFFFFFFC0];
	[tilespmem:s19+$0xFFFFFFD0] =	vst v4;
	s19 =	smov.u32 s10  }
0x106: {  	v2 =	vld.idx.msk [tilespmem:v5+s0+$0x0], $0xffff  }
0x107: {  	v10 =	vld [tilespmem:s10+$0xFFFFFFE0]  }
0x108: {  	v3 =	vld [tilespmem:s10+$0x20]  }
.Ltmp1:
0x109: {  	v4 =	vld [tilespmem:s10+$0xFFFFFFD0];
	(pc) =	sbr.rel @p0 .LBB2_4-.Ltmp1, $3  }
0x10a: {  	v5 =	vld [tilespmem:s10+$0x0];
	_ =	sdelay $0x1  }
0x10b: {  	v7 =	vmul.f32 v7, v2;
	v9 =	vmul.f32 v6, v2  }
0x10c: {  	v8 =	vmul.f32 v8, v2;
	v6 =	vmul.f32 v10, v2  }
0x10d: {  	[tilespmem:s19+$0x30] =	vst v9  }
0x10e: {  	[tilespmem:s19+$0xFFFFFFC0] =	vst v7  }
0x10f: {  	v1 =	vmul.f32 v1, v2;
	[tilespmem:s19+$0x10] =	vst v8  }
0x110: {  	v3 =	vmul.f32 v3, v2;
	[tilespmem:s19+$0xFFFFFFE0] =	vst v6  }
0x111: {  	v5 =	vmul.f32 v5, v2;
	[tilespmem:s19+$0xFFFFFFF0] =	vst v1  }
0x112: {  	v1 =	vmul.f32 v4, v2;
	[tilespmem:s19+$0x20] =	vst v3  }
0x113: {  	[tilespmem:s19+$0x0] =	vst v5  }
0x114: {  	[tilespmem:s19+$0xFFFFFFD0] =	vst v1  }
0x115: {  	_ =	swait.ge [sflag:s4], $0x80  }
0x116: {  	[sflag:s4] =	ssyncset.done $0x0  }
0x117: {  	[sflag:s4] =	ssyncadd.s32 $0xFFFFFF80  }
0x118: {  	_ =	swait.ge [sflag:s4], $0x80  }
0x119: {  	s10 =	simm.s32 $0x30;
	[sflag:s4] =	ssyncset.done $0x0  }
0x11a: {  	s13 =	simm.s32 $0x100;
	s17 =	simm.s32 $0x8480;
	[sflag:s4] =	ssyncadd.s32 $0xFFFFFF80  }
0x11b: {  	[tilespmem:s17], [sflag:$0x3] =	stream.indirect.gather [hbm4b:s1+s10], $0x80, s13, s10, $0xb8;
	[tilespmem:$0x1F980] =	vst v63  }
0x11c: {  	s20 =	simm.s32 $0x5480  }
0x11d: {  	[spmem:s2] =	stream.indirect.scatter.add.f32 [tilespmem:s20], [sflag:$0x5], $0x80, s25, s10, $0xb8;
	[tilespmem:$0x1F980] =	vst v63  }
0x11e: {  	s21 =	rddreg [dreg:$0xf];
	s13 =	simm.s32 $0x0  }
0x11f: {  	[tilespmem:s30], [sflag:$0xC] =	stream.linear.gather [hbm4b:s21+s13], $0x80, $0x38;
	[tilespmem:$0x1F980] =	vst v63  }
0x120: {  	s19 =	rddreg [dreg:$0x10];
	s20 =	simm.s32 $0x380  }
0x121: {  	[tilespmem:s20], [sflag:$0xC] =	stream.linear.gather [hbm4b:s19+s13], $0x80, $0x38;
	[tilespmem:$0x1F980] =	vst v63  }
0x122: {  	_ =	swait.ge [sflag:s14], $0x1800  }
0x123: {  	[sflag:s14] =	ssyncset.done $0x0  }
0x124: {  	[sflag:s14] =	ssyncadd.s32 $0xFFFFE800  }
0x125: {  	v1 =	vld [tilespmem:$0x80]  }
0x126: {  	v2 =	vld [tilespmem:$0x280];
	_ =	sdelay $0x6  }
0x127: {  	v1 =	vld.idx.msk [tilespmem:v1+s23+$0x0], $0xffff  }
0x128: {  	v2 =	vld.idx.msk [tilespmem:v2+s24+$0x0], $0xffff;
	_ =	sdelay $0x4  }
0x129: {  	v1 =	vadd.f32 v2, v1;
	_ =	sdelay $0x1  }
0x12a: {  	v2 =	vmul.f32 $2.000000030e-01, v1  }
0x12b: {  	vm0 =	vgt.f32 v1, $0.0e+00  }
0x12c: {  	v1 =	vsel vm0, v1, v2  }
0x12d: {  	v1 =	vmul.f32 $1.442695020e+00, v1;
	_ =	sdelay $0x1  }
0x12e: {  	(erf) = vpow2.f32 v1;
	_ =	sdelay $0x2  }
0x12f: {  	v1 =	vld [tilespmem:$0x90]  }
0x130: {  	v2 =	vld [tilespmem:$0x290];
	_ =	sdelay $0x4  }
0x131: {  	v3 =	vpop (erf)  }
0x132: {  	[tilespmem:$0x5430] =	vst v3  }
0x133: {  	v1 =	vld.idx.msk [tilespmem:v1+s23+$0x0], $0xffff  }
0x134: {  	v2 =	vld.idx.msk [tilespmem:v2+s24+$0x0], $0xffff;
	_ =	sdelay $0x4  }
0x135: {  	v1 =	vadd.f32 v2, v1;
	_ =	sdelay $0x1  }
0x136: {  	v2 =	vmul.f32 $2.000000030e-01, v1  }
0x137: {  	vm14 =	vgt.f32 v1, $0.0e+00  }
0x138: {  	v1 =	vsel vm14, v1, v2  }
0x139: {  	v1 =	vmul.f32 $1.442695020e+00, v1;
	_ =	sdelay $0x1  }
0x13a: {  	(erf) = vpow2.f32 v1;
	_ =	sdelay $0x2  }
0x13b: {  	v1 =	vld [tilespmem:$0xA0]  }
0x13c: {  	v2 =	vld [tilespmem:$0x2A0];
	_ =	sdelay $0x4  }
0x13d: {  	v3 =	vpop (erf)  }
0x13e: {  	[tilespmem:$0x5440] =	vst v3  }
0x13f: {  	v1 =	vld.idx.msk [tilespmem:v1+s23+$0x0], $0xffff  }
0x140: {  	v2 =	vld.idx.msk [tilespmem:v2+s24+$0x0], $0xffff;
	_ =	sdelay $0x4  }
0x141: {  	v1 =	vadd.f32 v2, v1;
	_ =	sdelay $0x1  }
0x142: {  	v2 =	vmul.f32 $2.000000030e-01, v1  }
0x143: {  	vm15 =	vgt.f32 v1, $0.0e+00  }
0x144: {  	v1 =	vsel vm15, v1, v2  }
0x145: {  	v1 =	vmul.f32 $1.442695020e+00, v1;
	_ =	sdelay $0x1  }
0x146: {  	(erf) = vpow2.f32 v1;
	_ =	sdelay $0x8  }
0x147: {  	v1 =	vpop (erf)  }
0x148: {  	s21 =	simm.s32 $0x5430;
	s19 =	simm.s32 $0x6CF0;
	[tilespmem:$0x5450] =	vst v1;
	v1 =	vmov s10  }
0x149: {  	[spmem:s3] =	stream.indirect.scatter.add.f32 [tilespmem:s21], [sflag:$0xE], $0x1, s28, s10, $0xb8;
	[tilespmem:$0x1F980] =	vst v63  }
0x14a: {  	v5 =	vld [tilespmem:s19+$0x0]  }
0x14b: {  	v8 =	vld [tilespmem:s19+$0xFFFFFFE0]  }
0x14c: {  	v6 =	vld [tilespmem:s19+$0xFFFFFF90]  }
0x14d: {  	v1 =	vld.idx.msk [tilespmem:v1+s0+$0x0], $0xffff  }
0x14e: {  	v10 =	vld [tilespmem:s19+$0xFFFFFFB0]  }
0x14f: {  	v2 =	vld [tilespmem:s19+$0xFFFFFFF0]  }
0x150: {  	v3 =	vld [tilespmem:s19+$0xFFFFFFC0]  }
0x151: {  	v4 =	vld [tilespmem:s19+$0xFFFFFFA0]  }
0x152: {  	v9 =	vmul.f32 v5, v1;
	v5 =	vld [tilespmem:s19+$0xFFFFFFD0]  }
0x153: {  	v7 =	vmul.f32 v6, v1  }
0x154: {  	s13 =	simm.s32 $0x31;
	s10 =	simm.s32 $0x6CF0;
	v6 =	vmul.f32 v10, v1;
	v8 =	vmul.f32 v8, v1  }
.LBB2_6:
0x155: {  	p0 =	sne.s32 s13, $0x5F  }
0x156: {  	v4 =	vmul.f32 v4, v1;
	v10 =	vmul.f32 v2, v1;
	[tilespmem:s19+$0x0] =	vst v9;
	s10 =	sadd.s32 $0x80, s10;
	s17 =	smov.u32 s13;
	s13 =	sadd.s32 $0x1, s13  }
0x157: {  	v3 =	vmul.f32 v3, v1;
	[tilespmem:s19+$0xFFFFFF90] =	vst v7;
	v1 =	vmul.f32 v5, v1  }
0x158: {  	[tilespmem:s19+$0xFFFFFFE0] =	vst v8  }
0x159: {  	v5 =	vmov s17;
	[tilespmem:s19+$0xFFFFFFB0] =	vst v6  }
0x15a: {  	v2 =	vld [tilespmem:s10+$0xFFFFFFF0];
	[tilespmem:s19+$0xFFFFFFC0] =	vst v3  }
0x15b: {  	v6 =	vld [tilespmem:s10+$0x0];
	[tilespmem:s19+$0xFFFFFFD0] =	vst v1  }
0x15c: {  	v3 =	vld [tilespmem:s10+$0xFFFFFFC0];
	[tilespmem:s19+$0xFFFFFFF0] =	vst v10  }
0x15d: {  	v8 =	vld [tilespmem:s10+$0xFFFFFFE0];
	[tilespmem:s19+$0xFFFFFFA0] =	vst v4;
	s19 =	smov.u32 s10  }
0x15e: {  	v1 =	vld.idx.msk [tilespmem:v5+s0+$0x0], $0xffff  }
0x15f: {  	v7 =	vld [tilespmem:s10+$0xFFFFFF90]  }
0x160: {  	v10 =	vld [tilespmem:s10+$0xFFFFFFB0]  }
.Ltmp2:
0x161: {  	v4 =	vld [tilespmem:s10+$0xFFFFFFA0];
	(pc) =	sbr.rel @p0 .LBB2_6-.Ltmp2, $3  }
0x162: {  	v5 =	vld [tilespmem:s10+$0xFFFFFFD0];
	_ =	sdelay $0x1  }
0x163: {  	v9 =	vmul.f32 v6, v1;
	v7 =	vmul.f32 v7, v1  }
0x164: {  	v8 =	vmul.f32 v8, v1;
	v6 =	vmul.f32 v10, v1  }
0x165: {  	[tilespmem:s19+$0x0] =	vst v9  }
0x166: {  	[tilespmem:s19+$0xFFFFFF90] =	vst v7  }
0x167: {  	v3 =	vmul.f32 v3, v1;
	[tilespmem:s19+$0xFFFFFFE0] =	vst v8  }
0x168: {  	v2 =	vmul.f32 v2, v1;
	[tilespmem:s19+$0xFFFFFFB0] =	vst v6  }
0x169: {  	v5 =	vmul.f32 v5, v1;
	[tilespmem:s19+$0xFFFFFFC0] =	vst v3  }
0x16a: {  	v1 =	vmul.f32 v4, v1;
	[tilespmem:s19+$0xFFFFFFF0] =	vst v2  }
0x16b: {  	[tilespmem:s19+$0xFFFFFFD0] =	vst v5  }
0x16c: {  	[tilespmem:s19+$0xFFFFFFA0] =	vst v1  }
0x16d: {  	_ =	swait.ge [sflag:s16], $0x80  }
0x16e: {  	[sflag:s16] =	ssyncset.done $0x0  }
0x16f: {  	[sflag:s16] =	ssyncadd.s32 $0xFFFFFF80  }
0x170: {  	_ =	swait.ge [sflag:s16], $0x80  }
0x171: {  	[sflag:s16] =	ssyncset.done $0x0  }
0x172: {  	s10 =	simm.s32 $0x9C80;
	[sflag:s16] =	ssyncadd.s32 $0xFFFFFF80  }
0x173: {  	[tilespmem:s10], [sflag:$0x4] =	stream.indirect.gather [hbm4b:s1+s26], $0x80, s30, s26, $0xb8;
	[tilespmem:$0x1F980] =	vst v63  }
0x174: {  	s17 =	simm.s32 $0x6C80  }
0x175: {  	[spmem:s2] =	stream.indirect.scatter.add.f32 [tilespmem:s17], [sflag:$0x6], $0x80, s28, s26, $0xb8;
	[tilespmem:$0x1F980] =	vst v63  }
0x176: {  	_ =	swait.ge [sflag:s18], $0x1800  }
0x177: {  	[sflag:s18] =	ssyncset.done $0x0  }
0x178: {  	[sflag:s18] =	ssyncadd.s32 $0xFFFFE800  }
0x179: {  	_ =	swait.ge [sflag:s11], $0x30  }
0x17a: {  	[sflag:s11] =	ssyncset.done $0x0  }
0x17b: {  	s19 =	simm.s32 $0x0;
	s13 =	rddreg [dreg:$0x11];
	[sflag:s11] =	ssyncadd.s32 $0xFFFFFFD0  }
0x17c: {  	[tilespmem:s19], [sflag:$0x9] =	stream.linear.gather [hbm4b:s13+s19], $0x80, $0x38;
	[tilespmem:$0x1F980] =	vst v63  }
0x17d: {  	s21 =	simm.s32 $0x3;
	s20 =	rddreg [dreg:$0x12]  }
0x17e: {  	[tilespmem:s25], [sflag:$0x9] =	stream.linear.gather [hbm4b:s20+s19], $0x80, $0x38;
	[tilespmem:$0x1F980] =	vst v63  }
0x17f: {  	_ =	swait.ge [sflag:s21], $0x1800  }
0x180: {  	[sflag:s21] =	ssyncset.done $0x0  }
0x181: {  	[sflag:s21] =	ssyncadd.s32 $0xFFFFE800  }
0x182: {  	v1 =	vld [tilespmem:$0x100]  }
0x183: {  	v2 =	vld [tilespmem:$0x300];
	_ =	sdelay $0x6  }
0x184: {  	v1 =	vld.idx.msk [tilespmem:v1+s23+$0x0], $0xffff  }
0x185: {  	v2 =	vld.idx.msk [tilespmem:v2+s24+$0x0], $0xffff;
	_ =	sdelay $0x4  }
0x186: {  	v1 =	vadd.f32 v2, v1;
	_ =	sdelay $0x1  }
0x187: {  	v2 =	vmul.f32 $2.000000030e-01, v1  }
0x188: {  	vm0 =	vgt.f32 v1, $0.0e+00  }
0x189: {  	v1 =	vsel vm0, v1, v2  }
0x18a: {  	v1 =	vmul.f32 $1.442695020e+00, v1;
	_ =	sdelay $0x1  }
0x18b: {  	(erf) = vpow2.f32 v1;
	_ =	sdelay $0x2  }
0x18c: {  	v1 =	vld [tilespmem:$0x110]  }
0x18d: {  	v2 =	vld [tilespmem:$0x310];
	_ =	sdelay $0x4  }
0x18e: {  	v3 =	vpop (erf)  }
0x18f: {  	[tilespmem:$0x5400] =	vst v3  }
0x190: {  	v1 =	vld.idx.msk [tilespmem:v1+s23+$0x0], $0xffff  }
0x191: {  	v2 =	vld.idx.msk [tilespmem:v2+s24+$0x0], $0xffff;
	_ =	sdelay $0x4  }
0x192: {  	v1 =	vadd.f32 v2, v1;
	_ =	sdelay $0x1  }
0x193: {  	v2 =	vmul.f32 $2.000000030e-01, v1  }
0x194: {  	vm14 =	vgt.f32 v1, $0.0e+00  }
0x195: {  	v1 =	vsel vm14, v1, v2  }
0x196: {  	v1 =	vmul.f32 $1.442695020e+00, v1;
	_ =	sdelay $0x1  }
0x197: {  	(erf) = vpow2.f32 v1;
	_ =	sdelay $0x2  }
0x198: {  	v1 =	vld [tilespmem:$0x120]  }
0x199: {  	v2 =	vld [tilespmem:$0x320];
	_ =	sdelay $0x4  }
0x19a: {  	v3 =	vpop (erf)  }
0x19b: {  	[tilespmem:$0x5410] =	vst v3  }
0x19c: {  	v1 =	vld.idx.msk [tilespmem:v1+s23+$0x0], $0xffff  }
0x19d: {  	v2 =	vld.idx.msk [tilespmem:v2+s24+$0x0], $0xffff;
	_ =	sdelay $0x4  }
0x19e: {  	v1 =	vadd.f32 v2, v1;
	_ =	sdelay $0x1  }
0x19f: {  	v2 =	vmul.f32 $2.000000030e-01, v1  }
0x1a0: {  	vm15 =	vgt.f32 v1, $0.0e+00  }
0x1a1: {  	v1 =	vsel vm15, v1, v2  }
0x1a2: {  	v1 =	vmul.f32 $1.442695020e+00, v1;
	_ =	sdelay $0x1  }
0x1a3: {  	(erf) = vpow2.f32 v1;
	_ =	sdelay $0x8  }
0x1a4: {  	v1 =	vpop (erf)  }
0x1a5: {  	s30 =	simm.s32 $0x300;
	[tilespmem:$0x5420] =	vst v1;
	v1 =	vmov s19;
	s19 =	simm.s32 $0x84F0  }
0x1a6: {  	[spmem:s3] =	stream.indirect.scatter.add.f32 [tilespmem:s0], [sflag:$0xD], $0x1, s30, s26, $0xb8;
	[tilespmem:$0x1F980] =	vst v63  }
0x1a7: {  	v5 =	vld [tilespmem:s19+$0x0]  }
0x1a8: {  	v8 =	vld [tilespmem:s19+$0xFFFFFFE0]  }
0x1a9: {  	v6 =	vld [tilespmem:s19+$0xFFFFFF90]  }
0x1aa: {  	v1 =	vld.idx.msk [tilespmem:v1+s0+$0x0], $0xffff  }
0x1ab: {  	v10 =	vld [tilespmem:s19+$0xFFFFFFB0]  }
0x1ac: {  	v2 =	vld [tilespmem:s19+$0xFFFFFFF0]  }
0x1ad: {  	v3 =	vld [tilespmem:s19+$0xFFFFFFC0]  }
0x1ae: {  	v4 =	vld [tilespmem:s19+$0xFFFFFFA0]  }
0x1af: {  	v9 =	vmul.f32 v5, v1;
	v5 =	vld [tilespmem:s19+$0xFFFFFFD0]  }
0x1b0: {  	v7 =	vmul.f32 v6, v1  }
0x1b1: {  	s10 =	simm.s32 $0x84F0;
	s13 =	simm.s32 $0x1;
	v6 =	vmul.f32 v10, v1;
	v8 =	vmul.f32 v8, v1  }
.LBB2_8:
0x1b2: {  	p0 =	sne.s32 s13, $0x2F  }
0x1b3: {  	v4 =	vmul.f32 v4, v1;
	v10 =	vmul.f32 v2, v1;
	[tilespmem:s19+$0x0] =	vst v9;
	s10 =	sadd.s32 $0x80, s10;
	s17 =	smov.u32 s13;
	s13 =	sadd.s32 $0x1, s13  }
0x1b4: {  	v3 =	vmul.f32 v3, v1;
	[tilespmem:s19+$0xFFFFFF90] =	vst v7;
	v1 =	vmul.f32 v5, v1  }
0x1b5: {  	[tilespmem:s19+$0xFFFFFFE0] =	vst v8  }
0x1b6: {  	v5 =	vmov s17;
	[tilespmem:s19+$0xFFFFFFB0] =	vst v6  }
0x1b7: {  	v2 =	vld [tilespmem:s10+$0xFFFFFFF0];
	[tilespmem:s19+$0xFFFFFFC0] =	vst v3  }
0x1b8: {  	v6 =	vld [tilespmem:s10+$0x0];
	[tilespmem:s19+$0xFFFFFFD0] =	vst v1  }
0x1b9: {  	v3 =	vld [tilespmem:s10+$0xFFFFFFC0];
	[tilespmem:s19+$0xFFFFFFF0] =	vst v10  }
0x1ba: {  	v8 =	vld [tilespmem:s10+$0xFFFFFFE0];
	[tilespmem:s19+$0xFFFFFFA0] =	vst v4;
	s19 =	smov.u32 s10  }
0x1bb: {  	v1 =	vld.idx.msk [tilespmem:v5+s0+$0x0], $0xffff  }
0x1bc: {  	v7 =	vld [tilespmem:s10+$0xFFFFFF90]  }
0x1bd: {  	v10 =	vld [tilespmem:s10+$0xFFFFFFB0]  }
.Ltmp3:
0x1be: {  	v4 =	vld [tilespmem:s10+$0xFFFFFFA0];
	(pc) =	sbr.rel @p0 .LBB2_8-.Ltmp3, $3  }
0x1bf: {  	v5 =	vld [tilespmem:s10+$0xFFFFFFD0];
	_ =	sdelay $0x1  }
0x1c0: {  	v9 =	vmul.f32 v6, v1;
	v7 =	vmul.f32 v7, v1  }
0x1c1: {  	v8 =	vmul.f32 v8, v1;
	v6 =	vmul.f32 v10, v1  }
0x1c2: {  	[tilespmem:s19+$0x0] =	vst v9  }
0x1c3: {  	[tilespmem:s19+$0xFFFFFF90] =	vst v7  }
0x1c4: {  	v3 =	vmul.f32 v3, v1;
	[tilespmem:s19+$0xFFFFFFE0] =	vst v8  }
0x1c5: {  	v2 =	vmul.f32 v2, v1;
	[tilespmem:s19+$0xFFFFFFB0] =	vst v6  }
0x1c6: {  	v5 =	vmul.f32 v5, v1;
	[tilespmem:s19+$0xFFFFFFC0] =	vst v3  }
0x1c7: {  	v1 =	vmul.f32 v4, v1;
	[tilespmem:s19+$0xFFFFFFF0] =	vst v2  }
0x1c8: {  	[tilespmem:s19+$0xFFFFFFD0] =	vst v5  }
0x1c9: {  	[tilespmem:s19+$0xFFFFFFA0] =	vst v1  }
0x1ca: {  	_ =	swait.ge [sflag:s5], $0x80  }
0x1cb: {  	[sflag:s5] =	ssyncset.done $0x0  }
0x1cc: {  	[sflag:s5] =	ssyncadd.s32 $0xFFFFFF80  }
0x1cd: {  	_ =	swait.ge [sflag:s5], $0x80  }
0x1ce: {  	s10 =	simm.s32 $0x0;
	[sflag:s5] =	ssyncset.done $0x0  }
0x1cf: {  	s13 =	simm.s32 $0x5480;
	s19 =	simm.s32 $0x30;
	[sflag:s5] =	ssyncadd.s32 $0xFFFFFF80  }
0x1d0: {  	[tilespmem:s13], [sflag:$0x1] =	stream.indirect.gather [hbm4b:s1+s19], $0x80, s10, s19, $0xb8;
	[tilespmem:$0x1F980] =	vst v63  }
0x1d1: {  	s21 =	simm.s32 $0x300;
	s17 =	simm.s32 $0x8480  }
0x1d2: {  	[spmem:s2] =	stream.indirect.scatter.add.f32 [tilespmem:s17], [sflag:$0x7], $0x80, s21, s19, $0xb8;
	[tilespmem:$0x1F980] =	vst v63  }
0x1d3: {  	_ =	swait.ge [sflag:s6], $0x1800  }
0x1d4: {  	[sflag:s6] =	ssyncset.done $0x0  }
0x1d5: {  	[sflag:s6] =	ssyncadd.s32 $0xFFFFE800  }
0x1d6: {  	_ =	swait.ge [sflag:s12], $0x30  }
0x1d7: {  	[sflag:s12] =	ssyncset.done $0x0  }
0x1d8: {  	s30 =	rddreg [dreg:$0x13];
	[sflag:s12] =	ssyncadd.s32 $0xFFFFFFD0  }
0x1d9: {  	[tilespmem:s22], [sflag:$0xA] =	stream.linear.gather [hbm4b:s30+s10], $0x80, $0x38;
	[tilespmem:$0x1F980] =	vst v63  }
0x1da: {  	s20 =	simm.s32 $0x4;
	s17 =	rddreg [dreg:$0x14]  }
0x1db: {  	[tilespmem:s28], [sflag:$0xA] =	stream.linear.gather [hbm4b:s17+s10], $0x80, $0x38;
	[tilespmem:$0x1F980] =	vst v63  }
0x1dc: {  	_ =	swait.ge [sflag:s20], $0x1800  }
0x1dd: {  	[sflag:s20] =	ssyncset.done $0x0  }
0x1de: {  	[sflag:s20] =	ssyncadd.s32 $0xFFFFE800  }
0x1df: {  	v1 =	vld [tilespmem:$0x180]  }
0x1e0: {  	v2 =	vld [tilespmem:$0x380];
	_ =	sdelay $0x6  }
0x1e1: {  	v1 =	vld.idx.msk [tilespmem:v1+s23+$0x0], $0xffff  }
0x1e2: {  	v2 =	vld.idx.msk [tilespmem:v2+s24+$0x0], $0xffff;
	_ =	sdelay $0x4  }
0x1e3: {  	v1 =	vadd.f32 v2, v1;
	_ =	sdelay $0x1  }
0x1e4: {  	v2 =	vmul.f32 $2.000000030e-01, v1  }
0x1e5: {  	vm0 =	vgt.f32 v1, $0.0e+00  }
0x1e6: {  	v1 =	vsel vm0, v1, v2  }
0x1e7: {  	v1 =	vmul.f32 $1.442695020e+00, v1;
	_ =	sdelay $0x1  }
0x1e8: {  	(erf) = vpow2.f32 v1;
	_ =	sdelay $0x2  }
0x1e9: {  	v1 =	vld [tilespmem:$0x190]  }
0x1ea: {  	v2 =	vld [tilespmem:$0x390];
	_ =	sdelay $0x4  }
0x1eb: {  	v3 =	vpop (erf)  }
0x1ec: {  	[tilespmem:$0x5430] =	vst v3  }
0x1ed: {  	v1 =	vld.idx.msk [tilespmem:v1+s23+$0x0], $0xffff  }
0x1ee: {  	v2 =	vld.idx.msk [tilespmem:v2+s24+$0x0], $0xffff;
	_ =	sdelay $0x4  }
0x1ef: {  	v1 =	vadd.f32 v2, v1;
	_ =	sdelay $0x1  }
0x1f0: {  	v2 =	vmul.f32 $2.000000030e-01, v1  }
0x1f1: {  	vm14 =	vgt.f32 v1, $0.0e+00  }
0x1f2: {  	v1 =	vsel vm14, v1, v2  }
0x1f3: {  	v1 =	vmul.f32 $1.442695020e+00, v1;
	_ =	sdelay $0x1  }
0x1f4: {  	(erf) = vpow2.f32 v1;
	_ =	sdelay $0x2  }
0x1f5: {  	v1 =	vld [tilespmem:$0x1A0]  }
0x1f6: {  	v2 =	vld [tilespmem:$0x3A0];
	_ =	sdelay $0x4  }
0x1f7: {  	v3 =	vpop (erf)  }
0x1f8: {  	[tilespmem:$0x5440] =	vst v3  }
0x1f9: {  	v1 =	vld.idx.msk [tilespmem:v1+s23+$0x0], $0xffff  }
0x1fa: {  	v2 =	vld.idx.msk [tilespmem:v2+s24+$0x0], $0xffff;
	_ =	sdelay $0x4  }
0x1fb: {  	v1 =	vadd.f32 v2, v1;
	_ =	sdelay $0x1  }
0x1fc: {  	v2 =	vmul.f32 $2.000000030e-01, v1  }
0x1fd: {  	vm15 =	vgt.f32 v1, $0.0e+00  }
0x1fe: {  	v1 =	vsel vm15, v1, v2  }
0x1ff: {  	v1 =	vmul.f32 $1.442695020e+00, v1;
	_ =	sdelay $0x1  }
0x200: {  	(erf) = vpow2.f32 v1;
	_ =	sdelay $0x8  }
0x201: {  	v1 =	vpop (erf)  }
0x202: {  	s21 =	simm.s32 $0x380;
	s30 =	simm.s32 $0x5430;
	s20 =	simm.s32 $0x0;
	[tilespmem:$0x5450] =	vst v1;
	v1 =	vmov s19  }
0x203: {  	[spmem:s3] =	stream.indirect.scatter.add.f32 [tilespmem:s30], [sflag:$0xE], $0x1, s21, s19, $0xb8;
	[tilespmem:$0x1F980] =	vst v63  }
0x204: {  	v9 =	vld [tilespmem:s20+$0x9CA0]  }
0x205: {  	v8 =	vld [tilespmem:s20+$0x9C80]  }
0x206: {  	v4 =	vld [tilespmem:s20+$0x9CD0]  }
0x207: {  	v1 =	vld.idx.msk [tilespmem:v1+s0+$0x0], $0xffff  }
0x208: {  	v5 =	vld [tilespmem:s20+$0x9CB0]  }
0x209: {  	v3 =	vld [tilespmem:s20+$0x9CE0]  }
0x20a: {  	v6 =	vld [tilespmem:s20+$0x9CC0]  }
0x20b: {  	v7 =	vld [tilespmem:s20+$0x9CF0]  }
0x20c: {  	s13 =	simm.s32 $0x200;
	v2 =	vld [tilespmem:s20+$0x9C90];
	v8 =	vmul.f32 v8, v1;
	v9 =	vmul.f32 v9, v1  }
.LBB2_10:
0x20d: {  	p0 =	sne.s32 s13, $0x5E00  }
0x20e: {  	v5 =	vmul.f32 v5, v1;
	v4 =	vmul.f32 v4, v1;
	s19 =	sadd.s32 $0x1, s19;
	s10 =	smov.u32 s13;
	s13 =	sadd.s32 $0x200, s13  }
0x20f: {  	v3 =	vmul.f32 v3, v1;
	[tilespmem:s20+$0x9CA0] =	vst v9;
	v6 =	vmul.f32 v6, v1  }
0x210: {  	[tilespmem:s20+$0x9C80] =	vst v8;
	v7 =	vmul.f32 v7, v1  }
0x211: {  	v8 =	vmov s19;
	[tilespmem:s20+$0x9CD0] =	vst v4  }
0x212: {  	s10 =	sshra.s32 s10, $0x2;
	[tilespmem:s20+$0x9CF0] =	vst v7  }
0x213: {  	v1 =	vmul.f32 v2, v1;
	v9 =	vld [tilespmem:s10+$0x9CA0];
	[tilespmem:s20+$0x9CB0] =	vst v5  }
0x214: {  	v10 =	vld [tilespmem:s10+$0x9C80];
	[tilespmem:s20+$0x9CC0] =	vst v6  }
0x215: {  	v4 =	vld [tilespmem:s10+$0x9CD0];
	[tilespmem:s20+$0x9CE0] =	vst v3  }
0x216: {  	v5 =	vld [tilespmem:s10+$0x9CB0];
	[tilespmem:s20+$0x9C90] =	vst v1;
	s20 =	smov.u32 s10  }
0x217: {  	v1 =	vld.idx.msk [tilespmem:v8+s0+$0x0], $0xffff  }
0x218: {  	v3 =	vld [tilespmem:s20+$0x9CE0]  }
.Ltmp4:
0x219: {  	v2 =	vld [tilespmem:s20+$0x9C90];
	(pc) =	sbr.rel @p0 .LBB2_10-.Ltmp4, $3  }
0x21a: {  	v6 =	vld [tilespmem:s20+$0x9CC0]  }
0x21b: {  	v7 =	vld [tilespmem:s20+$0x9CF0];
	_ =	sdelay $0x1  }
0x21c: {  	v8 =	vmul.f32 v10, v1;
	v9 =	vmul.f32 v9, v1  }
0x21d: {  	_ = 	snop  }
0x21e: {  	v4 =	vmul.f32 v4, v1;
	[tilespmem:s20+$0x9CA0] =	vst v9  }
0x21f: {  	v5 =	vmul.f32 v5, v1;
	[tilespmem:s20+$0x9C80] =	vst v8  }
0x220: {  	v3 =	vmul.f32 v3, v1;
	[tilespmem:s20+$0x9CD0] =	vst v4  }
0x221: {  	v63 =	vmul.f32 v6, v1;
	[tilespmem:s20+$0x9CB0] =	vst v5  }
0x222: {  	v7 =	vmul.f32 v7, v1;
	[tilespmem:s20+$0x9CE0] =	vst v3  }
0x223: {  	v1 =	vmul.f32 v2, v1;
	[tilespmem:s20+$0x9CC0] =	vst v63  }
0x224: {  	[tilespmem:s20+$0x9CF0] =	vst v7  }
0x225: {  	[tilespmem:s20+$0x9C90] =	vst v1  }
0x226: {  	_ =	swait.ge [sflag:s15], $0x80  }
0x227: {  	[sflag:s15] =	ssyncset.done $0x0  }
0x228: {  	[sflag:s15] =	ssyncadd.s32 $0xFFFFFF80  }
0x229: {  	_ =	swait.ge [sflag:s15], $0x80  }
0x22a: {  	[sflag:s15] =	ssyncset.done $0x0  }
0x22b: {  	s10 =	simm.s32 $0x6C80;
	s30 =	simm.s32 $0x380;
	[sflag:s15] =	ssyncadd.s32 $0xFFFFFF80  }
0x22c: {  	[tilespmem:s10], [sflag:$0x2] =	stream.indirect.gather [hbm4b:s1+s26], $0x80, s22, s26, $0xb8;
	[tilespmem:$0x1F980] =	vst v63  }
0x22d: {  	s13 =	simm.s32 $0x9C80;
	s21 =	simm.s32 $0x0;
	s20 =	simm.s32 $0x0  }
0x22e: {  	[spmem:s2] =	stream.indirect.scatter.add.f32 [tilespmem:s13], [sflag:$0x8], $0x80, s30, s26, $0xb8;
	[tilespmem:$0x1F980] =	vst v63  }
.LBB2_12:
0x22f: {  	s21 =	sadd.s32 $0x1, s21  }
0x230: {  	s17 =	simm.s32 $0x7;
	s19 =	sshll.u32 s21, $0x9  }
0x231: {  	_ =	swait.ge [sflag:s17], $0x1800;
	s10 =	sand.u32 $0xFC00, s19  }
0x232: {  	[sflag:s17] =	ssyncset.done $0x0;
	s13 =	sand.u32 $0x200, s19;
	s10 =	sadd.s32 s9, s10  }
0x233: {  	[sflag:s17] =	ssyncadd.s32 $0xFFFFE800;
	s10 =	sor.u32 s13, s10  }
0x234: {  	_ =	swait.ge [sflag:s11], $0x30;
	s30 =	sshrl.u32 s10, $0x3  }
0x235: {  	[sflag:s11] =	ssyncset.done $0x0;
	s10 =	sor.u32 $0x20, s30  }
0x236: {  	s22 =	simm.s32 $0x100;
	[sflag:s11] =	ssyncadd.s32 $0xFFFFFFD0;
	s17 =	sadd.s32 s7, s10  }
0x237: {  	[tilespmem:s22], [sflag:$0xB] =	stream.linear.gather [hbm4b:s17+s20], $0x80, $0x38;
	[tilespmem:$0x1F980] =	vst v63  }
0x238: {  	s10 =	sadd.s32 s8, s10;
	s22 =	simm.s32 $0x300  }
0x239: {  	[tilespmem:s22], [sflag:$0xB] =	stream.linear.gather [hbm4b:s10+s20], $0x80, $0x38;
	[tilespmem:$0x1F980] =	vst v63  }
0x23a: {  	_ =	swait.ge [sflag:s31], $0x1800  }
0x23b: {  	[sflag:s31] =	ssyncset.done $0x0  }
0x23c: {  	[sflag:s31] =	ssyncadd.s32 $0xFFFFE800  }
0x23d: {  	v1 =	vld [tilespmem:$0x0]  }
0x23e: {  	v2 =	vld [tilespmem:$0x200];
	_ =	sdelay $0x6  }
0x23f: {  	v1 =	vld.idx.msk [tilespmem:v1+s23+$0x0], $0xffff  }
0x240: {  	v2 =	vld.idx.msk [tilespmem:v2+s24+$0x0], $0xffff;
	_ =	sdelay $0x4  }
0x241: {  	v1 =	vadd.f32 v2, v1;
	_ =	sdelay $0x1  }
0x242: {  	v2 =	vmul.f32 $2.000000030e-01, v1  }
0x243: {  	vm0 =	vgt.f32 v1, $0.0e+00  }
0x244: {  	v1 =	vsel vm0, v1, v2  }
0x245: {  	v1 =	vmul.f32 $1.442695020e+00, v1;
	_ =	sdelay $0x1  }
0x246: {  	(erf) = vpow2.f32 v1;
	_ =	sdelay $0x2  }
0x247: {  	v1 =	vld [tilespmem:$0x10]  }
0x248: {  	v2 =	vld [tilespmem:$0x210];
	_ =	sdelay $0x4  }
0x249: {  	v3 =	vpop (erf)  }
0x24a: {  	[tilespmem:$0x5400] =	vst v3  }
0x24b: {  	v1 =	vld.idx.msk [tilespmem:v1+s23+$0x0], $0xffff  }
0x24c: {  	v2 =	vld.idx.msk [tilespmem:v2+s24+$0x0], $0xffff;
	_ =	sdelay $0x4  }
0x24d: {  	v1 =	vadd.f32 v2, v1;
	_ =	sdelay $0x1  }
0x24e: {  	v2 =	vmul.f32 $2.000000030e-01, v1  }
0x24f: {  	vm14 =	vgt.f32 v1, $0.0e+00  }
0x250: {  	v1 =	vsel vm14, v1, v2  }
0x251: {  	v1 =	vmul.f32 $1.442695020e+00, v1;
	_ =	sdelay $0x1  }
0x252: {  	(erf) = vpow2.f32 v1;
	_ =	sdelay $0x2  }
0x253: {  	v1 =	vld [tilespmem:$0x20]  }
0x254: {  	v2 =	vld [tilespmem:$0x220];
	_ =	sdelay $0x4  }
0x255: {  	v3 =	vpop (erf)  }
0x256: {  	[tilespmem:$0x5410] =	vst v3  }
0x257: {  	v1 =	vld.idx.msk [tilespmem:v1+s23+$0x0], $0xffff  }
0x258: {  	v2 =	vld.idx.msk [tilespmem:v2+s24+$0x0], $0xffff;
	_ =	sdelay $0x4  }
0x259: {  	v1 =	vadd.f32 v2, v1;
	_ =	sdelay $0x1  }
0x25a: {  	v2 =	vmul.f32 $2.000000030e-01, v1  }
0x25b: {  	vm15 =	vgt.f32 v1, $0.0e+00  }
0x25c: {  	v1 =	vsel vm15, v1, v2  }
0x25d: {  	v1 =	vmul.f32 $1.442695020e+00, v1;
	_ =	sdelay $0x1  }
0x25e: {  	(erf) = vpow2.f32 v1;
	_ =	sdelay $0x8  }
0x25f: {  	v1 =	vpop (erf)  }
0x260: {  	s13 =	simm.s32 $0x54C0;
	[tilespmem:$0x5420] =	vst v1;
	v1 =	vmov s20  }
0x261: {  	[spmem:s3] =	stream.indirect.scatter.add.f32 [tilespmem:s0], [sflag:$0xD], $0x1, s25, s26, $0xb8;
	[tilespmem:$0x1F980] =	vst v63  }
0x262: {  	v5 =	vld [tilespmem:s13+$0x30]  }
0x263: {  	v8 =	vld [tilespmem:s13+$0x10]  }
0x264: {  	v6 =	vld [tilespmem:s13+$0xFFFFFFC0]  }
0x265: {  	v2 =	vld.idx.msk [tilespmem:v1+s0+$0x0], $0xffff  }
0x266: {  	v10 =	vld [tilespmem:s13+$0xFFFFFFE0]  }
0x267: {  	v3 =	vld [tilespmem:s13+$0x20]  }
0x268: {  	v4 =	vld [tilespmem:s13+$0xFFFFFFD0]  }
0x269: {  	v1 =	vld [tilespmem:s13+$0xFFFFFFF0]  }
0x26a: {  	v9 =	vmul.f32 v5, v2;
	v5 =	vld [tilespmem:s13+$0x0]  }
0x26b: {  	v7 =	vmul.f32 v6, v2  }
0x26c: {  	s17 =	simm.s32 $0x54C0;
	s10 =	simm.s32 $0x1;
	v6 =	vmul.f32 v10, v2;
	v8 =	vmul.f32 v8, v2  }
.LBB2_13:
0x26d: {  	p0 =	sne.s32 s10, $0x2F  }
0x26e: {  	v4 =	vmul.f32 v4, v2;
	v3 =	vmul.f32 v3, v2;
	[tilespmem:s13+$0x30] =	vst v9;
	s17 =	sadd.s32 $0x80, s17;
	s22 =	smov.u32 s10;
	s10 =	sadd.s32 $0x1, s10  }
0x26f: {  	[tilespmem:s13+$0xFFFFFFC0] =	vst v7;
	v7 =	vmul.f32 v1, v2;
	v2 =	vmul.f32 v5, v2  }
0x270: {  	[tilespmem:s13+$0x10] =	vst v8  }
0x271: {  	v5 =	vmov s22;
	[tilespmem:s13+$0xFFFFFFE0] =	vst v6  }
0x272: {  	v1 =	vld [tilespmem:s17+$0xFFFFFFF0];
	[tilespmem:s13+$0xFFFFFFF0] =	vst v7  }
0x273: {  	v6 =	vld [tilespmem:s17+$0x30];
	[tilespmem:s13+$0x0] =	vst v2  }
0x274: {  	v8 =	vld [tilespmem:s17+$0x10];
	[tilespmem:s13+$0x20] =	vst v3  }
0x275: {  	v7 =	vld [tilespmem:s17+$0xFFFFFFC0];
	[tilespmem:s13+$0xFFFFFFD0] =	vst v4;
	s13 =	smov.u32 s17  }
0x276: {  	v2 =	vld.idx.msk [tilespmem:v5+s0+$0x0], $0xffff  }
0x277: {  	v10 =	vld [tilespmem:s17+$0xFFFFFFE0]  }
0x278: {  	v3 =	vld [tilespmem:s17+$0x20]  }
.Ltmp5:
0x279: {  	v4 =	vld [tilespmem:s17+$0xFFFFFFD0];
	(pc) =	sbr.rel @p0 .LBB2_13-.Ltmp5, $3  }
0x27a: {  	v5 =	vld [tilespmem:s17+$0x0];
	_ =	sdelay $0x1  }
0x27b: {  	v7 =	vmul.f32 v7, v2;
	v9 =	vmul.f32 v6, v2  }
0x27c: {  	v8 =	vmul.f32 v8, v2;
	v6 =	vmul.f32 v10, v2  }
0x27d: {  	[tilespmem:s13+$0x30] =	vst v9  }
0x27e: {  	[tilespmem:s13+$0xFFFFFFC0] =	vst v7  }
0x27f: {  	v1 =	vmul.f32 v1, v2;
	[tilespmem:s13+$0x10] =	vst v8  }
0x280: {  	v3 =	vmul.f32 v3, v2;
	[tilespmem:s13+$0xFFFFFFE0] =	vst v6  }
0x281: {  	v5 =	vmul.f32 v5, v2;
	[tilespmem:s13+$0xFFFFFFF0] =	vst v1  }
0x282: {  	v1 =	vmul.f32 v4, v2;
	[tilespmem:s13+$0x20] =	vst v3  }
0x283: {  	[tilespmem:s13+$0x0] =	vst v5  }
0x284: {  	[tilespmem:s13+$0xFFFFFFD0] =	vst v1  }
0x285: {  	_ =	swait.ge [sflag:s4], $0x80  }
0x286: {  	[sflag:s4] =	ssyncset.done $0x0  }
0x287: {  	[sflag:s4] =	ssyncadd.s32 $0xFFFFFF80  }
0x288: {  	_ =	swait.ge [sflag:s4], $0x80  }
0x289: {  	s10 =	simm.s32 $0x30;
	[sflag:s4] =	ssyncset.done $0x0  }
0x28a: {  	s22 =	simm.s32 $0x100;
	s17 =	simm.s32 $0x8480;
	[sflag:s4] =	ssyncadd.s32 $0xFFFFFF80  }
0x28b: {  	[tilespmem:s17], [sflag:$0x3] =	stream.indirect.gather [hbm4b:s1+s10], $0x80, s22, s10, $0xb8;
	[tilespmem:$0x1F980] =	vst v63  }
0x28c: {  	s17 =	simm.s32 $0x5480  }
0x28d: {  	[spmem:s2] =	stream.indirect.scatter.add.f32 [tilespmem:s17], [sflag:$0x5], $0x80, s25, s10, $0xb8;
	[tilespmem:$0x1F980] =	vst v63  }
0x28e: {  	_ =	swait.ge [sflag:s29], $0x1800  }
0x28f: {  	[sflag:s29] =	ssyncset.done $0x0  }
0x290: {  	[sflag:s29] =	ssyncadd.s32 $0xFFFFE800  }
0x291: {  	_ =	swait.ge [sflag:s12], $0x30  }
0x292: {  	s13 =	sor.u32 $0x30, s30;
	s30 =	simm.s32 $0x180;
	[sflag:s12] =	ssyncset.done $0x0  }
0x293: {  	s22 =	simm.s32 $0x0;
	s17 =	sadd.s32 s7, s13;
	[sflag:s12] =	ssyncadd.s32 $0xFFFFFFD0  }
0x294: {  	[tilespmem:s30], [sflag:$0xC] =	stream.linear.gather [hbm4b:s17+s22], $0x80, $0x38;
	[tilespmem:$0x1F980] =	vst v63  }
0x295: {  	s13 =	sadd.s32 s8, s13;
	s17 =	simm.s32 $0x380  }
0x296: {  	[tilespmem:s17], [sflag:$0xC] =	stream.linear.gather [hbm4b:s13+s22], $0x80, $0x38;
	[tilespmem:$0x1F980] =	vst v63  }
0x297: {  	_ =	swait.ge [sflag:s14], $0x1800  }
0x298: {  	[sflag:s14] =	ssyncset.done $0x0  }
0x299: {  	[sflag:s14] =	ssyncadd.s32 $0xFFFFE800  }
0x29a: {  	v1 =	vld [tilespmem:$0x80]  }
0x29b: {  	v2 =	vld [tilespmem:$0x280];
	_ =	sdelay $0x6  }
0x29c: {  	v1 =	vld.idx.msk [tilespmem:v1+s23+$0x0], $0xffff  }
0x29d: {  	v2 =	vld.idx.msk [tilespmem:v2+s24+$0x0], $0xffff;
	_ =	sdelay $0x4  }
0x29e: {  	v1 =	vadd.f32 v2, v1;
	_ =	sdelay $0x1  }
0x29f: {  	v2 =	vmul.f32 $2.000000030e-01, v1  }
0x2a0: {  	vm0 =	vgt.f32 v1, $0.0e+00  }
0x2a1: {  	v1 =	vsel vm0, v1, v2  }
0x2a2: {  	v1 =	vmul.f32 $1.442695020e+00, v1;
	_ =	sdelay $0x1  }
0x2a3: {  	(erf) = vpow2.f32 v1;
	_ =	sdelay $0x2  }
0x2a4: {  	v1 =	vld [tilespmem:$0x90]  }
0x2a5: {  	v2 =	vld [tilespmem:$0x290];
	_ =	sdelay $0x4  }
0x2a6: {  	v3 =	vpop (erf)  }
0x2a7: {  	[tilespmem:$0x5430] =	vst v3  }
0x2a8: {  	v1 =	vld.idx.msk [tilespmem:v1+s23+$0x0], $0xffff  }
0x2a9: {  	v2 =	vld.idx.msk [tilespmem:v2+s24+$0x0], $0xffff;
	_ =	sdelay $0x4  }
0x2aa: {  	v1 =	vadd.f32 v2, v1;
	_ =	sdelay $0x1  }
0x2ab: {  	v2 =	vmul.f32 $2.000000030e-01, v1  }
0x2ac: {  	vm14 =	vgt.f32 v1, $0.0e+00  }
0x2ad: {  	v1 =	vsel vm14, v1, v2  }
0x2ae: {  	v1 =	vmul.f32 $1.442695020e+00, v1;
	_ =	sdelay $0x1  }
0x2af: {  	(erf) = vpow2.f32 v1;
	_ =	sdelay $0x2  }
0x2b0: {  	v1 =	vld [tilespmem:$0xA0]  }
0x2b1: {  	v2 =	vld [tilespmem:$0x2A0];
	_ =	sdelay $0x4  }
0x2b2: {  	v3 =	vpop (erf)  }
0x2b3: {  	[tilespmem:$0x5440] =	vst v3  }
0x2b4: {  	v1 =	vld.idx.msk [tilespmem:v1+s23+$0x0], $0xffff  }
0x2b5: {  	v2 =	vld.idx.msk [tilespmem:v2+s24+$0x0], $0xffff;
	_ =	sdelay $0x4  }
0x2b6: {  	v1 =	vadd.f32 v2, v1;
	_ =	sdelay $0x1  }
0x2b7: {  	v2 =	vmul.f32 $2.000000030e-01, v1  }
0x2b8: {  	vm15 =	vgt.f32 v1, $0.0e+00  }
0x2b9: {  	v1 =	vsel vm15, v1, v2  }
0x2ba: {  	v1 =	vmul.f32 $1.442695020e+00, v1;
	_ =	sdelay $0x1  }
0x2bb: {  	(erf) = vpow2.f32 v1;
	_ =	sdelay $0x8  }
0x2bc: {  	v1 =	vpop (erf)  }
0x2bd: {  	s22 =	simm.s32 $0x5430;
	s13 =	simm.s32 $0x6CF0;
	[tilespmem:$0x5450] =	vst v1;
	v1 =	vmov s10  }
0x2be: {  	[spmem:s3] =	stream.indirect.scatter.add.f32 [tilespmem:s22], [sflag:$0xE], $0x1, s28, s10, $0xb8;
	[tilespmem:$0x1F980] =	vst v63  }
0x2bf: {  	v5 =	vld [tilespmem:s13+$0x0]  }
0x2c0: {  	v8 =	vld [tilespmem:s13+$0xFFFFFFE0]  }
0x2c1: {  	v6 =	vld [tilespmem:s13+$0xFFFFFF90]  }
0x2c2: {  	v1 =	vld.idx.msk [tilespmem:v1+s0+$0x0], $0xffff  }
0x2c3: {  	v10 =	vld [tilespmem:s13+$0xFFFFFFB0]  }
0x2c4: {  	v2 =	vld [tilespmem:s13+$0xFFFFFFF0]  }
0x2c5: {  	v3 =	vld [tilespmem:s13+$0xFFFFFFC0]  }
0x2c6: {  	v4 =	vld [tilespmem:s13+$0xFFFFFFA0]  }
0x2c7: {  	v9 =	vmul.f32 v5, v1;
	v5 =	vld [tilespmem:s13+$0xFFFFFFD0]  }
0x2c8: {  	v7 =	vmul.f32 v6, v1  }
0x2c9: {  	s17 =	simm.s32 $0x6CF0;
	s10 =	simm.s32 $0x31;
	v6 =	vmul.f32 v10, v1;
	v8 =	vmul.f32 v8, v1  }
.LBB2_15:
0x2ca: {  	p0 =	sne.s32 s10, $0x5F  }
0x2cb: {  	v4 =	vmul.f32 v4, v1;
	v10 =	vmul.f32 v2, v1;
	[tilespmem:s13+$0x0] =	vst v9;
	s17 =	sadd.s32 $0x80, s17;
	s22 =	smov.u32 s10;
	s10 =	sadd.s32 $0x1, s10  }
0x2cc: {  	v3 =	vmul.f32 v3, v1;
	[tilespmem:s13+$0xFFFFFF90] =	vst v7;
	v1 =	vmul.f32 v5, v1  }
0x2cd: {  	[tilespmem:s13+$0xFFFFFFE0] =	vst v8  }
0x2ce: {  	v5 =	vmov s22;
	[tilespmem:s13+$0xFFFFFFB0] =	vst v6  }
0x2cf: {  	v2 =	vld [tilespmem:s17+$0xFFFFFFF0];
	[tilespmem:s13+$0xFFFFFFC0] =	vst v3  }
0x2d0: {  	v6 =	vld [tilespmem:s17+$0x0];
	[tilespmem:s13+$0xFFFFFFD0] =	vst v1  }
0x2d1: {  	v3 =	vld [tilespmem:s17+$0xFFFFFFC0];
	[tilespmem:s13+$0xFFFFFFF0] =	vst v10  }
0x2d2: {  	v8 =	vld [tilespmem:s17+$0xFFFFFFE0];
	[tilespmem:s13+$0xFFFFFFA0] =	vst v4;
	s13 =	smov.u32 s17  }
0x2d3: {  	v1 =	vld.idx.msk [tilespmem:v5+s0+$0x0], $0xffff  }
0x2d4: {  	v7 =	vld [tilespmem:s17+$0xFFFFFF90]  }
0x2d5: {  	v10 =	vld [tilespmem:s17+$0xFFFFFFB0]  }
.Ltmp6:
0x2d6: {  	v4 =	vld [tilespmem:s17+$0xFFFFFFA0];
	(pc) =	sbr.rel @p0 .LBB2_15-.Ltmp6, $3  }
0x2d7: {  	v5 =	vld [tilespmem:s17+$0xFFFFFFD0];
	_ =	sdelay $0x1  }
0x2d8: {  	v9 =	vmul.f32 v6, v1;
	v7 =	vmul.f32 v7, v1  }
0x2d9: {  	v8 =	vmul.f32 v8, v1;
	v6 =	vmul.f32 v10, v1  }
0x2da: {  	[tilespmem:s13+$0x0] =	vst v9  }
0x2db: {  	[tilespmem:s13+$0xFFFFFF90] =	vst v7  }
0x2dc: {  	v3 =	vmul.f32 v3, v1;
	[tilespmem:s13+$0xFFFFFFE0] =	vst v8  }
0x2dd: {  	v2 =	vmul.f32 v2, v1;
	[tilespmem:s13+$0xFFFFFFB0] =	vst v6  }
0x2de: {  	v5 =	vmul.f32 v5, v1;
	[tilespmem:s13+$0xFFFFFFC0] =	vst v3  }
0x2df: {  	v1 =	vmul.f32 v4, v1;
	[tilespmem:s13+$0xFFFFFFF0] =	vst v2  }
0x2e0: {  	[tilespmem:s13+$0xFFFFFFD0] =	vst v5  }
0x2e1: {  	[tilespmem:s13+$0xFFFFFFA0] =	vst v1  }
0x2e2: {  	_ =	swait.ge [sflag:s16], $0x80  }
0x2e3: {  	[sflag:s16] =	ssyncset.done $0x0  }
0x2e4: {  	[sflag:s16] =	ssyncadd.s32 $0xFFFFFF80  }
0x2e5: {  	_ =	swait.ge [sflag:s16], $0x80  }
0x2e6: {  	[sflag:s16] =	ssyncset.done $0x0  }
0x2e7: {  	s10 =	simm.s32 $0x9C80;
	[sflag:s16] =	ssyncadd.s32 $0xFFFFFF80  }
0x2e8: {  	[tilespmem:s10], [sflag:$0x4] =	stream.indirect.gather [hbm4b:s1+s26], $0x80, s30, s26, $0xb8;
	[tilespmem:$0x1F980] =	vst v63  }
0x2e9: {  	s13 =	simm.s32 $0x6C80  }
0x2ea: {  	[spmem:s2] =	stream.indirect.scatter.add.f32 [tilespmem:s13], [sflag:$0x6], $0x80, s28, s26, $0xb8;
	[tilespmem:$0x1F980] =	vst v63  }
0x2eb: {  	s17 =	sadd.s32 $0x200, s19;
	_ =	swait.ge [sflag:s18], $0x1800  }
0x2ec: {  	s22 =	sand.u32 $0x1FC00, s17;
	[sflag:s18] =	ssyncset.done $0x0  }
0x2ed: {  	s10 =	sand.u32 $0x200, s17;
	s13 =	sadd.s32 s9, s22;
	[sflag:s18] =	ssyncadd.s32 $0xFFFFE800  }
0x2ee: {  	s10 =	sor.u32 s10, s13;
	_ =	swait.ge [sflag:s11], $0x30  }
0x2ef: {  	s10 =	sshrl.u32 s10, $0x3;
	[sflag:s11] =	ssyncset.done $0x0  }
0x2f0: {  	s17 =	simm.s32 $0x0;
	s30 =	sadd.s32 s7, s10;
	[sflag:s11] =	ssyncadd.s32 $0xFFFFFFD0  }
0x2f1: {  	[tilespmem:s17], [sflag:$0x9] =	stream.linear.gather [hbm4b:s30+s17], $0x80, $0x38;
	[tilespmem:$0x1F980] =	vst v63  }
0x2f2: {  	s22 =	simm.s32 $0x3;
	s10 =	sadd.s32 s8, s10  }
0x2f3: {  	[tilespmem:s25], [sflag:$0x9] =	stream.linear.gather [hbm4b:s10+s17], $0x80, $0x38;
	[tilespmem:$0x1F980] =	vst v63  }
0x2f4: {  	_ =	swait.ge [sflag:s22], $0x1800  }
0x2f5: {  	[sflag:s22] =	ssyncset.done $0x0  }
0x2f6: {  	[sflag:s22] =	ssyncadd.s32 $0xFFFFE800  }
0x2f7: {  	v1 =	vld [tilespmem:$0x100]  }
0x2f8: {  	v2 =	vld [tilespmem:$0x300];
	_ =	sdelay $0x6  }
0x2f9: {  	v1 =	vld.idx.msk [tilespmem:v1+s23+$0x0], $0xffff  }
0x2fa: {  	v2 =	vld.idx.msk [tilespmem:v2+s24+$0x0], $0xffff;
	_ =	sdelay $0x4  }
0x2fb: {  	v1 =	vadd.f32 v2, v1;
	_ =	sdelay $0x1  }
0x2fc: {  	v2 =	vmul.f32 $2.000000030e-01, v1  }
0x2fd: {  	vm0 =	vgt.f32 v1, $0.0e+00  }
0x2fe: {  	v1 =	vsel vm0, v1, v2  }
0x2ff: {  	v1 =	vmul.f32 $1.442695020e+00, v1;
	_ =	sdelay $0x1  }
0x300: {  	(erf) = vpow2.f32 v1;
	_ =	sdelay $0x2  }
0x301: {  	v1 =	vld [tilespmem:$0x110]  }
0x302: {  	v2 =	vld [tilespmem:$0x310];
	_ =	sdelay $0x4  }
0x303: {  	v3 =	vpop (erf)  }
0x304: {  	[tilespmem:$0x5400] =	vst v3  }
0x305: {  	v1 =	vld.idx.msk [tilespmem:v1+s23+$0x0], $0xffff  }
0x306: {  	v2 =	vld.idx.msk [tilespmem:v2+s24+$0x0], $0xffff;
	_ =	sdelay $0x4  }
0x307: {  	v1 =	vadd.f32 v2, v1;
	_ =	sdelay $0x1  }
0x308: {  	v2 =	vmul.f32 $2.000000030e-01, v1  }
0x309: {  	vm14 =	vgt.f32 v1, $0.0e+00  }
0x30a: {  	v1 =	vsel vm14, v1, v2  }
0x30b: {  	v1 =	vmul.f32 $1.442695020e+00, v1;
	_ =	sdelay $0x1  }
0x30c: {  	(erf) = vpow2.f32 v1;
	_ =	sdelay $0x2  }
0x30d: {  	v1 =	vld [tilespmem:$0x120]  }
0x30e: {  	v2 =	vld [tilespmem:$0x320];
	_ =	sdelay $0x4  }
0x30f: {  	v3 =	vpop (erf)  }
0x310: {  	[tilespmem:$0x5410] =	vst v3  }
0x311: {  	v1 =	vld.idx.msk [tilespmem:v1+s23+$0x0], $0xffff  }
0x312: {  	v2 =	vld.idx.msk [tilespmem:v2+s24+$0x0], $0xffff;
	_ =	sdelay $0x4  }
0x313: {  	v1 =	vadd.f32 v2, v1;
	_ =	sdelay $0x1  }
0x314: {  	v2 =	vmul.f32 $2.000000030e-01, v1  }
0x315: {  	vm15 =	vgt.f32 v1, $0.0e+00  }
0x316: {  	v1 =	vsel vm15, v1, v2  }
0x317: {  	v1 =	vmul.f32 $1.442695020e+00, v1;
	_ =	sdelay $0x1  }
0x318: {  	(erf) = vpow2.f32 v1;
	_ =	sdelay $0x8  }
0x319: {  	v1 =	vpop (erf)  }
0x31a: {  	s13 =	simm.s32 $0x84F0;
	s30 =	simm.s32 $0x300;
	[tilespmem:$0x5420] =	vst v1;
	v1 =	vmov s17  }
0x31b: {  	[spmem:s3] =	stream.indirect.scatter.add.f32 [tilespmem:s0], [sflag:$0xD], $0x1, s30, s26, $0xb8;
	[tilespmem:$0x1F980] =	vst v63  }
0x31c: {  	v5 =	vld [tilespmem:s13+$0x0]  }
0x31d: {  	v8 =	vld [tilespmem:s13+$0xFFFFFFE0]  }
0x31e: {  	v6 =	vld [tilespmem:s13+$0xFFFFFF90]  }
0x31f: {  	v1 =	vld.idx.msk [tilespmem:v1+s0+$0x0], $0xffff  }
0x320: {  	v10 =	vld [tilespmem:s13+$0xFFFFFFB0]  }
0x321: {  	v2 =	vld [tilespmem:s13+$0xFFFFFFF0]  }
0x322: {  	v3 =	vld [tilespmem:s13+$0xFFFFFFC0]  }
0x323: {  	v4 =	vld [tilespmem:s13+$0xFFFFFFA0]  }
0x324: {  	v9 =	vmul.f32 v5, v1;
	v5 =	vld [tilespmem:s13+$0xFFFFFFD0]  }
0x325: {  	v7 =	vmul.f32 v6, v1  }
0x326: {  	s10 =	simm.s32 $0x1;
	s17 =	simm.s32 $0x84F0;
	v6 =	vmul.f32 v10, v1;
	v8 =	vmul.f32 v8, v1  }
.LBB2_17:
0x327: {  	p0 =	sne.s32 s10, $0x2F  }
0x328: {  	v4 =	vmul.f32 v4, v1;
	v10 =	vmul.f32 v2, v1;
	[tilespmem:s13+$0x0] =	vst v9;
	s17 =	sadd.s32 $0x80, s17;
	s22 =	smov.u32 s10;
	s10 =	sadd.s32 $0x1, s10  }
0x329: {  	v3 =	vmul.f32 v3, v1;
	[tilespmem:s13+$0xFFFFFF90] =	vst v7;
	v1 =	vmul.f32 v5, v1  }
0x32a: {  	[tilespmem:s13+$0xFFFFFFE0] =	vst v8  }
0x32b: {  	v5 =	vmov s22;
	[tilespmem:s13+$0xFFFFFFB0] =	vst v6  }
0x32c: {  	v2 =	vld [tilespmem:s17+$0xFFFFFFF0];
	[tilespmem:s13+$0xFFFFFFC0] =	vst v3  }
0x32d: {  	v6 =	vld [tilespmem:s17+$0x0];
	[tilespmem:s13+$0xFFFFFFD0] =	vst v1  }
0x32e: {  	v3 =	vld [tilespmem:s17+$0xFFFFFFC0];
	[tilespmem:s13+$0xFFFFFFF0] =	vst v10  }
0x32f: {  	v8 =	vld [tilespmem:s17+$0xFFFFFFE0];
	[tilespmem:s13+$0xFFFFFFA0] =	vst v4;
	s13 =	smov.u32 s17  }
0x330: {  	v1 =	vld.idx.msk [tilespmem:v5+s0+$0x0], $0xffff  }
0x331: {  	v7 =	vld [tilespmem:s17+$0xFFFFFF90]  }
0x332: {  	v10 =	vld [tilespmem:s17+$0xFFFFFFB0]  }
.Ltmp7:
0x333: {  	v4 =	vld [tilespmem:s17+$0xFFFFFFA0];
	(pc) =	sbr.rel @p0 .LBB2_17-.Ltmp7, $3  }
0x334: {  	v5 =	vld [tilespmem:s17+$0xFFFFFFD0];
	_ =	sdelay $0x1  }
0x335: {  	v9 =	vmul.f32 v6, v1;
	v7 =	vmul.f32 v7, v1  }
0x336: {  	v8 =	vmul.f32 v8, v1;
	v6 =	vmul.f32 v10, v1  }
0x337: {  	[tilespmem:s13+$0x0] =	vst v9  }
0x338: {  	[tilespmem:s13+$0xFFFFFF90] =	vst v7  }
0x339: {  	v3 =	vmul.f32 v3, v1;
	[tilespmem:s13+$0xFFFFFFE0] =	vst v8  }
0x33a: {  	v2 =	vmul.f32 v2, v1;
	[tilespmem:s13+$0xFFFFFFB0] =	vst v6  }
0x33b: {  	v5 =	vmul.f32 v5, v1;
	[tilespmem:s13+$0xFFFFFFC0] =	vst v3  }
0x33c: {  	v1 =	vmul.f32 v4, v1;
	[tilespmem:s13+$0xFFFFFFF0] =	vst v2  }
0x33d: {  	[tilespmem:s13+$0xFFFFFFD0] =	vst v5  }
0x33e: {  	[tilespmem:s13+$0xFFFFFFA0] =	vst v1  }
0x33f: {  	_ =	swait.ge [sflag:s5], $0x80  }
0x340: {  	[sflag:s5] =	ssyncset.done $0x0  }
0x341: {  	[sflag:s5] =	ssyncadd.s32 $0xFFFFFF80  }
0x342: {  	_ =	swait.ge [sflag:s5], $0x80  }
0x343: {  	s30 =	simm.s32 $0x30;
	[sflag:s5] =	ssyncset.done $0x0  }
0x344: {  	s10 =	simm.s32 $0x0;
	s17 =	simm.s32 $0x5480;
	[sflag:s5] =	ssyncadd.s32 $0xFFFFFF80  }
0x345: {  	[tilespmem:s17], [sflag:$0x1] =	stream.indirect.gather [hbm4b:s1+s30], $0x80, s10, s30, $0xb8;
	[tilespmem:$0x1F980] =	vst v63  }
0x346: {  	s22 =	simm.s32 $0x300;
	s17 =	simm.s32 $0x8480  }
0x347: {  	[spmem:s2] =	stream.indirect.scatter.add.f32 [tilespmem:s17], [sflag:$0x7], $0x80, s22, s30, $0xb8;
	[tilespmem:$0x1F980] =	vst v63  }
0x348: {  	s19 =	sadd.s32 $0x280, s19;
	_ =	swait.ge [sflag:s6], $0x1800  }
0x349: {  	s22 =	sand.u32 $0x1FC00, s19;
	[sflag:s6] =	ssyncset.done $0x0  }
0x34a: {  	s13 =	sand.u32 $0x280, s19;
	s17 =	sadd.s32 s9, s22;
	[sflag:s6] =	ssyncadd.s32 $0xFFFFE800  }
0x34b: {  	s13 =	sor.u32 s13, s17;
	_ =	swait.ge [sflag:s12], $0x30  }
0x34c: {  	s13 =	sshrl.u32 s13, $0x3;
	[sflag:s12] =	ssyncset.done $0x0  }
0x34d: {  	s22 =	simm.s32 $0x80;
	s19 =	sadd.s32 s7, s13;
	[sflag:s12] =	ssyncadd.s32 $0xFFFFFFD0  }
0x34e: {  	[tilespmem:s22], [sflag:$0xA] =	stream.linear.gather [hbm4b:s19+s10], $0x80, $0x38;
	[tilespmem:$0x1F980] =	vst v63  }
0x34f: {  	s13 =	sadd.s32 s8, s13  }
0x350: {  	[tilespmem:s28], [sflag:$0xA] =	stream.linear.gather [hbm4b:s13+s10], $0x80, $0x38;
	[tilespmem:$0x1F980] =	vst v63  }
0x351: {  	s13 =	simm.s32 $0x4  }
0x352: {  	_ =	swait.ge [sflag:s13], $0x1800  }
0x353: {  	[sflag:s13] =	ssyncset.done $0x0  }
0x354: {  	[sflag:s13] =	ssyncadd.s32 $0xFFFFE800  }
0x355: {  	v1 =	vld [tilespmem:$0x180]  }
0x356: {  	v2 =	vld [tilespmem:$0x380];
	_ =	sdelay $0x6  }
0x357: {  	v1 =	vld.idx.msk [tilespmem:v1+s23+$0x0], $0xffff  }
0x358: {  	v2 =	vld.idx.msk [tilespmem:v2+s24+$0x0], $0xffff;
	_ =	sdelay $0x4  }
0x359: {  	v1 =	vadd.f32 v2, v1;
	_ =	sdelay $0x1  }
0x35a: {  	v2 =	vmul.f32 $2.000000030e-01, v1  }
0x35b: {  	vm0 =	vgt.f32 v1, $0.0e+00  }
0x35c: {  	v1 =	vsel vm0, v1, v2  }
0x35d: {  	v1 =	vmul.f32 $1.442695020e+00, v1;
	_ =	sdelay $0x1  }
0x35e: {  	(erf) = vpow2.f32 v1;
	_ =	sdelay $0x2  }
0x35f: {  	v1 =	vld [tilespmem:$0x190]  }
0x360: {  	v2 =	vld [tilespmem:$0x390];
	_ =	sdelay $0x4  }
0x361: {  	v3 =	vpop (erf)  }
0x362: {  	[tilespmem:$0x5430] =	vst v3  }
0x363: {  	v1 =	vld.idx.msk [tilespmem:v1+s23+$0x0], $0xffff  }
0x364: {  	v2 =	vld.idx.msk [tilespmem:v2+s24+$0x0], $0xffff;
	_ =	sdelay $0x4  }
0x365: {  	v1 =	vadd.f32 v2, v1;
	_ =	sdelay $0x1  }
0x366: {  	v2 =	vmul.f32 $2.000000030e-01, v1  }
0x367: {  	vm14 =	vgt.f32 v1, $0.0e+00  }
0x368: {  	v1 =	vsel vm14, v1, v2  }
0x369: {  	v1 =	vmul.f32 $1.442695020e+00, v1;
	_ =	sdelay $0x1  }
0x36a: {  	(erf) = vpow2.f32 v1;
	_ =	sdelay $0x2  }
0x36b: {  	v1 =	vld [tilespmem:$0x1A0]  }
0x36c: {  	v2 =	vld [tilespmem:$0x3A0];
	_ =	sdelay $0x4  }
0x36d: {  	v3 =	vpop (erf)  }
0x36e: {  	[tilespmem:$0x5440] =	vst v3  }
0x36f: {  	v1 =	vld.idx.msk [tilespmem:v1+s23+$0x0], $0xffff  }
0x370: {  	v2 =	vld.idx.msk [tilespmem:v2+s24+$0x0], $0xffff;
	_ =	sdelay $0x4  }
0x371: {  	v1 =	vadd.f32 v2, v1;
	_ =	sdelay $0x1  }
0x372: {  	v2 =	vmul.f32 $2.000000030e-01, v1  }
0x373: {  	vm15 =	vgt.f32 v1, $0.0e+00  }
0x374: {  	v1 =	vsel vm15, v1, v2  }
0x375: {  	v1 =	vmul.f32 $1.442695020e+00, v1;
	_ =	sdelay $0x1  }
0x376: {  	(erf) = vpow2.f32 v1;
	_ =	sdelay $0x8  }
0x377: {  	v1 =	vpop (erf)  }
0x378: {  	s17 =	simm.s32 $0x380;
	s19 =	simm.s32 $0x5430;
	s13 =	simm.s32 $0x0;
	[tilespmem:$0x5450] =	vst v1;
	v1 =	vmov s30  }
0x379: {  	[spmem:s3] =	stream.indirect.scatter.add.f32 [tilespmem:s19], [sflag:$0xE], $0x1, s17, s30, $0xb8;
	[tilespmem:$0x1F980] =	vst v63  }
0x37a: {  	v9 =	vld [tilespmem:s13+$0x9CA0]  }
0x37b: {  	v8 =	vld [tilespmem:s13+$0x9C80]  }
0x37c: {  	v4 =	vld [tilespmem:s13+$0x9CD0]  }
0x37d: {  	v1 =	vld.idx.msk [tilespmem:v1+s0+$0x0], $0xffff  }
0x37e: {  	v5 =	vld [tilespmem:s13+$0x9CB0]  }
0x37f: {  	v3 =	vld [tilespmem:s13+$0x9CE0]  }
0x380: {  	v6 =	vld [tilespmem:s13+$0x9CC0]  }
0x381: {  	v7 =	vld [tilespmem:s13+$0x9CF0]  }
0x382: {  	s10 =	simm.s32 $0x200;
	v2 =	vld [tilespmem:s13+$0x9C90];
	v8 =	vmul.f32 v8, v1;
	v9 =	vmul.f32 v9, v1  }
.LBB2_19:
0x383: {  	p0 =	sne.s32 s10, $0x5E00  }
0x384: {  	v5 =	vmul.f32 v5, v1;
	v4 =	vmul.f32 v4, v1;
	s30 =	sadd.s32 $0x1, s30;
	s17 =	smov.u32 s10;
	s10 =	sadd.s32 $0x200, s10  }
0x385: {  	v3 =	vmul.f32 v3, v1;
	[tilespmem:s13+$0x9CA0] =	vst v9;
	v6 =	vmul.f32 v6, v1  }
0x386: {  	[tilespmem:s13+$0x9C80] =	vst v8;
	v7 =	vmul.f32 v7, v1  }
0x387: {  	v8 =	vmov s30;
	[tilespmem:s13+$0x9CD0] =	vst v4  }
0x388: {  	s17 =	sshra.s32 s17, $0x2;
	[tilespmem:s13+$0x9CF0] =	vst v7  }
0x389: {  	v1 =	vmul.f32 v2, v1;
	v9 =	vld [tilespmem:s17+$0x9CA0];
	[tilespmem:s13+$0x9CB0] =	vst v5  }
0x38a: {  	v10 =	vld [tilespmem:s17+$0x9C80];
	[tilespmem:s13+$0x9CC0] =	vst v6  }
0x38b: {  	v4 =	vld [tilespmem:s17+$0x9CD0];
	[tilespmem:s13+$0x9CE0] =	vst v3  }
0x38c: {  	v5 =	vld [tilespmem:s17+$0x9CB0];
	[tilespmem:s13+$0x9C90] =	vst v1;
	s13 =	smov.u32 s17  }
0x38d: {  	v1 =	vld.idx.msk [tilespmem:v8+s0+$0x0], $0xffff  }
0x38e: {  	v3 =	vld [tilespmem:s13+$0x9CE0]  }
.Ltmp8:
0x38f: {  	v2 =	vld [tilespmem:s13+$0x9C90];
	(pc) =	sbr.rel @p0 .LBB2_19-.Ltmp8, $3  }
0x390: {  	v6 =	vld [tilespmem:s13+$0x9CC0]  }
0x391: {  	v7 =	vld [tilespmem:s13+$0x9CF0];
	_ =	sdelay $0x1  }
0x392: {  	v8 =	vmul.f32 v10, v1;
	v9 =	vmul.f32 v9, v1  }
0x393: {  	_ = 	snop  }
0x394: {  	v4 =	vmul.f32 v4, v1;
	[tilespmem:s13+$0x9CA0] =	vst v9  }
0x395: {  	v5 =	vmul.f32 v5, v1;
	[tilespmem:s13+$0x9C80] =	vst v8  }
0x396: {  	v3 =	vmul.f32 v3, v1;
	[tilespmem:s13+$0x9CD0] =	vst v4  }
0x397: {  	v63 =	vmul.f32 v6, v1;
	[tilespmem:s13+$0x9CB0] =	vst v5  }
0x398: {  	v7 =	vmul.f32 v7, v1;
	[tilespmem:s13+$0x9CE0] =	vst v3  }
0x399: {  	v1 =	vmul.f32 v2, v1;
	[tilespmem:s13+$0x9CC0] =	vst v63  }
0x39a: {  	[tilespmem:s13+$0x9CF0] =	vst v7  }
0x39b: {  	[tilespmem:s13+$0x9C90] =	vst v1  }
0x39c: {  	_ =	swait.ge [sflag:s15], $0x80  }
0x39d: {  	[sflag:s15] =	ssyncset.done $0x0  }
0x39e: {  	[sflag:s15] =	ssyncadd.s32 $0xFFFFFF80  }
0x39f: {  	p0 =	sne.s32 s21, $0x33;
	_ =	swait.ge [sflag:s15], $0x80  }
.Ltmp9:
0x3a0: {  	[sflag:s15] =	ssyncset.done $0x0;
	(pc) =	sbr.rel @p0 .LBB2_12-.Ltmp9, $4  }
0x3a1: {  	s10 =	simm.s32 $0x6C80;
	[sflag:s15] =	ssyncadd.s32 $0xFFFFFF80  }
0x3a2: {  	[tilespmem:s10], [sflag:$0x2] =	stream.indirect.gather [hbm4b:s1+s26], $0x80, s22, s26, $0xb8;
	[tilespmem:$0x1F980] =	vst v63  }
0x3a3: {  	s19 =	simm.s32 $0x380;
	s30 =	simm.s32 $0x9C80  }
0x3a4: {  	[spmem:s2] =	stream.indirect.scatter.add.f32 [tilespmem:s30], [sflag:$0x8], $0x80, s19, s26, $0xb8;
	[tilespmem:$0x1F980] =	vst v63  }
0x3a5: {  	s10 =	simm.s32 $0x7  }
0x3a6: {  	_ =	swait.ge [sflag:s10], $0x1800  }
0x3a7: {  	[sflag:s10] =	ssyncset.done $0x0  }
0x3a8: {  	[sflag:s10] =	ssyncadd.s32 $0xFFFFE800  }
0x3a9: {  	_ =	swait.ge [sflag:s11], $0x30  }
0x3aa: {  	[sflag:s11] =	ssyncset.done $0x0  }
0x3ab: {  	[sflag:s11] =	ssyncadd.s32 $0xFFFFFFD0  }
0x3ac: {  	_ =	swait.ge [sflag:s31], $0x1800  }
0x3ad: {  	[sflag:s31] =	ssyncset.done $0x0  }
0x3ae: {  	[sflag:s31] =	ssyncadd.s32 $0xFFFFE800  }
0x3af: {  	v1 =	vld [tilespmem:$0x0]  }
0x3b0: {  	v2 =	vld [tilespmem:$0x200];
	_ =	sdelay $0x6  }
0x3b1: {  	v1 =	vld.idx.msk [tilespmem:v1+s23+$0x0], $0xffff  }
0x3b2: {  	v2 =	vld.idx.msk [tilespmem:v2+s24+$0x0], $0xffff;
	_ =	sdelay $0x4  }
0x3b3: {  	v1 =	vadd.f32 v2, v1;
	_ =	sdelay $0x1  }
0x3b4: {  	v2 =	vmul.f32 $2.000000030e-01, v1  }
0x3b5: {  	vm0 =	vgt.f32 v1, $0.0e+00  }
0x3b6: {  	v1 =	vsel vm0, v1, v2  }
0x3b7: {  	v1 =	vmul.f32 $1.442695020e+00, v1;
	_ =	sdelay $0x1  }
0x3b8: {  	(erf) = vpow2.f32 v1;
	_ =	sdelay $0x2  }
0x3b9: {  	v1 =	vld [tilespmem:$0x10]  }
0x3ba: {  	v2 =	vld [tilespmem:$0x210];
	_ =	sdelay $0x4  }
0x3bb: {  	v3 =	vpop (erf)  }
0x3bc: {  	[tilespmem:$0x5400] =	vst v3  }
0x3bd: {  	v1 =	vld.idx.msk [tilespmem:v1+s23+$0x0], $0xffff  }
0x3be: {  	v2 =	vld.idx.msk [tilespmem:v2+s24+$0x0], $0xffff;
	_ =	sdelay $0x4  }
0x3bf: {  	v1 =	vadd.f32 v2, v1;
	_ =	sdelay $0x1  }
0x3c0: {  	v2 =	vmul.f32 $2.000000030e-01, v1  }
0x3c1: {  	vm14 =	vgt.f32 v1, $0.0e+00  }
0x3c2: {  	v1 =	vsel vm14, v1, v2  }
0x3c3: {  	v1 =	vmul.f32 $1.442695020e+00, v1;
	_ =	sdelay $0x1  }
0x3c4: {  	(erf) = vpow2.f32 v1;
	_ =	sdelay $0x2  }
0x3c5: {  	v1 =	vld [tilespmem:$0x20]  }
0x3c6: {  	v2 =	vld [tilespmem:$0x220];
	_ =	sdelay $0x4  }
0x3c7: {  	v3 =	vpop (erf)  }
0x3c8: {  	[tilespmem:$0x5410] =	vst v3  }
0x3c9: {  	v1 =	vld.idx.msk [tilespmem:v1+s23+$0x0], $0xffff  }
0x3ca: {  	v2 =	vld.idx.msk [tilespmem:v2+s24+$0x0], $0xffff;
	_ =	sdelay $0x4  }
0x3cb: {  	v1 =	vadd.f32 v2, v1;
	_ =	sdelay $0x1  }
0x3cc: {  	v2 =	vmul.f32 $2.000000030e-01, v1  }
0x3cd: {  	vm15 =	vgt.f32 v1, $0.0e+00  }
0x3ce: {  	v1 =	vsel vm15, v1, v2  }
0x3cf: {  	v1 =	vmul.f32 $1.442695020e+00, v1;
	_ =	sdelay $0x1  }
0x3d0: {  	(erf) = vpow2.f32 v1;
	_ =	sdelay $0x8  }
0x3d1: {  	s30 =	simm.s32 $0x0;
	v1 =	vpop (erf)  }
0x3d2: {  	s13 =	simm.s32 $0x54C0;
	[tilespmem:$0x5420] =	vst v1;
	v1 =	vmov s30  }
0x3d3: {  	[spmem:s3] =	stream.indirect.scatter.add.f32 [tilespmem:s0], [sflag:$0xD], $0x1, s25, s26, $0xb8;
	[tilespmem:$0x1F980] =	vst v63  }
0x3d4: {  	v5 =	vld [tilespmem:s13+$0x30]  }
0x3d5: {  	v8 =	vld [tilespmem:s13+$0x10]  }
0x3d6: {  	v6 =	vld [tilespmem:s13+$0xFFFFFFC0]  }
0x3d7: {  	v2 =	vld.idx.msk [tilespmem:v1+s0+$0x0], $0xffff  }
0x3d8: {  	v10 =	vld [tilespmem:s13+$0xFFFFFFE0]  }
0x3d9: {  	v3 =	vld [tilespmem:s13+$0x20]  }
0x3da: {  	v4 =	vld [tilespmem:s13+$0xFFFFFFD0]  }
0x3db: {  	v1 =	vld [tilespmem:s13+$0xFFFFFFF0]  }
0x3dc: {  	v9 =	vmul.f32 v5, v2;
	v5 =	vld [tilespmem:s13+$0x0]  }
0x3dd: {  	v7 =	vmul.f32 v6, v2  }
0x3de: {  	s17 =	simm.s32 $0x54C0;
	s10 =	simm.s32 $0x1;
	v6 =	vmul.f32 v10, v2;
	v8 =	vmul.f32 v8, v2  }
.LBB2_22:
0x3df: {  	p0 =	sne.s32 s10, $0x2F  }
0x3e0: {  	v4 =	vmul.f32 v4, v2;
	v3 =	vmul.f32 v3, v2;
	[tilespmem:s13+$0x30] =	vst v9;
	s17 =	sadd.s32 $0x80, s17;
	s19 =	smov.u32 s10;
	s10 =	sadd.s32 $0x1, s10  }
0x3e1: {  	[tilespmem:s13+$0xFFFFFFC0] =	vst v7;
	v7 =	vmul.f32 v1, v2;
	v2 =	vmul.f32 v5, v2  }
0x3e2: {  	[tilespmem:s13+$0x10] =	vst v8  }
0x3e3: {  	v5 =	vmov s19;
	[tilespmem:s13+$0xFFFFFFE0] =	vst v6  }
0x3e4: {  	v1 =	vld [tilespmem:s17+$0xFFFFFFF0];
	[tilespmem:s13+$0xFFFFFFF0] =	vst v7  }
0x3e5: {  	v6 =	vld [tilespmem:s17+$0x30];
	[tilespmem:s13+$0x0] =	vst v2  }
0x3e6: {  	v8 =	vld [tilespmem:s17+$0x10];
	[tilespmem:s13+$0x20] =	vst v3  }
0x3e7: {  	v7 =	vld [tilespmem:s17+$0xFFFFFFC0];
	[tilespmem:s13+$0xFFFFFFD0] =	vst v4;
	s13 =	smov.u32 s17  }
0x3e8: {  	v2 =	vld.idx.msk [tilespmem:v5+s0+$0x0], $0xffff  }
0x3e9: {  	v10 =	vld [tilespmem:s17+$0xFFFFFFE0]  }
0x3ea: {  	v3 =	vld [tilespmem:s17+$0x20]  }
.Ltmp10:
0x3eb: {  	v4 =	vld [tilespmem:s17+$0xFFFFFFD0];
	(pc) =	sbr.rel @p0 .LBB2_22-.Ltmp10, $3  }
0x3ec: {  	v5 =	vld [tilespmem:s17+$0x0];
	_ =	sdelay $0x1  }
0x3ed: {  	v7 =	vmul.f32 v7, v2;
	v9 =	vmul.f32 v6, v2  }
0x3ee: {  	v8 =	vmul.f32 v8, v2;
	v6 =	vmul.f32 v10, v2  }
0x3ef: {  	[tilespmem:s13+$0x30] =	vst v9  }
0x3f0: {  	[tilespmem:s13+$0xFFFFFFC0] =	vst v7  }
0x3f1: {  	v1 =	vmul.f32 v1, v2;
	[tilespmem:s13+$0x10] =	vst v8  }
0x3f2: {  	v3 =	vmul.f32 v3, v2;
	[tilespmem:s13+$0xFFFFFFE0] =	vst v6  }
0x3f3: {  	v5 =	vmul.f32 v5, v2;
	[tilespmem:s13+$0xFFFFFFF0] =	vst v1  }
0x3f4: {  	v1 =	vmul.f32 v4, v2;
	[tilespmem:s13+$0x20] =	vst v3  }
0x3f5: {  	[tilespmem:s13+$0x0] =	vst v5  }
0x3f6: {  	s10 =	simm.s32 $0x30;
	s21 =	simm.s32 $0x5480;
	[tilespmem:s13+$0xFFFFFFD0] =	vst v1  }
0x3f7: {  	[spmem:s2] =	stream.indirect.scatter.add.f32 [tilespmem:s21], [sflag:$0x5], $0x80, s25, s10, $0xb8;
	[tilespmem:$0x1F980] =	vst v63  }
0x3f8: {  	_ =	swait.ge [sflag:s29], $0x1800  }
0x3f9: {  	[sflag:s29] =	ssyncset.done $0x0  }
0x3fa: {  	[sflag:s29] =	ssyncadd.s32 $0xFFFFE800  }
0x3fb: {  	_ =	swait.ge [sflag:s12], $0x30  }
0x3fc: {  	[sflag:s12] =	ssyncset.done $0x0  }
0x3fd: {  	[sflag:s12] =	ssyncadd.s32 $0xFFFFFFD0  }
0x3fe: {  	_ =	swait.ge [sflag:s14], $0x1800  }
0x3ff: {  	[sflag:s14] =	ssyncset.done $0x0  }
0x400: {  	[sflag:s14] =	ssyncadd.s32 $0xFFFFE800  }
0x401: {  	v1 =	vld [tilespmem:$0x80]  }
0x402: {  	v2 =	vld [tilespmem:$0x280];
	_ =	sdelay $0x6  }
0x403: {  	v1 =	vld.idx.msk [tilespmem:v1+s23+$0x0], $0xffff  }
0x404: {  	v2 =	vld.idx.msk [tilespmem:v2+s24+$0x0], $0xffff;
	_ =	sdelay $0x4  }
0x405: {  	v1 =	vadd.f32 v2, v1;
	_ =	sdelay $0x1  }
0x406: {  	v2 =	vmul.f32 $2.000000030e-01, v1  }
0x407: {  	vm0 =	vgt.f32 v1, $0.0e+00  }
0x408: {  	v1 =	vsel vm0, v1, v2  }
0x409: {  	v1 =	vmul.f32 $1.442695020e+00, v1;
	_ =	sdelay $0x1  }
0x40a: {  	(erf) = vpow2.f32 v1;
	_ =	sdelay $0x2  }
0x40b: {  	v1 =	vld [tilespmem:$0x90]  }
0x40c: {  	v2 =	vld [tilespmem:$0x290];
	_ =	sdelay $0x4  }
0x40d: {  	v3 =	vpop (erf)  }
0x40e: {  	[tilespmem:$0x5430] =	vst v3  }
0x40f: {  	v1 =	vld.idx.msk [tilespmem:v1+s23+$0x0], $0xffff  }
0x410: {  	v2 =	vld.idx.msk [tilespmem:v2+s24+$0x0], $0xffff;
	_ =	sdelay $0x4  }
0x411: {  	v1 =	vadd.f32 v2, v1;
	_ =	sdelay $0x1  }
0x412: {  	v2 =	vmul.f32 $2.000000030e-01, v1  }
0x413: {  	vm14 =	vgt.f32 v1, $0.0e+00  }
0x414: {  	v1 =	vsel vm14, v1, v2  }
0x415: {  	v1 =	vmul.f32 $1.442695020e+00, v1;
	_ =	sdelay $0x1  }
0x416: {  	(erf) = vpow2.f32 v1;
	_ =	sdelay $0x2  }
0x417: {  	v1 =	vld [tilespmem:$0xA0]  }
0x418: {  	v2 =	vld [tilespmem:$0x2A0];
	_ =	sdelay $0x4  }
0x419: {  	v3 =	vpop (erf)  }
0x41a: {  	[tilespmem:$0x5440] =	vst v3  }
0x41b: {  	v1 =	vld.idx.msk [tilespmem:v1+s23+$0x0], $0xffff  }
0x41c: {  	v2 =	vld.idx.msk [tilespmem:v2+s24+$0x0], $0xffff;
	_ =	sdelay $0x4  }
0x41d: {  	v1 =	vadd.f32 v2, v1;
	_ =	sdelay $0x1  }
0x41e: {  	v2 =	vmul.f32 $2.000000030e-01, v1  }
0x41f: {  	vm15 =	vgt.f32 v1, $0.0e+00  }
0x420: {  	v1 =	vsel vm15, v1, v2  }
0x421: {  	v1 =	vmul.f32 $1.442695020e+00, v1;
	_ =	sdelay $0x1  }
0x422: {  	(erf) = vpow2.f32 v1;
	_ =	sdelay $0x8  }
0x423: {  	v1 =	vpop (erf)  }
0x424: {  	s30 =	simm.s32 $0x5430;
	s13 =	simm.s32 $0x6CF0;
	[tilespmem:$0x5450] =	vst v1;
	v1 =	vmov s10  }
0x425: {  	[spmem:s3] =	stream.indirect.scatter.add.f32 [tilespmem:s30], [sflag:$0xE], $0x1, s28, s10, $0xb8;
	[tilespmem:$0x1F980] =	vst v63  }
0x426: {  	v5 =	vld [tilespmem:s13+$0x0]  }
0x427: {  	v8 =	vld [tilespmem:s13+$0xFFFFFFE0]  }
0x428: {  	v6 =	vld [tilespmem:s13+$0xFFFFFF90]  }
0x429: {  	v1 =	vld.idx.msk [tilespmem:v1+s0+$0x0], $0xffff  }
0x42a: {  	v10 =	vld [tilespmem:s13+$0xFFFFFFB0]  }
0x42b: {  	v2 =	vld [tilespmem:s13+$0xFFFFFFF0]  }
0x42c: {  	v3 =	vld [tilespmem:s13+$0xFFFFFFC0]  }
0x42d: {  	v4 =	vld [tilespmem:s13+$0xFFFFFFA0]  }
0x42e: {  	v9 =	vmul.f32 v5, v1;
	v5 =	vld [tilespmem:s13+$0xFFFFFFD0]  }
0x42f: {  	v7 =	vmul.f32 v6, v1  }
0x430: {  	s17 =	simm.s32 $0x6CF0;
	s21 =	simm.s32 $0xF;
	s10 =	simm.s32 $0x31;
	v6 =	vmul.f32 v10, v1;
	v8 =	vmul.f32 v8, v1  }
.LBB2_24:
0x431: {  	p0 =	sne.s32 s10, $0x5F  }
0x432: {  	v4 =	vmul.f32 v4, v1;
	v10 =	vmul.f32 v2, v1;
	[tilespmem:s13+$0x0] =	vst v9;
	s17 =	sadd.s32 $0x80, s17;
	s19 =	smov.u32 s10;
	s10 =	sadd.s32 $0x1, s10  }
0x433: {  	v3 =	vmul.f32 v3, v1;
	[tilespmem:s13+$0xFFFFFF90] =	vst v7;
	v1 =	vmul.f32 v5, v1  }
0x434: {  	[tilespmem:s13+$0xFFFFFFE0] =	vst v8  }
0x435: {  	v5 =	vmov s19;
	[tilespmem:s13+$0xFFFFFFB0] =	vst v6  }
0x436: {  	v2 =	vld [tilespmem:s17+$0xFFFFFFF0];
	[tilespmem:s13+$0xFFFFFFC0] =	vst v3  }
0x437: {  	v6 =	vld [tilespmem:s17+$0x0];
	[tilespmem:s13+$0xFFFFFFD0] =	vst v1  }
0x438: {  	v3 =	vld [tilespmem:s17+$0xFFFFFFC0];
	[tilespmem:s13+$0xFFFFFFF0] =	vst v10  }
0x439: {  	v8 =	vld [tilespmem:s17+$0xFFFFFFE0];
	[tilespmem:s13+$0xFFFFFFA0] =	vst v4;
	s13 =	smov.u32 s17  }
0x43a: {  	v1 =	vld.idx.msk [tilespmem:v5+s0+$0x0], $0xffff  }
0x43b: {  	v7 =	vld [tilespmem:s17+$0xFFFFFF90]  }
0x43c: {  	v10 =	vld [tilespmem:s17+$0xFFFFFFB0]  }
.Ltmp11:
0x43d: {  	v4 =	vld [tilespmem:s17+$0xFFFFFFA0];
	(pc) =	sbr.rel @p0 .LBB2_24-.Ltmp11, $3  }
0x43e: {  	v5 =	vld [tilespmem:s17+$0xFFFFFFD0];
	_ =	sdelay $0x1  }
0x43f: {  	v9 =	vmul.f32 v6, v1;
	v7 =	vmul.f32 v7, v1  }
0x440: {  	v8 =	vmul.f32 v8, v1;
	v6 =	vmul.f32 v10, v1  }
0x441: {  	[tilespmem:s13+$0x0] =	vst v9  }
0x442: {  	[tilespmem:s13+$0xFFFFFF90] =	vst v7  }
0x443: {  	v3 =	vmul.f32 v3, v1;
	[tilespmem:s13+$0xFFFFFFE0] =	vst v8  }
0x444: {  	v2 =	vmul.f32 v2, v1;
	[tilespmem:s13+$0xFFFFFFB0] =	vst v6  }
0x445: {  	v5 =	vmul.f32 v5, v1;
	[tilespmem:s13+$0xFFFFFFC0] =	vst v3  }
0x446: {  	v1 =	vmul.f32 v4, v1;
	[tilespmem:s13+$0xFFFFFFF0] =	vst v2  }
0x447: {  	[tilespmem:s13+$0xFFFFFFD0] =	vst v5  }
0x448: {  	s10 =	simm.s32 $0x6C80;
	[tilespmem:s13+$0xFFFFFFA0] =	vst v1  }
0x449: {  	[spmem:s2] =	stream.indirect.scatter.add.f32 [tilespmem:s10], [sflag:$0x6], $0x80, s28, s26, $0xb8;
	[tilespmem:$0x1F980] =	vst v63  }
0x44a: {  	_ =	swait.ge [sflag:s18], $0x1800  }
0x44b: {  	[sflag:s18] =	ssyncset.done $0x0  }
0x44c: {  	[sflag:s18] =	ssyncadd.s32 $0xFFFFE800  }
0x44d: {  	_ =	swait.ge [sflag:s11], $0x30  }
0x44e: {  	[sflag:s11] =	ssyncset.done $0x0  }
0x44f: {  	[sflag:s11] =	ssyncadd.s32 $0xFFFFFFD0  }
0x450: {  	_ =	swait.ge [sflag:s6], $0x1800  }
0x451: {  	[sflag:s6] =	ssyncset.done $0x0  }
0x452: {  	[sflag:s6] =	ssyncadd.s32 $0xFFFFE800  }
0x453: {  	_ =	swait.ge [sflag:s12], $0x30  }
0x454: {  	[sflag:s12] =	ssyncset.done $0x0  }
0x455: {  	[sflag:s12] =	ssyncadd.s32 $0xFFFFFFD0  }
0x456: {  	s19 =	stileid.u32;
	[bflag:$0x0] =	sbarrier.arrive $0xFFFF  }
0x457: {  	s10 =	sshll.u32 s19, $0x6;
	s17 =	rddreg [dreg:$0x6]  }
0x458: {  	s10 =	sor.u32 $0x1C0F, s10;
	s19 =	rddreg [dreg:$0x15];
	s20 =	sshrl.u32 s17, $0x3  }
0x459: {  	[hbm:s19], [sflag:s10] =	dma.local [spmem:s20], $0x2800  }
0x45a: {  	s30 =	simm.s32 $0x20;
	_ =	swait.ge [sflag:s21], $0x2800  }
0x45b: {  	s19 =	simm.s32 $0x10;
	[sflag:s21] =	ssyncset.done $0x0;
	s20 =	rddreg [dreg:$0x7]  }
0x45c: {  	[sflag:s21] =	ssyncadd.s32 $0xFFFFD800;
	s13 =	sshrl.u32 s20, $0x3;
	s20 =	rddreg [dreg:$0x16]  }
0x45d: {  	[hbm:s20@s30], [sflag:s10] =	dma.strided [spmem:s13@s19], $0x50, s31, $0x10   }
0x45e: {  	_ =	swait.ge [sflag:s21], $0x50  }
0x45f: {  	s19 =	sld [smem:$0x7F8];
	_ =	sdelay $0x2  }
0x460: {  	s20 =	rddreg [dreg:$0x17];
	s13 =	sadd.s32 $0x1, s19  }
0x461: {  	p0 =	sne.s32 s13, s20  }
.Ltmp12:
0x462: {  	_ = 	snop;
	(pc) =	sbr.rel @p0 .LBB2_1-.Ltmp12, $3  }
0x463: {  	_ =	sdelay $0x1  }
0x464: {  	[sflag:s21] =	ssyncset.done $0x0  }
0x465: {  	s30 =	simm.s32 $0x180;
	[sflag:s21] =	ssyncadd.s32 $0xFFFFFFB0  }
0x466: {  	_ =	sfence.sel $0x180000  }
0x467: {  	[bflag:$0x0] =	sbarrier.arrive $0xFFFF  }
0x468: {  	_ =	strace $0x90000047  }
0x469: {  	s0 =	stileid.u32;
	[bflag:$0x2] =	sbarrier.arrive $0xFFFF  }
0x46a: {  	p0 =	sne.s32 s0, $0x0;
	s0 =	rddreg [dreg:$0x4]  }
0x46b: {  	s0 =	sadd.s32 @!p0 $0x100000, s0  }
0x46c: {  	[sflag:s0] =	ssyncadd.tile.s32 @!p0 $0x1;
	_ =	shalt  }
.Lfunc_end2:
_tile_overlayer_lowered:
.L_overlay_start_2:
0x46d: {  	(tag) =	ssettag $0x2  }
0x46e: {  	s0 =	rddreg [dreg:$0x0];
	s2 =	stileid.u32  }
0x46f: {  	s1 =	rddreg [dreg:$0x1];
	p0 =	sne.s32 s2, $0x0  }
0x470: {  	s3 =	rddreg [dreg:$0x2];
	[bflag:$0x3] =	sbarrier.arrive $0xFFFF;
	s2 =	simm.s32 @!p0 $0x1C0F  }
0x471: {  	[timem:s3], [sflag:s2] =	dma.local @!p0 [hbm:s0], s1  }
0x472: {  	s0 =	simm.s32 @!p0 $0xF  }
0x473: {  	_ =	swait.ge @!p0 [sflag:s0], s1  }
0x474: {  	s1 =	ssub.s32 @!p0 $0x0, s1;
	[sflag:s0] =	ssyncset.done @!p0 $0x0  }
0x475: {  	[sflag:s0] =	ssyncadd.s32 @!p0 s1  }
0x476: {  	[bflag:$0x3] =	sbarrier.arrive $0xFFFF  }
0x477: {  	_ =	shalt  }

</sc_bundles>
